<compile_context>
chip_gen: v7x
topology: tpu7x:2x2x1
jax: 0.10.2.dev20260603
libtpu: 0.0.44.dev20260713+nightly
codegen_flags: <defaults>
</compile_context>

<pallas_src>
import functools

import jax
import jax.numpy as jnp
from jax import lax
from jax.experimental import pallas as pl
from jax.experimental.pallas import tpu as pltpu
from jax.experimental.pallas import tpu_sc as plsc

B, N, D, K = 4, 2048, 256, 16
XL = 128
TW = D + XL
MA = 512
MB = 512
MC = 128
NC, NS = 2, 16
NW = NC * NS
CH = 128


def _bits(x):
    return lax.bitcast_convert_type(x, jnp.uint32)



def _proj_body(f_ref, x128_ref, w1_ref, b1_ref, wq_ref, wk_ref, wv_ref,
               q_ref, t_ref):
    dot = functools.partial(jnp.dot, preferred_element_type=jnp.float32)
    x = dot(f_ref[...], w1_ref[...]) + b1_ref[...]
    q_ref[...] = dot(x, wq_ref[...])
    kb = _bits(dot(x, wk_ref[...]).astype(jnp.bfloat16).astype(jnp.float32))
    vb = _bits(dot(x, wv_ref[...]).astype(jnp.bfloat16).astype(jnp.float32))
    t_ref[:, :D] = lax.bitcast_convert_type(kb | (vb >> 16), jnp.int32)
    t_ref[:, D:] = lax.bitcast_convert_type(x128_ref[...], jnp.int32)


def _proj(features, xyz128, fc1_w, fc1_b, wq, wk, wv):
    rows = B * N
    wspec = pl.BlockSpec((D, D), lambda i: (0, 0))
    return pl.pallas_call(
        _proj_body,
        grid=(rows // MA,),
        in_specs=[
            pl.BlockSpec((MA, D), lambda i: (i, 0)),
            pl.BlockSpec((MA, XL), lambda i: (i, 0)),
            wspec,
            pl.BlockSpec((1, D), lambda i: (0, 0)),
            wspec, wspec, wspec,
        ],
        out_specs=[
            pl.BlockSpec((MA, D), lambda i: (i, 0)),
            pl.BlockSpec((MA, TW), lambda i: (i, 0)),
        ],
        out_shape=[
            jax.ShapeDtypeStruct((rows, D), jnp.float32),
            jax.ShapeDtypeStruct((rows, TW), jnp.int32),
        ],
    )(features.reshape(rows, D), xyz128, fc1_w, fc1_b.reshape(1, D),
      wq, wk, wv)



def _knn_body(xq_ref, xt_ref, idx_ref, *, base):
    xq = xq_ref[0]
    xt = xt_ref[0]
    sqq = jnp.sum(xq * xq, axis=1, keepdims=True)
    sqf = jnp.sum(xt * xt, axis=0, keepdims=True)
    dots = lax.dot_general(xq, xt, (((1,), (0,)), ((), ())),
                           preferred_element_type=jnp.float32)
    d = dots * (-2.0) + sqq + sqf
    iota = lax.broadcasted_iota(jnp.int32, d.shape, 1).astype(jnp.float32)
    inf = jnp.float32(jnp.inf)
    big = jnp.float32(N)
    idx_cols = []
    for j in range(K):
        m = jnp.min(d, axis=1, keepdims=True)
        cand = jnp.where(d == m, iota, big)
        ij = jnp.min(cand, axis=1, keepdims=True)
        if j + 1 < K:
            d = jnp.where(iota == ij, inf, d)
        idx_cols.append(ij)
    idx = jnp.concatenate(idx_cols, axis=1).astype(jnp.int32) + base
    idx_ref[...] = idx


def _knn1(xyz, xyz_t, b):
    return pl.pallas_call(
        functools.partial(_knn_body, base=b * N),
        grid=(N // MB,),
        in_specs=[
            pl.BlockSpec((1, MB, 3), lambda i: (b, i, 0)),
            pl.BlockSpec((1, 3, N), lambda i: (b, 0, 0)),
        ],
        out_specs=pl.BlockSpec((MB, K), lambda i: (i, 0)),
        out_shape=jax.ShapeDtypeStruct((N, K), jnp.int32),
    )(xyz, xyz_t)



def _sc_gather_body(tab_ref, idx_ref, out_ref, idx_v, buf, sem):
    wid = lax.axis_index("s") * NC + lax.axis_index("c")
    per_w = (N * K) // NW

    def chunk(ci, carry):
        off = wid * per_w + ci * CH
        pltpu.sync_copy(idx_ref.at[pl.ds(off, CH)], idx_v)
        pltpu.async_copy(tab_ref.at[idx_v], buf, sem).wait()
        pltpu.sync_copy(buf, out_ref.at[pl.ds(off, CH)])
        return carry

    lax.fori_loop(0, per_w // CH, chunk, 0)


def _sc_gather(table, idx_flat):
    tot = N * K
    f = pl.kernel(
        _sc_gather_body,
        mesh=plsc.VectorSubcoreMesh(core_axis_name="c", subcore_axis_name="s"),
        out_type=jax.ShapeDtypeStruct((tot, TW), jnp.int32),
        scratch_types=[
            pltpu.VMEM((CH,), jnp.int32),
            pltpu.VMEM((CH, TW), jnp.int32),
            pltpu.SemaphoreType.DMA,
        ],
    )
    return f(table, idx_flat)



def _attn_body(q_ref, tg_ref, xq_ref, dw1_ref, db1_ref, dw2_ref,
               db2_ref, g1_ref, gb1_ref, g2_ref, gb2_ref, f2_ref, f2b_ref,
               out_ref):
    dot = functools.partial(jnp.dot, preferred_element_type=jnp.float32)

    rows = MC * K
    w = _bits(tg_ref[:, :D])
    kf = lax.bitcast_convert_type(w & jnp.uint32(0xFFFF0000), jnp.float32)
    v = lax.bitcast_convert_type(w << 16, jnp.float32)
    xg = lax.bitcast_convert_type(tg_ref[:, D:], jnp.float32)
    delta = (xq_ref[...][:, None, :] - xg.reshape(MC, K, XL))
    h1 = jax.nn.relu(dot(delta.reshape(rows, XL), dw1_ref[...]) + db1_ref[...])
    pos = dot(h1, dw2_ref[...]) + db2_ref[...]
    q3 = q_ref[...][:, None, :]
    t3 = q3 - kf.reshape(MC, K, D) + pos.reshape(MC, K, D)
    a1 = jax.nn.relu(dot(t3.reshape(rows, D), g1_ref[...]) + gb1_ref[...])
    a3 = (dot(a1, g2_ref[...]) + gb2_ref[...]).reshape(MC, K, D)
    e = jnp.exp(a3)
    attn = e / jnp.sum(e, axis=1, keepdims=True)
    agg = jnp.sum(attn * (v.reshape(MC, K, D) + pos.reshape(MC, K, D)), axis=1)
    out_ref[...] = dot(agg, f2_ref[...]) + f2b_ref[...]


def _attn(q_flat, tab_g, xyz128, dw1p, db1, dw2, db2, g1, gb1, g2, gb2,
          fc2_w, fc2_b, b):
    rows = N
    off = b * (N // MC)
    wspec = pl.BlockSpec((D, D), lambda i: (0, 0))
    bspec = pl.BlockSpec((1, D), lambda i: (0, 0))
    out = pl.pallas_call(
        _attn_body,
        grid=(rows // MC,),
        in_specs=[
            pl.BlockSpec((MC, D), lambda i: (off + i, 0)),
            pl.BlockSpec((MC * K, TW), lambda i: (i, 0)),
            pl.BlockSpec((MC, XL), lambda i: (off + i, 0)),
            pl.BlockSpec((XL, D), lambda i: (0, 0)), bspec,
            wspec, bspec,
            wspec, bspec,
            wspec, bspec,
            wspec, bspec,
        ],
        out_specs=pl.BlockSpec((MC, D), lambda i: (i, 0)),
        out_shape=jax.ShapeDtypeStruct((rows, D), jnp.float32),
    )(q_flat, tab_g, xyz128, dw1p, db1.reshape(1, D), dw2,
      db2.reshape(1, D), g1, gb1.reshape(1, D), g2, gb2.reshape(1, D),
      fc2_w, fc2_b.reshape(1, D))
    return out



def kernel(xyz, features, fc1_w, fc1_b, fc2_w, fc2_b, delta_w1, delta_b1,
           delta_w2, delta_b2, gamma_w1, gamma_b1, gamma_w2, gamma_b2,
           wq, wk, wv):
    xyz128 = jnp.pad(xyz.reshape(B * N, 3), ((0, 0), (0, XL - 3)))
    q_flat, table = _proj(features, xyz128, fc1_w, fc1_b, wq, wk, wv)
    dw1p = jnp.pad(delta_w1, ((0, XL - 3), (0, 0)))
    xyz_t = jnp.swapaxes(xyz, 1, 2)
    outs = []
    for b in range(B):
        idx_b = _knn1(xyz, xyz_t, b)
        tab_g = _sc_gather(table, idx_b.reshape(N * K))
        outs.append(_attn(q_flat, tab_g, xyz128, dw1p, delta_b1,
                          delta_w2, delta_b2, gamma_w1, gamma_b1,
                          gamma_w2 * (1.0 / 16.0), gamma_b2 * (1.0 / 16.0),
                          fc2_w, fc2_b, b))
    return jnp.stack(outs)

# --- scband reference (transcript-rebuilt; emitter-appended) ---
"""Pipeline reference for scband-point-transformer-layer-12996571038153 (READ-ONLY COPY).

The authoritative reference and input builder live on the scoring server;
editing this copy changes nothing except your own understanding.
"""

import jax, jax.numpy as jnp
import numpy as np

B, N, D_POINTS, D_MODEL, K = 4, 2048, 256, 256, 16


def setup_inputs(seed: int = 0) -> dict:
    key = jax.random.key(seed)
    ks = jax.random.split(key, 20)
    s = 0.02
    inp = {}
    inp['xyz'] = jax.random.uniform(ks[0], (B, N, 3), dtype=jnp.float32)
    inp['features'] = jax.random.normal(ks[1], (B, N, D_POINTS), dtype=jnp.float32)
    inp['fc1_w'] = jax.random.normal(ks[2], (D_POINTS, D_MODEL), dtype=jnp.float32) * s
    inp['fc1_b'] = jnp.zeros((D_MODEL,), dtype=jnp.float32)
    inp['fc2_w'] = jax.random.normal(ks[3], (D_MODEL, D_MODEL), dtype=jnp.float32) * s
    inp['fc2_b'] = jnp.zeros((D_MODEL,), dtype=jnp.float32)
    inp['delta_w1'] = jax.random.normal(ks[4], (3, D_MODEL), dtype=jnp.float32) * s
    inp['delta_b1'] = jnp.zeros((D_MODEL,), dtype=jnp.float32)
    inp['delta_w2'] = jax.random.normal(ks[5], (D_MODEL, D_MODEL), dtype=jnp.float32) * s
    inp['delta_b2'] = jnp.zeros((D_MODEL,), dtype=jnp.float32)
    inp['gamma_w1'] = jax.random.normal(ks[6], (D_MODEL, D_MODEL), dtype=jnp.float32) * s
    inp['gamma_b1'] = jnp.zeros((D_MODEL,), dtype=jnp.float32)
    inp['gamma_w2'] = jax.random.normal(ks[7], (D_MODEL, D_MODEL), dtype=jnp.float32) * s
    inp['gamma_b2'] = jnp.zeros((D_MODEL,), dtype=jnp.float32)
    inp['wq'] = jax.random.normal(ks[8], (D_MODEL, D_MODEL), dtype=jnp.float32) * s
    inp['wk'] = jax.random.normal(ks[9], (D_MODEL, D_MODEL), dtype=jnp.float32) * s
    inp['wv'] = jax.random.normal(ks[10], (D_MODEL, D_MODEL), dtype=jnp.float32) * s
    return inp


def _gather_points(points, idx):
    # points: [B, N, C], idx: [B, N, K] -> [B, N, K, C]
    return jax.vmap(lambda p, i: p[i])(points, idx)


def reference(xyz, features, fc1_w, fc1_b, fc2_w, fc2_b, delta_w1, delta_b1, delta_w2, delta_b2, gamma_w1, gamma_b1, gamma_w2, gamma_b2, wq, wk, wv):
    d_model = wq.shape[0]
    x = features @ fc1_w + fc1_b
    sq = jnp.sum(xyz ** 2, axis=-1)
    dists = -2.0 * jnp.einsum('bnc,bmc->bnm', xyz, xyz) + sq[:, :, None] + sq[:, None, :]
    knn_idx = jnp.argsort(dists, axis=-1)[:, :, :K]
    knn_xyz = _gather_points(xyz, knn_idx)
    delta = xyz[:, :, None, :] - knn_xyz
    pos_enc = jax.nn.relu(delta @ delta_w1 + delta_b1) @ delta_w2 + delta_b2
    q = (x @ wq)[:, :, None, :]
    kf = _gather_points(x @ wk, knn_idx)
    v = _gather_points(x @ wv, knn_idx)
    attn = jax.nn.relu((q - kf + pos_enc) @ gamma_w1 + gamma_b1) @ gamma_w2 + gamma_b2
    attn = jax.nn.softmax(attn / np.sqrt(d_model), axis=2)
    agg = jnp.sum(attn * (v + pos_enc), axis=2)
    out = agg @ fc2_w + fc2_b
    return out

if __name__ == "__main__":
    import jax
    _d = setup_inputs()
    print(jax.jit(kernel)(*tuple(_d.values())))

</pallas_src>

<mosaic_0001>
#map = affine_map<(d0, d1) -> (0, 0)>
#map1 = affine_map<(d0, d1) -> (0)>
module attributes {stable_mosaic.version = 14 : i64} {
  func.func @_sc_gather_body(%arg0: i32, %arg1: i32, %arg2: memref<8192x384xi32, #tpu.memory_space<hbm>>, %arg3: memref<32768xi32, #tpu.memory_space<hbm>>, %arg4: memref<32768x384xi32, #tpu.memory_space<hbm>>, %arg5: memref<128xi32, #tpu.memory_space<vmem>>, %arg6: memref<128x384xi32, #tpu.memory_space<vmem>>, %arg7: memref<!tpu.dma_semaphore, #tpu.memory_space<semaphore_mem>>) attributes {dimension_semantics = [#tpu.dimension_semantics<core_parallel>, #tpu.dimension_semantics<subcore_parallel>], iteration_bounds = array<i64: 2, 16>, scalar_prefetch = 0 : i64, scratch_operands = 3 : i64, tpu.core_type = #tpu.core_type<sc_vector_subcore>, window_params = [{transform_indices = #map}, {transform_indices = #map1}, {transform_indices = #map}]} {
    %mul3A = arith.constant 2 : i32
    %mul3A_0 = arith.muli %arg1, %mul3A : i32
    %add3A = arith.addi %mul3A_0, %arg0 : i32
    %scan3A = arith.constant 0 : i32
    %scan3A_1 = arith.constant 0 : i32
    %scan3A_2 = arith.constant 8 : i32
    %scan3A_3 = arith.addi %scan3A_1, %scan3A_2 : i32
    %scan3A_4 = arith.constant 1 : i32
    scf.for %scan3A_6 = %scan3A_1 to %scan3A_3 step %scan3A_4  : i32 {
      %mul3A_7 = arith.constant 1024 : i32
      %mul3A_8 = arith.muli %add3A, %mul3A_7 : i32
      %mul3A_9 = arith.constant 128 : i32
      %mul3A_10 = arith.muli %scan3A_6, %mul3A_9 : i32
      %add3A_11 = arith.addi %mul3A_8, %mul3A_10 : i32
      "tpu.region"() ({
        %run_scoped3A = tpu.sem_alloc : memref<!tpu.dma_semaphore, #tpu.memory_space<semaphore_mem>>
        %dma_start3A_16 = tpu.memref_slice %arg3[%add3A_11] : memref<32768xi32, #tpu.memory_space<hbm>> -> memref<128xi32, #tpu.memory_space<hbm>>
        %dma_start3A_17 = tpu.memref_slice %arg3[%add3A_11] : memref<32768xi32, #tpu.memory_space<hbm>> -> memref<128xi32, #tpu.memory_space<hbm>>
        tpu.enqueue_dma source(%dma_start3A_17 : memref<128xi32, #tpu.memory_space<hbm>>) target(%arg5 : memref<128xi32, #tpu.memory_space<vmem>>) target_semaphore(%run_scoped3A : memref<!tpu.dma_semaphore, #tpu.memory_space<semaphore_mem>>)
        %dma_wait3A_18 = tpu.memref_slice %arg3[%add3A_11] : memref<32768xi32, #tpu.memory_space<hbm>> -> memref<128xi32, #tpu.memory_space<hbm>>
        %dma_wait3A_19 = tpu.memref_slice %arg3[%add3A_11] : memref<32768xi32, #tpu.memory_space<hbm>> -> memref<128xi32, #tpu.memory_space<hbm>>
        tpu.wait_dma2 semaphore(%run_scoped3A : memref<!tpu.dma_semaphore, #tpu.memory_space<semaphore_mem>>) src(%dma_wait3A_19 : memref<128xi32, #tpu.memory_space<hbm>>) dst(%arg5 : memref<128xi32, #tpu.memory_space<vmem>>)
        tpu.yield
      }) : () -> ()
      %dma_start3A = arith.constant 0 : i32
      %dma_start3A_12 = arith.constant 0 : i32
      %dma_start3A_13 = tpu.memref_slice %arg2[%dma_start3A, %dma_start3A_12] : memref<8192x384xi32, #tpu.memory_space<hbm>> -> memref<8192x384xi32, #tpu.memory_space<hbm>>
      tpu.enqueue_indirect_dma source(%dma_start3A_13 : memref<8192x384xi32, #tpu.memory_space<hbm>>) target(%arg6 : memref<128x384xi32, #tpu.memory_space<vmem>>) offsets(%arg5 : memref<128xi32, #tpu.memory_space<vmem>>) semaphore(%arg7 : memref<!tpu.dma_semaphore, #tpu.memory_space<semaphore_mem>>)
      %dma_wait3A = arith.constant 0 : i32
      %dma_wait3A_14 = arith.constant 0 : i32
      %dma_wait3A_15 = tpu.memref_slice %arg2[%dma_wait3A, %dma_wait3A_14] : memref<8192x384xi32, #tpu.memory_space<hbm>> -> memref<8192x384xi32, #tpu.memory_space<hbm>>
      tpu.wait_indirect_dma semaphore(%arg7 : memref<!tpu.dma_semaphore, #tpu.memory_space<semaphore_mem>>) src(%dma_wait3A_15 : memref<8192x384xi32, #tpu.memory_space<hbm>>) dst(%arg6 : memref<128x384xi32, #tpu.memory_space<vmem>>)
      "tpu.region"() ({
        %run_scoped3A = tpu.sem_alloc : memref<!tpu.dma_semaphore, #tpu.memory_space<semaphore_mem>>
        %dma_start3A_16 = arith.constant 0 : i32
        %dma_start3A_17 = tpu.memref_slice %arg4[%add3A_11, %dma_start3A_16] : memref<32768x384xi32, #tpu.memory_space<hbm>> -> memref<128x384xi32, #tpu.memory_space<hbm>>
        %dma_start3A_18 = arith.constant 0 : i32
        %dma_start3A_19 = tpu.memref_slice %arg4[%add3A_11, %dma_start3A_18] : memref<32768x384xi32, #tpu.memory_space<hbm>> -> memref<128x384xi32, #tpu.memory_space<hbm>>
        tpu.enqueue_dma source(%arg6 : memref<128x384xi32, #tpu.memory_space<vmem>>) target(%dma_start3A_19 : memref<128x384xi32, #tpu.memory_space<hbm>>) target_semaphore(%run_scoped3A : memref<!tpu.dma_semaphore, #tpu.memory_space<semaphore_mem>>)
        %dma_wait3A_20 = arith.constant 0 : i32
        %dma_wait3A_21 = tpu.memref_slice %arg4[%add3A_11, %dma_wait3A_20] : memref<32768x384xi32, #tpu.memory_space<hbm>> -> memref<128x384xi32, #tpu.memory_space<hbm>>
        %dma_wait3A_22 = arith.constant 0 : i32
        %dma_wait3A_23 = tpu.memref_slice %arg4[%add3A_11, %dma_wait3A_22] : memref<32768x384xi32, #tpu.memory_space<hbm>> -> memref<128x384xi32, #tpu.memory_space<hbm>>
        tpu.wait_dma2 semaphore(%run_scoped3A : memref<!tpu.dma_semaphore, #tpu.memory_space<semaphore_mem>>) src(%arg6 : memref<128x384xi32, #tpu.memory_space<vmem>>) dst(%dma_wait3A_23 : memref<128x384xi32, #tpu.memory_space<hbm>>)
        tpu.yield
      }) : () -> ()
    }
    %scan3A_5 = arith.constant 8 : i32
    return
  }
}

#map = affine_map<(d0, d1) -> (0, 0)>
#map1 = affine_map<(d0, d1) -> (0)>
module attributes {stable_mosaic.version = 14 : i64} {
  func.func @_sc_gather_body(%arg0: i32, %arg1: i32, %arg2: memref<8192x384xi32, #tpu.memory_space<hbm>>, %arg3: memref<32768xi32, #tpu.memory_space<hbm>>, %arg4: memref<32768x384xi32, #tpu.memory_space<hbm>>, %arg5: memref<128xi32, #tpu.memory_space<vmem>>, %arg6: memref<128x384xi32, #tpu.memory_space<vmem>>, %arg7: memref<!tpu.dma_semaphore, #tpu.memory_space<semaphore_mem>>) attributes {dimension_semantics = [#tpu.dimension_semantics<core_parallel>, #tpu.dimension_semantics<subcore_parallel>], iteration_bounds = array<i64: 2, 16>, scalar_prefetch = 0 : i64, scratch_operands = 3 : i64, tpu.core_type = #tpu.core_type<sc_vector_subcore>, window_params = [{transform_indices = #map}, {transform_indices = #map1}, {transform_indices = #map}]} {
    %mul3A = arith.constant 2 : i32
    %mul3A_0 = arith.muli %arg1, %mul3A : i32
    %add3A = arith.addi %mul3A_0, %arg0 : i32
    %scan3A = arith.constant 0 : i32
    %scan3A_1 = arith.constant 0 : i32
    %scan3A_2 = arith.constant 8 : i32
    %scan3A_3 = arith.addi %scan3A_1, %scan3A_2 : i32
    %scan3A_4 = arith.constant 1 : i32
    scf.for %scan3A_6 = %scan3A_1 to %scan3A_3 step %scan3A_4  : i32 {
      %mul3A_7 = arith.constant 1024 : i32
      %mul3A_8 = arith.muli %add3A, %mul3A_7 : i32
      %mul3A_9 = arith.constant 128 : i32
      %mul3A_10 = arith.muli %scan3A_6, %mul3A_9 : i32
      %add3A_11 = arith.addi %mul3A_8, %mul3A_10 : i32
      "tpu.region"() ({
        %run_scoped3A = tpu.sem_alloc : memref<!tpu.dma_semaphore, #tpu.memory_space<semaphore_mem>>
        %dma_start3A_16 = tpu.memref_slice %arg3[%add3A_11] : memref<32768xi32, #tpu.memory_space<hbm>> -> memref<128xi32, #tpu.memory_space<hbm>>
        %dma_start3A_17 = tpu.memref_slice %arg3[%add3A_11] : memref<32768xi32, #tpu.memory_space<hbm>> -> memref<128xi32, #tpu.memory_space<hbm>>
        tpu.enqueue_dma source(%dma_start3A_17 : memref<128xi32, #tpu.memory_space<hbm>>) target(%arg5 : memref<128xi32, #tpu.memory_space<vmem>>) target_semaphore(%run_scoped3A : memref<!tpu.dma_semaphore, #tpu.memory_space<semaphore_mem>>)
        %dma_wait3A_18 = tpu.memref_slice %arg3[%add3A_11] : memref<32768xi32, #tpu.memory_space<hbm>> -> memref<128xi32, #tpu.memory_space<hbm>>
        %dma_wait3A_19 = tpu.memref_slice %arg3[%add3A_11] : memref<32768xi32, #tpu.memory_space<hbm>> -> memref<128xi32, #tpu.memory_space<hbm>>
        tpu.wait_dma2 semaphore(%run_scoped3A : memref<!tpu.dma_semaphore, #tpu.memory_space<semaphore_mem>>) src(%dma_wait3A_19 : memref<128xi32, #tpu.memory_space<hbm>>) dst(%arg5 : memref<128xi32, #tpu.memory_space<vmem>>)
        tpu.yield
      }) : () -> ()
      %dma_start3A = arith.constant 0 : i32
      %dma_start3A_12 = arith.constant 0 : i32
      %dma_start3A_13 = tpu.memref_slice %arg2[%dma_start3A, %dma_start3A_12] : memref<8192x384xi32, #tpu.memory_space<hbm>> -> memref<8192x384xi32, #tpu.memory_space<hbm>>
      tpu.enqueue_indirect_dma source(%dma_start3A_13 : memref<8192x384xi32, #tpu.memory_space<hbm>>) target(%arg6 : memref<128x384xi32, #tpu.memory_space<vmem>>) offsets(%arg5 : memref<128xi32, #tpu.memory_space<vmem>>) semaphore(%arg7 : memref<!tpu.dma_semaphore, #tpu.memory_space<semaphore_mem>>)
      %dma_wait3A = arith.constant 0 : i32
      %dma_wait3A_14 = arith.constant 0 : i32
      %dma_wait3A_15 = tpu.memref_slice %arg2[%dma_wait3A, %dma_wait3A_14] : memref<8192x384xi32, #tpu.memory_space<hbm>> -> memref<8192x384xi32, #tpu.memory_space<hbm>>
      tpu.wait_indirect_dma semaphore(%arg7 : memref<!tpu.dma_semaphore, #tpu.memory_space<semaphore_mem>>) src(%dma_wait3A_15 : memref<8192x384xi32, #tpu.memory_space<hbm>>) dst(%arg6 : memref<128x384xi32, #tpu.memory_space<vmem>>)
      "tpu.region"() ({
        %run_scoped3A = tpu.sem_alloc : memref<!tpu.dma_semaphore, #tpu.memory_space<semaphore_mem>>
        %dma_start3A_16 = arith.constant 0 : i32
        %dma_start3A_17 = tpu.memref_slice %arg4[%add3A_11, %dma_start3A_16] : memref<32768x384xi32, #tpu.memory_space<hbm>> -> memref<128x384xi32, #tpu.memory_space<hbm>>
        %dma_start3A_18 = arith.constant 0 : i32
        %dma_start3A_19 = tpu.memref_slice %arg4[%add3A_11, %dma_start3A_18] : memref<32768x384xi32, #tpu.memory_space<hbm>> -> memref<128x384xi32, #tpu.memory_space<hbm>>
        tpu.enqueue_dma source(%arg6 : memref<128x384xi32, #tpu.memory_space<vmem>>) target(%dma_start3A_19 : memref<128x384xi32, #tpu.memory_space<hbm>>) target_semaphore(%run_scoped3A : memref<!tpu.dma_semaphore, #tpu.memory_space<semaphore_mem>>)
        %dma_wait3A_20 = arith.constant 0 : i32
        %dma_wait3A_21 = tpu.memref_slice %arg4[%add3A_11, %dma_wait3A_20] : memref<32768x384xi32, #tpu.memory_space<hbm>> -> memref<128x384xi32, #tpu.memory_space<hbm>>
        %dma_wait3A_22 = arith.constant 0 : i32
        %dma_wait3A_23 = tpu.memref_slice %arg4[%add3A_11, %dma_wait3A_22] : memref<32768x384xi32, #tpu.memory_space<hbm>> -> memref<128x384xi32, #tpu.memory_space<hbm>>
        tpu.wait_dma2 semaphore(%run_scoped3A : memref<!tpu.dma_semaphore, #tpu.memory_space<semaphore_mem>>) src(%arg6 : memref<128x384xi32, #tpu.memory_space<vmem>>) dst(%dma_wait3A_23 : memref<128x384xi32, #tpu.memory_space<hbm>>)
        tpu.yield
      }) : () -> ()
    }
    %scan3A_5 = arith.constant 8 : i32
    return
  }
}

#map = affine_map<(d0, d1) -> (0, 0)>
#map1 = affine_map<(d0, d1) -> (0)>
module attributes {stable_mosaic.version = 14 : i64} {
  func.func @_sc_gather_body(%arg0: i32, %arg1: i32, %arg2: memref<8192x384xi32, #tpu.memory_space<hbm>>, %arg3: memref<32768xi32, #tpu.memory_space<hbm>>, %arg4: memref<32768x384xi32, #tpu.memory_space<hbm>>, %arg5: memref<128xi32, #tpu.memory_space<vmem>>, %arg6: memref<128x384xi32, #tpu.memory_space<vmem>>, %arg7: memref<!tpu.dma_semaphore, #tpu.memory_space<semaphore_mem>>) attributes {dimension_semantics = [#tpu.dimension_semantics<core_parallel>, #tpu.dimension_semantics<subcore_parallel>], iteration_bounds = array<i64: 2, 16>, scalar_prefetch = 0 : i64, scratch_operands = 3 : i64, tpu.core_type = #tpu.core_type<sc_vector_subcore>, window_params = [{transform_indices = #map}, {transform_indices = #map1}, {transform_indices = #map}]} {
    %mul3A = arith.constant 2 : i32
    %mul3A_0 = arith.muli %arg1, %mul3A : i32
    %add3A = arith.addi %mul3A_0, %arg0 : i32
    %scan3A = arith.constant 0 : i32
    %scan3A_1 = arith.constant 0 : i32
    %scan3A_2 = arith.constant 8 : i32
    %scan3A_3 = arith.addi %scan3A_1, %scan3A_2 : i32
    %scan3A_4 = arith.constant 1 : i32
    scf.for %scan3A_6 = %scan3A_1 to %scan3A_3 step %scan3A_4  : i32 {
      %mul3A_7 = arith.constant 1024 : i32
      %mul3A_8 = arith.muli %add3A, %mul3A_7 : i32
      %mul3A_9 = arith.constant 128 : i32
      %mul3A_10 = arith.muli %scan3A_6, %mul3A_9 : i32
      %add3A_11 = arith.addi %mul3A_8, %mul3A_10 : i32
      "tpu.region"() ({
        %run_scoped3A = tpu.sem_alloc : memref<!tpu.dma_semaphore, #tpu.memory_space<semaphore_mem>>
        %dma_start3A_16 = tpu.memref_slice %arg3[%add3A_11] : memref<32768xi32, #tpu.memory_space<hbm>> -> memref<128xi32, #tpu.memory_space<hbm>>
        %dma_start3A_17 = tpu.memref_slice %arg3[%add3A_11] : memref<32768xi32, #tpu.memory_space<hbm>> -> memref<128xi32, #tpu.memory_space<hbm>>
        tpu.enqueue_dma source(%dma_start3A_17 : memref<128xi32, #tpu.memory_space<hbm>>) target(%arg5 : memref<128xi32, #tpu.memory_space<vmem>>) target_semaphore(%run_scoped3A : memref<!tpu.dma_semaphore, #tpu.memory_space<semaphore_mem>>)
        %dma_wait3A_18 = tpu.memref_slice %arg3[%add3A_11] : memref<32768xi32, #tpu.memory_space<hbm>> -> memref<128xi32, #tpu.memory_space<hbm>>
        %dma_wait3A_19 = tpu.memref_slice %arg3[%add3A_11] : memref<32768xi32, #tpu.memory_space<hbm>> -> memref<128xi32, #tpu.memory_space<hbm>>
        tpu.wait_dma2 semaphore(%run_scoped3A : memref<!tpu.dma_semaphore, #tpu.memory_space<semaphore_mem>>) src(%dma_wait3A_19 : memref<128xi32, #tpu.memory_space<hbm>>) dst(%arg5 : memref<128xi32, #tpu.memory_space<vmem>>)
        tpu.yield
      }) : () -> ()
      %dma_start3A = arith.constant 0 : i32
      %dma_start3A_12 = arith.constant 0 : i32
      %dma_start3A_13 = tpu.memref_slice %arg2[%dma_start3A, %dma_start3A_12] : memref<8192x384xi32, #tpu.memory_space<hbm>> -> memref<8192x384xi32, #tpu.memory_space<hbm>>
      tpu.enqueue_indirect_dma source(%dma_start3A_13 : memref<8192x384xi32, #tpu.memory_space<hbm>>) target(%arg6 : memref<128x384xi32, #tpu.memory_space<vmem>>) offsets(%arg5 : memref<128xi32, #tpu.memory_space<vmem>>) semaphore(%arg7 : memref<!tpu.dma_semaphore, #tpu.memory_space<semaphore_mem>>)
      %dma_wait3A = arith.constant 0 : i32
      %dma_wait3A_14 = arith.constant 0 : i32
      %dma_wait3A_15 = tpu.memref_slice %arg2[%dma_wait3A, %dma_wait3A_14] : memref<8192x384xi32, #tpu.memory_space<hbm>> -> memref<8192x384xi32, #tpu.memory_space<hbm>>
      tpu.wait_indirect_dma semaphore(%arg7 : memref<!tpu.dma_semaphore, #tpu.memory_space<semaphore_mem>>) src(%dma_wait3A_15 : memref<8192x384xi32, #tpu.memory_space<hbm>>) dst(%arg6 : memref<128x384xi32, #tpu.memory_space<vmem>>)
      "tpu.region"() ({
        %run_scoped3A = tpu.sem_alloc : memref<!tpu.dma_semaphore, #tpu.memory_space<semaphore_mem>>
        %dma_start3A_16 = arith.constant 0 : i32
        %dma_start3A_17 = tpu.memref_slice %arg4[%add3A_11, %dma_start3A_16] : memref<32768x384xi32, #tpu.memory_space<hbm>> -> memref<128x384xi32, #tpu.memory_space<hbm>>
        %dma_start3A_18 = arith.constant 0 : i32
        %dma_start3A_19 = tpu.memref_slice %arg4[%add3A_11, %dma_start3A_18] : memref<32768x384xi32, #tpu.memory_space<hbm>> -> memref<128x384xi32, #tpu.memory_space<hbm>>
        tpu.enqueue_dma source(%arg6 : memref<128x384xi32, #tpu.memory_space<vmem>>) target(%dma_start3A_19 : memref<128x384xi32, #tpu.memory_space<hbm>>) target_semaphore(%run_scoped3A : memref<!tpu.dma_semaphore, #tpu.memory_space<semaphore_mem>>)
        %dma_wait3A_20 = arith.constant 0 : i32
        %dma_wait3A_21 = tpu.memref_slice %arg4[%add3A_11, %dma_wait3A_20] : memref<32768x384xi32, #tpu.memory_space<hbm>> -> memref<128x384xi32, #tpu.memory_space<hbm>>
        %dma_wait3A_22 = arith.constant 0 : i32
        %dma_wait3A_23 = tpu.memref_slice %arg4[%add3A_11, %dma_wait3A_22] : memref<32768x384xi32, #tpu.memory_space<hbm>> -> memref<128x384xi32, #tpu.memory_space<hbm>>
        tpu.wait_dma2 semaphore(%run_scoped3A : memref<!tpu.dma_semaphore, #tpu.memory_space<semaphore_mem>>) src(%arg6 : memref<128x384xi32, #tpu.memory_space<vmem>>) dst(%dma_wait3A_23 : memref<128x384xi32, #tpu.memory_space<hbm>>)
        tpu.yield
      }) : () -> ()
    }
    %scan3A_5 = arith.constant 8 : i32
    return
  }
}

#map = affine_map<(d0, d1) -> (0, 0)>
#map1 = affine_map<(d0, d1) -> (0)>
module attributes {stable_mosaic.version = 14 : i64} {
  func.func @_sc_gather_body(%arg0: i32, %arg1: i32, %arg2: memref<8192x384xi32, #tpu.memory_space<hbm>>, %arg3: memref<32768xi32, #tpu.memory_space<hbm>>, %arg4: memref<32768x384xi32, #tpu.memory_space<hbm>>, %arg5: memref<128xi32, #tpu.memory_space<vmem>>, %arg6: memref<128x384xi32, #tpu.memory_space<vmem>>, %arg7: memref<!tpu.dma_semaphore, #tpu.memory_space<semaphore_mem>>) attributes {dimension_semantics = [#tpu.dimension_semantics<core_parallel>, #tpu.dimension_semantics<subcore_parallel>], iteration_bounds = array<i64: 2, 16>, scalar_prefetch = 0 : i64, scratch_operands = 3 : i64, tpu.core_type = #tpu.core_type<sc_vector_subcore>, window_params = [{transform_indices = #map}, {transform_indices = #map1}, {transform_indices = #map}]} {
    %mul3A = arith.constant 2 : i32
    %mul3A_0 = arith.muli %arg1, %mul3A : i32
    %add3A = arith.addi %mul3A_0, %arg0 : i32
    %scan3A = arith.constant 0 : i32
    %scan3A_1 = arith.constant 0 : i32
    %scan3A_2 = arith.constant 8 : i32
    %scan3A_3 = arith.addi %scan3A_1, %scan3A_2 : i32
    %scan3A_4 = arith.constant 1 : i32
    scf.for %scan3A_6 = %scan3A_1 to %scan3A_3 step %scan3A_4  : i32 {
      %mul3A_7 = arith.constant 1024 : i32
      %mul3A_8 = arith.muli %add3A, %mul3A_7 : i32
      %mul3A_9 = arith.constant 128 : i32
      %mul3A_10 = arith.muli %scan3A_6, %mul3A_9 : i32
      %add3A_11 = arith.addi %mul3A_8, %mul3A_10 : i32
      "tpu.region"() ({
        %run_scoped3A = tpu.sem_alloc : memref<!tpu.dma_semaphore, #tpu.memory_space<semaphore_mem>>
        %dma_start3A_16 = tpu.memref_slice %arg3[%add3A_11] : memref<32768xi32, #tpu.memory_space<hbm>> -> memref<128xi32, #tpu.memory_space<hbm>>
        %dma_start3A_17 = tpu.memref_slice %arg3[%add3A_11] : memref<32768xi32, #tpu.memory_space<hbm>> -> memref<128xi32, #tpu.memory_space<hbm>>
        tpu.enqueue_dma source(%dma_start3A_17 : memref<128xi32, #tpu.memory_space<hbm>>) target(%arg5 : memref<128xi32, #tpu.memory_space<vmem>>) target_semaphore(%run_scoped3A : memref<!tpu.dma_semaphore, #tpu.memory_space<semaphore_mem>>)
        %dma_wait3A_18 = tpu.memref_slice %arg3[%add3A_11] : memref<32768xi32, #tpu.memory_space<hbm>> -> memref<128xi32, #tpu.memory_space<hbm>>
        %dma_wait3A_19 = tpu.memref_slice %arg3[%add3A_11] : memref<32768xi32, #tpu.memory_space<hbm>> -> memref<128xi32, #tpu.memory_space<hbm>>
        tpu.wait_dma2 semaphore(%run_scoped3A : memref<!tpu.dma_semaphore, #tpu.memory_space<semaphore_mem>>) src(%dma_wait3A_19 : memref<128xi32, #tpu.memory_space<hbm>>) dst(%arg5 : memref<128xi32, #tpu.memory_space<vmem>>)
        tpu.yield
      }) : () -> ()
      %dma_start3A = arith.constant 0 : i32
      %dma_start3A_12 = arith.constant 0 : i32
      %dma_start3A_13 = tpu.memref_slice %arg2[%dma_start3A, %dma_start3A_12] : memref<8192x384xi32, #tpu.memory_space<hbm>> -> memref<8192x384xi32, #tpu.memory_space<hbm>>
      tpu.enqueue_indirect_dma source(%dma_start3A_13 : memref<8192x384xi32, #tpu.memory_space<hbm>>) target(%arg6 : memref<128x384xi32, #tpu.memory_space<vmem>>) offsets(%arg5 : memref<128xi32, #tpu.memory_space<vmem>>) semaphore(%arg7 : memref<!tpu.dma_semaphore, #tpu.memory_space<semaphore_mem>>)
      %dma_wait3A = arith.constant 0 : i32
      %dma_wait3A_14 = arith.constant 0 : i32
      %dma_wait3A_15 = tpu.memref_slice %arg2[%dma_wait3A, %dma_wait3A_14] : memref<8192x384xi32, #tpu.memory_space<hbm>> -> memref<8192x384xi32, #tpu.memory_space<hbm>>
      tpu.wait_indirect_dma semaphore(%arg7 : memref<!tpu.dma_semaphore, #tpu.memory_space<semaphore_mem>>) src(%dma_wait3A_15 : memref<8192x384xi32, #tpu.memory_space<hbm>>) dst(%arg6 : memref<128x384xi32, #tpu.memory_space<vmem>>)
      "tpu.region"() ({
        %run_scoped3A = tpu.sem_alloc : memref<!tpu.dma_semaphore, #tpu.memory_space<semaphore_mem>>
        %dma_start3A_16 = arith.constant 0 : i32
        %dma_start3A_17 = tpu.memref_slice %arg4[%add3A_11, %dma_start3A_16] : memref<32768x384xi32, #tpu.memory_space<hbm>> -> memref<128x384xi32, #tpu.memory_space<hbm>>
        %dma_start3A_18 = arith.constant 0 : i32
        %dma_start3A_19 = tpu.memref_slice %arg4[%add3A_11, %dma_start3A_18] : memref<32768x384xi32, #tpu.memory_space<hbm>> -> memref<128x384xi32, #tpu.memory_space<hbm>>
        tpu.enqueue_dma source(%arg6 : memref<128x384xi32, #tpu.memory_space<vmem>>) target(%dma_start3A_19 : memref<128x384xi32, #tpu.memory_space<hbm>>) target_semaphore(%run_scoped3A : memref<!tpu.dma_semaphore, #tpu.memory_space<semaphore_mem>>)
        %dma_wait3A_20 = arith.constant 0 : i32
        %dma_wait3A_21 = tpu.memref_slice %arg4[%add3A_11, %dma_wait3A_20] : memref<32768x384xi32, #tpu.memory_space<hbm>> -> memref<128x384xi32, #tpu.memory_space<hbm>>
        %dma_wait3A_22 = arith.constant 0 : i32
        %dma_wait3A_23 = tpu.memref_slice %arg4[%add3A_11, %dma_wait3A_22] : memref<32768x384xi32, #tpu.memory_space<hbm>> -> memref<128x384xi32, #tpu.memory_space<hbm>>
        tpu.wait_dma2 semaphore(%run_scoped3A : memref<!tpu.dma_semaphore, #tpu.memory_space<semaphore_mem>>) src(%arg6 : memref<128x384xi32, #tpu.memory_space<vmem>>) dst(%dma_wait3A_23 : memref<128x384xi32, #tpu.memory_space<hbm>>)
        tpu.yield
      }) : () -> ()
    }
    %scan3A_5 = arith.constant 8 : i32
    return
  }
}

module attributes {stable_mosaic.version = 14 : i64} {
  func.func @_knn_body(%arg0: i32, %arg1: memref<1x512x3xf32, #tpu.memory_space<vmem>>, %arg2: memref<1x3x2048xf32, #tpu.memory_space<vmem>>, %arg3: memref<512x16xi32, #tpu.memory_space<vmem>>) attributes {dimension_semantics = [#tpu.dimension_semantics<arbitrary>], iteration_bounds = array<i64: 4>, scalar_prefetch = 0 : i64, scratch_operands = 0 : i64, tpu.core_type = #tpu.core_type<tc>, window_params = [{transform_indices = @transform_0, window_bounds = array<i64: 1, 512, 3>}, {transform_indices = @transform_1, window_bounds = array<i64: 1, 3, 2048>}, {transform_indices = @transform_2, window_bounds = array<i64: 512, 16>}]} {
    %get3A = arith.constant 0 : index
    %get3A_0 = arith.constant 0 : index
    %get3A_1 = arith.constant 0 : index
    %get3A_2 = vector.load %arg1[%get3A, %get3A_0, %get3A_1] : memref<1x512x3xf32, #tpu.memory_space<vmem>>, vector<1x512x3xf32>
    %get3A_3 = vector.shape_cast %get3A_2 : vector<1x512x3xf32> to vector<512x3xf32>
    %get3A_4 = arith.constant 0 : index
    %get3A_5 = arith.constant 0 : index
    %get3A_6 = arith.constant 0 : index
    %get3A_7 = vector.load %arg2[%get3A_4, %get3A_5, %get3A_6] : memref<1x3x2048xf32, #tpu.memory_space<vmem>>, vector<1x3x2048xf32>
    %get3A_8 = vector.shape_cast %get3A_7 : vector<1x3x2048xf32> to vector<3x2048xf32>
    %mul3A = arith.mulf %get3A_3, %get3A_3 : vector<512x3xf32>
    %reduce_sum3A = arith.constant dense<0.000000e+00> : vector<512xf32>
    %reduce_sum3A_9 = vector.multi_reduction <add>, %mul3A, %reduce_sum3A [1] : vector<512x3xf32> to vector<512xf32>
    %broadcast_in_dim3A = vector.shape_cast %reduce_sum3A_9 : vector<512xf32> to vector<512x1xf32>
    %mul3A_10 = arith.mulf %get3A_8, %get3A_8 : vector<3x2048xf32>
    %reduce_sum3A_11 = arith.constant dense<0.000000e+00> : vector<2048xf32>
    %reduce_sum3A_12 = vector.multi_reduction <add>, %mul3A_10, %reduce_sum3A_11 [0] : vector<3x2048xf32> to vector<2048xf32>
    %broadcast_in_dim3A_13 = vector.shape_cast %reduce_sum3A_12 : vector<2048xf32> to vector<1x2048xf32>
    %dot_general3A = arith.constant dense<0.000000e+00> : vector<512x2048xf32>
    %dot_general3A_14 = tpu.matmul %get3A_3, %get3A_8, %dot_general3A {dimension_numbers = #tpu.dot_dimension_numbers<[1], [0], [0], [1], [0, 0, 1, 1], [], []>, transpose_lhs_hint = false} : vector<512x3xf32>, vector<3x2048xf32>, vector<512x2048xf32> -> vector<512x2048xf32>
    %mul3A_15 = arith.constant -2.000000e+00 : f32
    %mul3A_16 = vector.broadcast %mul3A_15 : f32 to vector<512x2048xf32>
    %mul3A_17 = arith.mulf %dot_general3A_14, %mul3A_16 : vector<512x2048xf32>
    %add3A = vector.broadcast %broadcast_in_dim3A : vector<512x1xf32> to vector<512x2048xf32>
    %add3A_18 = arith.addf %mul3A_17, %add3A : vector<512x2048xf32>
    %add3A_19 = vector.broadcast %broadcast_in_dim3A_13 : vector<1x2048xf32> to vector<512x2048xf32>
    %add3A_20 = arith.addf %add3A_18, %add3A_19 : vector<512x2048xf32>
    %iota3A = tpu.iota {dimensions = array<i32: 1>} : vector<512x2048xi32>
    %convert_element_type3A = arith.sitofp %iota3A : vector<512x2048xi32> to vector<512x2048xf32>
    %reduce_min3A = arith.constant dense<0x7F800000> : vector<512xf32>
    %reduce_min3A_21 = vector.multi_reduction <minimumf>, %add3A_20, %reduce_min3A [1] : vector<512x2048xf32> to vector<512xf32>
    %broadcast_in_dim3A_22 = vector.shape_cast %reduce_min3A_21 : vector<512xf32> to vector<512x1xf32>
    %eq3A = vector.broadcast %broadcast_in_dim3A_22 : vector<512x1xf32> to vector<512x2048xf32>
    %eq3A_23 = arith.cmpf oeq, %add3A_20, %eq3A : vector<512x2048xf32>
    %jit3A = arith.constant 2.048000e+03 : f32
    %broadcast_in_dim3A_24 = vector.broadcast %jit3A : f32 to vector<512x2048xf32>
    %select_n3A = arith.select %eq3A_23, %convert_element_type3A, %broadcast_in_dim3A_24 : vector<512x2048xi1>, vector<512x2048xf32>
    %reduce_min3A_25 = arith.constant dense<0x7F800000> : vector<512xf32>
    %reduce_min3A_26 = vector.multi_reduction <minimumf>, %select_n3A, %reduce_min3A_25 [1] : vector<512x2048xf32> to vector<512xf32>
    %broadcast_in_dim3A_27 = vector.shape_cast %reduce_min3A_26 : vector<512xf32> to vector<512x1xf32>
    %eq3A_28 = vector.broadcast %broadcast_in_dim3A_27 : vector<512x1xf32> to vector<512x2048xf32>
    %eq3A_29 = arith.cmpf oeq, %convert_element_type3A, %eq3A_28 : vector<512x2048xf32>
    %jit3A_30 = arith.constant 0x7F800000 : f32
    %broadcast_in_dim3A_31 = vector.broadcast %jit3A_30 : f32 to vector<512x2048xf32>
    %select_n3A_32 = arith.select %eq3A_29, %broadcast_in_dim3A_31, %add3A_20 : vector<512x2048xi1>, vector<512x2048xf32>
    %reduce_min3A_33 = arith.constant dense<0x7F800000> : vector<512xf32>
    %reduce_min3A_34 = vector.multi_reduction <minimumf>, %select_n3A_32, %reduce_min3A_33 [1] : vector<512x2048xf32> to vector<512xf32>
    %broadcast_in_dim3A_35 = vector.shape_cast %reduce_min3A_34 : vector<512xf32> to vector<512x1xf32>
    %eq3A_36 = vector.broadcast %broadcast_in_dim3A_35 : vector<512x1xf32> to vector<512x2048xf32>
    %eq3A_37 = arith.cmpf oeq, %select_n3A_32, %eq3A_36 : vector<512x2048xf32>
    %jit3A_38 = arith.constant 2.048000e+03 : f32
    %broadcast_in_dim3A_39 = vector.broadcast %jit3A_38 : f32 to vector<512x2048xf32>
    %select_n3A_40 = arith.select %eq3A_37, %convert_element_type3A, %broadcast_in_dim3A_39 : vector<512x2048xi1>, vector<512x2048xf32>
    %reduce_min3A_41 = arith.constant dense<0x7F800000> : vector<512xf32>
    %reduce_min3A_42 = vector.multi_reduction <minimumf>, %select_n3A_40, %reduce_min3A_41 [1] : vector<512x2048xf32> to vector<512xf32>
    %broadcast_in_dim3A_43 = vector.shape_cast %reduce_min3A_42 : vector<512xf32> to vector<512x1xf32>
    %eq3A_44 = vector.broadcast %broadcast_in_dim3A_43 : vector<512x1xf32> to vector<512x2048xf32>
    %eq3A_45 = arith.cmpf oeq, %convert_element_type3A, %eq3A_44 : vector<512x2048xf32>
    %jit3A_46 = arith.constant 0x7F800000 : f32
    %broadcast_in_dim3A_47 = vector.broadcast %jit3A_46 : f32 to vector<512x2048xf32>
    %select_n3A_48 = arith.select %eq3A_45, %broadcast_in_dim3A_47, %select_n3A_32 : vector<512x2048xi1>, vector<512x2048xf32>
    %reduce_min3A_49 = arith.constant dense<0x7F800000> : vector<512xf32>
    %reduce_min3A_50 = vector.multi_reduction <minimumf>, %select_n3A_48, %reduce_min3A_49 [1] : vector<512x2048xf32> to vector<512xf32>
    %broadcast_in_dim3A_51 = vector.shape_cast %reduce_min3A_50 : vector<512xf32> to vector<512x1xf32>
    %eq3A_52 = vector.broadcast %broadcast_in_dim3A_51 : vector<512x1xf32> to vector<512x2048xf32>
    %eq3A_53 = arith.cmpf oeq, %select_n3A_48, %eq3A_52 : vector<512x2048xf32>
    %jit3A_54 = arith.constant 2.048000e+03 : f32
    %broadcast_in_dim3A_55 = vector.broadcast %jit3A_54 : f32 to vector<512x2048xf32>
    %select_n3A_56 = arith.select %eq3A_53, %convert_element_type3A, %broadcast_in_dim3A_55 : vector<512x2048xi1>, vector<512x2048xf32>
    %reduce_min3A_57 = arith.constant dense<0x7F800000> : vector<512xf32>
    %reduce_min3A_58 = vector.multi_reduction <minimumf>, %select_n3A_56, %reduce_min3A_57 [1] : vector<512x2048xf32> to vector<512xf32>
    %broadcast_in_dim3A_59 = vector.shape_cast %reduce_min3A_58 : vector<512xf32> to vector<512x1xf32>
    %eq3A_60 = vector.broadcast %broadcast_in_dim3A_59 : vector<512x1xf32> to vector<512x2048xf32>
    %eq3A_61 = arith.cmpf oeq, %convert_element_type3A, %eq3A_60 : vector<512x2048xf32>
    %jit3A_62 = arith.constant 0x7F800000 : f32
    %broadcast_in_dim3A_63 = vector.broadcast %jit3A_62 : f32 to vector<512x2048xf32>
    %select_n3A_64 = arith.select %eq3A_61, %broadcast_in_dim3A_63, %select_n3A_48 : vector<512x2048xi1>, vector<512x2048xf32>
    %reduce_min3A_65 = arith.constant dense<0x7F800000> : vector<512xf32>
    %reduce_min3A_66 = vector.multi_reduction <minimumf>, %select_n3A_64, %reduce_min3A_65 [1] : vector<512x2048xf32> to vector<512xf32>
    %broadcast_in_dim3A_67 = vector.shape_cast %reduce_min3A_66 : vector<512xf32> to vector<512x1xf32>
    %eq3A_68 = vector.broadcast %broadcast_in_dim3A_67 : vector<512x1xf32> to vector<512x2048xf32>
    %eq3A_69 = arith.cmpf oeq, %select_n3A_64, %eq3A_68 : vector<512x2048xf32>
    %jit3A_70 = arith.constant 2.048000e+03 : f32
    %broadcast_in_dim3A_71 = vector.broadcast %jit3A_70 : f32 to vector<512x2048xf32>
    %select_n3A_72 = arith.select %eq3A_69, %convert_element_type3A, %broadcast_in_dim3A_71 : vector<512x2048xi1>, vector<512x2048xf32>
    %reduce_min3A_73 = arith.constant dense<0x7F800000> : vector<512xf32>
    %reduce_min3A_74 = vector.multi_reduction <minimumf>, %select_n3A_72, %reduce_min3A_73 [1] : vector<512x2048xf32> to vector<512xf32>
    %broadcast_in_dim3A_75 = vector.shape_cast %reduce_min3A_74 : vector<512xf32> to vector<512x1xf32>
    %eq3A_76 = vector.broadcast %broadcast_in_dim3A_75 : vector<512x1xf32> to vector<512x2048xf32>
    %eq3A_77 = arith.cmpf oeq, %convert_element_type3A, %eq3A_76 : vector<512x2048xf32>
    %jit3A_78 = arith.constant 0x7F800000 : f32
    %broadcast_in_dim3A_79 = vector.broadcast %jit3A_78 : f32 to vector<512x2048xf32>
    %select_n3A_80 = arith.select %eq3A_77, %broadcast_in_dim3A_79, %select_n3A_64 : vector<512x2048xi1>, vector<512x2048xf32>
    %reduce_min3A_81 = arith.constant dense<0x7F800000> : vector<512xf32>
    %reduce_min3A_82 = vector.multi_reduction <minimumf>, %select_n3A_80, %reduce_min3A_81 [1] : vector<512x2048xf32> to vector<512xf32>
    %broadcast_in_dim3A_83 = vector.shape_cast %reduce_min3A_82 : vector<512xf32> to vector<512x1xf32>
    %eq3A_84 = vector.broadcast %broadcast_in_dim3A_83 : vector<512x1xf32> to vector<512x2048xf32>
    %eq3A_85 = arith.cmpf oeq, %select_n3A_80, %eq3A_84 : vector<512x2048xf32>
    %jit3A_86 = arith.constant 2.048000e+03 : f32
    %broadcast_in_dim3A_87 = vector.broadcast %jit3A_86 : f32 to vector<512x2048xf32>
    %select_n3A_88 = arith.select %eq3A_85, %convert_element_type3A, %broadcast_in_dim3A_87 : vector<512x2048xi1>, vector<512x2048xf32>
    %reduce_min3A_89 = arith.constant dense<0x7F800000> : vector<512xf32>
    %reduce_min3A_90 = vector.multi_reduction <minimumf>, %select_n3A_88, %reduce_min3A_89 [1] : vector<512x2048xf32> to vector<512xf32>
    %broadcast_in_dim3A_91 = vector.shape_cast %reduce_min3A_90 : vector<512xf32> to vector<512x1xf32>
    %eq3A_92 = vector.broadcast %broadcast_in_dim3A_91 : vector<512x1xf32> to vector<512x2048xf32>
    %eq3A_93 = arith.cmpf oeq, %convert_element_type3A, %eq3A_92 : vector<512x2048xf32>
    %jit3A_94 = arith.constant 0x7F800000 : f32
    %broadcast_in_dim3A_95 = vector.broadcast %jit3A_94 : f32 to vector<512x2048xf32>
    %select_n3A_96 = arith.select %eq3A_93, %broadcast_in_dim3A_95, %select_n3A_80 : vector<512x2048xi1>, vector<512x2048xf32>
    %reduce_min3A_97 = arith.constant dense<0x7F800000> : vector<512xf32>
    %reduce_min3A_98 = vector.multi_reduction <minimumf>, %select_n3A_96, %reduce_min3A_97 [1] : vector<512x2048xf32> to vector<512xf32>
    %broadcast_in_dim3A_99 = vector.shape_cast %reduce_min3A_98 : vector<512xf32> to vector<512x1xf32>
    %eq3A_100 = vector.broadcast %broadcast_in_dim3A_99 : vector<512x1xf32> to vector<512x2048xf32>
    %eq3A_101 = arith.cmpf oeq, %select_n3A_96, %eq3A_100 : vector<512x2048xf32>
    %jit3A_102 = arith.constant 2.048000e+03 : f32
    %broadcast_in_dim3A_103 = vector.broadcast %jit3A_102 : f32 to vector<512x2048xf32>
    %select_n3A_104 = arith.select %eq3A_101, %convert_element_type3A, %broadcast_in_dim3A_103 : vector<512x2048xi1>, vector<512x2048xf32>
    %reduce_min3A_105 = arith.constant dense<0x7F800000> : vector<512xf32>
    %reduce_min3A_106 = vector.multi_reduction <minimumf>, %select_n3A_104, %reduce_min3A_105 [1] : vector<512x2048xf32> to vector<512xf32>
    %broadcast_in_dim3A_107 = vector.shape_cast %reduce_min3A_106 : vector<512xf32> to vector<512x1xf32>
    %eq3A_108 = vector.broadcast %broadcast_in_dim3A_107 : vector<512x1xf32> to vector<512x2048xf32>
    %eq3A_109 = arith.cmpf oeq, %convert_element_type3A, %eq3A_108 : vector<512x2048xf32>
    %jit3A_110 = arith.constant 0x7F800000 : f32
    %broadcast_in_dim3A_111 = vector.broadcast %jit3A_110 : f32 to vector<512x2048xf32>
    %select_n3A_112 = arith.select %eq3A_109, %broadcast_in_dim3A_111, %select_n3A_96 : vector<512x2048xi1>, vector<512x2048xf32>
    %reduce_min3A_113 = arith.constant dense<0x7F800000> : vector<512xf32>
    %reduce_min3A_114 = vector.multi_reduction <minimumf>, %select_n3A_112, %reduce_min3A_113 [1] : vector<512x2048xf32> to vector<512xf32>
    %broadcast_in_dim3A_115 = vector.shape_cast %reduce_min3A_114 : vector<512xf32> to vector<512x1xf32>
    %eq3A_116 = vector.broadcast %broadcast_in_dim3A_115 : vector<512x1xf32> to vector<512x2048xf32>
    %eq3A_117 = arith.cmpf oeq, %select_n3A_112, %eq3A_116 : vector<512x2048xf32>
    %jit3A_118 = arith.constant 2.048000e+03 : f32
    %broadcast_in_dim3A_119 = vector.broadcast %jit3A_118 : f32 to vector<512x2048xf32>
    %select_n3A_120 = arith.select %eq3A_117, %convert_element_type3A, %broadcast_in_dim3A_119 : vector<512x2048xi1>, vector<512x2048xf32>
    %reduce_min3A_121 = arith.constant dense<0x7F800000> : vector<512xf32>
    %reduce_min3A_122 = vector.multi_reduction <minimumf>, %select_n3A_120, %reduce_min3A_121 [1] : vector<512x2048xf32> to vector<512xf32>
    %broadcast_in_dim3A_123 = vector.shape_cast %reduce_min3A_122 : vector<512xf32> to vector<512x1xf32>
    %eq3A_124 = vector.broadcast %broadcast_in_dim3A_123 : vector<512x1xf32> to vector<512x2048xf32>
    %eq3A_125 = arith.cmpf oeq, %convert_element_type3A, %eq3A_124 : vector<512x2048xf32>
    %jit3A_126 = arith.constant 0x7F800000 : f32
    %broadcast_in_dim3A_127 = vector.broadcast %jit3A_126 : f32 to vector<512x2048xf32>
    %select_n3A_128 = arith.select %eq3A_125, %broadcast_in_dim3A_127, %select_n3A_112 : vector<512x2048xi1>, vector<512x2048xf32>
    %reduce_min3A_129 = arith.constant dense<0x7F800000> : vector<512xf32>
    %reduce_min3A_130 = vector.multi_reduction <minimumf>, %select_n3A_128, %reduce_min3A_129 [1] : vector<512x2048xf32> to vector<512xf32>
    %broadcast_in_dim3A_131 = vector.shape_cast %reduce_min3A_130 : vector<512xf32> to vector<512x1xf32>
    %eq3A_132 = vector.broadcast %broadcast_in_dim3A_131 : vector<512x1xf32> to vector<512x2048xf32>
    %eq3A_133 = arith.cmpf oeq, %select_n3A_128, %eq3A_132 : vector<512x2048xf32>
    %jit3A_134 = arith.constant 2.048000e+03 : f32
    %broadcast_in_dim3A_135 = vector.broadcast %jit3A_134 : f32 to vector<512x2048xf32>
    %select_n3A_136 = arith.select %eq3A_133, %convert_element_type3A, %broadcast_in_dim3A_135 : vector<512x2048xi1>, vector<512x2048xf32>
    %reduce_min3A_137 = arith.constant dense<0x7F800000> : vector<512xf32>
    %reduce_min3A_138 = vector.multi_reduction <minimumf>, %select_n3A_136, %reduce_min3A_137 [1] : vector<512x2048xf32> to vector<512xf32>
    %broadcast_in_dim3A_139 = vector.shape_cast %reduce_min3A_138 : vector<512xf32> to vector<512x1xf32>
    %eq3A_140 = vector.broadcast %broadcast_in_dim3A_139 : vector<512x1xf32> to vector<512x2048xf32>
    %eq3A_141 = arith.cmpf oeq, %convert_element_type3A, %eq3A_140 : vector<512x2048xf32>
    %jit3A_142 = arith.constant 0x7F800000 : f32
    %broadcast_in_dim3A_143 = vector.broadcast %jit3A_142 : f32 to vector<512x2048xf32>
    %select_n3A_144 = arith.select %eq3A_141, %broadcast_in_dim3A_143, %select_n3A_128 : vector<512x2048xi1>, vector<512x2048xf32>
    %reduce_min3A_145 = arith.constant dense<0x7F800000> : vector<512xf32>
    %reduce_min3A_146 = vector.multi_reduction <minimumf>, %select_n3A_144, %reduce_min3A_145 [1] : vector<512x2048xf32> to vector<512xf32>
    %broadcast_in_dim3A_147 = vector.shape_cast %reduce_min3A_146 : vector<512xf32> to vector<512x1xf32>
    %eq3A_148 = vector.broadcast %broadcast_in_dim3A_147 : vector<512x1xf32> to vector<512x2048xf32>
    %eq3A_149 = arith.cmpf oeq, %select_n3A_144, %eq3A_148 : vector<512x2048xf32>
    %jit3A_150 = arith.constant 2.048000e+03 : f32
    %broadcast_in_dim3A_151 = vector.broadcast %jit3A_150 : f32 to vector<512x2048xf32>
    %select_n3A_152 = arith.select %eq3A_149, %convert_element_type3A, %broadcast_in_dim3A_151 : vector<512x2048xi1>, vector<512x2048xf32>
    %reduce_min3A_153 = arith.constant dense<0x7F800000> : vector<512xf32>
    %reduce_min3A_154 = vector.multi_reduction <minimumf>, %select_n3A_152, %reduce_min3A_153 [1] : vector<512x2048xf32> to vector<512xf32>
    %broadcast_in_dim3A_155 = vector.shape_cast %reduce_min3A_154 : vector<512xf32> to vector<512x1xf32>
    %eq3A_156 = vector.broadcast %broadcast_in_dim3A_155 : vector<512x1xf32> to vector<512x2048xf32>
    %eq3A_157 = arith.cmpf oeq, %convert_element_type3A, %eq3A_156 : vector<512x2048xf32>
    %jit3A_158 = arith.constant 0x7F800000 : f32
    %broadcast_in_dim3A_159 = vector.broadcast %jit3A_158 : f32 to vector<512x2048xf32>
    %select_n3A_160 = arith.select %eq3A_157, %broadcast_in_dim3A_159, %select_n3A_144 : vector<512x2048xi1>, vector<512x2048xf32>
    %reduce_min3A_161 = arith.constant dense<0x7F800000> : vector<512xf32>
    %reduce_min3A_162 = vector.multi_reduction <minimumf>, %select_n3A_160, %reduce_min3A_161 [1] : vector<512x2048xf32> to vector<512xf32>
    %broadcast_in_dim3A_163 = vector.shape_cast %reduce_min3A_162 : vector<512xf32> to vector<512x1xf32>
    %eq3A_164 = vector.broadcast %broadcast_in_dim3A_163 : vector<512x1xf32> to vector<512x2048xf32>
    %eq3A_165 = arith.cmpf oeq, %select_n3A_160, %eq3A_164 : vector<512x2048xf32>
    %jit3A_166 = arith.constant 2.048000e+03 : f32
    %broadcast_in_dim3A_167 = vector.broadcast %jit3A_166 : f32 to vector<512x2048xf32>
    %select_n3A_168 = arith.select %eq3A_165, %convert_element_type3A, %broadcast_in_dim3A_167 : vector<512x2048xi1>, vector<512x2048xf32>
    %reduce_min3A_169 = arith.constant dense<0x7F800000> : vector<512xf32>
    %reduce_min3A_170 = vector.multi_reduction <minimumf>, %select_n3A_168, %reduce_min3A_169 [1] : vector<512x2048xf32> to vector<512xf32>
    %broadcast_in_dim3A_171 = vector.shape_cast %reduce_min3A_170 : vector<512xf32> to vector<512x1xf32>
    %eq3A_172 = vector.broadcast %broadcast_in_dim3A_171 : vector<512x1xf32> to vector<512x2048xf32>
    %eq3A_173 = arith.cmpf oeq, %convert_element_type3A, %eq3A_172 : vector<512x2048xf32>
    %jit3A_174 = arith.constant 0x7F800000 : f32
    %broadcast_in_dim3A_175 = vector.broadcast %jit3A_174 : f32 to vector<512x2048xf32>
    %select_n3A_176 = arith.select %eq3A_173, %broadcast_in_dim3A_175, %select_n3A_160 : vector<512x2048xi1>, vector<512x2048xf32>
    %reduce_min3A_177 = arith.constant dense<0x7F800000> : vector<512xf32>
    %reduce_min3A_178 = vector.multi_reduction <minimumf>, %select_n3A_176, %reduce_min3A_177 [1] : vector<512x2048xf32> to vector<512xf32>
    %broadcast_in_dim3A_179 = vector.shape_cast %reduce_min3A_178 : vector<512xf32> to vector<512x1xf32>
    %eq3A_180 = vector.broadcast %broadcast_in_dim3A_179 : vector<512x1xf32> to vector<512x2048xf32>
    %eq3A_181 = arith.cmpf oeq, %select_n3A_176, %eq3A_180 : vector<512x2048xf32>
    %jit3A_182 = arith.constant 2.048000e+03 : f32
    %broadcast_in_dim3A_183 = vector.broadcast %jit3A_182 : f32 to vector<512x2048xf32>
    %select_n3A_184 = arith.select %eq3A_181, %convert_element_type3A, %broadcast_in_dim3A_183 : vector<512x2048xi1>, vector<512x2048xf32>
    %reduce_min3A_185 = arith.constant dense<0x7F800000> : vector<512xf32>
    %reduce_min3A_186 = vector.multi_reduction <minimumf>, %select_n3A_184, %reduce_min3A_185 [1] : vector<512x2048xf32> to vector<512xf32>
    %broadcast_in_dim3A_187 = vector.shape_cast %reduce_min3A_186 : vector<512xf32> to vector<512x1xf32>
    %eq3A_188 = vector.broadcast %broadcast_in_dim3A_187 : vector<512x1xf32> to vector<512x2048xf32>
    %eq3A_189 = arith.cmpf oeq, %convert_element_type3A, %eq3A_188 : vector<512x2048xf32>
    %jit3A_190 = arith.constant 0x7F800000 : f32
    %broadcast_in_dim3A_191 = vector.broadcast %jit3A_190 : f32 to vector<512x2048xf32>
    %select_n3A_192 = arith.select %eq3A_189, %broadcast_in_dim3A_191, %select_n3A_176 : vector<512x2048xi1>, vector<512x2048xf32>
    %reduce_min3A_193 = arith.constant dense<0x7F800000> : vector<512xf32>
    %reduce_min3A_194 = vector.multi_reduction <minimumf>, %select_n3A_192, %reduce_min3A_193 [1] : vector<512x2048xf32> to vector<512xf32>
    %broadcast_in_dim3A_195 = vector.shape_cast %reduce_min3A_194 : vector<512xf32> to vector<512x1xf32>
    %eq3A_196 = vector.broadcast %broadcast_in_dim3A_195 : vector<512x1xf32> to vector<512x2048xf32>
    %eq3A_197 = arith.cmpf oeq, %select_n3A_192, %eq3A_196 : vector<512x2048xf32>
    %jit3A_198 = arith.constant 2.048000e+03 : f32
    %broadcast_in_dim3A_199 = vector.broadcast %jit3A_198 : f32 to vector<512x2048xf32>
    %select_n3A_200 = arith.select %eq3A_197, %convert_element_type3A, %broadcast_in_dim3A_199 : vector<512x2048xi1>, vector<512x2048xf32>
    %reduce_min3A_201 = arith.constant dense<0x7F800000> : vector<512xf32>
    %reduce_min3A_202 = vector.multi_reduction <minimumf>, %select_n3A_200, %reduce_min3A_201 [1] : vector<512x2048xf32> to vector<512xf32>
    %broadcast_in_dim3A_203 = vector.shape_cast %reduce_min3A_202 : vector<512xf32> to vector<512x1xf32>
    %eq3A_204 = vector.broadcast %broadcast_in_dim3A_203 : vector<512x1xf32> to vector<512x2048xf32>
    %eq3A_205 = arith.cmpf oeq, %convert_element_type3A, %eq3A_204 : vector<512x2048xf32>
    %jit3A_206 = arith.constant 0x7F800000 : f32
    %broadcast_in_dim3A_207 = vector.broadcast %jit3A_206 : f32 to vector<512x2048xf32>
    %select_n3A_208 = arith.select %eq3A_205, %broadcast_in_dim3A_207, %select_n3A_192 : vector<512x2048xi1>, vector<512x2048xf32>
    %reduce_min3A_209 = arith.constant dense<0x7F800000> : vector<512xf32>
    %reduce_min3A_210 = vector.multi_reduction <minimumf>, %select_n3A_208, %reduce_min3A_209 [1] : vector<512x2048xf32> to vector<512xf32>
    %broadcast_in_dim3A_211 = vector.shape_cast %reduce_min3A_210 : vector<512xf32> to vector<512x1xf32>
    %eq3A_212 = vector.broadcast %broadcast_in_dim3A_211 : vector<512x1xf32> to vector<512x2048xf32>
    %eq3A_213 = arith.cmpf oeq, %select_n3A_208, %eq3A_212 : vector<512x2048xf32>
    %jit3A_214 = arith.constant 2.048000e+03 : f32
    %broadcast_in_dim3A_215 = vector.broadcast %jit3A_214 : f32 to vector<512x2048xf32>
    %select_n3A_216 = arith.select %eq3A_213, %convert_element_type3A, %broadcast_in_dim3A_215 : vector<512x2048xi1>, vector<512x2048xf32>
    %reduce_min3A_217 = arith.constant dense<0x7F800000> : vector<512xf32>
    %reduce_min3A_218 = vector.multi_reduction <minimumf>, %select_n3A_216, %reduce_min3A_217 [1] : vector<512x2048xf32> to vector<512xf32>
    %broadcast_in_dim3A_219 = vector.shape_cast %reduce_min3A_218 : vector<512xf32> to vector<512x1xf32>
    %eq3A_220 = vector.broadcast %broadcast_in_dim3A_219 : vector<512x1xf32> to vector<512x2048xf32>
    %eq3A_221 = arith.cmpf oeq, %convert_element_type3A, %eq3A_220 : vector<512x2048xf32>
    %jit3A_222 = arith.constant 0x7F800000 : f32
    %broadcast_in_dim3A_223 = vector.broadcast %jit3A_222 : f32 to vector<512x2048xf32>
    %select_n3A_224 = arith.select %eq3A_221, %broadcast_in_dim3A_223, %select_n3A_208 : vector<512x2048xi1>, vector<512x2048xf32>
    %reduce_min3A_225 = arith.constant dense<0x7F800000> : vector<512xf32>
    %reduce_min3A_226 = vector.multi_reduction <minimumf>, %select_n3A_224, %reduce_min3A_225 [1] : vector<512x2048xf32> to vector<512xf32>
    %broadcast_in_dim3A_227 = vector.shape_cast %reduce_min3A_226 : vector<512xf32> to vector<512x1xf32>
    %eq3A_228 = vector.broadcast %broadcast_in_dim3A_227 : vector<512x1xf32> to vector<512x2048xf32>
    %eq3A_229 = arith.cmpf oeq, %select_n3A_224, %eq3A_228 : vector<512x2048xf32>
    %jit3A_230 = arith.constant 2.048000e+03 : f32
    %broadcast_in_dim3A_231 = vector.broadcast %jit3A_230 : f32 to vector<512x2048xf32>
    %select_n3A_232 = arith.select %eq3A_229, %convert_element_type3A, %broadcast_in_dim3A_231 : vector<512x2048xi1>, vector<512x2048xf32>
    %reduce_min3A_233 = arith.constant dense<0x7F800000> : vector<512xf32>
    %reduce_min3A_234 = vector.multi_reduction <minimumf>, %select_n3A_232, %reduce_min3A_233 [1] : vector<512x2048xf32> to vector<512xf32>
    %broadcast_in_dim3A_235 = vector.shape_cast %reduce_min3A_234 : vector<512xf32> to vector<512x1xf32>
    %eq3A_236 = vector.broadcast %broadcast_in_dim3A_235 : vector<512x1xf32> to vector<512x2048xf32>
    %eq3A_237 = arith.cmpf oeq, %convert_element_type3A, %eq3A_236 : vector<512x2048xf32>
    %jit3A_238 = arith.constant 0x7F800000 : f32
    %broadcast_in_dim3A_239 = vector.broadcast %jit3A_238 : f32 to vector<512x2048xf32>
    %select_n3A_240 = arith.select %eq3A_237, %broadcast_in_dim3A_239, %select_n3A_224 : vector<512x2048xi1>, vector<512x2048xf32>
    %reduce_min3A_241 = arith.constant dense<0x7F800000> : vector<512xf32>
    %reduce_min3A_242 = vector.multi_reduction <minimumf>, %select_n3A_240, %reduce_min3A_241 [1] : vector<512x2048xf32> to vector<512xf32>
    %broadcast_in_dim3A_243 = vector.shape_cast %reduce_min3A_242 : vector<512xf32> to vector<512x1xf32>
    %eq3A_244 = vector.broadcast %broadcast_in_dim3A_243 : vector<512x1xf32> to vector<512x2048xf32>
    %eq3A_245 = arith.cmpf oeq, %select_n3A_240, %eq3A_244 : vector<512x2048xf32>
    %jit3A_246 = arith.constant 2.048000e+03 : f32
    %broadcast_in_dim3A_247 = vector.broadcast %jit3A_246 : f32 to vector<512x2048xf32>
    %select_n3A_248 = arith.select %eq3A_245, %convert_element_type3A, %broadcast_in_dim3A_247 : vector<512x2048xi1>, vector<512x2048xf32>
    %reduce_min3A_249 = arith.constant dense<0x7F800000> : vector<512xf32>
    %reduce_min3A_250 = vector.multi_reduction <minimumf>, %select_n3A_248, %reduce_min3A_249 [1] : vector<512x2048xf32> to vector<512xf32>
    %broadcast_in_dim3A_251 = vector.shape_cast %reduce_min3A_250 : vector<512xf32> to vector<512x1xf32>
    %eq3A_252 = vector.broadcast %broadcast_in_dim3A_251 : vector<512x1xf32> to vector<512x2048xf32>
    %eq3A_253 = arith.cmpf oeq, %convert_element_type3A, %eq3A_252 : vector<512x2048xf32>
    %jit3A_254 = arith.constant 0x7F800000 : f32
    %broadcast_in_dim3A_255 = vector.broadcast %jit3A_254 : f32 to vector<512x2048xf32>
    %select_n3A_256 = arith.select %eq3A_253, %broadcast_in_dim3A_255, %select_n3A_240 : vector<512x2048xi1>, vector<512x2048xf32>
    %reduce_min3A_257 = arith.constant dense<0x7F800000> : vector<512xf32>
    %reduce_min3A_258 = vector.multi_reduction <minimumf>, %select_n3A_256, %reduce_min3A_257 [1] : vector<512x2048xf32> to vector<512xf32>
    %broadcast_in_dim3A_259 = vector.shape_cast %reduce_min3A_258 : vector<512xf32> to vector<512x1xf32>
    %eq3A_260 = vector.broadcast %broadcast_in_dim3A_259 : vector<512x1xf32> to vector<512x2048xf32>
    %eq3A_261 = arith.cmpf oeq, %select_n3A_256, %eq3A_260 : vector<512x2048xf32>
    %jit3A_262 = arith.constant 2.048000e+03 : f32
    %broadcast_in_dim3A_263 = vector.broadcast %jit3A_262 : f32 to vector<512x2048xf32>
    %select_n3A_264 = arith.select %eq3A_261, %convert_element_type3A, %broadcast_in_dim3A_263 : vector<512x2048xi1>, vector<512x2048xf32>
    %reduce_min3A_265 = arith.constant dense<0x7F800000> : vector<512xf32>
    %reduce_min3A_266 = vector.multi_reduction <minimumf>, %select_n3A_264, %reduce_min3A_265 [1] : vector<512x2048xf32> to vector<512xf32>
    %broadcast_in_dim3A_267 = vector.shape_cast %reduce_min3A_266 : vector<512xf32> to vector<512x1xf32>
    %concatenate3A = tpu.concatenate %broadcast_in_dim3A_27, %broadcast_in_dim3A_43, %broadcast_in_dim3A_59, %broadcast_in_dim3A_75, %broadcast_in_dim3A_91, %broadcast_in_dim3A_107, %broadcast_in_dim3A_123, %broadcast_in_dim3A_139, %broadcast_in_dim3A_155, %broadcast_in_dim3A_171, %broadcast_in_dim3A_187, %broadcast_in_dim3A_203, %broadcast_in_dim3A_219, %broadcast_in_dim3A_235, %broadcast_in_dim3A_251, %broadcast_in_dim3A_267 in 1 : vector<512x1xf32>, vector<512x1xf32>, vector<512x1xf32>, vector<512x1xf32>, vector<512x1xf32>, vector<512x1xf32>, vector<512x1xf32>, vector<512x1xf32>, vector<512x1xf32>, vector<512x1xf32>, vector<512x1xf32>, vector<512x1xf32>, vector<512x1xf32>, vector<512x1xf32>, vector<512x1xf32>, vector<512x1xf32> -> vector<512x16xf32>
    %convert_element_type3A_268 = arith.fptosi %concatenate3A : vector<512x16xf32> to vector<512x16xi32>
    %add3A_269 = arith.constant 6144 : i32
    %add3A_270 = vector.broadcast %add3A_269 : i32 to vector<512x16xi32>
    %add3A_271 = arith.addi %convert_element_type3A_268, %add3A_270 : vector<512x16xi32>
    %swap3A = arith.constant 0 : index
    %swap3A_272 = arith.constant 0 : index
    %swap3A_273 = vector.load %arg3[%swap3A, %swap3A_272] : memref<512x16xi32, #tpu.memory_space<vmem>>, vector<512x16xi32>
    tpu.vector_store %arg3[%swap3A, %swap3A_272], %add3A_271 {strides = array<i32>} : memref<512x16xi32, #tpu.memory_space<vmem>>, vector<512x16xi32>,
    return
  }
  func.func @transform_0(%arg0: i32) -> (i32, i32, i32) {
    %c3_i32 = arith.constant 3 : i32
    %c0_i32 = arith.constant 0 : i32
    %c0_i32_0 = arith.constant 0 : i32
    return %c3_i32, %arg0, %c0_i32 : i32, i32, i32
  }
  func.func @transform_1(%arg0: i32) -> (i32, i32, i32) {
    %c3_i32 = arith.constant 3 : i32
    %c0_i32 = arith.constant 0 : i32
    %c0_i32_0 = arith.constant 0 : i32
    %c0_i32_1 = arith.constant 0 : i32
    return %c3_i32, %c0_i32, %c0_i32_0 : i32, i32, i32
  }
  func.func @transform_2(%arg0: i32) -> (i32, i32) {
    %c0_i32 = arith.constant 0 : i32
    %c0_i32_0 = arith.constant 0 : i32
    return %arg0, %c0_i32 : i32, i32
  }
}

module attributes {stable_mosaic.version = 14 : i64} {
  func.func @_proj_body(%arg0: i32, %arg1: memref<512x256xf32, #tpu.memory_space<vmem>>, %arg2: memref<512x128xf32, #tpu.memory_space<vmem>>, %arg3: memref<256x256xf32, #tpu.memory_space<vmem>>, %arg4: memref<1x256xf32, #tpu.memory_space<vmem>>, %arg5: memref<256x256xf32, #tpu.memory_space<vmem>>, %arg6: memref<256x256xf32, #tpu.memory_space<vmem>>, %arg7: memref<256x256xf32, #tpu.memory_space<vmem>>, %arg8: memref<512x256xf32, #tpu.memory_space<vmem>>, %arg9: memref<512x384xi32, #tpu.memory_space<vmem>>) attributes {dimension_semantics = [#tpu.dimension_semantics<arbitrary>], iteration_bounds = array<i64: 16>, scalar_prefetch = 0 : i64, scratch_operands = 0 : i64, tpu.core_type = #tpu.core_type<tc>, window_params = [{transform_indices = @transform_0, window_bounds = array<i64: 512, 256>}, {transform_indices = @transform_1, window_bounds = array<i64: 512, 128>}, {pipeline_mode = #tpu.pipeline_mode<synchronous>, transform_indices = @transform_2, window_bounds = array<i64: 256, 256>}, {pipeline_mode = #tpu.pipeline_mode<synchronous>, transform_indices = @transform_3, window_bounds = array<i64: 1, 256>}, {pipeline_mode = #tpu.pipeline_mode<synchronous>, transform_indices = @transform_4, window_bounds = array<i64: 256, 256>}, {pipeline_mode = #tpu.pipeline_mode<synchronous>, transform_indices = @transform_5, window_bounds = array<i64: 256, 256>}, {pipeline_mode = #tpu.pipeline_mode<synchronous>, transform_indices = @transform_6, window_bounds = array<i64: 256, 256>}, {transform_indices = @transform_7, window_bounds = array<i64: 512, 256>}, {transform_indices = @transform_8, window_bounds = array<i64: 512, 384>}]} {
    %get3A = arith.constant 0 : index
    %get3A_0 = arith.constant 0 : index
    %get3A_1 = vector.load %arg1[%get3A, %get3A_0] : memref<512x256xf32, #tpu.memory_space<vmem>>, vector<512x256xf32>
    %get3A_2 = arith.constant 0 : index
    %get3A_3 = arith.constant 0 : index
    %get3A_4 = vector.load %arg3[%get3A_2, %get3A_3] : memref<256x256xf32, #tpu.memory_space<vmem>>, vector<256x256xf32>
    %dot_general3A = arith.constant dense<0.000000e+00> : vector<512x256xf32>
    %dot_general3A_5 = tpu.matmul %get3A_1, %get3A_4, %dot_general3A {dimension_numbers = #tpu.dot_dimension_numbers<[1], [0], [0], [1], [0, 0, 1, 1], [], []>, transpose_lhs_hint = false} : vector<512x256xf32>, vector<256x256xf32>, vector<512x256xf32> -> vector<512x256xf32>
    %get3A_6 = arith.constant 0 : index
    %get3A_7 = arith.constant 0 : index
    %get3A_8 = vector.load %arg4[%get3A_6, %get3A_7] : memref<1x256xf32, #tpu.memory_space<vmem>>, vector<1x256xf32>
    %add3A = vector.broadcast %get3A_8 : vector<1x256xf32> to vector<512x256xf32>
    %add3A_9 = arith.addf %dot_general3A_5, %add3A : vector<512x256xf32>
    %get3A_10 = arith.constant 0 : index
    %get3A_11 = arith.constant 0 : index
    %get3A_12 = vector.load %arg5[%get3A_10, %get3A_11] : memref<256x256xf32, #tpu.memory_space<vmem>>, vector<256x256xf32>
    %dot_general3A_13 = arith.constant dense<0.000000e+00> : vector<512x256xf32>
    %dot_general3A_14 = tpu.matmul %add3A_9, %get3A_12, %dot_general3A_13 {dimension_numbers = #tpu.dot_dimension_numbers<[1], [0], [0], [1], [0, 0, 1, 1], [], []>, transpose_lhs_hint = false} : vector<512x256xf32>, vector<256x256xf32>, vector<512x256xf32> -> vector<512x256xf32>
    %swap3A = arith.constant 0 : index
    %swap3A_15 = arith.constant 0 : index
    %swap3A_16 = vector.load %arg8[%swap3A, %swap3A_15] : memref<512x256xf32, #tpu.memory_space<vmem>>, vector<512x256xf32>
    tpu.vector_store %arg8[%swap3A, %swap3A_15], %dot_general3A_14 {strides = array<i32>} : memref<512x256xf32, #tpu.memory_space<vmem>>, vector<512x256xf32>,
    %get3A_17 = arith.constant 0 : index
    %get3A_18 = arith.constant 0 : index
    %get3A_19 = vector.load %arg6[%get3A_17, %get3A_18] : memref<256x256xf32, #tpu.memory_space<vmem>>, vector<256x256xf32>
    %dot_general3A_20 = arith.constant dense<0.000000e+00> : vector<512x256xf32>
    %dot_general3A_21 = tpu.matmul %add3A_9, %get3A_19, %dot_general3A_20 {dimension_numbers = #tpu.dot_dimension_numbers<[1], [0], [0], [1], [0, 0, 1, 1], [], []>, transpose_lhs_hint = false} : vector<512x256xf32>, vector<256x256xf32>, vector<512x256xf32> -> vector<512x256xf32>
    %convert_element_type3A = arith.truncf %dot_general3A_21 : vector<512x256xf32> to vector<512x256xbf16>
    %convert_element_type3A_22 = arith.extf %convert_element_type3A : vector<512x256xbf16> to vector<512x256xf32>
    %bitcast_convert_type3A = tpu.bitcast %convert_element_type3A_22 : vector<512x256xf32> -> vector<512x256xi32>
    %get3A_23 = arith.constant 0 : index
    %get3A_24 = arith.constant 0 : index
    %get3A_25 = vector.load %arg7[%get3A_23, %get3A_24] : memref<256x256xf32, #tpu.memory_space<vmem>>, vector<256x256xf32>
    %dot_general3A_26 = arith.constant dense<0.000000e+00> : vector<512x256xf32>
    %dot_general3A_27 = tpu.matmul %add3A_9, %get3A_25, %dot_general3A_26 {dimension_numbers = #tpu.dot_dimension_numbers<[1], [0], [0], [1], [0, 0, 1, 1], [], []>, transpose_lhs_hint = false} : vector<512x256xf32>, vector<256x256xf32>, vector<512x256xf32> -> vector<512x256xf32>
    %convert_element_type3A_28 = arith.truncf %dot_general3A_27 : vector<512x256xf32> to vector<512x256xbf16>
    %convert_element_type3A_29 = arith.extf %convert_element_type3A_28 : vector<512x256xbf16> to vector<512x256xf32>
    %bitcast_convert_type3A_30 = tpu.bitcast %convert_element_type3A_29 : vector<512x256xf32> -> vector<512x256xi32>
    %shift_right_logical3A = arith.constant 16 : i32
    %shift_right_logical3A_31 = vector.broadcast %shift_right_logical3A : i32 to vector<512x256xi32>
    %shift_right_logical3A_32 = arith.shrui %bitcast_convert_type3A_30, %shift_right_logical3A_31 : vector<512x256xi32>
    %or3A = arith.ori %bitcast_convert_type3A, %shift_right_logical3A_32 : vector<512x256xi32>
    %bitcast_convert_type3A_33 = tpu.bitcast %or3A : vector<512x256xi32> -> vector<512x256xi32>
    %swap3A_34 = arith.constant 0 : index
    %swap3A_35 = arith.constant 0 : index
    %swap3A_36 = vector.load %arg9[%swap3A_34, %swap3A_35] : memref<512x384xi32, #tpu.memory_space<vmem>>, vector<512x256xi32>
    tpu.vector_store %arg9[%swap3A_34, %swap3A_35], %bitcast_convert_type3A_33 {strides = array<i32>} : memref<512x384xi32, #tpu.memory_space<vmem>>, vector<512x256xi32>,
    %get3A_37 = arith.constant 0 : index
    %get3A_38 = arith.constant 0 : index
    %get3A_39 = vector.load %arg2[%get3A_37, %get3A_38] : memref<512x128xf32, #tpu.memory_space<vmem>>, vector<512x128xf32>
    %bitcast_convert_type3A_40 = tpu.bitcast %get3A_39 : vector<512x128xf32> -> vector<512x128xi32>
    %swap3A_41 = arith.constant 0 : index
    %swap3A_42 = arith.constant 256 : index
    %swap3A_43 = vector.load %arg9[%swap3A_41, %swap3A_42] : memref<512x384xi32, #tpu.memory_space<vmem>>, vector<512x128xi32>
    tpu.vector_store %arg9[%swap3A_41, %swap3A_42], %bitcast_convert_type3A_40 {strides = array<i32>} : memref<512x384xi32, #tpu.memory_space<vmem>>, vector<512x128xi32>,
    return
  }
  func.func @transform_0(%arg0: i32) -> (i32, i32) {
    %c0_i32 = arith.constant 0 : i32
    %c0_i32_0 = arith.constant 0 : i32
    return %arg0, %c0_i32 : i32, i32
  }
  func.func @transform_1(%arg0: i32) -> (i32, i32) {
    %c0_i32 = arith.constant 0 : i32
    %c0_i32_0 = arith.constant 0 : i32
    return %arg0, %c0_i32 : i32, i32
  }
  func.func @transform_2(%arg0: i32) -> (i32, i32) {
    %c0_i32 = arith.constant 0 : i32
    %c0_i32_0 = arith.constant 0 : i32
    %c0_i32_1 = arith.constant 0 : i32
    return %c0_i32, %c0_i32_0 : i32, i32
  }
  func.func @transform_3(%arg0: i32) -> (i32, i32) {
    %c0_i32 = arith.constant 0 : i32
    %c0_i32_0 = arith.constant 0 : i32
    %c0_i32_1 = arith.constant 0 : i32
    return %c0_i32, %c0_i32_0 : i32, i32
  }
  func.func @transform_4(%arg0: i32) -> (i32, i32) {
    %c0_i32 = arith.constant 0 : i32
    %c0_i32_0 = arith.constant 0 : i32
    %c0_i32_1 = arith.constant 0 : i32
    return %c0_i32, %c0_i32_0 : i32, i32
  }
  func.func @transform_5(%arg0: i32) -> (i32, i32) {
    %c0_i32 = arith.constant 0 : i32
    %c0_i32_0 = arith.constant 0 : i32
    %c0_i32_1 = arith.constant 0 : i32
    return %c0_i32, %c0_i32_0 : i32, i32
  }
  func.func @transform_6(%arg0: i32) -> (i32, i32) {
    %c0_i32 = arith.constant 0 : i32
    %c0_i32_0 = arith.constant 0 : i32
    %c0_i32_1 = arith.constant 0 : i32
    return %c0_i32, %c0_i32_0 : i32, i32
  }
  func.func @transform_7(%arg0: i32) -> (i32, i32) {
    %c0_i32 = arith.constant 0 : i32
    %c0_i32_0 = arith.constant 0 : i32
    return %arg0, %c0_i32 : i32, i32
  }
  func.func @transform_8(%arg0: i32) -> (i32, i32) {
    %c0_i32 = arith.constant 0 : i32
    %c0_i32_0 = arith.constant 0 : i32
    return %arg0, %c0_i32 : i32, i32
  }
}

module attributes {stable_mosaic.version = 14 : i64} {
  func.func @_knn_body(%arg0: i32, %arg1: memref<1x512x3xf32, #tpu.memory_space<vmem>>, %arg2: memref<1x3x2048xf32, #tpu.memory_space<vmem>>, %arg3: memref<512x16xi32, #tpu.memory_space<vmem>>) attributes {dimension_semantics = [#tpu.dimension_semantics<arbitrary>], iteration_bounds = array<i64: 4>, scalar_prefetch = 0 : i64, scratch_operands = 0 : i64, tpu.core_type = #tpu.core_type<tc>, window_params = [{transform_indices = @transform_0, window_bounds = array<i64: 1, 512, 3>}, {transform_indices = @transform_1, window_bounds = array<i64: 1, 3, 2048>}, {transform_indices = @transform_2, window_bounds = array<i64: 512, 16>}]} {
    %get3A = arith.constant 0 : index
    %get3A_0 = arith.constant 0 : index
    %get3A_1 = arith.constant 0 : index
    %get3A_2 = vector.load %arg1[%get3A, %get3A_0, %get3A_1] : memref<1x512x3xf32, #tpu.memory_space<vmem>>, vector<1x512x3xf32>
    %get3A_3 = vector.shape_cast %get3A_2 : vector<1x512x3xf32> to vector<512x3xf32>
    %get3A_4 = arith.constant 0 : index
    %get3A_5 = arith.constant 0 : index
    %get3A_6 = arith.constant 0 : index
    %get3A_7 = vector.load %arg2[%get3A_4, %get3A_5, %get3A_6] : memref<1x3x2048xf32, #tpu.memory_space<vmem>>, vector<1x3x2048xf32>
    %get3A_8 = vector.shape_cast %get3A_7 : vector<1x3x2048xf32> to vector<3x2048xf32>
    %mul3A = arith.mulf %get3A_3, %get3A_3 : vector<512x3xf32>
    %reduce_sum3A = arith.constant dense<0.000000e+00> : vector<512xf32>
    %reduce_sum3A_9 = vector.multi_reduction <add>, %mul3A, %reduce_sum3A [1] : vector<512x3xf32> to vector<512xf32>
    %broadcast_in_dim3A = vector.shape_cast %reduce_sum3A_9 : vector<512xf32> to vector<512x1xf32>
    %mul3A_10 = arith.mulf %get3A_8, %get3A_8 : vector<3x2048xf32>
    %reduce_sum3A_11 = arith.constant dense<0.000000e+00> : vector<2048xf32>
    %reduce_sum3A_12 = vector.multi_reduction <add>, %mul3A_10, %reduce_sum3A_11 [0] : vector<3x2048xf32> to vector<2048xf32>
    %broadcast_in_dim3A_13 = vector.shape_cast %reduce_sum3A_12 : vector<2048xf32> to vector<1x2048xf32>
    %dot_general3A = arith.constant dense<0.000000e+00> : vector<512x2048xf32>
    %dot_general3A_14 = tpu.matmul %get3A_3, %get3A_8, %dot_general3A {dimension_numbers = #tpu.dot_dimension_numbers<[1], [0], [0], [1], [0, 0, 1, 1], [], []>, transpose_lhs_hint = false} : vector<512x3xf32>, vector<3x2048xf32>, vector<512x2048xf32> -> vector<512x2048xf32>
    %mul3A_15 = arith.constant -2.000000e+00 : f32
    %mul3A_16 = vector.broadcast %mul3A_15 : f32 to vector<512x2048xf32>
    %mul3A_17 = arith.mulf %dot_general3A_14, %mul3A_16 : vector<512x2048xf32>
    %add3A = vector.broadcast %broadcast_in_dim3A : vector<512x1xf32> to vector<512x2048xf32>
    %add3A_18 = arith.addf %mul3A_17, %add3A : vector<512x2048xf32>
    %add3A_19 = vector.broadcast %broadcast_in_dim3A_13 : vector<1x2048xf32> to vector<512x2048xf32>
    %add3A_20 = arith.addf %add3A_18, %add3A_19 : vector<512x2048xf32>
    %iota3A = tpu.iota {dimensions = array<i32: 1>} : vector<512x2048xi32>
    %convert_element_type3A = arith.sitofp %iota3A : vector<512x2048xi32> to vector<512x2048xf32>
    %reduce_min3A = arith.constant dense<0x7F800000> : vector<512xf32>
    %reduce_min3A_21 = vector.multi_reduction <minimumf>, %add3A_20, %reduce_min3A [1] : vector<512x2048xf32> to vector<512xf32>
    %broadcast_in_dim3A_22 = vector.shape_cast %reduce_min3A_21 : vector<512xf32> to vector<512x1xf32>
    %eq3A = vector.broadcast %broadcast_in_dim3A_22 : vector<512x1xf32> to vector<512x2048xf32>
    %eq3A_23 = arith.cmpf oeq, %add3A_20, %eq3A : vector<512x2048xf32>
    %jit3A = arith.constant 2.048000e+03 : f32
    %broadcast_in_dim3A_24 = vector.broadcast %jit3A : f32 to vector<512x2048xf32>
    %select_n3A = arith.select %eq3A_23, %convert_element_type3A, %broadcast_in_dim3A_24 : vector<512x2048xi1>, vector<512x2048xf32>
    %reduce_min3A_25 = arith.constant dense<0x7F800000> : vector<512xf32>
    %reduce_min3A_26 = vector.multi_reduction <minimumf>, %select_n3A, %reduce_min3A_25 [1] : vector<512x2048xf32> to vector<512xf32>
    %broadcast_in_dim3A_27 = vector.shape_cast %reduce_min3A_26 : vector<512xf32> to vector<512x1xf32>
    %eq3A_28 = vector.broadcast %broadcast_in_dim3A_27 : vector<512x1xf32> to vector<512x2048xf32>
    %eq3A_29 = arith.cmpf oeq, %convert_element_type3A, %eq3A_28 : vector<512x2048xf32>
    %jit3A_30 = arith.constant 0x7F800000 : f32
    %broadcast_in_dim3A_31 = vector.broadcast %jit3A_30 : f32 to vector<512x2048xf32>
    %select_n3A_32 = arith.select %eq3A_29, %broadcast_in_dim3A_31, %add3A_20 : vector<512x2048xi1>, vector<512x2048xf32>
    %reduce_min3A_33 = arith.constant dense<0x7F800000> : vector<512xf32>
    %reduce_min3A_34 = vector.multi_reduction <minimumf>, %select_n3A_32, %reduce_min3A_33 [1] : vector<512x2048xf32> to vector<512xf32>
    %broadcast_in_dim3A_35 = vector.shape_cast %reduce_min3A_34 : vector<512xf32> to vector<512x1xf32>
    %eq3A_36 = vector.broadcast %broadcast_in_dim3A_35 : vector<512x1xf32> to vector<512x2048xf32>
    %eq3A_37 = arith.cmpf oeq, %select_n3A_32, %eq3A_36 : vector<512x2048xf32>
    %jit3A_38 = arith.constant 2.048000e+03 : f32
    %broadcast_in_dim3A_39 = vector.broadcast %jit3A_38 : f32 to vector<512x2048xf32>
    %select_n3A_40 = arith.select %eq3A_37, %convert_element_type3A, %broadcast_in_dim3A_39 : vector<512x2048xi1>, vector<512x2048xf32>
    %reduce_min3A_41 = arith.constant dense<0x7F800000> : vector<512xf32>
    %reduce_min3A_42 = vector.multi_reduction <minimumf>, %select_n3A_40, %reduce_min3A_41 [1] : vector<512x2048xf32> to vector<512xf32>
    %broadcast_in_dim3A_43 = vector.shape_cast %reduce_min3A_42 : vector<512xf32> to vector<512x1xf32>
    %eq3A_44 = vector.broadcast %broadcast_in_dim3A_43 : vector<512x1xf32> to vector<512x2048xf32>
    %eq3A_45 = arith.cmpf oeq, %convert_element_type3A, %eq3A_44 : vector<512x2048xf32>
    %jit3A_46 = arith.constant 0x7F800000 : f32
    %broadcast_in_dim3A_47 = vector.broadcast %jit3A_46 : f32 to vector<512x2048xf32>
    %select_n3A_48 = arith.select %eq3A_45, %broadcast_in_dim3A_47, %select_n3A_32 : vector<512x2048xi1>, vector<512x2048xf32>
    %reduce_min3A_49 = arith.constant dense<0x7F800000> : vector<512xf32>
    %reduce_min3A_50 = vector.multi_reduction <minimumf>, %select_n3A_48, %reduce_min3A_49 [1] : vector<512x2048xf32> to vector<512xf32>
    %broadcast_in_dim3A_51 = vector.shape_cast %reduce_min3A_50 : vector<512xf32> to vector<512x1xf32>
    %eq3A_52 = vector.broadcast %broadcast_in_dim3A_51 : vector<512x1xf32> to vector<512x2048xf32>
    %eq3A_53 = arith.cmpf oeq, %select_n3A_48, %eq3A_52 : vector<512x2048xf32>
    %jit3A_54 = arith.constant 2.048000e+03 : f32
    %broadcast_in_dim3A_55 = vector.broadcast %jit3A_54 : f32 to vector<512x2048xf32>
    %select_n3A_56 = arith.select %eq3A_53, %convert_element_type3A, %broadcast_in_dim3A_55 : vector<512x2048xi1>, vector<512x2048xf32>
    %reduce_min3A_57 = arith.constant dense<0x7F800000> : vector<512xf32>
    %reduce_min3A_58 = vector.multi_reduction <minimumf>, %select_n3A_56, %reduce_min3A_57 [1] : vector<512x2048xf32> to vector<512xf32>
    %broadcast_in_dim3A_59 = vector.shape_cast %reduce_min3A_58 : vector<512xf32> to vector<512x1xf32>
    %eq3A_60 = vector.broadcast %broadcast_in_dim3A_59 : vector<512x1xf32> to vector<512x2048xf32>
    %eq3A_61 = arith.cmpf oeq, %convert_element_type3A, %eq3A_60 : vector<512x2048xf32>
    %jit3A_62 = arith.constant 0x7F800000 : f32
    %broadcast_in_dim3A_63 = vector.broadcast %jit3A_62 : f32 to vector<512x2048xf32>
    %select_n3A_64 = arith.select %eq3A_61, %broadcast_in_dim3A_63, %select_n3A_48 : vector<512x2048xi1>, vector<512x2048xf32>
    %reduce_min3A_65 = arith.constant dense<0x7F800000> : vector<512xf32>
    %reduce_min3A_66 = vector.multi_reduction <minimumf>, %select_n3A_64, %reduce_min3A_65 [1] : vector<512x2048xf32> to vector<512xf32>
    %broadcast_in_dim3A_67 = vector.shape_cast %reduce_min3A_66 : vector<512xf32> to vector<512x1xf32>
    %eq3A_68 = vector.broadcast %broadcast_in_dim3A_67 : vector<512x1xf32> to vector<512x2048xf32>
    %eq3A_69 = arith.cmpf oeq, %select_n3A_64, %eq3A_68 : vector<512x2048xf32>
    %jit3A_70 = arith.constant 2.048000e+03 : f32
    %broadcast_in_dim3A_71 = vector.broadcast %jit3A_70 : f32 to vector<512x2048xf32>
    %select_n3A_72 = arith.select %eq3A_69, %convert_element_type3A, %broadcast_in_dim3A_71 : vector<512x2048xi1>, vector<512x2048xf32>
    %reduce_min3A_73 = arith.constant dense<0x7F800000> : vector<512xf32>
    %reduce_min3A_74 = vector.multi_reduction <minimumf>, %select_n3A_72, %reduce_min3A_73 [1] : vector<512x2048xf32> to vector<512xf32>
    %broadcast_in_dim3A_75 = vector.shape_cast %reduce_min3A_74 : vector<512xf32> to vector<512x1xf32>
    %eq3A_76 = vector.broadcast %broadcast_in_dim3A_75 : vector<512x1xf32> to vector<512x2048xf32>
    %eq3A_77 = arith.cmpf oeq, %convert_element_type3A, %eq3A_76 : vector<512x2048xf32>
    %jit3A_78 = arith.constant 0x7F800000 : f32
    %broadcast_in_dim3A_79 = vector.broadcast %jit3A_78 : f32 to vector<512x2048xf32>
    %select_n3A_80 = arith.select %eq3A_77, %broadcast_in_dim3A_79, %select_n3A_64 : vector<512x2048xi1>, vector<512x2048xf32>
    %reduce_min3A_81 = arith.constant dense<0x7F800000> : vector<512xf32>
    %reduce_min3A_82 = vector.multi_reduction <minimumf>, %select_n3A_80, %reduce_min3A_81 [1] : vector<512x2048xf32> to vector<512xf32>
    %broadcast_in_dim3A_83 = vector.shape_cast %reduce_min3A_82 : vector<512xf32> to vector<512x1xf32>
    %eq3A_84 = vector.broadcast %broadcast_in_dim3A_83 : vector<512x1xf32> to vector<512x2048xf32>
    %eq3A_85 = arith.cmpf oeq, %select_n3A_80, %eq3A_84 : vector<512x2048xf32>
    %jit3A_86 = arith.constant 2.048000e+03 : f32
    %broadcast_in_dim3A_87 = vector.broadcast %jit3A_86 : f32 to vector<512x2048xf32>
    %select_n3A_88 = arith.select %eq3A_85, %convert_element_type3A, %broadcast_in_dim3A_87 : vector<512x2048xi1>, vector<512x2048xf32>
    %reduce_min3A_89 = arith.constant dense<0x7F800000> : vector<512xf32>
    %reduce_min3A_90 = vector.multi_reduction <minimumf>, %select_n3A_88, %reduce_min3A_89 [1] : vector<512x2048xf32> to vector<512xf32>
    %broadcast_in_dim3A_91 = vector.shape_cast %reduce_min3A_90 : vector<512xf32> to vector<512x1xf32>
    %eq3A_92 = vector.broadcast %broadcast_in_dim3A_91 : vector<512x1xf32> to vector<512x2048xf32>
    %eq3A_93 = arith.cmpf oeq, %convert_element_type3A, %eq3A_92 : vector<512x2048xf32>
    %jit3A_94 = arith.constant 0x7F800000 : f32
    %broadcast_in_dim3A_95 = vector.broadcast %jit3A_94 : f32 to vector<512x2048xf32>
    %select_n3A_96 = arith.select %eq3A_93, %broadcast_in_dim3A_95, %select_n3A_80 : vector<512x2048xi1>, vector<512x2048xf32>
    %reduce_min3A_97 = arith.constant dense<0x7F800000> : vector<512xf32>
    %reduce_min3A_98 = vector.multi_reduction <minimumf>, %select_n3A_96, %reduce_min3A_97 [1] : vector<512x2048xf32> to vector<512xf32>
    %broadcast_in_dim3A_99 = vector.shape_cast %reduce_min3A_98 : vector<512xf32> to vector<512x1xf32>
    %eq3A_100 = vector.broadcast %broadcast_in_dim3A_99 : vector<512x1xf32> to vector<512x2048xf32>
    %eq3A_101 = arith.cmpf oeq, %select_n3A_96, %eq3A_100 : vector<512x2048xf32>
    %jit3A_102 = arith.constant 2.048000e+03 : f32
    %broadcast_in_dim3A_103 = vector.broadcast %jit3A_102 : f32 to vector<512x2048xf32>
    %select_n3A_104 = arith.select %eq3A_101, %convert_element_type3A, %broadcast_in_dim3A_103 : vector<512x2048xi1>, vector<512x2048xf32>
    %reduce_min3A_105 = arith.constant dense<0x7F800000> : vector<512xf32>
    %reduce_min3A_106 = vector.multi_reduction <minimumf>, %select_n3A_104, %reduce_min3A_105 [1] : vector<512x2048xf32> to vector<512xf32>
    %broadcast_in_dim3A_107 = vector.shape_cast %reduce_min3A_106 : vector<512xf32> to vector<512x1xf32>
    %eq3A_108 = vector.broadcast %broadcast_in_dim3A_107 : vector<512x1xf32> to vector<512x2048xf32>
    %eq3A_109 = arith.cmpf oeq, %convert_element_type3A, %eq3A_108 : vector<512x2048xf32>
    %jit3A_110 = arith.constant 0x7F800000 : f32
    %broadcast_in_dim3A_111 = vector.broadcast %jit3A_110 : f32 to vector<512x2048xf32>
    %select_n3A_112 = arith.select %eq3A_109, %broadcast_in_dim3A_111, %select_n3A_96 : vector<512x2048xi1>, vector<512x2048xf32>
    %reduce_min3A_113 = arith.constant dense<0x7F800000> : vector<512xf32>
    %reduce_min3A_114 = vector.multi_reduction <minimumf>, %select_n3A_112, %reduce_min3A_113 [1] : vector<512x2048xf32> to vector<512xf32>
    %broadcast_in_dim3A_115 = vector.shape_cast %reduce_min3A_114 : vector<512xf32> to vector<512x1xf32>
    %eq3A_116 = vector.broadcast %broadcast_in_dim3A_115 : vector<512x1xf32> to vector<512x2048xf32>
    %eq3A_117 = arith.cmpf oeq, %select_n3A_112, %eq3A_116 : vector<512x2048xf32>
    %jit3A_118 = arith.constant 2.048000e+03 : f32
    %broadcast_in_dim3A_119 = vector.broadcast %jit3A_118 : f32 to vector<512x2048xf32>
    %select_n3A_120 = arith.select %eq3A_117, %convert_element_type3A, %broadcast_in_dim3A_119 : vector<512x2048xi1>, vector<512x2048xf32>
    %reduce_min3A_121 = arith.constant dense<0x7F800000> : vector<512xf32>
    %reduce_min3A_122 = vector.multi_reduction <minimumf>, %select_n3A_120, %reduce_min3A_121 [1] : vector<512x2048xf32> to vector<512xf32>
    %broadcast_in_dim3A_123 = vector.shape_cast %reduce_min3A_122 : vector<512xf32> to vector<512x1xf32>
    %eq3A_124 = vector.broadcast %broadcast_in_dim3A_123 : vector<512x1xf32> to vector<512x2048xf32>
    %eq3A_125 = arith.cmpf oeq, %convert_element_type3A, %eq3A_124 : vector<512x2048xf32>
    %jit3A_126 = arith.constant 0x7F800000 : f32
    %broadcast_in_dim3A_127 = vector.broadcast %jit3A_126 : f32 to vector<512x2048xf32>
    %select_n3A_128 = arith.select %eq3A_125, %broadcast_in_dim3A_127, %select_n3A_112 : vector<512x2048xi1>, vector<512x2048xf32>
    %reduce_min3A_129 = arith.constant dense<0x7F800000> : vector<512xf32>
    %reduce_min3A_130 = vector.multi_reduction <minimumf>, %select_n3A_128, %reduce_min3A_129 [1] : vector<512x2048xf32> to vector<512xf32>
    %broadcast_in_dim3A_131 = vector.shape_cast %reduce_min3A_130 : vector<512xf32> to vector<512x1xf32>
    %eq3A_132 = vector.broadcast %broadcast_in_dim3A_131 : vector<512x1xf32> to vector<512x2048xf32>
    %eq3A_133 = arith.cmpf oeq, %select_n3A_128, %eq3A_132 : vector<512x2048xf32>
    %jit3A_134 = arith.constant 2.048000e+03 : f32
    %broadcast_in_dim3A_135 = vector.broadcast %jit3A_134 : f32 to vector<512x2048xf32>
    %select_n3A_136 = arith.select %eq3A_133, %convert_element_type3A, %broadcast_in_dim3A_135 : vector<512x2048xi1>, vector<512x2048xf32>
    %reduce_min3A_137 = arith.constant dense<0x7F800000> : vector<512xf32>
    %reduce_min3A_138 = vector.multi_reduction <minimumf>, %select_n3A_136, %reduce_min3A_137 [1] : vector<512x2048xf32> to vector<512xf32>
    %broadcast_in_dim3A_139 = vector.shape_cast %reduce_min3A_138 : vector<512xf32> to vector<512x1xf32>
    %eq3A_140 = vector.broadcast %broadcast_in_dim3A_139 : vector<512x1xf32> to vector<512x2048xf32>
    %eq3A_141 = arith.cmpf oeq, %convert_element_type3A, %eq3A_140 : vector<512x2048xf32>
    %jit3A_142 = arith.constant 0x7F800000 : f32
    %broadcast_in_dim3A_143 = vector.broadcast %jit3A_142 : f32 to vector<512x2048xf32>
    %select_n3A_144 = arith.select %eq3A_141, %broadcast_in_dim3A_143, %select_n3A_128 : vector<512x2048xi1>, vector<512x2048xf32>
    %reduce_min3A_145 = arith.constant dense<0x7F800000> : vector<512xf32>
    %reduce_min3A_146 = vector.multi_reduction <minimumf>, %select_n3A_144, %reduce_min3A_145 [1] : vector<512x2048xf32> to vector<512xf32>
    %broadcast_in_dim3A_147 = vector.shape_cast %reduce_min3A_146 : vector<512xf32> to vector<512x1xf32>
    %eq3A_148 = vector.broadcast %broadcast_in_dim3A_147 : vector<512x1xf32> to vector<512x2048xf32>
    %eq3A_149 = arith.cmpf oeq, %select_n3A_144, %eq3A_148 : vector<512x2048xf32>
    %jit3A_150 = arith.constant 2.048000e+03 : f32
    %broadcast_in_dim3A_151 = vector.broadcast %jit3A_150 : f32 to vector<512x2048xf32>
    %select_n3A_152 = arith.select %eq3A_149, %convert_element_type3A, %broadcast_in_dim3A_151 : vector<512x2048xi1>, vector<512x2048xf32>
    %reduce_min3A_153 = arith.constant dense<0x7F800000> : vector<512xf32>
    %reduce_min3A_154 = vector.multi_reduction <minimumf>, %select_n3A_152, %reduce_min3A_153 [1] : vector<512x2048xf32> to vector<512xf32>
    %broadcast_in_dim3A_155 = vector.shape_cast %reduce_min3A_154 : vector<512xf32> to vector<512x1xf32>
    %eq3A_156 = vector.broadcast %broadcast_in_dim3A_155 : vector<512x1xf32> to vector<512x2048xf32>
    %eq3A_157 = arith.cmpf oeq, %convert_element_type3A, %eq3A_156 : vector<512x2048xf32>
    %jit3A_158 = arith.constant 0x7F800000 : f32
    %broadcast_in_dim3A_159 = vector.broadcast %jit3A_158 : f32 to vector<512x2048xf32>
    %select_n3A_160 = arith.select %eq3A_157, %broadcast_in_dim3A_159, %select_n3A_144 : vector<512x2048xi1>, vector<512x2048xf32>
    %reduce_min3A_161 = arith.constant dense<0x7F800000> : vector<512xf32>
    %reduce_min3A_162 = vector.multi_reduction <minimumf>, %select_n3A_160, %reduce_min3A_161 [1] : vector<512x2048xf32> to vector<512xf32>
    %broadcast_in_dim3A_163 = vector.shape_cast %reduce_min3A_162 : vector<512xf32> to vector<512x1xf32>
    %eq3A_164 = vector.broadcast %broadcast_in_dim3A_163 : vector<512x1xf32> to vector<512x2048xf32>
    %eq3A_165 = arith.cmpf oeq, %select_n3A_160, %eq3A_164 : vector<512x2048xf32>
    %jit3A_166 = arith.constant 2.048000e+03 : f32
    %broadcast_in_dim3A_167 = vector.broadcast %jit3A_166 : f32 to vector<512x2048xf32>
    %select_n3A_168 = arith.select %eq3A_165, %convert_element_type3A, %broadcast_in_dim3A_167 : vector<512x2048xi1>, vector<512x2048xf32>
    %reduce_min3A_169 = arith.constant dense<0x7F800000> : vector<512xf32>
    %reduce_min3A_170 = vector.multi_reduction <minimumf>, %select_n3A_168, %reduce_min3A_169 [1] : vector<512x2048xf32> to vector<512xf32>
    %broadcast_in_dim3A_171 = vector.shape_cast %reduce_min3A_170 : vector<512xf32> to vector<512x1xf32>
    %eq3A_172 = vector.broadcast %broadcast_in_dim3A_171 : vector<512x1xf32> to vector<512x2048xf32>
    %eq3A_173 = arith.cmpf oeq, %convert_element_type3A, %eq3A_172 : vector<512x2048xf32>
    %jit3A_174 = arith.constant 0x7F800000 : f32
    %broadcast_in_dim3A_175 = vector.broadcast %jit3A_174 : f32 to vector<512x2048xf32>
    %select_n3A_176 = arith.select %eq3A_173, %broadcast_in_dim3A_175, %select_n3A_160 : vector<512x2048xi1>, vector<512x2048xf32>
    %reduce_min3A_177 = arith.constant dense<0x7F800000> : vector<512xf32>
    %reduce_min3A_178 = vector.multi_reduction <minimumf>, %select_n3A_176, %reduce_min3A_177 [1] : vector<512x2048xf32> to vector<512xf32>
    %broadcast_in_dim3A_179 = vector.shape_cast %reduce_min3A_178 : vector<512xf32> to vector<512x1xf32>
    %eq3A_180 = vector.broadcast %broadcast_in_dim3A_179 : vector<512x1xf32> to vector<512x2048xf32>
    %eq3A_181 = arith.cmpf oeq, %select_n3A_176, %eq3A_180 : vector<512x2048xf32>
    %jit3A_182 = arith.constant 2.048000e+03 : f32
    %broadcast_in_dim3A_183 = vector.broadcast %jit3A_182 : f32 to vector<512x2048xf32>
    %select_n3A_184 = arith.select %eq3A_181, %convert_element_type3A, %broadcast_in_dim3A_183 : vector<512x2048xi1>, vector<512x2048xf32>
    %reduce_min3A_185 = arith.constant dense<0x7F800000> : vector<512xf32>
    %reduce_min3A_186 = vector.multi_reduction <minimumf>, %select_n3A_184, %reduce_min3A_185 [1] : vector<512x2048xf32> to vector<512xf32>
    %broadcast_in_dim3A_187 = vector.shape_cast %reduce_min3A_186 : vector<512xf32> to vector<512x1xf32>
    %eq3A_188 = vector.broadcast %broadcast_in_dim3A_187 : vector<512x1xf32> to vector<512x2048xf32>
    %eq3A_189 = arith.cmpf oeq, %convert_element_type3A, %eq3A_188 : vector<512x2048xf32>
    %jit3A_190 = arith.constant 0x7F800000 : f32
    %broadcast_in_dim3A_191 = vector.broadcast %jit3A_190 : f32 to vector<512x2048xf32>
    %select_n3A_192 = arith.select %eq3A_189, %broadcast_in_dim3A_191, %select_n3A_176 : vector<512x2048xi1>, vector<512x2048xf32>
    %reduce_min3A_193 = arith.constant dense<0x7F800000> : vector<512xf32>
    %reduce_min3A_194 = vector.multi_reduction <minimumf>, %select_n3A_192, %reduce_min3A_193 [1] : vector<512x2048xf32> to vector<512xf32>
    %broadcast_in_dim3A_195 = vector.shape_cast %reduce_min3A_194 : vector<512xf32> to vector<512x1xf32>
    %eq3A_196 = vector.broadcast %broadcast_in_dim3A_195 : vector<512x1xf32> to vector<512x2048xf32>
    %eq3A_197 = arith.cmpf oeq, %select_n3A_192, %eq3A_196 : vector<512x2048xf32>
    %jit3A_198 = arith.constant 2.048000e+03 : f32
    %broadcast_in_dim3A_199 = vector.broadcast %jit3A_198 : f32 to vector<512x2048xf32>
    %select_n3A_200 = arith.select %eq3A_197, %convert_element_type3A, %broadcast_in_dim3A_199 : vector<512x2048xi1>, vector<512x2048xf32>
    %reduce_min3A_201 = arith.constant dense<0x7F800000> : vector<512xf32>
    %reduce_min3A_202 = vector.multi_reduction <minimumf>, %select_n3A_200, %reduce_min3A_201 [1] : vector<512x2048xf32> to vector<512xf32>
    %broadcast_in_dim3A_203 = vector.shape_cast %reduce_min3A_202 : vector<512xf32> to vector<512x1xf32>
    %eq3A_204 = vector.broadcast %broadcast_in_dim3A_203 : vector<512x1xf32> to vector<512x2048xf32>
    %eq3A_205 = arith.cmpf oeq, %convert_element_type3A, %eq3A_204 : vector<512x2048xf32>
    %jit3A_206 = arith.constant 0x7F800000 : f32
    %broadcast_in_dim3A_207 = vector.broadcast %jit3A_206 : f32 to vector<512x2048xf32>
    %select_n3A_208 = arith.select %eq3A_205, %broadcast_in_dim3A_207, %select_n3A_192 : vector<512x2048xi1>, vector<512x2048xf32>
    %reduce_min3A_209 = arith.constant dense<0x7F800000> : vector<512xf32>
    %reduce_min3A_210 = vector.multi_reduction <minimumf>, %select_n3A_208, %reduce_min3A_209 [1] : vector<512x2048xf32> to vector<512xf32>
    %broadcast_in_dim3A_211 = vector.shape_cast %reduce_min3A_210 : vector<512xf32> to vector<512x1xf32>
    %eq3A_212 = vector.broadcast %broadcast_in_dim3A_211 : vector<512x1xf32> to vector<512x2048xf32>
    %eq3A_213 = arith.cmpf oeq, %select_n3A_208, %eq3A_212 : vector<512x2048xf32>
    %jit3A_214 = arith.constant 2.048000e+03 : f32
    %broadcast_in_dim3A_215 = vector.broadcast %jit3A_214 : f32 to vector<512x2048xf32>
    %select_n3A_216 = arith.select %eq3A_213, %convert_element_type3A, %broadcast_in_dim3A_215 : vector<512x2048xi1>, vector<512x2048xf32>
    %reduce_min3A_217 = arith.constant dense<0x7F800000> : vector<512xf32>
    %reduce_min3A_218 = vector.multi_reduction <minimumf>, %select_n3A_216, %reduce_min3A_217 [1] : vector<512x2048xf32> to vector<512xf32>
    %broadcast_in_dim3A_219 = vector.shape_cast %reduce_min3A_218 : vector<512xf32> to vector<512x1xf32>
    %eq3A_220 = vector.broadcast %broadcast_in_dim3A_219 : vector<512x1xf32> to vector<512x2048xf32>
    %eq3A_221 = arith.cmpf oeq, %convert_element_type3A, %eq3A_220 : vector<512x2048xf32>
    %jit3A_222 = arith.constant 0x7F800000 : f32
    %broadcast_in_dim3A_223 = vector.broadcast %jit3A_222 : f32 to vector<512x2048xf32>
    %select_n3A_224 = arith.select %eq3A_221, %broadcast_in_dim3A_223, %select_n3A_208 : vector<512x2048xi1>, vector<512x2048xf32>
    %reduce_min3A_225 = arith.constant dense<0x7F800000> : vector<512xf32>
    %reduce_min3A_226 = vector.multi_reduction <minimumf>, %select_n3A_224, %reduce_min3A_225 [1] : vector<512x2048xf32> to vector<512xf32>
    %broadcast_in_dim3A_227 = vector.shape_cast %reduce_min3A_226 : vector<512xf32> to vector<512x1xf32>
    %eq3A_228 = vector.broadcast %broadcast_in_dim3A_227 : vector<512x1xf32> to vector<512x2048xf32>
    %eq3A_229 = arith.cmpf oeq, %select_n3A_224, %eq3A_228 : vector<512x2048xf32>
    %jit3A_230 = arith.constant 2.048000e+03 : f32
    %broadcast_in_dim3A_231 = vector.broadcast %jit3A_230 : f32 to vector<512x2048xf32>
    %select_n3A_232 = arith.select %eq3A_229, %convert_element_type3A, %broadcast_in_dim3A_231 : vector<512x2048xi1>, vector<512x2048xf32>
    %reduce_min3A_233 = arith.constant dense<0x7F800000> : vector<512xf32>
    %reduce_min3A_234 = vector.multi_reduction <minimumf>, %select_n3A_232, %reduce_min3A_233 [1] : vector<512x2048xf32> to vector<512xf32>
    %broadcast_in_dim3A_235 = vector.shape_cast %reduce_min3A_234 : vector<512xf32> to vector<512x1xf32>
    %eq3A_236 = vector.broadcast %broadcast_in_dim3A_235 : vector<512x1xf32> to vector<512x2048xf32>
    %eq3A_237 = arith.cmpf oeq, %convert_element_type3A, %eq3A_236 : vector<512x2048xf32>
    %jit3A_238 = arith.constant 0x7F800000 : f32
    %broadcast_in_dim3A_239 = vector.broadcast %jit3A_238 : f32 to vector<512x2048xf32>
    %select_n3A_240 = arith.select %eq3A_237, %broadcast_in_dim3A_239, %select_n3A_224 : vector<512x2048xi1>, vector<512x2048xf32>
    %reduce_min3A_241 = arith.constant dense<0x7F800000> : vector<512xf32>
    %reduce_min3A_242 = vector.multi_reduction <minimumf>, %select_n3A_240, %reduce_min3A_241 [1] : vector<512x2048xf32> to vector<512xf32>
    %broadcast_in_dim3A_243 = vector.shape_cast %reduce_min3A_242 : vector<512xf32> to vector<512x1xf32>
    %eq3A_244 = vector.broadcast %broadcast_in_dim3A_243 : vector<512x1xf32> to vector<512x2048xf32>
    %eq3A_245 = arith.cmpf oeq, %select_n3A_240, %eq3A_244 : vector<512x2048xf32>
    %jit3A_246 = arith.constant 2.048000e+03 : f32
    %broadcast_in_dim3A_247 = vector.broadcast %jit3A_246 : f32 to vector<512x2048xf32>
    %select_n3A_248 = arith.select %eq3A_245, %convert_element_type3A, %broadcast_in_dim3A_247 : vector<512x2048xi1>, vector<512x2048xf32>
    %reduce_min3A_249 = arith.constant dense<0x7F800000> : vector<512xf32>
    %reduce_min3A_250 = vector.multi_reduction <minimumf>, %select_n3A_248, %reduce_min3A_249 [1] : vector<512x2048xf32> to vector<512xf32>
    %broadcast_in_dim3A_251 = vector.shape_cast %reduce_min3A_250 : vector<512xf32> to vector<512x1xf32>
    %eq3A_252 = vector.broadcast %broadcast_in_dim3A_251 : vector<512x1xf32> to vector<512x2048xf32>
    %eq3A_253 = arith.cmpf oeq, %convert_element_type3A, %eq3A_252 : vector<512x2048xf32>
    %jit3A_254 = arith.constant 0x7F800000 : f32
    %broadcast_in_dim3A_255 = vector.broadcast %jit3A_254 : f32 to vector<512x2048xf32>
    %select_n3A_256 = arith.select %eq3A_253, %broadcast_in_dim3A_255, %select_n3A_240 : vector<512x2048xi1>, vector<512x2048xf32>
    %reduce_min3A_257 = arith.constant dense<0x7F800000> : vector<512xf32>
    %reduce_min3A_258 = vector.multi_reduction <minimumf>, %select_n3A_256, %reduce_min3A_257 [1] : vector<512x2048xf32> to vector<512xf32>
    %broadcast_in_dim3A_259 = vector.shape_cast %reduce_min3A_258 : vector<512xf32> to vector<512x1xf32>
    %eq3A_260 = vector.broadcast %broadcast_in_dim3A_259 : vector<512x1xf32> to vector<512x2048xf32>
    %eq3A_261 = arith.cmpf oeq, %select_n3A_256, %eq3A_260 : vector<512x2048xf32>
    %jit3A_262 = arith.constant 2.048000e+03 : f32
    %broadcast_in_dim3A_263 = vector.broadcast %jit3A_262 : f32 to vector<512x2048xf32>
    %select_n3A_264 = arith.select %eq3A_261, %convert_element_type3A, %broadcast_in_dim3A_263 : vector<512x2048xi1>, vector<512x2048xf32>
    %reduce_min3A_265 = arith.constant dense<0x7F800000> : vector<512xf32>
    %reduce_min3A_266 = vector.multi_reduction <minimumf>, %select_n3A_264, %reduce_min3A_265 [1] : vector<512x2048xf32> to vector<512xf32>
    %broadcast_in_dim3A_267 = vector.shape_cast %reduce_min3A_266 : vector<512xf32> to vector<512x1xf32>
    %concatenate3A = tpu.concatenate %broadcast_in_dim3A_27, %broadcast_in_dim3A_43, %broadcast_in_dim3A_59, %broadcast_in_dim3A_75, %broadcast_in_dim3A_91, %broadcast_in_dim3A_107, %broadcast_in_dim3A_123, %broadcast_in_dim3A_139, %broadcast_in_dim3A_155, %broadcast_in_dim3A_171, %broadcast_in_dim3A_187, %broadcast_in_dim3A_203, %broadcast_in_dim3A_219, %broadcast_in_dim3A_235, %broadcast_in_dim3A_251, %broadcast_in_dim3A_267 in 1 : vector<512x1xf32>, vector<512x1xf32>, vector<512x1xf32>, vector<512x1xf32>, vector<512x1xf32>, vector<512x1xf32>, vector<512x1xf32>, vector<512x1xf32>, vector<512x1xf32>, vector<512x1xf32>, vector<512x1xf32>, vector<512x1xf32>, vector<512x1xf32>, vector<512x1xf32>, vector<512x1xf32>, vector<512x1xf32> -> vector<512x16xf32>
    %convert_element_type3A_268 = arith.fptosi %concatenate3A : vector<512x16xf32> to vector<512x16xi32>
    %add3A_269 = arith.constant 4096 : i32
    %add3A_270 = vector.broadcast %add3A_269 : i32 to vector<512x16xi32>
    %add3A_271 = arith.addi %convert_element_type3A_268, %add3A_270 : vector<512x16xi32>
    %swap3A = arith.constant 0 : index
    %swap3A_272 = arith.constant 0 : index
    %swap3A_273 = vector.load %arg3[%swap3A, %swap3A_272] : memref<512x16xi32, #tpu.memory_space<vmem>>, vector<512x16xi32>
    tpu.vector_store %arg3[%swap3A, %swap3A_272], %add3A_271 {strides = array<i32>} : memref<512x16xi32, #tpu.memory_space<vmem>>, vector<512x16xi32>,
    return
  }
  func.func @transform_0(%arg0: i32) -> (i32, i32, i32) {
    %c2_i32 = arith.constant 2 : i32
    %c0_i32 = arith.constant 0 : i32
    %c0_i32_0 = arith.constant 0 : i32
    return %c2_i32, %arg0, %c0_i32 : i32, i32, i32
  }
  func.func @transform_1(%arg0: i32) -> (i32, i32, i32) {
    %c2_i32 = arith.constant 2 : i32
    %c0_i32 = arith.constant 0 : i32
    %c0_i32_0 = arith.constant 0 : i32
    %c0_i32_1 = arith.constant 0 : i32
    return %c2_i32, %c0_i32, %c0_i32_0 : i32, i32, i32
  }
  func.func @transform_2(%arg0: i32) -> (i32, i32) {
    %c0_i32 = arith.constant 0 : i32
    %c0_i32_0 = arith.constant 0 : i32
    return %arg0, %c0_i32 : i32, i32
  }
}

module attributes {stable_mosaic.version = 14 : i64} {
  func.func @_knn_body(%arg0: i32, %arg1: memref<1x512x3xf32, #tpu.memory_space<vmem>>, %arg2: memref<1x3x2048xf32, #tpu.memory_space<vmem>>, %arg3: memref<512x16xi32, #tpu.memory_space<vmem>>) attributes {dimension_semantics = [#tpu.dimension_semantics<arbitrary>], iteration_bounds = array<i64: 4>, scalar_prefetch = 0 : i64, scratch_operands = 0 : i64, tpu.core_type = #tpu.core_type<tc>, window_params = [{transform_indices = @transform_0, window_bounds = array<i64: 1, 512, 3>}, {transform_indices = @transform_1, window_bounds = array<i64: 1, 3, 2048>}, {transform_indices = @transform_2, window_bounds = array<i64: 512, 16>}]} {
    %get3A = arith.constant 0 : index
    %get3A_0 = arith.constant 0 : index
    %get3A_1 = arith.constant 0 : index
    %get3A_2 = vector.load %arg1[%get3A, %get3A_0, %get3A_1] : memref<1x512x3xf32, #tpu.memory_space<vmem>>, vector<1x512x3xf32>
    %get3A_3 = vector.shape_cast %get3A_2 : vector<1x512x3xf32> to vector<512x3xf32>
    %get3A_4 = arith.constant 0 : index
    %get3A_5 = arith.constant 0 : index
    %get3A_6 = arith.constant 0 : index
    %get3A_7 = vector.load %arg2[%get3A_4, %get3A_5, %get3A_6] : memref<1x3x2048xf32, #tpu.memory_space<vmem>>, vector<1x3x2048xf32>
    %get3A_8 = vector.shape_cast %get3A_7 : vector<1x3x2048xf32> to vector<3x2048xf32>
    %mul3A = arith.mulf %get3A_3, %get3A_3 : vector<512x3xf32>
    %reduce_sum3A = arith.constant dense<0.000000e+00> : vector<512xf32>
    %reduce_sum3A_9 = vector.multi_reduction <add>, %mul3A, %reduce_sum3A [1] : vector<512x3xf32> to vector<512xf32>
    %broadcast_in_dim3A = vector.shape_cast %reduce_sum3A_9 : vector<512xf32> to vector<512x1xf32>
    %mul3A_10 = arith.mulf %get3A_8, %get3A_8 : vector<3x2048xf32>
    %reduce_sum3A_11 = arith.constant dense<0.000000e+00> : vector<2048xf32>
    %reduce_sum3A_12 = vector.multi_reduction <add>, %mul3A_10, %reduce_sum3A_11 [0] : vector<3x2048xf32> to vector<2048xf32>
    %broadcast_in_dim3A_13 = vector.shape_cast %reduce_sum3A_12 : vector<2048xf32> to vector<1x2048xf32>
    %dot_general3A = arith.constant dense<0.000000e+00> : vector<512x2048xf32>
    %dot_general3A_14 = tpu.matmul %get3A_3, %get3A_8, %dot_general3A {dimension_numbers = #tpu.dot_dimension_numbers<[1], [0], [0], [1], [0, 0, 1, 1], [], []>, transpose_lhs_hint = false} : vector<512x3xf32>, vector<3x2048xf32>, vector<512x2048xf32> -> vector<512x2048xf32>
    %mul3A_15 = arith.constant -2.000000e+00 : f32
    %mul3A_16 = vector.broadcast %mul3A_15 : f32 to vector<512x2048xf32>
    %mul3A_17 = arith.mulf %dot_general3A_14, %mul3A_16 : vector<512x2048xf32>
    %add3A = vector.broadcast %broadcast_in_dim3A : vector<512x1xf32> to vector<512x2048xf32>
    %add3A_18 = arith.addf %mul3A_17, %add3A : vector<512x2048xf32>
    %add3A_19 = vector.broadcast %broadcast_in_dim3A_13 : vector<1x2048xf32> to vector<512x2048xf32>
    %add3A_20 = arith.addf %add3A_18, %add3A_19 : vector<512x2048xf32>
    %iota3A = tpu.iota {dimensions = array<i32: 1>} : vector<512x2048xi32>
    %convert_element_type3A = arith.sitofp %iota3A : vector<512x2048xi32> to vector<512x2048xf32>
    %reduce_min3A = arith.constant dense<0x7F800000> : vector<512xf32>
    %reduce_min3A_21 = vector.multi_reduction <minimumf>, %add3A_20, %reduce_min3A [1] : vector<512x2048xf32> to vector<512xf32>
    %broadcast_in_dim3A_22 = vector.shape_cast %reduce_min3A_21 : vector<512xf32> to vector<512x1xf32>
    %eq3A = vector.broadcast %broadcast_in_dim3A_22 : vector<512x1xf32> to vector<512x2048xf32>
    %eq3A_23 = arith.cmpf oeq, %add3A_20, %eq3A : vector<512x2048xf32>
    %jit3A = arith.constant 2.048000e+03 : f32
    %broadcast_in_dim3A_24 = vector.broadcast %jit3A : f32 to vector<512x2048xf32>
    %select_n3A = arith.select %eq3A_23, %convert_element_type3A, %broadcast_in_dim3A_24 : vector<512x2048xi1>, vector<512x2048xf32>
    %reduce_min3A_25 = arith.constant dense<0x7F800000> : vector<512xf32>
    %reduce_min3A_26 = vector.multi_reduction <minimumf>, %select_n3A, %reduce_min3A_25 [1] : vector<512x2048xf32> to vector<512xf32>
    %broadcast_in_dim3A_27 = vector.shape_cast %reduce_min3A_26 : vector<512xf32> to vector<512x1xf32>
    %eq3A_28 = vector.broadcast %broadcast_in_dim3A_27 : vector<512x1xf32> to vector<512x2048xf32>
    %eq3A_29 = arith.cmpf oeq, %convert_element_type3A, %eq3A_28 : vector<512x2048xf32>
    %jit3A_30 = arith.constant 0x7F800000 : f32
    %broadcast_in_dim3A_31 = vector.broadcast %jit3A_30 : f32 to vector<512x2048xf32>
    %select_n3A_32 = arith.select %eq3A_29, %broadcast_in_dim3A_31, %add3A_20 : vector<512x2048xi1>, vector<512x2048xf32>
    %reduce_min3A_33 = arith.constant dense<0x7F800000> : vector<512xf32>
    %reduce_min3A_34 = vector.multi_reduction <minimumf>, %select_n3A_32, %reduce_min3A_33 [1] : vector<512x2048xf32> to vector<512xf32>
    %broadcast_in_dim3A_35 = vector.shape_cast %reduce_min3A_34 : vector<512xf32> to vector<512x1xf32>
    %eq3A_36 = vector.broadcast %broadcast_in_dim3A_35 : vector<512x1xf32> to vector<512x2048xf32>
    %eq3A_37 = arith.cmpf oeq, %select_n3A_32, %eq3A_36 : vector<512x2048xf32>
    %jit3A_38 = arith.constant 2.048000e+03 : f32
    %broadcast_in_dim3A_39 = vector.broadcast %jit3A_38 : f32 to vector<512x2048xf32>
    %select_n3A_40 = arith.select %eq3A_37, %convert_element_type3A, %broadcast_in_dim3A_39 : vector<512x2048xi1>, vector<512x2048xf32>
    %reduce_min3A_41 = arith.constant dense<0x7F800000> : vector<512xf32>
    %reduce_min3A_42 = vector.multi_reduction <minimumf>, %select_n3A_40, %reduce_min3A_41 [1] : vector<512x2048xf32> to vector<512xf32>
    %broadcast_in_dim3A_43 = vector.shape_cast %reduce_min3A_42 : vector<512xf32> to vector<512x1xf32>
    %eq3A_44 = vector.broadcast %broadcast_in_dim3A_43 : vector<512x1xf32> to vector<512x2048xf32>
    %eq3A_45 = arith.cmpf oeq, %convert_element_type3A, %eq3A_44 : vector<512x2048xf32>
    %jit3A_46 = arith.constant 0x7F800000 : f32
    %broadcast_in_dim3A_47 = vector.broadcast %jit3A_46 : f32 to vector<512x2048xf32>
    %select_n3A_48 = arith.select %eq3A_45, %broadcast_in_dim3A_47, %select_n3A_32 : vector<512x2048xi1>, vector<512x2048xf32>
    %reduce_min3A_49 = arith.constant dense<0x7F800000> : vector<512xf32>
    %reduce_min3A_50 = vector.multi_reduction <minimumf>, %select_n3A_48, %reduce_min3A_49 [1] : vector<512x2048xf32> to vector<512xf32>
    %broadcast_in_dim3A_51 = vector.shape_cast %reduce_min3A_50 : vector<512xf32> to vector<512x1xf32>
    %eq3A_52 = vector.broadcast %broadcast_in_dim3A_51 : vector<512x1xf32> to vector<512x2048xf32>
    %eq3A_53 = arith.cmpf oeq, %select_n3A_48, %eq3A_52 : vector<512x2048xf32>
    %jit3A_54 = arith.constant 2.048000e+03 : f32
    %broadcast_in_dim3A_55 = vector.broadcast %jit3A_54 : f32 to vector<512x2048xf32>
    %select_n3A_56 = arith.select %eq3A_53, %convert_element_type3A, %broadcast_in_dim3A_55 : vector<512x2048xi1>, vector<512x2048xf32>
    %reduce_min3A_57 = arith.constant dense<0x7F800000> : vector<512xf32>
    %reduce_min3A_58 = vector.multi_reduction <minimumf>, %select_n3A_56, %reduce_min3A_57 [1] : vector<512x2048xf32> to vector<512xf32>
    %broadcast_in_dim3A_59 = vector.shape_cast %reduce_min3A_58 : vector<512xf32> to vector<512x1xf32>
    %eq3A_60 = vector.broadcast %broadcast_in_dim3A_59 : vector<512x1xf32> to vector<512x2048xf32>
    %eq3A_61 = arith.cmpf oeq, %convert_element_type3A, %eq3A_60 : vector<512x2048xf32>
    %jit3A_62 = arith.constant 0x7F800000 : f32
    %broadcast_in_dim3A_63 = vector.broadcast %jit3A_62 : f32 to vector<512x2048xf32>
    %select_n3A_64 = arith.select %eq3A_61, %broadcast_in_dim3A_63, %select_n3A_48 : vector<512x2048xi1>, vector<512x2048xf32>
    %reduce_min3A_65 = arith.constant dense<0x7F800000> : vector<512xf32>
    %reduce_min3A_66 = vector.multi_reduction <minimumf>, %select_n3A_64, %reduce_min3A_65 [1] : vector<512x2048xf32> to vector<512xf32>
    %broadcast_in_dim3A_67 = vector.shape_cast %reduce_min3A_66 : vector<512xf32> to vector<512x1xf32>
    %eq3A_68 = vector.broadcast %broadcast_in_dim3A_67 : vector<512x1xf32> to vector<512x2048xf32>
    %eq3A_69 = arith.cmpf oeq, %select_n3A_64, %eq3A_68 : vector<512x2048xf32>
    %jit3A_70 = arith.constant 2.048000e+03 : f32
    %broadcast_in_dim3A_71 = vector.broadcast %jit3A_70 : f32 to vector<512x2048xf32>
    %select_n3A_72 = arith.select %eq3A_69, %convert_element_type3A, %broadcast_in_dim3A_71 : vector<512x2048xi1>, vector<512x2048xf32>
    %reduce_min3A_73 = arith.constant dense<0x7F800000> : vector<512xf32>
    %reduce_min3A_74 = vector.multi_reduction <minimumf>, %select_n3A_72, %reduce_min3A_73 [1] : vector<512x2048xf32> to vector<512xf32>
    %broadcast_in_dim3A_75 = vector.shape_cast %reduce_min3A_74 : vector<512xf32> to vector<512x1xf32>
    %eq3A_76 = vector.broadcast %broadcast_in_dim3A_75 : vector<512x1xf32> to vector<512x2048xf32>
    %eq3A_77 = arith.cmpf oeq, %convert_element_type3A, %eq3A_76 : vector<512x2048xf32>
    %jit3A_78 = arith.constant 0x7F800000 : f32
    %broadcast_in_dim3A_79 = vector.broadcast %jit3A_78 : f32 to vector<512x2048xf32>
    %select_n3A_80 = arith.select %eq3A_77, %broadcast_in_dim3A_79, %select_n3A_64 : vector<512x2048xi1>, vector<512x2048xf32>
    %reduce_min3A_81 = arith.constant dense<0x7F800000> : vector<512xf32>
    %reduce_min3A_82 = vector.multi_reduction <minimumf>, %select_n3A_80, %reduce_min3A_81 [1] : vector<512x2048xf32> to vector<512xf32>
    %broadcast_in_dim3A_83 = vector.shape_cast %reduce_min3A_82 : vector<512xf32> to vector<512x1xf32>
    %eq3A_84 = vector.broadcast %broadcast_in_dim3A_83 : vector<512x1xf32> to vector<512x2048xf32>
    %eq3A_85 = arith.cmpf oeq, %select_n3A_80, %eq3A_84 : vector<512x2048xf32>
    %jit3A_86 = arith.constant 2.048000e+03 : f32
    %broadcast_in_dim3A_87 = vector.broadcast %jit3A_86 : f32 to vector<512x2048xf32>
    %select_n3A_88 = arith.select %eq3A_85, %convert_element_type3A, %broadcast_in_dim3A_87 : vector<512x2048xi1>, vector<512x2048xf32>
    %reduce_min3A_89 = arith.constant dense<0x7F800000> : vector<512xf32>
    %reduce_min3A_90 = vector.multi_reduction <minimumf>, %select_n3A_88, %reduce_min3A_89 [1] : vector<512x2048xf32> to vector<512xf32>
    %broadcast_in_dim3A_91 = vector.shape_cast %reduce_min3A_90 : vector<512xf32> to vector<512x1xf32>
    %eq3A_92 = vector.broadcast %broadcast_in_dim3A_91 : vector<512x1xf32> to vector<512x2048xf32>
    %eq3A_93 = arith.cmpf oeq, %convert_element_type3A, %eq3A_92 : vector<512x2048xf32>
    %jit3A_94 = arith.constant 0x7F800000 : f32
    %broadcast_in_dim3A_95 = vector.broadcast %jit3A_94 : f32 to vector<512x2048xf32>
    %select_n3A_96 = arith.select %eq3A_93, %broadcast_in_dim3A_95, %select_n3A_80 : vector<512x2048xi1>, vector<512x2048xf32>
    %reduce_min3A_97 = arith.constant dense<0x7F800000> : vector<512xf32>
    %reduce_min3A_98 = vector.multi_reduction <minimumf>, %select_n3A_96, %reduce_min3A_97 [1] : vector<512x2048xf32> to vector<512xf32>
    %broadcast_in_dim3A_99 = vector.shape_cast %reduce_min3A_98 : vector<512xf32> to vector<512x1xf32>
    %eq3A_100 = vector.broadcast %broadcast_in_dim3A_99 : vector<512x1xf32> to vector<512x2048xf32>
    %eq3A_101 = arith.cmpf oeq, %select_n3A_96, %eq3A_100 : vector<512x2048xf32>
    %jit3A_102 = arith.constant 2.048000e+03 : f32
    %broadcast_in_dim3A_103 = vector.broadcast %jit3A_102 : f32 to vector<512x2048xf32>
    %select_n3A_104 = arith.select %eq3A_101, %convert_element_type3A, %broadcast_in_dim3A_103 : vector<512x2048xi1>, vector<512x2048xf32>
    %reduce_min3A_105 = arith.constant dense<0x7F800000> : vector<512xf32>
    %reduce_min3A_106 = vector.multi_reduction <minimumf>, %select_n3A_104, %reduce_min3A_105 [1] : vector<512x2048xf32> to vector<512xf32>
    %broadcast_in_dim3A_107 = vector.shape_cast %reduce_min3A_106 : vector<512xf32> to vector<512x1xf32>
    %eq3A_108 = vector.broadcast %broadcast_in_dim3A_107 : vector<512x1xf32> to vector<512x2048xf32>
    %eq3A_109 = arith.cmpf oeq, %convert_element_type3A, %eq3A_108 : vector<512x2048xf32>
    %jit3A_110 = arith.constant 0x7F800000 : f32
    %broadcast_in_dim3A_111 = vector.broadcast %jit3A_110 : f32 to vector<512x2048xf32>
    %select_n3A_112 = arith.select %eq3A_109, %broadcast_in_dim3A_111, %select_n3A_96 : vector<512x2048xi1>, vector<512x2048xf32>
    %reduce_min3A_113 = arith.constant dense<0x7F800000> : vector<512xf32>
    %reduce_min3A_114 = vector.multi_reduction <minimumf>, %select_n3A_112, %reduce_min3A_113 [1] : vector<512x2048xf32> to vector<512xf32>
    %broadcast_in_dim3A_115 = vector.shape_cast %reduce_min3A_114 : vector<512xf32> to vector<512x1xf32>
    %eq3A_116 = vector.broadcast %broadcast_in_dim3A_115 : vector<512x1xf32> to vector<512x2048xf32>
    %eq3A_117 = arith.cmpf oeq, %select_n3A_112, %eq3A_116 : vector<512x2048xf32>
    %jit3A_118 = arith.constant 2.048000e+03 : f32
    %broadcast_in_dim3A_119 = vector.broadcast %jit3A_118 : f32 to vector<512x2048xf32>
    %select_n3A_120 = arith.select %eq3A_117, %convert_element_type3A, %broadcast_in_dim3A_119 : vector<512x2048xi1>, vector<512x2048xf32>
    %reduce_min3A_121 = arith.constant dense<0x7F800000> : vector<512xf32>
    %reduce_min3A_122 = vector.multi_reduction <minimumf>, %select_n3A_120, %reduce_min3A_121 [1] : vector<512x2048xf32> to vector<512xf32>
    %broadcast_in_dim3A_123 = vector.shape_cast %reduce_min3A_122 : vector<512xf32> to vector<512x1xf32>
    %eq3A_124 = vector.broadcast %broadcast_in_dim3A_123 : vector<512x1xf32> to vector<512x2048xf32>
    %eq3A_125 = arith.cmpf oeq, %convert_element_type3A, %eq3A_124 : vector<512x2048xf32>
    %jit3A_126 = arith.constant 0x7F800000 : f32
    %broadcast_in_dim3A_127 = vector.broadcast %jit3A_126 : f32 to vector<512x2048xf32>
    %select_n3A_128 = arith.select %eq3A_125, %broadcast_in_dim3A_127, %select_n3A_112 : vector<512x2048xi1>, vector<512x2048xf32>
    %reduce_min3A_129 = arith.constant dense<0x7F800000> : vector<512xf32>
    %reduce_min3A_130 = vector.multi_reduction <minimumf>, %select_n3A_128, %reduce_min3A_129 [1] : vector<512x2048xf32> to vector<512xf32>
    %broadcast_in_dim3A_131 = vector.shape_cast %reduce_min3A_130 : vector<512xf32> to vector<512x1xf32>
    %eq3A_132 = vector.broadcast %broadcast_in_dim3A_131 : vector<512x1xf32> to vector<512x2048xf32>
    %eq3A_133 = arith.cmpf oeq, %select_n3A_128, %eq3A_132 : vector<512x2048xf32>
    %jit3A_134 = arith.constant 2.048000e+03 : f32
    %broadcast_in_dim3A_135 = vector.broadcast %jit3A_134 : f32 to vector<512x2048xf32>
    %select_n3A_136 = arith.select %eq3A_133, %convert_element_type3A, %broadcast_in_dim3A_135 : vector<512x2048xi1>, vector<512x2048xf32>
    %reduce_min3A_137 = arith.constant dense<0x7F800000> : vector<512xf32>
    %reduce_min3A_138 = vector.multi_reduction <minimumf>, %select_n3A_136, %reduce_min3A_137 [1] : vector<512x2048xf32> to vector<512xf32>
    %broadcast_in_dim3A_139 = vector.shape_cast %reduce_min3A_138 : vector<512xf32> to vector<512x1xf32>
    %eq3A_140 = vector.broadcast %broadcast_in_dim3A_139 : vector<512x1xf32> to vector<512x2048xf32>
    %eq3A_141 = arith.cmpf oeq, %convert_element_type3A, %eq3A_140 : vector<512x2048xf32>
    %jit3A_142 = arith.constant 0x7F800000 : f32
    %broadcast_in_dim3A_143 = vector.broadcast %jit3A_142 : f32 to vector<512x2048xf32>
    %select_n3A_144 = arith.select %eq3A_141, %broadcast_in_dim3A_143, %select_n3A_128 : vector<512x2048xi1>, vector<512x2048xf32>
    %reduce_min3A_145 = arith.constant dense<0x7F800000> : vector<512xf32>
    %reduce_min3A_146 = vector.multi_reduction <minimumf>, %select_n3A_144, %reduce_min3A_145 [1] : vector<512x2048xf32> to vector<512xf32>
    %broadcast_in_dim3A_147 = vector.shape_cast %reduce_min3A_146 : vector<512xf32> to vector<512x1xf32>
    %eq3A_148 = vector.broadcast %broadcast_in_dim3A_147 : vector<512x1xf32> to vector<512x2048xf32>
    %eq3A_149 = arith.cmpf oeq, %select_n3A_144, %eq3A_148 : vector<512x2048xf32>
    %jit3A_150 = arith.constant 2.048000e+03 : f32
    %broadcast_in_dim3A_151 = vector.broadcast %jit3A_150 : f32 to vector<512x2048xf32>
    %select_n3A_152 = arith.select %eq3A_149, %convert_element_type3A, %broadcast_in_dim3A_151 : vector<512x2048xi1>, vector<512x2048xf32>
    %reduce_min3A_153 = arith.constant dense<0x7F800000> : vector<512xf32>
    %reduce_min3A_154 = vector.multi_reduction <minimumf>, %select_n3A_152, %reduce_min3A_153 [1] : vector<512x2048xf32> to vector<512xf32>
    %broadcast_in_dim3A_155 = vector.shape_cast %reduce_min3A_154 : vector<512xf32> to vector<512x1xf32>
    %eq3A_156 = vector.broadcast %broadcast_in_dim3A_155 : vector<512x1xf32> to vector<512x2048xf32>
    %eq3A_157 = arith.cmpf oeq, %convert_element_type3A, %eq3A_156 : vector<512x2048xf32>
    %jit3A_158 = arith.constant 0x7F800000 : f32
    %broadcast_in_dim3A_159 = vector.broadcast %jit3A_158 : f32 to vector<512x2048xf32>
    %select_n3A_160 = arith.select %eq3A_157, %broadcast_in_dim3A_159, %select_n3A_144 : vector<512x2048xi1>, vector<512x2048xf32>
    %reduce_min3A_161 = arith.constant dense<0x7F800000> : vector<512xf32>
    %reduce_min3A_162 = vector.multi_reduction <minimumf>, %select_n3A_160, %reduce_min3A_161 [1] : vector<512x2048xf32> to vector<512xf32>
    %broadcast_in_dim3A_163 = vector.shape_cast %reduce_min3A_162 : vector<512xf32> to vector<512x1xf32>
    %eq3A_164 = vector.broadcast %broadcast_in_dim3A_163 : vector<512x1xf32> to vector<512x2048xf32>
    %eq3A_165 = arith.cmpf oeq, %select_n3A_160, %eq3A_164 : vector<512x2048xf32>
    %jit3A_166 = arith.constant 2.048000e+03 : f32
    %broadcast_in_dim3A_167 = vector.broadcast %jit3A_166 : f32 to vector<512x2048xf32>
    %select_n3A_168 = arith.select %eq3A_165, %convert_element_type3A, %broadcast_in_dim3A_167 : vector<512x2048xi1>, vector<512x2048xf32>
    %reduce_min3A_169 = arith.constant dense<0x7F800000> : vector<512xf32>
    %reduce_min3A_170 = vector.multi_reduction <minimumf>, %select_n3A_168, %reduce_min3A_169 [1] : vector<512x2048xf32> to vector<512xf32>
    %broadcast_in_dim3A_171 = vector.shape_cast %reduce_min3A_170 : vector<512xf32> to vector<512x1xf32>
    %eq3A_172 = vector.broadcast %broadcast_in_dim3A_171 : vector<512x1xf32> to vector<512x2048xf32>
    %eq3A_173 = arith.cmpf oeq, %convert_element_type3A, %eq3A_172 : vector<512x2048xf32>
    %jit3A_174 = arith.constant 0x7F800000 : f32
    %broadcast_in_dim3A_175 = vector.broadcast %jit3A_174 : f32 to vector<512x2048xf32>
    %select_n3A_176 = arith.select %eq3A_173, %broadcast_in_dim3A_175, %select_n3A_160 : vector<512x2048xi1>, vector<512x2048xf32>
    %reduce_min3A_177 = arith.constant dense<0x7F800000> : vector<512xf32>
    %reduce_min3A_178 = vector.multi_reduction <minimumf>, %select_n3A_176, %reduce_min3A_177 [1] : vector<512x2048xf32> to vector<512xf32>
    %broadcast_in_dim3A_179 = vector.shape_cast %reduce_min3A_178 : vector<512xf32> to vector<512x1xf32>
    %eq3A_180 = vector.broadcast %broadcast_in_dim3A_179 : vector<512x1xf32> to vector<512x2048xf32>
    %eq3A_181 = arith.cmpf oeq, %select_n3A_176, %eq3A_180 : vector<512x2048xf32>
    %jit3A_182 = arith.constant 2.048000e+03 : f32
    %broadcast_in_dim3A_183 = vector.broadcast %jit3A_182 : f32 to vector<512x2048xf32>
    %select_n3A_184 = arith.select %eq3A_181, %convert_element_type3A, %broadcast_in_dim3A_183 : vector<512x2048xi1>, vector<512x2048xf32>
    %reduce_min3A_185 = arith.constant dense<0x7F800000> : vector<512xf32>
    %reduce_min3A_186 = vector.multi_reduction <minimumf>, %select_n3A_184, %reduce_min3A_185 [1] : vector<512x2048xf32> to vector<512xf32>
    %broadcast_in_dim3A_187 = vector.shape_cast %reduce_min3A_186 : vector<512xf32> to vector<512x1xf32>
    %eq3A_188 = vector.broadcast %broadcast_in_dim3A_187 : vector<512x1xf32> to vector<512x2048xf32>
    %eq3A_189 = arith.cmpf oeq, %convert_element_type3A, %eq3A_188 : vector<512x2048xf32>
    %jit3A_190 = arith.constant 0x7F800000 : f32
    %broadcast_in_dim3A_191 = vector.broadcast %jit3A_190 : f32 to vector<512x2048xf32>
    %select_n3A_192 = arith.select %eq3A_189, %broadcast_in_dim3A_191, %select_n3A_176 : vector<512x2048xi1>, vector<512x2048xf32>
    %reduce_min3A_193 = arith.constant dense<0x7F800000> : vector<512xf32>
    %reduce_min3A_194 = vector.multi_reduction <minimumf>, %select_n3A_192, %reduce_min3A_193 [1] : vector<512x2048xf32> to vector<512xf32>
    %broadcast_in_dim3A_195 = vector.shape_cast %reduce_min3A_194 : vector<512xf32> to vector<512x1xf32>
    %eq3A_196 = vector.broadcast %broadcast_in_dim3A_195 : vector<512x1xf32> to vector<512x2048xf32>
    %eq3A_197 = arith.cmpf oeq, %select_n3A_192, %eq3A_196 : vector<512x2048xf32>
    %jit3A_198 = arith.constant 2.048000e+03 : f32
    %broadcast_in_dim3A_199 = vector.broadcast %jit3A_198 : f32 to vector<512x2048xf32>
    %select_n3A_200 = arith.select %eq3A_197, %convert_element_type3A, %broadcast_in_dim3A_199 : vector<512x2048xi1>, vector<512x2048xf32>
    %reduce_min3A_201 = arith.constant dense<0x7F800000> : vector<512xf32>
    %reduce_min3A_202 = vector.multi_reduction <minimumf>, %select_n3A_200, %reduce_min3A_201 [1] : vector<512x2048xf32> to vector<512xf32>
    %broadcast_in_dim3A_203 = vector.shape_cast %reduce_min3A_202 : vector<512xf32> to vector<512x1xf32>
    %eq3A_204 = vector.broadcast %broadcast_in_dim3A_203 : vector<512x1xf32> to vector<512x2048xf32>
    %eq3A_205 = arith.cmpf oeq, %convert_element_type3A, %eq3A_204 : vector<512x2048xf32>
    %jit3A_206 = arith.constant 0x7F800000 : f32
    %broadcast_in_dim3A_207 = vector.broadcast %jit3A_206 : f32 to vector<512x2048xf32>
    %select_n3A_208 = arith.select %eq3A_205, %broadcast_in_dim3A_207, %select_n3A_192 : vector<512x2048xi1>, vector<512x2048xf32>
    %reduce_min3A_209 = arith.constant dense<0x7F800000> : vector<512xf32>
    %reduce_min3A_210 = vector.multi_reduction <minimumf>, %select_n3A_208, %reduce_min3A_209 [1] : vector<512x2048xf32> to vector<512xf32>
    %broadcast_in_dim3A_211 = vector.shape_cast %reduce_min3A_210 : vector<512xf32> to vector<512x1xf32>
    %eq3A_212 = vector.broadcast %broadcast_in_dim3A_211 : vector<512x1xf32> to vector<512x2048xf32>
    %eq3A_213 = arith.cmpf oeq, %select_n3A_208, %eq3A_212 : vector<512x2048xf32>
    %jit3A_214 = arith.constant 2.048000e+03 : f32
    %broadcast_in_dim3A_215 = vector.broadcast %jit3A_214 : f32 to vector<512x2048xf32>
    %select_n3A_216 = arith.select %eq3A_213, %convert_element_type3A, %broadcast_in_dim3A_215 : vector<512x2048xi1>, vector<512x2048xf32>
    %reduce_min3A_217 = arith.constant dense<0x7F800000> : vector<512xf32>
    %reduce_min3A_218 = vector.multi_reduction <minimumf>, %select_n3A_216, %reduce_min3A_217 [1] : vector<512x2048xf32> to vector<512xf32>
    %broadcast_in_dim3A_219 = vector.shape_cast %reduce_min3A_218 : vector<512xf32> to vector<512x1xf32>
    %eq3A_220 = vector.broadcast %broadcast_in_dim3A_219 : vector<512x1xf32> to vector<512x2048xf32>
    %eq3A_221 = arith.cmpf oeq, %convert_element_type3A, %eq3A_220 : vector<512x2048xf32>
    %jit3A_222 = arith.constant 0x7F800000 : f32
    %broadcast_in_dim3A_223 = vector.broadcast %jit3A_222 : f32 to vector<512x2048xf32>
    %select_n3A_224 = arith.select %eq3A_221, %broadcast_in_dim3A_223, %select_n3A_208 : vector<512x2048xi1>, vector<512x2048xf32>
    %reduce_min3A_225 = arith.constant dense<0x7F800000> : vector<512xf32>
    %reduce_min3A_226 = vector.multi_reduction <minimumf>, %select_n3A_224, %reduce_min3A_225 [1] : vector<512x2048xf32> to vector<512xf32>
    %broadcast_in_dim3A_227 = vector.shape_cast %reduce_min3A_226 : vector<512xf32> to vector<512x1xf32>
    %eq3A_228 = vector.broadcast %broadcast_in_dim3A_227 : vector<512x1xf32> to vector<512x2048xf32>
    %eq3A_229 = arith.cmpf oeq, %select_n3A_224, %eq3A_228 : vector<512x2048xf32>
    %jit3A_230 = arith.constant 2.048000e+03 : f32
    %broadcast_in_dim3A_231 = vector.broadcast %jit3A_230 : f32 to vector<512x2048xf32>
    %select_n3A_232 = arith.select %eq3A_229, %convert_element_type3A, %broadcast_in_dim3A_231 : vector<512x2048xi1>, vector<512x2048xf32>
    %reduce_min3A_233 = arith.constant dense<0x7F800000> : vector<512xf32>
    %reduce_min3A_234 = vector.multi_reduction <minimumf>, %select_n3A_232, %reduce_min3A_233 [1] : vector<512x2048xf32> to vector<512xf32>
    %broadcast_in_dim3A_235 = vector.shape_cast %reduce_min3A_234 : vector<512xf32> to vector<512x1xf32>
    %eq3A_236 = vector.broadcast %broadcast_in_dim3A_235 : vector<512x1xf32> to vector<512x2048xf32>
    %eq3A_237 = arith.cmpf oeq, %convert_element_type3A, %eq3A_236 : vector<512x2048xf32>
    %jit3A_238 = arith.constant 0x7F800000 : f32
    %broadcast_in_dim3A_239 = vector.broadcast %jit3A_238 : f32 to vector<512x2048xf32>
    %select_n3A_240 = arith.select %eq3A_237, %broadcast_in_dim3A_239, %select_n3A_224 : vector<512x2048xi1>, vector<512x2048xf32>
    %reduce_min3A_241 = arith.constant dense<0x7F800000> : vector<512xf32>
    %reduce_min3A_242 = vector.multi_reduction <minimumf>, %select_n3A_240, %reduce_min3A_241 [1] : vector<512x2048xf32> to vector<512xf32>
    %broadcast_in_dim3A_243 = vector.shape_cast %reduce_min3A_242 : vector<512xf32> to vector<512x1xf32>
    %eq3A_244 = vector.broadcast %broadcast_in_dim3A_243 : vector<512x1xf32> to vector<512x2048xf32>
    %eq3A_245 = arith.cmpf oeq, %select_n3A_240, %eq3A_244 : vector<512x2048xf32>
    %jit3A_246 = arith.constant 2.048000e+03 : f32
    %broadcast_in_dim3A_247 = vector.broadcast %jit3A_246 : f32 to vector<512x2048xf32>
    %select_n3A_248 = arith.select %eq3A_245, %convert_element_type3A, %broadcast_in_dim3A_247 : vector<512x2048xi1>, vector<512x2048xf32>
    %reduce_min3A_249 = arith.constant dense<0x7F800000> : vector<512xf32>
    %reduce_min3A_250 = vector.multi_reduction <minimumf>, %select_n3A_248, %reduce_min3A_249 [1] : vector<512x2048xf32> to vector<512xf32>
    %broadcast_in_dim3A_251 = vector.shape_cast %reduce_min3A_250 : vector<512xf32> to vector<512x1xf32>
    %eq3A_252 = vector.broadcast %broadcast_in_dim3A_251 : vector<512x1xf32> to vector<512x2048xf32>
    %eq3A_253 = arith.cmpf oeq, %convert_element_type3A, %eq3A_252 : vector<512x2048xf32>
    %jit3A_254 = arith.constant 0x7F800000 : f32
    %broadcast_in_dim3A_255 = vector.broadcast %jit3A_254 : f32 to vector<512x2048xf32>
    %select_n3A_256 = arith.select %eq3A_253, %broadcast_in_dim3A_255, %select_n3A_240 : vector<512x2048xi1>, vector<512x2048xf32>
    %reduce_min3A_257 = arith.constant dense<0x7F800000> : vector<512xf32>
    %reduce_min3A_258 = vector.multi_reduction <minimumf>, %select_n3A_256, %reduce_min3A_257 [1] : vector<512x2048xf32> to vector<512xf32>
    %broadcast_in_dim3A_259 = vector.shape_cast %reduce_min3A_258 : vector<512xf32> to vector<512x1xf32>
    %eq3A_260 = vector.broadcast %broadcast_in_dim3A_259 : vector<512x1xf32> to vector<512x2048xf32>
    %eq3A_261 = arith.cmpf oeq, %select_n3A_256, %eq3A_260 : vector<512x2048xf32>
    %jit3A_262 = arith.constant 2.048000e+03 : f32
    %broadcast_in_dim3A_263 = vector.broadcast %jit3A_262 : f32 to vector<512x2048xf32>
    %select_n3A_264 = arith.select %eq3A_261, %convert_element_type3A, %broadcast_in_dim3A_263 : vector<512x2048xi1>, vector<512x2048xf32>
    %reduce_min3A_265 = arith.constant dense<0x7F800000> : vector<512xf32>
    %reduce_min3A_266 = vector.multi_reduction <minimumf>, %select_n3A_264, %reduce_min3A_265 [1] : vector<512x2048xf32> to vector<512xf32>
    %broadcast_in_dim3A_267 = vector.shape_cast %reduce_min3A_266 : vector<512xf32> to vector<512x1xf32>
    %concatenate3A = tpu.concatenate %broadcast_in_dim3A_27, %broadcast_in_dim3A_43, %broadcast_in_dim3A_59, %broadcast_in_dim3A_75, %broadcast_in_dim3A_91, %broadcast_in_dim3A_107, %broadcast_in_dim3A_123, %broadcast_in_dim3A_139, %broadcast_in_dim3A_155, %broadcast_in_dim3A_171, %broadcast_in_dim3A_187, %broadcast_in_dim3A_203, %broadcast_in_dim3A_219, %broadcast_in_dim3A_235, %broadcast_in_dim3A_251, %broadcast_in_dim3A_267 in 1 : vector<512x1xf32>, vector<512x1xf32>, vector<512x1xf32>, vector<512x1xf32>, vector<512x1xf32>, vector<512x1xf32>, vector<512x1xf32>, vector<512x1xf32>, vector<512x1xf32>, vector<512x1xf32>, vector<512x1xf32>, vector<512x1xf32>, vector<512x1xf32>, vector<512x1xf32>, vector<512x1xf32>, vector<512x1xf32> -> vector<512x16xf32>
    %convert_element_type3A_268 = arith.fptosi %concatenate3A : vector<512x16xf32> to vector<512x16xi32>
    %add3A_269 = arith.constant 2048 : i32
    %add3A_270 = vector.broadcast %add3A_269 : i32 to vector<512x16xi32>
    %add3A_271 = arith.addi %convert_element_type3A_268, %add3A_270 : vector<512x16xi32>
    %swap3A = arith.constant 0 : index
    %swap3A_272 = arith.constant 0 : index
    %swap3A_273 = vector.load %arg3[%swap3A, %swap3A_272] : memref<512x16xi32, #tpu.memory_space<vmem>>, vector<512x16xi32>
    tpu.vector_store %arg3[%swap3A, %swap3A_272], %add3A_271 {strides = array<i32>} : memref<512x16xi32, #tpu.memory_space<vmem>>, vector<512x16xi32>,
    return
  }
  func.func @transform_0(%arg0: i32) -> (i32, i32, i32) {
    %c1_i32 = arith.constant 1 : i32
    %c0_i32 = arith.constant 0 : i32
    %c0_i32_0 = arith.constant 0 : i32
    return %c1_i32, %arg0, %c0_i32 : i32, i32, i32
  }
  func.func @transform_1(%arg0: i32) -> (i32, i32, i32) {
    %c1_i32 = arith.constant 1 : i32
    %c0_i32 = arith.constant 0 : i32
    %c0_i32_0 = arith.constant 0 : i32
    %c0_i32_1 = arith.constant 0 : i32
    return %c1_i32, %c0_i32, %c0_i32_0 : i32, i32, i32
  }
  func.func @transform_2(%arg0: i32) -> (i32, i32) {
    %c0_i32 = arith.constant 0 : i32
    %c0_i32_0 = arith.constant 0 : i32
    return %arg0, %c0_i32 : i32, i32
  }
}

module attributes {stable_mosaic.version = 14 : i64} {
  func.func @_knn_body(%arg0: i32, %arg1: memref<1x512x3xf32, #tpu.memory_space<vmem>>, %arg2: memref<1x3x2048xf32, #tpu.memory_space<vmem>>, %arg3: memref<512x16xi32, #tpu.memory_space<vmem>>) attributes {dimension_semantics = [#tpu.dimension_semantics<arbitrary>], iteration_bounds = array<i64: 4>, scalar_prefetch = 0 : i64, scratch_operands = 0 : i64, tpu.core_type = #tpu.core_type<tc>, window_params = [{transform_indices = @transform_0, window_bounds = array<i64: 1, 512, 3>}, {transform_indices = @transform_1, window_bounds = array<i64: 1, 3, 2048>}, {transform_indices = @transform_2, window_bounds = array<i64: 512, 16>}]} {
    %get3A = arith.constant 0 : index
    %get3A_0 = arith.constant 0 : index
    %get3A_1 = arith.constant 0 : index
    %get3A_2 = vector.load %arg1[%get3A, %get3A_0, %get3A_1] : memref<1x512x3xf32, #tpu.memory_space<vmem>>, vector<1x512x3xf32>
    %get3A_3 = vector.shape_cast %get3A_2 : vector<1x512x3xf32> to vector<512x3xf32>
    %get3A_4 = arith.constant 0 : index
    %get3A_5 = arith.constant 0 : index
    %get3A_6 = arith.constant 0 : index
    %get3A_7 = vector.load %arg2[%get3A_4, %get3A_5, %get3A_6] : memref<1x3x2048xf32, #tpu.memory_space<vmem>>, vector<1x3x2048xf32>
    %get3A_8 = vector.shape_cast %get3A_7 : vector<1x3x2048xf32> to vector<3x2048xf32>
    %mul3A = arith.mulf %get3A_3, %get3A_3 : vector<512x3xf32>
    %reduce_sum3A = arith.constant dense<0.000000e+00> : vector<512xf32>
    %reduce_sum3A_9 = vector.multi_reduction <add>, %mul3A, %reduce_sum3A [1] : vector<512x3xf32> to vector<512xf32>
    %broadcast_in_dim3A = vector.shape_cast %reduce_sum3A_9 : vector<512xf32> to vector<512x1xf32>
    %mul3A_10 = arith.mulf %get3A_8, %get3A_8 : vector<3x2048xf32>
    %reduce_sum3A_11 = arith.constant dense<0.000000e+00> : vector<2048xf32>
    %reduce_sum3A_12 = vector.multi_reduction <add>, %mul3A_10, %reduce_sum3A_11 [0] : vector<3x2048xf32> to vector<2048xf32>
    %broadcast_in_dim3A_13 = vector.shape_cast %reduce_sum3A_12 : vector<2048xf32> to vector<1x2048xf32>
    %dot_general3A = arith.constant dense<0.000000e+00> : vector<512x2048xf32>
    %dot_general3A_14 = tpu.matmul %get3A_3, %get3A_8, %dot_general3A {dimension_numbers = #tpu.dot_dimension_numbers<[1], [0], [0], [1], [0, 0, 1, 1], [], []>, transpose_lhs_hint = false} : vector<512x3xf32>, vector<3x2048xf32>, vector<512x2048xf32> -> vector<512x2048xf32>
    %mul3A_15 = arith.constant -2.000000e+00 : f32
    %mul3A_16 = vector.broadcast %mul3A_15 : f32 to vector<512x2048xf32>
    %mul3A_17 = arith.mulf %dot_general3A_14, %mul3A_16 : vector<512x2048xf32>
    %add3A = vector.broadcast %broadcast_in_dim3A : vector<512x1xf32> to vector<512x2048xf32>
    %add3A_18 = arith.addf %mul3A_17, %add3A : vector<512x2048xf32>
    %add3A_19 = vector.broadcast %broadcast_in_dim3A_13 : vector<1x2048xf32> to vector<512x2048xf32>
    %add3A_20 = arith.addf %add3A_18, %add3A_19 : vector<512x2048xf32>
    %iota3A = tpu.iota {dimensions = array<i32: 1>} : vector<512x2048xi32>
    %convert_element_type3A = arith.sitofp %iota3A : vector<512x2048xi32> to vector<512x2048xf32>
    %reduce_min3A = arith.constant dense<0x7F800000> : vector<512xf32>
    %reduce_min3A_21 = vector.multi_reduction <minimumf>, %add3A_20, %reduce_min3A [1] : vector<512x2048xf32> to vector<512xf32>
    %broadcast_in_dim3A_22 = vector.shape_cast %reduce_min3A_21 : vector<512xf32> to vector<512x1xf32>
    %eq3A = vector.broadcast %broadcast_in_dim3A_22 : vector<512x1xf32> to vector<512x2048xf32>
    %eq3A_23 = arith.cmpf oeq, %add3A_20, %eq3A : vector<512x2048xf32>
    %jit3A = arith.constant 2.048000e+03 : f32
    %broadcast_in_dim3A_24 = vector.broadcast %jit3A : f32 to vector<512x2048xf32>
    %select_n3A = arith.select %eq3A_23, %convert_element_type3A, %broadcast_in_dim3A_24 : vector<512x2048xi1>, vector<512x2048xf32>
    %reduce_min3A_25 = arith.constant dense<0x7F800000> : vector<512xf32>
    %reduce_min3A_26 = vector.multi_reduction <minimumf>, %select_n3A, %reduce_min3A_25 [1] : vector<512x2048xf32> to vector<512xf32>
    %broadcast_in_dim3A_27 = vector.shape_cast %reduce_min3A_26 : vector<512xf32> to vector<512x1xf32>
    %eq3A_28 = vector.broadcast %broadcast_in_dim3A_27 : vector<512x1xf32> to vector<512x2048xf32>
    %eq3A_29 = arith.cmpf oeq, %convert_element_type3A, %eq3A_28 : vector<512x2048xf32>
    %jit3A_30 = arith.constant 0x7F800000 : f32
    %broadcast_in_dim3A_31 = vector.broadcast %jit3A_30 : f32 to vector<512x2048xf32>
    %select_n3A_32 = arith.select %eq3A_29, %broadcast_in_dim3A_31, %add3A_20 : vector<512x2048xi1>, vector<512x2048xf32>
    %reduce_min3A_33 = arith.constant dense<0x7F800000> : vector<512xf32>
    %reduce_min3A_34 = vector.multi_reduction <minimumf>, %select_n3A_32, %reduce_min3A_33 [1] : vector<512x2048xf32> to vector<512xf32>
    %broadcast_in_dim3A_35 = vector.shape_cast %reduce_min3A_34 : vector<512xf32> to vector<512x1xf32>
    %eq3A_36 = vector.broadcast %broadcast_in_dim3A_35 : vector<512x1xf32> to vector<512x2048xf32>
    %eq3A_37 = arith.cmpf oeq, %select_n3A_32, %eq3A_36 : vector<512x2048xf32>
    %jit3A_38 = arith.constant 2.048000e+03 : f32
    %broadcast_in_dim3A_39 = vector.broadcast %jit3A_38 : f32 to vector<512x2048xf32>
    %select_n3A_40 = arith.select %eq3A_37, %convert_element_type3A, %broadcast_in_dim3A_39 : vector<512x2048xi1>, vector<512x2048xf32>
    %reduce_min3A_41 = arith.constant dense<0x7F800000> : vector<512xf32>
    %reduce_min3A_42 = vector.multi_reduction <minimumf>, %select_n3A_40, %reduce_min3A_41 [1] : vector<512x2048xf32> to vector<512xf32>
    %broadcast_in_dim3A_43 = vector.shape_cast %reduce_min3A_42 : vector<512xf32> to vector<512x1xf32>
    %eq3A_44 = vector.broadcast %broadcast_in_dim3A_43 : vector<512x1xf32> to vector<512x2048xf32>
    %eq3A_45 = arith.cmpf oeq, %convert_element_type3A, %eq3A_44 : vector<512x2048xf32>
    %jit3A_46 = arith.constant 0x7F800000 : f32
    %broadcast_in_dim3A_47 = vector.broadcast %jit3A_46 : f32 to vector<512x2048xf32>
    %select_n3A_48 = arith.select %eq3A_45, %broadcast_in_dim3A_47, %select_n3A_32 : vector<512x2048xi1>, vector<512x2048xf32>
    %reduce_min3A_49 = arith.constant dense<0x7F800000> : vector<512xf32>
    %reduce_min3A_50 = vector.multi_reduction <minimumf>, %select_n3A_48, %reduce_min3A_49 [1] : vector<512x2048xf32> to vector<512xf32>
    %broadcast_in_dim3A_51 = vector.shape_cast %reduce_min3A_50 : vector<512xf32> to vector<512x1xf32>
    %eq3A_52 = vector.broadcast %broadcast_in_dim3A_51 : vector<512x1xf32> to vector<512x2048xf32>
    %eq3A_53 = arith.cmpf oeq, %select_n3A_48, %eq3A_52 : vector<512x2048xf32>
    %jit3A_54 = arith.constant 2.048000e+03 : f32
    %broadcast_in_dim3A_55 = vector.broadcast %jit3A_54 : f32 to vector<512x2048xf32>
    %select_n3A_56 = arith.select %eq3A_53, %convert_element_type3A, %broadcast_in_dim3A_55 : vector<512x2048xi1>, vector<512x2048xf32>
    %reduce_min3A_57 = arith.constant dense<0x7F800000> : vector<512xf32>
    %reduce_min3A_58 = vector.multi_reduction <minimumf>, %select_n3A_56, %reduce_min3A_57 [1] : vector<512x2048xf32> to vector<512xf32>
    %broadcast_in_dim3A_59 = vector.shape_cast %reduce_min3A_58 : vector<512xf32> to vector<512x1xf32>
    %eq3A_60 = vector.broadcast %broadcast_in_dim3A_59 : vector<512x1xf32> to vector<512x2048xf32>
    %eq3A_61 = arith.cmpf oeq, %convert_element_type3A, %eq3A_60 : vector<512x2048xf32>
    %jit3A_62 = arith.constant 0x7F800000 : f32
    %broadcast_in_dim3A_63 = vector.broadcast %jit3A_62 : f32 to vector<512x2048xf32>
    %select_n3A_64 = arith.select %eq3A_61, %broadcast_in_dim3A_63, %select_n3A_48 : vector<512x2048xi1>, vector<512x2048xf32>
    %reduce_min3A_65 = arith.constant dense<0x7F800000> : vector<512xf32>
    %reduce_min3A_66 = vector.multi_reduction <minimumf>, %select_n3A_64, %reduce_min3A_65 [1] : vector<512x2048xf32> to vector<512xf32>
    %broadcast_in_dim3A_67 = vector.shape_cast %reduce_min3A_66 : vector<512xf32> to vector<512x1xf32>
    %eq3A_68 = vector.broadcast %broadcast_in_dim3A_67 : vector<512x1xf32> to vector<512x2048xf32>
    %eq3A_69 = arith.cmpf oeq, %select_n3A_64, %eq3A_68 : vector<512x2048xf32>
    %jit3A_70 = arith.constant 2.048000e+03 : f32
    %broadcast_in_dim3A_71 = vector.broadcast %jit3A_70 : f32 to vector<512x2048xf32>
    %select_n3A_72 = arith.select %eq3A_69, %convert_element_type3A, %broadcast_in_dim3A_71 : vector<512x2048xi1>, vector<512x2048xf32>
    %reduce_min3A_73 = arith.constant dense<0x7F800000> : vector<512xf32>
    %reduce_min3A_74 = vector.multi_reduction <minimumf>, %select_n3A_72, %reduce_min3A_73 [1] : vector<512x2048xf32> to vector<512xf32>
    %broadcast_in_dim3A_75 = vector.shape_cast %reduce_min3A_74 : vector<512xf32> to vector<512x1xf32>
    %eq3A_76 = vector.broadcast %broadcast_in_dim3A_75 : vector<512x1xf32> to vector<512x2048xf32>
    %eq3A_77 = arith.cmpf oeq, %convert_element_type3A, %eq3A_76 : vector<512x2048xf32>
    %jit3A_78 = arith.constant 0x7F800000 : f32
    %broadcast_in_dim3A_79 = vector.broadcast %jit3A_78 : f32 to vector<512x2048xf32>
    %select_n3A_80 = arith.select %eq3A_77, %broadcast_in_dim3A_79, %select_n3A_64 : vector<512x2048xi1>, vector<512x2048xf32>
    %reduce_min3A_81 = arith.constant dense<0x7F800000> : vector<512xf32>
    %reduce_min3A_82 = vector.multi_reduction <minimumf>, %select_n3A_80, %reduce_min3A_81 [1] : vector<512x2048xf32> to vector<512xf32>
    %broadcast_in_dim3A_83 = vector.shape_cast %reduce_min3A_82 : vector<512xf32> to vector<512x1xf32>
    %eq3A_84 = vector.broadcast %broadcast_in_dim3A_83 : vector<512x1xf32> to vector<512x2048xf32>
    %eq3A_85 = arith.cmpf oeq, %select_n3A_80, %eq3A_84 : vector<512x2048xf32>
    %jit3A_86 = arith.constant 2.048000e+03 : f32
    %broadcast_in_dim3A_87 = vector.broadcast %jit3A_86 : f32 to vector<512x2048xf32>
    %select_n3A_88 = arith.select %eq3A_85, %convert_element_type3A, %broadcast_in_dim3A_87 : vector<512x2048xi1>, vector<512x2048xf32>
    %reduce_min3A_89 = arith.constant dense<0x7F800000> : vector<512xf32>
    %reduce_min3A_90 = vector.multi_reduction <minimumf>, %select_n3A_88, %reduce_min3A_89 [1] : vector<512x2048xf32> to vector<512xf32>
    %broadcast_in_dim3A_91 = vector.shape_cast %reduce_min3A_90 : vector<512xf32> to vector<512x1xf32>
    %eq3A_92 = vector.broadcast %broadcast_in_dim3A_91 : vector<512x1xf32> to vector<512x2048xf32>
    %eq3A_93 = arith.cmpf oeq, %convert_element_type3A, %eq3A_92 : vector<512x2048xf32>
    %jit3A_94 = arith.constant 0x7F800000 : f32
    %broadcast_in_dim3A_95 = vector.broadcast %jit3A_94 : f32 to vector<512x2048xf32>
    %select_n3A_96 = arith.select %eq3A_93, %broadcast_in_dim3A_95, %select_n3A_80 : vector<512x2048xi1>, vector<512x2048xf32>
    %reduce_min3A_97 = arith.constant dense<0x7F800000> : vector<512xf32>
    %reduce_min3A_98 = vector.multi_reduction <minimumf>, %select_n3A_96, %reduce_min3A_97 [1] : vector<512x2048xf32> to vector<512xf32>
    %broadcast_in_dim3A_99 = vector.shape_cast %reduce_min3A_98 : vector<512xf32> to vector<512x1xf32>
    %eq3A_100 = vector.broadcast %broadcast_in_dim3A_99 : vector<512x1xf32> to vector<512x2048xf32>
    %eq3A_101 = arith.cmpf oeq, %select_n3A_96, %eq3A_100 : vector<512x2048xf32>
    %jit3A_102 = arith.constant 2.048000e+03 : f32
    %broadcast_in_dim3A_103 = vector.broadcast %jit3A_102 : f32 to vector<512x2048xf32>
    %select_n3A_104 = arith.select %eq3A_101, %convert_element_type3A, %broadcast_in_dim3A_103 : vector<512x2048xi1>, vector<512x2048xf32>
    %reduce_min3A_105 = arith.constant dense<0x7F800000> : vector<512xf32>
    %reduce_min3A_106 = vector.multi_reduction <minimumf>, %select_n3A_104, %reduce_min3A_105 [1] : vector<512x2048xf32> to vector<512xf32>
    %broadcast_in_dim3A_107 = vector.shape_cast %reduce_min3A_106 : vector<512xf32> to vector<512x1xf32>
    %eq3A_108 = vector.broadcast %broadcast_in_dim3A_107 : vector<512x1xf32> to vector<512x2048xf32>
    %eq3A_109 = arith.cmpf oeq, %convert_element_type3A, %eq3A_108 : vector<512x2048xf32>
    %jit3A_110 = arith.constant 0x7F800000 : f32
    %broadcast_in_dim3A_111 = vector.broadcast %jit3A_110 : f32 to vector<512x2048xf32>
    %select_n3A_112 = arith.select %eq3A_109, %broadcast_in_dim3A_111, %select_n3A_96 : vector<512x2048xi1>, vector<512x2048xf32>
    %reduce_min3A_113 = arith.constant dense<0x7F800000> : vector<512xf32>
    %reduce_min3A_114 = vector.multi_reduction <minimumf>, %select_n3A_112, %reduce_min3A_113 [1] : vector<512x2048xf32> to vector<512xf32>
    %broadcast_in_dim3A_115 = vector.shape_cast %reduce_min3A_114 : vector<512xf32> to vector<512x1xf32>
    %eq3A_116 = vector.broadcast %broadcast_in_dim3A_115 : vector<512x1xf32> to vector<512x2048xf32>
    %eq3A_117 = arith.cmpf oeq, %select_n3A_112, %eq3A_116 : vector<512x2048xf32>
    %jit3A_118 = arith.constant 2.048000e+03 : f32
    %broadcast_in_dim3A_119 = vector.broadcast %jit3A_118 : f32 to vector<512x2048xf32>
    %select_n3A_120 = arith.select %eq3A_117, %convert_element_type3A, %broadcast_in_dim3A_119 : vector<512x2048xi1>, vector<512x2048xf32>
    %reduce_min3A_121 = arith.constant dense<0x7F800000> : vector<512xf32>
    %reduce_min3A_122 = vector.multi_reduction <minimumf>, %select_n3A_120, %reduce_min3A_121 [1] : vector<512x2048xf32> to vector<512xf32>
    %broadcast_in_dim3A_123 = vector.shape_cast %reduce_min3A_122 : vector<512xf32> to vector<512x1xf32>
    %eq3A_124 = vector.broadcast %broadcast_in_dim3A_123 : vector<512x1xf32> to vector<512x2048xf32>
    %eq3A_125 = arith.cmpf oeq, %convert_element_type3A, %eq3A_124 : vector<512x2048xf32>
    %jit3A_126 = arith.constant 0x7F800000 : f32
    %broadcast_in_dim3A_127 = vector.broadcast %jit3A_126 : f32 to vector<512x2048xf32>
    %select_n3A_128 = arith.select %eq3A_125, %broadcast_in_dim3A_127, %select_n3A_112 : vector<512x2048xi1>, vector<512x2048xf32>
    %reduce_min3A_129 = arith.constant dense<0x7F800000> : vector<512xf32>
    %reduce_min3A_130 = vector.multi_reduction <minimumf>, %select_n3A_128, %reduce_min3A_129 [1] : vector<512x2048xf32> to vector<512xf32>
    %broadcast_in_dim3A_131 = vector.shape_cast %reduce_min3A_130 : vector<512xf32> to vector<512x1xf32>
    %eq3A_132 = vector.broadcast %broadcast_in_dim3A_131 : vector<512x1xf32> to vector<512x2048xf32>
    %eq3A_133 = arith.cmpf oeq, %select_n3A_128, %eq3A_132 : vector<512x2048xf32>
    %jit3A_134 = arith.constant 2.048000e+03 : f32
    %broadcast_in_dim3A_135 = vector.broadcast %jit3A_134 : f32 to vector<512x2048xf32>
    %select_n3A_136 = arith.select %eq3A_133, %convert_element_type3A, %broadcast_in_dim3A_135 : vector<512x2048xi1>, vector<512x2048xf32>
    %reduce_min3A_137 = arith.constant dense<0x7F800000> : vector<512xf32>
    %reduce_min3A_138 = vector.multi_reduction <minimumf>, %select_n3A_136, %reduce_min3A_137 [1] : vector<512x2048xf32> to vector<512xf32>
    %broadcast_in_dim3A_139 = vector.shape_cast %reduce_min3A_138 : vector<512xf32> to vector<512x1xf32>
    %eq3A_140 = vector.broadcast %broadcast_in_dim3A_139 : vector<512x1xf32> to vector<512x2048xf32>
    %eq3A_141 = arith.cmpf oeq, %convert_element_type3A, %eq3A_140 : vector<512x2048xf32>
    %jit3A_142 = arith.constant 0x7F800000 : f32
    %broadcast_in_dim3A_143 = vector.broadcast %jit3A_142 : f32 to vector<512x2048xf32>
    %select_n3A_144 = arith.select %eq3A_141, %broadcast_in_dim3A_143, %select_n3A_128 : vector<512x2048xi1>, vector<512x2048xf32>
    %reduce_min3A_145 = arith.constant dense<0x7F800000> : vector<512xf32>
    %reduce_min3A_146 = vector.multi_reduction <minimumf>, %select_n3A_144, %reduce_min3A_145 [1] : vector<512x2048xf32> to vector<512xf32>
    %broadcast_in_dim3A_147 = vector.shape_cast %reduce_min3A_146 : vector<512xf32> to vector<512x1xf32>
    %eq3A_148 = vector.broadcast %broadcast_in_dim3A_147 : vector<512x1xf32> to vector<512x2048xf32>
    %eq3A_149 = arith.cmpf oeq, %select_n3A_144, %eq3A_148 : vector<512x2048xf32>
    %jit3A_150 = arith.constant 2.048000e+03 : f32
    %broadcast_in_dim3A_151 = vector.broadcast %jit3A_150 : f32 to vector<512x2048xf32>
    %select_n3A_152 = arith.select %eq3A_149, %convert_element_type3A, %broadcast_in_dim3A_151 : vector<512x2048xi1>, vector<512x2048xf32>
    %reduce_min3A_153 = arith.constant dense<0x7F800000> : vector<512xf32>
    %reduce_min3A_154 = vector.multi_reduction <minimumf>, %select_n3A_152, %reduce_min3A_153 [1] : vector<512x2048xf32> to vector<512xf32>
    %broadcast_in_dim3A_155 = vector.shape_cast %reduce_min3A_154 : vector<512xf32> to vector<512x1xf32>
    %eq3A_156 = vector.broadcast %broadcast_in_dim3A_155 : vector<512x1xf32> to vector<512x2048xf32>
    %eq3A_157 = arith.cmpf oeq, %convert_element_type3A, %eq3A_156 : vector<512x2048xf32>
    %jit3A_158 = arith.constant 0x7F800000 : f32
    %broadcast_in_dim3A_159 = vector.broadcast %jit3A_158 : f32 to vector<512x2048xf32>
    %select_n3A_160 = arith.select %eq3A_157, %broadcast_in_dim3A_159, %select_n3A_144 : vector<512x2048xi1>, vector<512x2048xf32>
    %reduce_min3A_161 = arith.constant dense<0x7F800000> : vector<512xf32>
    %reduce_min3A_162 = vector.multi_reduction <minimumf>, %select_n3A_160, %reduce_min3A_161 [1] : vector<512x2048xf32> to vector<512xf32>
    %broadcast_in_dim3A_163 = vector.shape_cast %reduce_min3A_162 : vector<512xf32> to vector<512x1xf32>
    %eq3A_164 = vector.broadcast %broadcast_in_dim3A_163 : vector<512x1xf32> to vector<512x2048xf32>
    %eq3A_165 = arith.cmpf oeq, %select_n3A_160, %eq3A_164 : vector<512x2048xf32>
    %jit3A_166 = arith.constant 2.048000e+03 : f32
    %broadcast_in_dim3A_167 = vector.broadcast %jit3A_166 : f32 to vector<512x2048xf32>
    %select_n3A_168 = arith.select %eq3A_165, %convert_element_type3A, %broadcast_in_dim3A_167 : vector<512x2048xi1>, vector<512x2048xf32>
    %reduce_min3A_169 = arith.constant dense<0x7F800000> : vector<512xf32>
    %reduce_min3A_170 = vector.multi_reduction <minimumf>, %select_n3A_168, %reduce_min3A_169 [1] : vector<512x2048xf32> to vector<512xf32>
    %broadcast_in_dim3A_171 = vector.shape_cast %reduce_min3A_170 : vector<512xf32> to vector<512x1xf32>
    %eq3A_172 = vector.broadcast %broadcast_in_dim3A_171 : vector<512x1xf32> to vector<512x2048xf32>
    %eq3A_173 = arith.cmpf oeq, %convert_element_type3A, %eq3A_172 : vector<512x2048xf32>
    %jit3A_174 = arith.constant 0x7F800000 : f32
    %broadcast_in_dim3A_175 = vector.broadcast %jit3A_174 : f32 to vector<512x2048xf32>
    %select_n3A_176 = arith.select %eq3A_173, %broadcast_in_dim3A_175, %select_n3A_160 : vector<512x2048xi1>, vector<512x2048xf32>
    %reduce_min3A_177 = arith.constant dense<0x7F800000> : vector<512xf32>
    %reduce_min3A_178 = vector.multi_reduction <minimumf>, %select_n3A_176, %reduce_min3A_177 [1] : vector<512x2048xf32> to vector<512xf32>
    %broadcast_in_dim3A_179 = vector.shape_cast %reduce_min3A_178 : vector<512xf32> to vector<512x1xf32>
    %eq3A_180 = vector.broadcast %broadcast_in_dim3A_179 : vector<512x1xf32> to vector<512x2048xf32>
    %eq3A_181 = arith.cmpf oeq, %select_n3A_176, %eq3A_180 : vector<512x2048xf32>
    %jit3A_182 = arith.constant 2.048000e+03 : f32
    %broadcast_in_dim3A_183 = vector.broadcast %jit3A_182 : f32 to vector<512x2048xf32>
    %select_n3A_184 = arith.select %eq3A_181, %convert_element_type3A, %broadcast_in_dim3A_183 : vector<512x2048xi1>, vector<512x2048xf32>
    %reduce_min3A_185 = arith.constant dense<0x7F800000> : vector<512xf32>
    %reduce_min3A_186 = vector.multi_reduction <minimumf>, %select_n3A_184, %reduce_min3A_185 [1] : vector<512x2048xf32> to vector<512xf32>
    %broadcast_in_dim3A_187 = vector.shape_cast %reduce_min3A_186 : vector<512xf32> to vector<512x1xf32>
    %eq3A_188 = vector.broadcast %broadcast_in_dim3A_187 : vector<512x1xf32> to vector<512x2048xf32>
    %eq3A_189 = arith.cmpf oeq, %convert_element_type3A, %eq3A_188 : vector<512x2048xf32>
    %jit3A_190 = arith.constant 0x7F800000 : f32
    %broadcast_in_dim3A_191 = vector.broadcast %jit3A_190 : f32 to vector<512x2048xf32>
    %select_n3A_192 = arith.select %eq3A_189, %broadcast_in_dim3A_191, %select_n3A_176 : vector<512x2048xi1>, vector<512x2048xf32>
    %reduce_min3A_193 = arith.constant dense<0x7F800000> : vector<512xf32>
    %reduce_min3A_194 = vector.multi_reduction <minimumf>, %select_n3A_192, %reduce_min3A_193 [1] : vector<512x2048xf32> to vector<512xf32>
    %broadcast_in_dim3A_195 = vector.shape_cast %reduce_min3A_194 : vector<512xf32> to vector<512x1xf32>
    %eq3A_196 = vector.broadcast %broadcast_in_dim3A_195 : vector<512x1xf32> to vector<512x2048xf32>
    %eq3A_197 = arith.cmpf oeq, %select_n3A_192, %eq3A_196 : vector<512x2048xf32>
    %jit3A_198 = arith.constant 2.048000e+03 : f32
    %broadcast_in_dim3A_199 = vector.broadcast %jit3A_198 : f32 to vector<512x2048xf32>
    %select_n3A_200 = arith.select %eq3A_197, %convert_element_type3A, %broadcast_in_dim3A_199 : vector<512x2048xi1>, vector<512x2048xf32>
    %reduce_min3A_201 = arith.constant dense<0x7F800000> : vector<512xf32>
    %reduce_min3A_202 = vector.multi_reduction <minimumf>, %select_n3A_200, %reduce_min3A_201 [1] : vector<512x2048xf32> to vector<512xf32>
    %broadcast_in_dim3A_203 = vector.shape_cast %reduce_min3A_202 : vector<512xf32> to vector<512x1xf32>
    %eq3A_204 = vector.broadcast %broadcast_in_dim3A_203 : vector<512x1xf32> to vector<512x2048xf32>
    %eq3A_205 = arith.cmpf oeq, %convert_element_type3A, %eq3A_204 : vector<512x2048xf32>
    %jit3A_206 = arith.constant 0x7F800000 : f32
    %broadcast_in_dim3A_207 = vector.broadcast %jit3A_206 : f32 to vector<512x2048xf32>
    %select_n3A_208 = arith.select %eq3A_205, %broadcast_in_dim3A_207, %select_n3A_192 : vector<512x2048xi1>, vector<512x2048xf32>
    %reduce_min3A_209 = arith.constant dense<0x7F800000> : vector<512xf32>
    %reduce_min3A_210 = vector.multi_reduction <minimumf>, %select_n3A_208, %reduce_min3A_209 [1] : vector<512x2048xf32> to vector<512xf32>
    %broadcast_in_dim3A_211 = vector.shape_cast %reduce_min3A_210 : vector<512xf32> to vector<512x1xf32>
    %eq3A_212 = vector.broadcast %broadcast_in_dim3A_211 : vector<512x1xf32> to vector<512x2048xf32>
    %eq3A_213 = arith.cmpf oeq, %select_n3A_208, %eq3A_212 : vector<512x2048xf32>
    %jit3A_214 = arith.constant 2.048000e+03 : f32
    %broadcast_in_dim3A_215 = vector.broadcast %jit3A_214 : f32 to vector<512x2048xf32>
    %select_n3A_216 = arith.select %eq3A_213, %convert_element_type3A, %broadcast_in_dim3A_215 : vector<512x2048xi1>, vector<512x2048xf32>
    %reduce_min3A_217 = arith.constant dense<0x7F800000> : vector<512xf32>
    %reduce_min3A_218 = vector.multi_reduction <minimumf>, %select_n3A_216, %reduce_min3A_217 [1] : vector<512x2048xf32> to vector<512xf32>
    %broadcast_in_dim3A_219 = vector.shape_cast %reduce_min3A_218 : vector<512xf32> to vector<512x1xf32>
    %eq3A_220 = vector.broadcast %broadcast_in_dim3A_219 : vector<512x1xf32> to vector<512x2048xf32>
    %eq3A_221 = arith.cmpf oeq, %convert_element_type3A, %eq3A_220 : vector<512x2048xf32>
    %jit3A_222 = arith.constant 0x7F800000 : f32
    %broadcast_in_dim3A_223 = vector.broadcast %jit3A_222 : f32 to vector<512x2048xf32>
    %select_n3A_224 = arith.select %eq3A_221, %broadcast_in_dim3A_223, %select_n3A_208 : vector<512x2048xi1>, vector<512x2048xf32>
    %reduce_min3A_225 = arith.constant dense<0x7F800000> : vector<512xf32>
    %reduce_min3A_226 = vector.multi_reduction <minimumf>, %select_n3A_224, %reduce_min3A_225 [1] : vector<512x2048xf32> to vector<512xf32>
    %broadcast_in_dim3A_227 = vector.shape_cast %reduce_min3A_226 : vector<512xf32> to vector<512x1xf32>
    %eq3A_228 = vector.broadcast %broadcast_in_dim3A_227 : vector<512x1xf32> to vector<512x2048xf32>
    %eq3A_229 = arith.cmpf oeq, %select_n3A_224, %eq3A_228 : vector<512x2048xf32>
    %jit3A_230 = arith.constant 2.048000e+03 : f32
    %broadcast_in_dim3A_231 = vector.broadcast %jit3A_230 : f32 to vector<512x2048xf32>
    %select_n3A_232 = arith.select %eq3A_229, %convert_element_type3A, %broadcast_in_dim3A_231 : vector<512x2048xi1>, vector<512x2048xf32>
    %reduce_min3A_233 = arith.constant dense<0x7F800000> : vector<512xf32>
    %reduce_min3A_234 = vector.multi_reduction <minimumf>, %select_n3A_232, %reduce_min3A_233 [1] : vector<512x2048xf32> to vector<512xf32>
    %broadcast_in_dim3A_235 = vector.shape_cast %reduce_min3A_234 : vector<512xf32> to vector<512x1xf32>
    %eq3A_236 = vector.broadcast %broadcast_in_dim3A_235 : vector<512x1xf32> to vector<512x2048xf32>
    %eq3A_237 = arith.cmpf oeq, %convert_element_type3A, %eq3A_236 : vector<512x2048xf32>
    %jit3A_238 = arith.constant 0x7F800000 : f32
    %broadcast_in_dim3A_239 = vector.broadcast %jit3A_238 : f32 to vector<512x2048xf32>
    %select_n3A_240 = arith.select %eq3A_237, %broadcast_in_dim3A_239, %select_n3A_224 : vector<512x2048xi1>, vector<512x2048xf32>
    %reduce_min3A_241 = arith.constant dense<0x7F800000> : vector<512xf32>
    %reduce_min3A_242 = vector.multi_reduction <minimumf>, %select_n3A_240, %reduce_min3A_241 [1] : vector<512x2048xf32> to vector<512xf32>
    %broadcast_in_dim3A_243 = vector.shape_cast %reduce_min3A_242 : vector<512xf32> to vector<512x1xf32>
    %eq3A_244 = vector.broadcast %broadcast_in_dim3A_243 : vector<512x1xf32> to vector<512x2048xf32>
    %eq3A_245 = arith.cmpf oeq, %select_n3A_240, %eq3A_244 : vector<512x2048xf32>
    %jit3A_246 = arith.constant 2.048000e+03 : f32
    %broadcast_in_dim3A_247 = vector.broadcast %jit3A_246 : f32 to vector<512x2048xf32>
    %select_n3A_248 = arith.select %eq3A_245, %convert_element_type3A, %broadcast_in_dim3A_247 : vector<512x2048xi1>, vector<512x2048xf32>
    %reduce_min3A_249 = arith.constant dense<0x7F800000> : vector<512xf32>
    %reduce_min3A_250 = vector.multi_reduction <minimumf>, %select_n3A_248, %reduce_min3A_249 [1] : vector<512x2048xf32> to vector<512xf32>
    %broadcast_in_dim3A_251 = vector.shape_cast %reduce_min3A_250 : vector<512xf32> to vector<512x1xf32>
    %eq3A_252 = vector.broadcast %broadcast_in_dim3A_251 : vector<512x1xf32> to vector<512x2048xf32>
    %eq3A_253 = arith.cmpf oeq, %convert_element_type3A, %eq3A_252 : vector<512x2048xf32>
    %jit3A_254 = arith.constant 0x7F800000 : f32
    %broadcast_in_dim3A_255 = vector.broadcast %jit3A_254 : f32 to vector<512x2048xf32>
    %select_n3A_256 = arith.select %eq3A_253, %broadcast_in_dim3A_255, %select_n3A_240 : vector<512x2048xi1>, vector<512x2048xf32>
    %reduce_min3A_257 = arith.constant dense<0x7F800000> : vector<512xf32>
    %reduce_min3A_258 = vector.multi_reduction <minimumf>, %select_n3A_256, %reduce_min3A_257 [1] : vector<512x2048xf32> to vector<512xf32>
    %broadcast_in_dim3A_259 = vector.shape_cast %reduce_min3A_258 : vector<512xf32> to vector<512x1xf32>
    %eq3A_260 = vector.broadcast %broadcast_in_dim3A_259 : vector<512x1xf32> to vector<512x2048xf32>
    %eq3A_261 = arith.cmpf oeq, %select_n3A_256, %eq3A_260 : vector<512x2048xf32>
    %jit3A_262 = arith.constant 2.048000e+03 : f32
    %broadcast_in_dim3A_263 = vector.broadcast %jit3A_262 : f32 to vector<512x2048xf32>
    %select_n3A_264 = arith.select %eq3A_261, %convert_element_type3A, %broadcast_in_dim3A_263 : vector<512x2048xi1>, vector<512x2048xf32>
    %reduce_min3A_265 = arith.constant dense<0x7F800000> : vector<512xf32>
    %reduce_min3A_266 = vector.multi_reduction <minimumf>, %select_n3A_264, %reduce_min3A_265 [1] : vector<512x2048xf32> to vector<512xf32>
    %broadcast_in_dim3A_267 = vector.shape_cast %reduce_min3A_266 : vector<512xf32> to vector<512x1xf32>
    %concatenate3A = tpu.concatenate %broadcast_in_dim3A_27, %broadcast_in_dim3A_43, %broadcast_in_dim3A_59, %broadcast_in_dim3A_75, %broadcast_in_dim3A_91, %broadcast_in_dim3A_107, %broadcast_in_dim3A_123, %broadcast_in_dim3A_139, %broadcast_in_dim3A_155, %broadcast_in_dim3A_171, %broadcast_in_dim3A_187, %broadcast_in_dim3A_203, %broadcast_in_dim3A_219, %broadcast_in_dim3A_235, %broadcast_in_dim3A_251, %broadcast_in_dim3A_267 in 1 : vector<512x1xf32>, vector<512x1xf32>, vector<512x1xf32>, vector<512x1xf32>, vector<512x1xf32>, vector<512x1xf32>, vector<512x1xf32>, vector<512x1xf32>, vector<512x1xf32>, vector<512x1xf32>, vector<512x1xf32>, vector<512x1xf32>, vector<512x1xf32>, vector<512x1xf32>, vector<512x1xf32>, vector<512x1xf32> -> vector<512x16xf32>
    %convert_element_type3A_268 = arith.fptosi %concatenate3A : vector<512x16xf32> to vector<512x16xi32>
    %add3A_269 = arith.constant 0 : i32
    %add3A_270 = vector.broadcast %add3A_269 : i32 to vector<512x16xi32>
    %add3A_271 = arith.addi %convert_element_type3A_268, %add3A_270 : vector<512x16xi32>
    %swap3A = arith.constant 0 : index
    %swap3A_272 = arith.constant 0 : index
    %swap3A_273 = vector.load %arg3[%swap3A, %swap3A_272] : memref<512x16xi32, #tpu.memory_space<vmem>>, vector<512x16xi32>
    tpu.vector_store %arg3[%swap3A, %swap3A_272], %add3A_271 {strides = array<i32>} : memref<512x16xi32, #tpu.memory_space<vmem>>, vector<512x16xi32>,
    return
  }
  func.func @transform_0(%arg0: i32) -> (i32, i32, i32) {
    %c0_i32 = arith.constant 0 : i32
    %c0_i32_0 = arith.constant 0 : i32
    %c0_i32_1 = arith.constant 0 : i32
    return %c0_i32, %arg0, %c0_i32_0 : i32, i32, i32
  }
  func.func @transform_1(%arg0: i32) -> (i32, i32, i32) {
    %c0_i32 = arith.constant 0 : i32
    %c0_i32_0 = arith.constant 0 : i32
    %c0_i32_1 = arith.constant 0 : i32
    %c0_i32_2 = arith.constant 0 : i32
    return %c0_i32, %c0_i32_0, %c0_i32_1 : i32, i32, i32
  }
  func.func @transform_2(%arg0: i32) -> (i32, i32) {
    %c0_i32 = arith.constant 0 : i32
    %c0_i32_0 = arith.constant 0 : i32
    return %arg0, %c0_i32 : i32, i32
  }
}

module attributes {stable_mosaic.version = 14 : i64} {
  func.func @_attn_body(%arg0: i32, %arg1: memref<128x256xf32, #tpu.memory_space<vmem>>, %arg2: memref<2048x384xi32, #tpu.memory_space<vmem>>, %arg3: memref<128x128xf32, #tpu.memory_space<vmem>>, %arg4: memref<128x256xf32, #tpu.memory_space<vmem>>, %arg5: memref<1x256xf32, #tpu.memory_space<vmem>>, %arg6: memref<256x256xf32, #tpu.memory_space<vmem>>, %arg7: memref<1x256xf32, #tpu.memory_space<vmem>>, %arg8: memref<256x256xf32, #tpu.memory_space<vmem>>, %arg9: memref<1x256xf32, #tpu.memory_space<vmem>>, %arg10: memref<256x256xf32, #tpu.memory_space<vmem>>, %arg11: memref<1x256xf32, #tpu.memory_space<vmem>>, %arg12: memref<256x256xf32, #tpu.memory_space<vmem>>, %arg13: memref<1x256xf32, #tpu.memory_space<vmem>>, %arg14: memref<128x256xf32, #tpu.memory_space<vmem>>) attributes {dimension_semantics = [#tpu.dimension_semantics<arbitrary>], iteration_bounds = array<i64: 16>, scalar_prefetch = 0 : i64, scratch_operands = 0 : i64, tpu.core_type = #tpu.core_type<tc>, window_params = [{transform_indices = @transform_0, window_bounds = array<i64: 128, 256>}, {transform_indices = @transform_1, window_bounds = array<i64: 2048, 384>}, {transform_indices = @transform_2, window_bounds = array<i64: 128, 128>}, {pipeline_mode = #tpu.pipeline_mode<synchronous>, transform_indices = @transform_3, window_bounds = array<i64: 128, 256>}, {pipeline_mode = #tpu.pipeline_mode<synchronous>, transform_indices = @transform_4, window_bounds = array<i64: 1, 256>}, {pipeline_mode = #tpu.pipeline_mode<synchronous>, transform_indices = @transform_5, window_bounds = array<i64: 256, 256>}, {pipeline_mode = #tpu.pipeline_mode<synchronous>, transform_indices = @transform_6, window_bounds = array<i64: 1, 256>}, {pipeline_mode = #tpu.pipeline_mode<synchronous>, transform_indices = @transform_7, window_bounds = array<i64: 256, 256>}, {pipeline_mode = #tpu.pipeline_mode<synchronous>, transform_indices = @transform_8, window_bounds = array<i64: 1, 256>}, {pipeline_mode = #tpu.pipeline_mode<synchronous>, transform_indices = @transform_9, window_bounds = array<i64: 256, 256>}, {pipeline_mode = #tpu.pipeline_mode<synchronous>, transform_indices = @transform_10, window_bounds = array<i64: 1, 256>}, {pipeline_mode = #tpu.pipeline_mode<synchronous>, transform_indices = @transform_11, window_bounds = array<i64: 256, 256>}, {pipeline_mode = #tpu.pipeline_mode<synchronous>, transform_indices = @transform_12, window_bounds = array<i64: 1, 256>}, {transform_indices = @transform_13, window_bounds = array<i64: 128, 256>}]} {
    %get3A = arith.constant 0 : index
    %get3A_0 = arith.constant 0 : index
    %get3A_1 = vector.load %arg2[%get3A, %get3A_0] : memref<2048x384xi32, #tpu.memory_space<vmem>>, vector<2048x256xi32>
    %bitcast_convert_type3A = tpu.bitcast %get3A_1 : vector<2048x256xi32> -> vector<2048x256xi32>
    %and3A = arith.constant -65536 : i32
    %and3A_2 = vector.broadcast %and3A : i32 to vector<2048x256xi32>
    %and3A_3 = arith.andi %bitcast_convert_type3A, %and3A_2 : vector<2048x256xi32>
    %bitcast_convert_type3A_4 = tpu.bitcast %and3A_3 : vector<2048x256xi32> -> vector<2048x256xf32>
    %shift_left3A = arith.constant 16 : i32
    %shift_left3A_5 = vector.broadcast %shift_left3A : i32 to vector<2048x256xi32>
    %shift_left3A_6 = arith.shli %bitcast_convert_type3A, %shift_left3A_5 : vector<2048x256xi32>
    %bitcast_convert_type3A_7 = tpu.bitcast %shift_left3A_6 : vector<2048x256xi32> -> vector<2048x256xf32>
    %get3A_8 = arith.constant 0 : index
    %get3A_9 = arith.constant 256 : index
    %get3A_10 = vector.load %arg2[%get3A_8, %get3A_9] : memref<2048x384xi32, #tpu.memory_space<vmem>>, vector<2048x128xi32>
    %bitcast_convert_type3A_11 = tpu.bitcast %get3A_10 : vector<2048x128xi32> -> vector<2048x128xf32>
    %get3A_12 = arith.constant 0 : index
    %get3A_13 = arith.constant 0 : index
    %get3A_14 = vector.load %arg3[%get3A_12, %get3A_13] : memref<128x128xf32, #tpu.memory_space<vmem>>, vector<128x128xf32>
    %broadcast_in_dim3A = vector.shape_cast %get3A_14 : vector<128x128xf32> to vector<128x1x128xf32>
    %reshape3A = vector.shape_cast %bitcast_convert_type3A_11 : vector<2048x128xf32> to vector<128x16x128xf32>
    %sub3A = vector.broadcast %broadcast_in_dim3A : vector<128x1x128xf32> to vector<128x16x128xf32>
    %sub3A_15 = arith.subf %sub3A, %reshape3A : vector<128x16x128xf32>
    %reshape3A_16 = vector.shape_cast %sub3A_15 : vector<128x16x128xf32> to vector<2048x128xf32>
    %get3A_17 = arith.constant 0 : index
    %get3A_18 = arith.constant 0 : index
    %get3A_19 = vector.load %arg4[%get3A_17, %get3A_18] : memref<128x256xf32, #tpu.memory_space<vmem>>, vector<128x256xf32>
    %dot_general3A = arith.constant dense<0.000000e+00> : vector<2048x256xf32>
    %dot_general3A_20 = tpu.matmul %reshape3A_16, %get3A_19, %dot_general3A {dimension_numbers = #tpu.dot_dimension_numbers<[1], [0], [0], [1], [0, 0, 1, 1], [], []>, transpose_lhs_hint = false} : vector<2048x128xf32>, vector<128x256xf32>, vector<2048x256xf32> -> vector<2048x256xf32>
    %get3A_21 = arith.constant 0 : index
    %get3A_22 = arith.constant 0 : index
    %get3A_23 = vector.load %arg5[%get3A_21, %get3A_22] : memref<1x256xf32, #tpu.memory_space<vmem>>, vector<1x256xf32>
    %add3A = vector.broadcast %get3A_23 : vector<1x256xf32> to vector<2048x256xf32>
    %add3A_24 = arith.addf %dot_general3A_20, %add3A : vector<2048x256xf32>
    %max3A = arith.constant 0.000000e+00 : f32
    %max3A_25 = vector.broadcast %max3A : f32 to vector<2048x256xf32>
    %max3A_26 = arith.maximumf %add3A_24, %max3A_25 : vector<2048x256xf32>
    %get3A_27 = arith.constant 0 : index
    %get3A_28 = arith.constant 0 : index
    %get3A_29 = vector.load %arg6[%get3A_27, %get3A_28] : memref<256x256xf32, #tpu.memory_space<vmem>>, vector<256x256xf32>
    %dot_general3A_30 = arith.constant dense<0.000000e+00> : vector<2048x256xf32>
    %dot_general3A_31 = tpu.matmul %max3A_26, %get3A_29, %dot_general3A_30 {dimension_numbers = #tpu.dot_dimension_numbers<[1], [0], [0], [1], [0, 0, 1, 1], [], []>, transpose_lhs_hint = false} : vector<2048x256xf32>, vector<256x256xf32>, vector<2048x256xf32> -> vector<2048x256xf32>
    %get3A_32 = arith.constant 0 : index
    %get3A_33 = arith.constant 0 : index
    %get3A_34 = vector.load %arg7[%get3A_32, %get3A_33] : memref<1x256xf32, #tpu.memory_space<vmem>>, vector<1x256xf32>
    %add3A_35 = vector.broadcast %get3A_34 : vector<1x256xf32> to vector<2048x256xf32>
    %add3A_36 = arith.addf %dot_general3A_31, %add3A_35 : vector<2048x256xf32>
    %get3A_37 = arith.constant 0 : index
    %get3A_38 = arith.constant 0 : index
    %get3A_39 = vector.load %arg1[%get3A_37, %get3A_38] : memref<128x256xf32, #tpu.memory_space<vmem>>, vector<128x256xf32>
    %broadcast_in_dim3A_40 = vector.shape_cast %get3A_39 : vector<128x256xf32> to vector<128x1x256xf32>
    %reshape3A_41 = vector.shape_cast %bitcast_convert_type3A_4 : vector<2048x256xf32> to vector<128x16x256xf32>
    %sub3A_42 = vector.broadcast %broadcast_in_dim3A_40 : vector<128x1x256xf32> to vector<128x16x256xf32>
    %sub3A_43 = arith.subf %sub3A_42, %reshape3A_41 : vector<128x16x256xf32>
    %reshape3A_44 = vector.shape_cast %add3A_36 : vector<2048x256xf32> to vector<128x16x256xf32>
    %add3A_45 = arith.addf %sub3A_43, %reshape3A_44 : vector<128x16x256xf32>
    %reshape3A_46 = vector.shape_cast %add3A_45 : vector<128x16x256xf32> to vector<2048x256xf32>
    %get3A_47 = arith.constant 0 : index
    %get3A_48 = arith.constant 0 : index
    %get3A_49 = vector.load %arg8[%get3A_47, %get3A_48] : memref<256x256xf32, #tpu.memory_space<vmem>>, vector<256x256xf32>
    %dot_general3A_50 = arith.constant dense<0.000000e+00> : vector<2048x256xf32>
    %dot_general3A_51 = tpu.matmul %reshape3A_46, %get3A_49, %dot_general3A_50 {dimension_numbers = #tpu.dot_dimension_numbers<[1], [0], [0], [1], [0, 0, 1, 1], [], []>, transpose_lhs_hint = false} : vector<2048x256xf32>, vector<256x256xf32>, vector<2048x256xf32> -> vector<2048x256xf32>
    %get3A_52 = arith.constant 0 : index
    %get3A_53 = arith.constant 0 : index
    %get3A_54 = vector.load %arg9[%get3A_52, %get3A_53] : memref<1x256xf32, #tpu.memory_space<vmem>>, vector<1x256xf32>
    %add3A_55 = vector.broadcast %get3A_54 : vector<1x256xf32> to vector<2048x256xf32>
    %add3A_56 = arith.addf %dot_general3A_51, %add3A_55 : vector<2048x256xf32>
    %max3A_57 = arith.constant 0.000000e+00 : f32
    %max3A_58 = vector.broadcast %max3A_57 : f32 to vector<2048x256xf32>
    %max3A_59 = arith.maximumf %add3A_56, %max3A_58 : vector<2048x256xf32>
    %get3A_60 = arith.constant 0 : index
    %get3A_61 = arith.constant 0 : index
    %get3A_62 = vector.load %arg10[%get3A_60, %get3A_61] : memref<256x256xf32, #tpu.memory_space<vmem>>, vector<256x256xf32>
    %dot_general3A_63 = arith.constant dense<0.000000e+00> : vector<2048x256xf32>
    %dot_general3A_64 = tpu.matmul %max3A_59, %get3A_62, %dot_general3A_63 {dimension_numbers = #tpu.dot_dimension_numbers<[1], [0], [0], [1], [0, 0, 1, 1], [], []>, transpose_lhs_hint = false} : vector<2048x256xf32>, vector<256x256xf32>, vector<2048x256xf32> -> vector<2048x256xf32>
    %get3A_65 = arith.constant 0 : index
    %get3A_66 = arith.constant 0 : index
    %get3A_67 = vector.load %arg11[%get3A_65, %get3A_66] : memref<1x256xf32, #tpu.memory_space<vmem>>, vector<1x256xf32>
    %add3A_68 = vector.broadcast %get3A_67 : vector<1x256xf32> to vector<2048x256xf32>
    %add3A_69 = arith.addf %dot_general3A_64, %add3A_68 : vector<2048x256xf32>
    %reshape3A_70 = vector.shape_cast %add3A_69 : vector<2048x256xf32> to vector<128x16x256xf32>
    %exp3A = math.exp %reshape3A_70 : vector<128x16x256xf32>
    %reduce_sum3A = arith.constant dense<0.000000e+00> : vector<128x256xf32>
    %reduce_sum3A_71 = vector.multi_reduction <add>, %exp3A, %reduce_sum3A [1] : vector<128x16x256xf32> to vector<128x256xf32>
    %broadcast_in_dim3A_72 = vector.shape_cast %reduce_sum3A_71 : vector<128x256xf32> to vector<128x1x256xf32>
    %div3A = vector.broadcast %broadcast_in_dim3A_72 : vector<128x1x256xf32> to vector<128x16x256xf32>
    %div3A_73 = arith.divf %exp3A, %div3A : vector<128x16x256xf32>
    %reshape3A_74 = vector.shape_cast %bitcast_convert_type3A_7 : vector<2048x256xf32> to vector<128x16x256xf32>
    %reshape3A_75 = vector.shape_cast %add3A_36 : vector<2048x256xf32> to vector<128x16x256xf32>
    %add3A_76 = arith.addf %reshape3A_74, %reshape3A_75 : vector<128x16x256xf32>
    %mul3A = arith.mulf %div3A_73, %add3A_76 : vector<128x16x256xf32>
    %reduce_sum3A_77 = arith.constant dense<0.000000e+00> : vector<128x256xf32>
    %reduce_sum3A_78 = vector.multi_reduction <add>, %mul3A, %reduce_sum3A_77 [1] : vector<128x16x256xf32> to vector<128x256xf32>
    %get3A_79 = arith.constant 0 : index
    %get3A_80 = arith.constant 0 : index
    %get3A_81 = vector.load %arg12[%get3A_79, %get3A_80] : memref<256x256xf32, #tpu.memory_space<vmem>>, vector<256x256xf32>
    %dot_general3A_82 = arith.constant dense<0.000000e+00> : vector<128x256xf32>
    %dot_general3A_83 = tpu.matmul %reduce_sum3A_78, %get3A_81, %dot_general3A_82 {dimension_numbers = #tpu.dot_dimension_numbers<[1], [0], [0], [1], [0, 0, 1, 1], [], []>, transpose_lhs_hint = false} : vector<128x256xf32>, vector<256x256xf32>, vector<128x256xf32> -> vector<128x256xf32>
    %get3A_84 = arith.constant 0 : index
    %get3A_85 = arith.constant 0 : index
    %get3A_86 = vector.load %arg13[%get3A_84, %get3A_85] : memref<1x256xf32, #tpu.memory_space<vmem>>, vector<1x256xf32>
    %add3A_87 = vector.broadcast %get3A_86 : vector<1x256xf32> to vector<128x256xf32>
    %add3A_88 = arith.addf %dot_general3A_83, %add3A_87 : vector<128x256xf32>
    %swap3A = arith.constant 0 : index
    %swap3A_89 = arith.constant 0 : index
    %swap3A_90 = vector.load %arg14[%swap3A, %swap3A_89] : memref<128x256xf32, #tpu.memory_space<vmem>>, vector<128x256xf32>
    tpu.vector_store %arg14[%swap3A, %swap3A_89], %add3A_88 {strides = array<i32>} : memref<128x256xf32, #tpu.memory_space<vmem>>, vector<128x256xf32>,
    return
  }
  func.func @transform_0(%arg0: i32) -> (i32, i32) {
    %add3A = arith.constant 48 : i32
    %add3A_0 = arith.addi %add3A, %arg0 : i32
    %c0_i32 = arith.constant 0 : i32
    %c0_i32_1 = arith.constant 0 : i32
    return %add3A_0, %c0_i32 : i32, i32
  }
  func.func @transform_1(%arg0: i32) -> (i32, i32) {
    %c0_i32 = arith.constant 0 : i32
    %c0_i32_0 = arith.constant 0 : i32
    return %arg0, %c0_i32 : i32, i32
  }
  func.func @transform_2(%arg0: i32) -> (i32, i32) {
    %add3A = arith.constant 48 : i32
    %add3A_0 = arith.addi %add3A, %arg0 : i32
    %c0_i32 = arith.constant 0 : i32
    %c0_i32_1 = arith.constant 0 : i32
    return %add3A_0, %c0_i32 : i32, i32
  }
  func.func @transform_3(%arg0: i32) -> (i32, i32) {
    %c0_i32 = arith.constant 0 : i32
    %c0_i32_0 = arith.constant 0 : i32
    %c0_i32_1 = arith.constant 0 : i32
    return %c0_i32, %c0_i32_0 : i32, i32
  }
  func.func @transform_4(%arg0: i32) -> (i32, i32) {
    %c0_i32 = arith.constant 0 : i32
    %c0_i32_0 = arith.constant 0 : i32
    %c0_i32_1 = arith.constant 0 : i32
    return %c0_i32, %c0_i32_0 : i32, i32
  }
  func.func @transform_5(%arg0: i32) -> (i32, i32) {
    %c0_i32 = arith.constant 0 : i32
    %c0_i32_0 = arith.constant 0 : i32
    %c0_i32_1 = arith.constant 0 : i32
    return %c0_i32, %c0_i32_0 : i32, i32
  }
  func.func @transform_6(%arg0: i32) -> (i32, i32) {
    %c0_i32 = arith.constant 0 : i32
    %c0_i32_0 = arith.constant 0 : i32
    %c0_i32_1 = arith.constant 0 : i32
    return %c0_i32, %c0_i32_0 : i32, i32
  }
  func.func @transform_7(%arg0: i32) -> (i32, i32) {
    %c0_i32 = arith.constant 0 : i32
    %c0_i32_0 = arith.constant 0 : i32
    %c0_i32_1 = arith.constant 0 : i32
    return %c0_i32, %c0_i32_0 : i32, i32
  }
  func.func @transform_8(%arg0: i32) -> (i32, i32) {
    %c0_i32 = arith.constant 0 : i32
    %c0_i32_0 = arith.constant 0 : i32
    %c0_i32_1 = arith.constant 0 : i32
    return %c0_i32, %c0_i32_0 : i32, i32
  }
  func.func @transform_9(%arg0: i32) -> (i32, i32) {
    %c0_i32 = arith.constant 0 : i32
    %c0_i32_0 = arith.constant 0 : i32
    %c0_i32_1 = arith.constant 0 : i32
    return %c0_i32, %c0_i32_0 : i32, i32
  }
  func.func @transform_10(%arg0: i32) -> (i32, i32) {
    %c0_i32 = arith.constant 0 : i32
    %c0_i32_0 = arith.constant 0 : i32
    %c0_i32_1 = arith.constant 0 : i32
    return %c0_i32, %c0_i32_0 : i32, i32
  }
  func.func @transform_11(%arg0: i32) -> (i32, i32) {
    %c0_i32 = arith.constant 0 : i32
    %c0_i32_0 = arith.constant 0 : i32
    %c0_i32_1 = arith.constant 0 : i32
    return %c0_i32, %c0_i32_0 : i32, i32
  }
  func.func @transform_12(%arg0: i32) -> (i32, i32) {
    %c0_i32 = arith.constant 0 : i32
    %c0_i32_0 = arith.constant 0 : i32
    %c0_i32_1 = arith.constant 0 : i32
    return %c0_i32, %c0_i32_0 : i32, i32
  }
  func.func @transform_13(%arg0: i32) -> (i32, i32) {
    %c0_i32 = arith.constant 0 : i32
    %c0_i32_0 = arith.constant 0 : i32
    return %arg0, %c0_i32 : i32, i32
  }
}

module attributes {stable_mosaic.version = 14 : i64} {
  func.func @_attn_body(%arg0: i32, %arg1: memref<128x256xf32, #tpu.memory_space<vmem>>, %arg2: memref<2048x384xi32, #tpu.memory_space<vmem>>, %arg3: memref<128x128xf32, #tpu.memory_space<vmem>>, %arg4: memref<128x256xf32, #tpu.memory_space<vmem>>, %arg5: memref<1x256xf32, #tpu.memory_space<vmem>>, %arg6: memref<256x256xf32, #tpu.memory_space<vmem>>, %arg7: memref<1x256xf32, #tpu.memory_space<vmem>>, %arg8: memref<256x256xf32, #tpu.memory_space<vmem>>, %arg9: memref<1x256xf32, #tpu.memory_space<vmem>>, %arg10: memref<256x256xf32, #tpu.memory_space<vmem>>, %arg11: memref<1x256xf32, #tpu.memory_space<vmem>>, %arg12: memref<256x256xf32, #tpu.memory_space<vmem>>, %arg13: memref<1x256xf32, #tpu.memory_space<vmem>>, %arg14: memref<128x256xf32, #tpu.memory_space<vmem>>) attributes {dimension_semantics = [#tpu.dimension_semantics<arbitrary>], iteration_bounds = array<i64: 16>, scalar_prefetch = 0 : i64, scratch_operands = 0 : i64, tpu.core_type = #tpu.core_type<tc>, window_params = [{transform_indices = @transform_0, window_bounds = array<i64: 128, 256>}, {transform_indices = @transform_1, window_bounds = array<i64: 2048, 384>}, {transform_indices = @transform_2, window_bounds = array<i64: 128, 128>}, {pipeline_mode = #tpu.pipeline_mode<synchronous>, transform_indices = @transform_3, window_bounds = array<i64: 128, 256>}, {pipeline_mode = #tpu.pipeline_mode<synchronous>, transform_indices = @transform_4, window_bounds = array<i64: 1, 256>}, {pipeline_mode = #tpu.pipeline_mode<synchronous>, transform_indices = @transform_5, window_bounds = array<i64: 256, 256>}, {pipeline_mode = #tpu.pipeline_mode<synchronous>, transform_indices = @transform_6, window_bounds = array<i64: 1, 256>}, {pipeline_mode = #tpu.pipeline_mode<synchronous>, transform_indices = @transform_7, window_bounds = array<i64: 256, 256>}, {pipeline_mode = #tpu.pipeline_mode<synchronous>, transform_indices = @transform_8, window_bounds = array<i64: 1, 256>}, {pipeline_mode = #tpu.pipeline_mode<synchronous>, transform_indices = @transform_9, window_bounds = array<i64: 256, 256>}, {pipeline_mode = #tpu.pipeline_mode<synchronous>, transform_indices = @transform_10, window_bounds = array<i64: 1, 256>}, {pipeline_mode = #tpu.pipeline_mode<synchronous>, transform_indices = @transform_11, window_bounds = array<i64: 256, 256>}, {pipeline_mode = #tpu.pipeline_mode<synchronous>, transform_indices = @transform_12, window_bounds = array<i64: 1, 256>}, {transform_indices = @transform_13, window_bounds = array<i64: 128, 256>}]} {
    %get3A = arith.constant 0 : index
    %get3A_0 = arith.constant 0 : index
    %get3A_1 = vector.load %arg2[%get3A, %get3A_0] : memref<2048x384xi32, #tpu.memory_space<vmem>>, vector<2048x256xi32>
    %bitcast_convert_type3A = tpu.bitcast %get3A_1 : vector<2048x256xi32> -> vector<2048x256xi32>
    %and3A = arith.constant -65536 : i32
    %and3A_2 = vector.broadcast %and3A : i32 to vector<2048x256xi32>
    %and3A_3 = arith.andi %bitcast_convert_type3A, %and3A_2 : vector<2048x256xi32>
    %bitcast_convert_type3A_4 = tpu.bitcast %and3A_3 : vector<2048x256xi32> -> vector<2048x256xf32>
    %shift_left3A = arith.constant 16 : i32
    %shift_left3A_5 = vector.broadcast %shift_left3A : i32 to vector<2048x256xi32>
    %shift_left3A_6 = arith.shli %bitcast_convert_type3A, %shift_left3A_5 : vector<2048x256xi32>
    %bitcast_convert_type3A_7 = tpu.bitcast %shift_left3A_6 : vector<2048x256xi32> -> vector<2048x256xf32>
    %get3A_8 = arith.constant 0 : index
    %get3A_9 = arith.constant 256 : index
    %get3A_10 = vector.load %arg2[%get3A_8, %get3A_9] : memref<2048x384xi32, #tpu.memory_space<vmem>>, vector<2048x128xi32>
    %bitcast_convert_type3A_11 = tpu.bitcast %get3A_10 : vector<2048x128xi32> -> vector<2048x128xf32>
    %get3A_12 = arith.constant 0 : index
    %get3A_13 = arith.constant 0 : index
    %get3A_14 = vector.load %arg3[%get3A_12, %get3A_13] : memref<128x128xf32, #tpu.memory_space<vmem>>, vector<128x128xf32>
    %broadcast_in_dim3A = vector.shape_cast %get3A_14 : vector<128x128xf32> to vector<128x1x128xf32>
    %reshape3A = vector.shape_cast %bitcast_convert_type3A_11 : vector<2048x128xf32> to vector<128x16x128xf32>
    %sub3A = vector.broadcast %broadcast_in_dim3A : vector<128x1x128xf32> to vector<128x16x128xf32>
    %sub3A_15 = arith.subf %sub3A, %reshape3A : vector<128x16x128xf32>
    %reshape3A_16 = vector.shape_cast %sub3A_15 : vector<128x16x128xf32> to vector<2048x128xf32>
    %get3A_17 = arith.constant 0 : index
    %get3A_18 = arith.constant 0 : index
    %get3A_19 = vector.load %arg4[%get3A_17, %get3A_18] : memref<128x256xf32, #tpu.memory_space<vmem>>, vector<128x256xf32>
    %dot_general3A = arith.constant dense<0.000000e+00> : vector<2048x256xf32>
    %dot_general3A_20 = tpu.matmul %reshape3A_16, %get3A_19, %dot_general3A {dimension_numbers = #tpu.dot_dimension_numbers<[1], [0], [0], [1], [0, 0, 1, 1], [], []>, transpose_lhs_hint = false} : vector<2048x128xf32>, vector<128x256xf32>, vector<2048x256xf32> -> vector<2048x256xf32>
    %get3A_21 = arith.constant 0 : index
    %get3A_22 = arith.constant 0 : index
    %get3A_23 = vector.load %arg5[%get3A_21, %get3A_22] : memref<1x256xf32, #tpu.memory_space<vmem>>, vector<1x256xf32>
    %add3A = vector.broadcast %get3A_23 : vector<1x256xf32> to vector<2048x256xf32>
    %add3A_24 = arith.addf %dot_general3A_20, %add3A : vector<2048x256xf32>
    %max3A = arith.constant 0.000000e+00 : f32
    %max3A_25 = vector.broadcast %max3A : f32 to vector<2048x256xf32>
    %max3A_26 = arith.maximumf %add3A_24, %max3A_25 : vector<2048x256xf32>
    %get3A_27 = arith.constant 0 : index
    %get3A_28 = arith.constant 0 : index
    %get3A_29 = vector.load %arg6[%get3A_27, %get3A_28] : memref<256x256xf32, #tpu.memory_space<vmem>>, vector<256x256xf32>
    %dot_general3A_30 = arith.constant dense<0.000000e+00> : vector<2048x256xf32>
    %dot_general3A_31 = tpu.matmul %max3A_26, %get3A_29, %dot_general3A_30 {dimension_numbers = #tpu.dot_dimension_numbers<[1], [0], [0], [1], [0, 0, 1, 1], [], []>, transpose_lhs_hint = false} : vector<2048x256xf32>, vector<256x256xf32>, vector<2048x256xf32> -> vector<2048x256xf32>
    %get3A_32 = arith.constant 0 : index
    %get3A_33 = arith.constant 0 : index
    %get3A_34 = vector.load %arg7[%get3A_32, %get3A_33] : memref<1x256xf32, #tpu.memory_space<vmem>>, vector<1x256xf32>
    %add3A_35 = vector.broadcast %get3A_34 : vector<1x256xf32> to vector<2048x256xf32>
    %add3A_36 = arith.addf %dot_general3A_31, %add3A_35 : vector<2048x256xf32>
    %get3A_37 = arith.constant 0 : index
    %get3A_38 = arith.constant 0 : index
    %get3A_39 = vector.load %arg1[%get3A_37, %get3A_38] : memref<128x256xf32, #tpu.memory_space<vmem>>, vector<128x256xf32>
    %broadcast_in_dim3A_40 = vector.shape_cast %get3A_39 : vector<128x256xf32> to vector<128x1x256xf32>
    %reshape3A_41 = vector.shape_cast %bitcast_convert_type3A_4 : vector<2048x256xf32> to vector<128x16x256xf32>
    %sub3A_42 = vector.broadcast %broadcast_in_dim3A_40 : vector<128x1x256xf32> to vector<128x16x256xf32>
    %sub3A_43 = arith.subf %sub3A_42, %reshape3A_41 : vector<128x16x256xf32>
    %reshape3A_44 = vector.shape_cast %add3A_36 : vector<2048x256xf32> to vector<128x16x256xf32>
    %add3A_45 = arith.addf %sub3A_43, %reshape3A_44 : vector<128x16x256xf32>
    %reshape3A_46 = vector.shape_cast %add3A_45 : vector<128x16x256xf32> to vector<2048x256xf32>
    %get3A_47 = arith.constant 0 : index
    %get3A_48 = arith.constant 0 : index
    %get3A_49 = vector.load %arg8[%get3A_47, %get3A_48] : memref<256x256xf32, #tpu.memory_space<vmem>>, vector<256x256xf32>
    %dot_general3A_50 = arith.constant dense<0.000000e+00> : vector<2048x256xf32>
    %dot_general3A_51 = tpu.matmul %reshape3A_46, %get3A_49, %dot_general3A_50 {dimension_numbers = #tpu.dot_dimension_numbers<[1], [0], [0], [1], [0, 0, 1, 1], [], []>, transpose_lhs_hint = false} : vector<2048x256xf32>, vector<256x256xf32>, vector<2048x256xf32> -> vector<2048x256xf32>
    %get3A_52 = arith.constant 0 : index
    %get3A_53 = arith.constant 0 : index
    %get3A_54 = vector.load %arg9[%get3A_52, %get3A_53] : memref<1x256xf32, #tpu.memory_space<vmem>>, vector<1x256xf32>
    %add3A_55 = vector.broadcast %get3A_54 : vector<1x256xf32> to vector<2048x256xf32>
    %add3A_56 = arith.addf %dot_general3A_51, %add3A_55 : vector<2048x256xf32>
    %max3A_57 = arith.constant 0.000000e+00 : f32
    %max3A_58 = vector.broadcast %max3A_57 : f32 to vector<2048x256xf32>
    %max3A_59 = arith.maximumf %add3A_56, %max3A_58 : vector<2048x256xf32>
    %get3A_60 = arith.constant 0 : index
    %get3A_61 = arith.constant 0 : index
    %get3A_62 = vector.load %arg10[%get3A_60, %get3A_61] : memref<256x256xf32, #tpu.memory_space<vmem>>, vector<256x256xf32>
    %dot_general3A_63 = arith.constant dense<0.000000e+00> : vector<2048x256xf32>
    %dot_general3A_64 = tpu.matmul %max3A_59, %get3A_62, %dot_general3A_63 {dimension_numbers = #tpu.dot_dimension_numbers<[1], [0], [0], [1], [0, 0, 1, 1], [], []>, transpose_lhs_hint = false} : vector<2048x256xf32>, vector<256x256xf32>, vector<2048x256xf32> -> vector<2048x256xf32>
    %get3A_65 = arith.constant 0 : index
    %get3A_66 = arith.constant 0 : index
    %get3A_67 = vector.load %arg11[%get3A_65, %get3A_66] : memref<1x256xf32, #tpu.memory_space<vmem>>, vector<1x256xf32>
    %add3A_68 = vector.broadcast %get3A_67 : vector<1x256xf32> to vector<2048x256xf32>
    %add3A_69 = arith.addf %dot_general3A_64, %add3A_68 : vector<2048x256xf32>
    %reshape3A_70 = vector.shape_cast %add3A_69 : vector<2048x256xf32> to vector<128x16x256xf32>
    %exp3A = math.exp %reshape3A_70 : vector<128x16x256xf32>
    %reduce_sum3A = arith.constant dense<0.000000e+00> : vector<128x256xf32>
    %reduce_sum3A_71 = vector.multi_reduction <add>, %exp3A, %reduce_sum3A [1] : vector<128x16x256xf32> to vector<128x256xf32>
    %broadcast_in_dim3A_72 = vector.shape_cast %reduce_sum3A_71 : vector<128x256xf32> to vector<128x1x256xf32>
    %div3A = vector.broadcast %broadcast_in_dim3A_72 : vector<128x1x256xf32> to vector<128x16x256xf32>
    %div3A_73 = arith.divf %exp3A, %div3A : vector<128x16x256xf32>
    %reshape3A_74 = vector.shape_cast %bitcast_convert_type3A_7 : vector<2048x256xf32> to vector<128x16x256xf32>
    %reshape3A_75 = vector.shape_cast %add3A_36 : vector<2048x256xf32> to vector<128x16x256xf32>
    %add3A_76 = arith.addf %reshape3A_74, %reshape3A_75 : vector<128x16x256xf32>
    %mul3A = arith.mulf %div3A_73, %add3A_76 : vector<128x16x256xf32>
    %reduce_sum3A_77 = arith.constant dense<0.000000e+00> : vector<128x256xf32>
    %reduce_sum3A_78 = vector.multi_reduction <add>, %mul3A, %reduce_sum3A_77 [1] : vector<128x16x256xf32> to vector<128x256xf32>
    %get3A_79 = arith.constant 0 : index
    %get3A_80 = arith.constant 0 : index
    %get3A_81 = vector.load %arg12[%get3A_79, %get3A_80] : memref<256x256xf32, #tpu.memory_space<vmem>>, vector<256x256xf32>
    %dot_general3A_82 = arith.constant dense<0.000000e+00> : vector<128x256xf32>
    %dot_general3A_83 = tpu.matmul %reduce_sum3A_78, %get3A_81, %dot_general3A_82 {dimension_numbers = #tpu.dot_dimension_numbers<[1], [0], [0], [1], [0, 0, 1, 1], [], []>, transpose_lhs_hint = false} : vector<128x256xf32>, vector<256x256xf32>, vector<128x256xf32> -> vector<128x256xf32>
    %get3A_84 = arith.constant 0 : index
    %get3A_85 = arith.constant 0 : index
    %get3A_86 = vector.load %arg13[%get3A_84, %get3A_85] : memref<1x256xf32, #tpu.memory_space<vmem>>, vector<1x256xf32>
    %add3A_87 = vector.broadcast %get3A_86 : vector<1x256xf32> to vector<128x256xf32>
    %add3A_88 = arith.addf %dot_general3A_83, %add3A_87 : vector<128x256xf32>
    %swap3A = arith.constant 0 : index
    %swap3A_89 = arith.constant 0 : index
    %swap3A_90 = vector.load %arg14[%swap3A, %swap3A_89] : memref<128x256xf32, #tpu.memory_space<vmem>>, vector<128x256xf32>
    tpu.vector_store %arg14[%swap3A, %swap3A_89], %add3A_88 {strides = array<i32>} : memref<128x256xf32, #tpu.memory_space<vmem>>, vector<128x256xf32>,
    return
  }
  func.func @transform_0(%arg0: i32) -> (i32, i32) {
    %add3A = arith.constant 32 : i32
    %add3A_0 = arith.addi %add3A, %arg0 : i32
    %c0_i32 = arith.constant 0 : i32
    %c0_i32_1 = arith.constant 0 : i32
    return %add3A_0, %c0_i32 : i32, i32
  }
  func.func @transform_1(%arg0: i32) -> (i32, i32) {
    %c0_i32 = arith.constant 0 : i32
    %c0_i32_0 = arith.constant 0 : i32
    return %arg0, %c0_i32 : i32, i32
  }
  func.func @transform_2(%arg0: i32) -> (i32, i32) {
    %add3A = arith.constant 32 : i32
    %add3A_0 = arith.addi %add3A, %arg0 : i32
    %c0_i32 = arith.constant 0 : i32
    %c0_i32_1 = arith.constant 0 : i32
    return %add3A_0, %c0_i32 : i32, i32
  }
  func.func @transform_3(%arg0: i32) -> (i32, i32) {
    %c0_i32 = arith.constant 0 : i32
    %c0_i32_0 = arith.constant 0 : i32
    %c0_i32_1 = arith.constant 0 : i32
    return %c0_i32, %c0_i32_0 : i32, i32
  }
  func.func @transform_4(%arg0: i32) -> (i32, i32) {
    %c0_i32 = arith.constant 0 : i32
    %c0_i32_0 = arith.constant 0 : i32
    %c0_i32_1 = arith.constant 0 : i32
    return %c0_i32, %c0_i32_0 : i32, i32
  }
  func.func @transform_5(%arg0: i32) -> (i32, i32) {
    %c0_i32 = arith.constant 0 : i32
    %c0_i32_0 = arith.constant 0 : i32
    %c0_i32_1 = arith.constant 0 : i32
    return %c0_i32, %c0_i32_0 : i32, i32
  }
  func.func @transform_6(%arg0: i32) -> (i32, i32) {
    %c0_i32 = arith.constant 0 : i32
    %c0_i32_0 = arith.constant 0 : i32
    %c0_i32_1 = arith.constant 0 : i32
    return %c0_i32, %c0_i32_0 : i32, i32
  }
  func.func @transform_7(%arg0: i32) -> (i32, i32) {
    %c0_i32 = arith.constant 0 : i32
    %c0_i32_0 = arith.constant 0 : i32
    %c0_i32_1 = arith.constant 0 : i32
    return %c0_i32, %c0_i32_0 : i32, i32
  }
  func.func @transform_8(%arg0: i32) -> (i32, i32) {
    %c0_i32 = arith.constant 0 : i32
    %c0_i32_0 = arith.constant 0 : i32
    %c0_i32_1 = arith.constant 0 : i32
    return %c0_i32, %c0_i32_0 : i32, i32
  }
  func.func @transform_9(%arg0: i32) -> (i32, i32) {
    %c0_i32 = arith.constant 0 : i32
    %c0_i32_0 = arith.constant 0 : i32
    %c0_i32_1 = arith.constant 0 : i32
    return %c0_i32, %c0_i32_0 : i32, i32
  }
  func.func @transform_10(%arg0: i32) -> (i32, i32) {
    %c0_i32 = arith.constant 0 : i32
    %c0_i32_0 = arith.constant 0 : i32
    %c0_i32_1 = arith.constant 0 : i32
    return %c0_i32, %c0_i32_0 : i32, i32
  }
  func.func @transform_11(%arg0: i32) -> (i32, i32) {
    %c0_i32 = arith.constant 0 : i32
    %c0_i32_0 = arith.constant 0 : i32
    %c0_i32_1 = arith.constant 0 : i32
    return %c0_i32, %c0_i32_0 : i32, i32
  }
  func.func @transform_12(%arg0: i32) -> (i32, i32) {
    %c0_i32 = arith.constant 0 : i32
    %c0_i32_0 = arith.constant 0 : i32
    %c0_i32_1 = arith.constant 0 : i32
    return %c0_i32, %c0_i32_0 : i32, i32
  }
  func.func @transform_13(%arg0: i32) -> (i32, i32) {
    %c0_i32 = arith.constant 0 : i32
    %c0_i32_0 = arith.constant 0 : i32
    return %arg0, %c0_i32 : i32, i32
  }
}

module attributes {stable_mosaic.version = 14 : i64} {
  func.func @_attn_body(%arg0: i32, %arg1: memref<128x256xf32, #tpu.memory_space<vmem>>, %arg2: memref<2048x384xi32, #tpu.memory_space<vmem>>, %arg3: memref<128x128xf32, #tpu.memory_space<vmem>>, %arg4: memref<128x256xf32, #tpu.memory_space<vmem>>, %arg5: memref<1x256xf32, #tpu.memory_space<vmem>>, %arg6: memref<256x256xf32, #tpu.memory_space<vmem>>, %arg7: memref<1x256xf32, #tpu.memory_space<vmem>>, %arg8: memref<256x256xf32, #tpu.memory_space<vmem>>, %arg9: memref<1x256xf32, #tpu.memory_space<vmem>>, %arg10: memref<256x256xf32, #tpu.memory_space<vmem>>, %arg11: memref<1x256xf32, #tpu.memory_space<vmem>>, %arg12: memref<256x256xf32, #tpu.memory_space<vmem>>, %arg13: memref<1x256xf32, #tpu.memory_space<vmem>>, %arg14: memref<128x256xf32, #tpu.memory_space<vmem>>) attributes {dimension_semantics = [#tpu.dimension_semantics<arbitrary>], iteration_bounds = array<i64: 16>, scalar_prefetch = 0 : i64, scratch_operands = 0 : i64, tpu.core_type = #tpu.core_type<tc>, window_params = [{transform_indices = @transform_0, window_bounds = array<i64: 128, 256>}, {transform_indices = @transform_1, window_bounds = array<i64: 2048, 384>}, {transform_indices = @transform_2, window_bounds = array<i64: 128, 128>}, {pipeline_mode = #tpu.pipeline_mode<synchronous>, transform_indices = @transform_3, window_bounds = array<i64: 128, 256>}, {pipeline_mode = #tpu.pipeline_mode<synchronous>, transform_indices = @transform_4, window_bounds = array<i64: 1, 256>}, {pipeline_mode = #tpu.pipeline_mode<synchronous>, transform_indices = @transform_5, window_bounds = array<i64: 256, 256>}, {pipeline_mode = #tpu.pipeline_mode<synchronous>, transform_indices = @transform_6, window_bounds = array<i64: 1, 256>}, {pipeline_mode = #tpu.pipeline_mode<synchronous>, transform_indices = @transform_7, window_bounds = array<i64: 256, 256>}, {pipeline_mode = #tpu.pipeline_mode<synchronous>, transform_indices = @transform_8, window_bounds = array<i64: 1, 256>}, {pipeline_mode = #tpu.pipeline_mode<synchronous>, transform_indices = @transform_9, window_bounds = array<i64: 256, 256>}, {pipeline_mode = #tpu.pipeline_mode<synchronous>, transform_indices = @transform_10, window_bounds = array<i64: 1, 256>}, {pipeline_mode = #tpu.pipeline_mode<synchronous>, transform_indices = @transform_11, window_bounds = array<i64: 256, 256>}, {pipeline_mode = #tpu.pipeline_mode<synchronous>, transform_indices = @transform_12, window_bounds = array<i64: 1, 256>}, {transform_indices = @transform_13, window_bounds = array<i64: 128, 256>}]} {
    %get3A = arith.constant 0 : index
    %get3A_0 = arith.constant 0 : index
    %get3A_1 = vector.load %arg2[%get3A, %get3A_0] : memref<2048x384xi32, #tpu.memory_space<vmem>>, vector<2048x256xi32>
    %bitcast_convert_type3A = tpu.bitcast %get3A_1 : vector<2048x256xi32> -> vector<2048x256xi32>
    %and3A = arith.constant -65536 : i32
    %and3A_2 = vector.broadcast %and3A : i32 to vector<2048x256xi32>
    %and3A_3 = arith.andi %bitcast_convert_type3A, %and3A_2 : vector<2048x256xi32>
    %bitcast_convert_type3A_4 = tpu.bitcast %and3A_3 : vector<2048x256xi32> -> vector<2048x256xf32>
    %shift_left3A = arith.constant 16 : i32
    %shift_left3A_5 = vector.broadcast %shift_left3A : i32 to vector<2048x256xi32>
    %shift_left3A_6 = arith.shli %bitcast_convert_type3A, %shift_left3A_5 : vector<2048x256xi32>
    %bitcast_convert_type3A_7 = tpu.bitcast %shift_left3A_6 : vector<2048x256xi32> -> vector<2048x256xf32>
    %get3A_8 = arith.constant 0 : index
    %get3A_9 = arith.constant 256 : index
    %get3A_10 = vector.load %arg2[%get3A_8, %get3A_9] : memref<2048x384xi32, #tpu.memory_space<vmem>>, vector<2048x128xi32>
    %bitcast_convert_type3A_11 = tpu.bitcast %get3A_10 : vector<2048x128xi32> -> vector<2048x128xf32>
    %get3A_12 = arith.constant 0 : index
    %get3A_13 = arith.constant 0 : index
    %get3A_14 = vector.load %arg3[%get3A_12, %get3A_13] : memref<128x128xf32, #tpu.memory_space<vmem>>, vector<128x128xf32>
    %broadcast_in_dim3A = vector.shape_cast %get3A_14 : vector<128x128xf32> to vector<128x1x128xf32>
    %reshape3A = vector.shape_cast %bitcast_convert_type3A_11 : vector<2048x128xf32> to vector<128x16x128xf32>
    %sub3A = vector.broadcast %broadcast_in_dim3A : vector<128x1x128xf32> to vector<128x16x128xf32>
    %sub3A_15 = arith.subf %sub3A, %reshape3A : vector<128x16x128xf32>
    %reshape3A_16 = vector.shape_cast %sub3A_15 : vector<128x16x128xf32> to vector<2048x128xf32>
    %get3A_17 = arith.constant 0 : index
    %get3A_18 = arith.constant 0 : index
    %get3A_19 = vector.load %arg4[%get3A_17, %get3A_18] : memref<128x256xf32, #tpu.memory_space<vmem>>, vector<128x256xf32>
    %dot_general3A = arith.constant dense<0.000000e+00> : vector<2048x256xf32>
    %dot_general3A_20 = tpu.matmul %reshape3A_16, %get3A_19, %dot_general3A {dimension_numbers = #tpu.dot_dimension_numbers<[1], [0], [0], [1], [0, 0, 1, 1], [], []>, transpose_lhs_hint = false} : vector<2048x128xf32>, vector<128x256xf32>, vector<2048x256xf32> -> vector<2048x256xf32>
    %get3A_21 = arith.constant 0 : index
    %get3A_22 = arith.constant 0 : index
    %get3A_23 = vector.load %arg5[%get3A_21, %get3A_22] : memref<1x256xf32, #tpu.memory_space<vmem>>, vector<1x256xf32>
    %add3A = vector.broadcast %get3A_23 : vector<1x256xf32> to vector<2048x256xf32>
    %add3A_24 = arith.addf %dot_general3A_20, %add3A : vector<2048x256xf32>
    %max3A = arith.constant 0.000000e+00 : f32
    %max3A_25 = vector.broadcast %max3A : f32 to vector<2048x256xf32>
    %max3A_26 = arith.maximumf %add3A_24, %max3A_25 : vector<2048x256xf32>
    %get3A_27 = arith.constant 0 : index
    %get3A_28 = arith.constant 0 : index
    %get3A_29 = vector.load %arg6[%get3A_27, %get3A_28] : memref<256x256xf32, #tpu.memory_space<vmem>>, vector<256x256xf32>
    %dot_general3A_30 = arith.constant dense<0.000000e+00> : vector<2048x256xf32>
    %dot_general3A_31 = tpu.matmul %max3A_26, %get3A_29, %dot_general3A_30 {dimension_numbers = #tpu.dot_dimension_numbers<[1], [0], [0], [1], [0, 0, 1, 1], [], []>, transpose_lhs_hint = false} : vector<2048x256xf32>, vector<256x256xf32>, vector<2048x256xf32> -> vector<2048x256xf32>
    %get3A_32 = arith.constant 0 : index
    %get3A_33 = arith.constant 0 : index
    %get3A_34 = vector.load %arg7[%get3A_32, %get3A_33] : memref<1x256xf32, #tpu.memory_space<vmem>>, vector<1x256xf32>
    %add3A_35 = vector.broadcast %get3A_34 : vector<1x256xf32> to vector<2048x256xf32>
    %add3A_36 = arith.addf %dot_general3A_31, %add3A_35 : vector<2048x256xf32>
    %get3A_37 = arith.constant 0 : index
    %get3A_38 = arith.constant 0 : index
    %get3A_39 = vector.load %arg1[%get3A_37, %get3A_38] : memref<128x256xf32, #tpu.memory_space<vmem>>, vector<128x256xf32>
    %broadcast_in_dim3A_40 = vector.shape_cast %get3A_39 : vector<128x256xf32> to vector<128x1x256xf32>
    %reshape3A_41 = vector.shape_cast %bitcast_convert_type3A_4 : vector<2048x256xf32> to vector<128x16x256xf32>
    %sub3A_42 = vector.broadcast %broadcast_in_dim3A_40 : vector<128x1x256xf32> to vector<128x16x256xf32>
    %sub3A_43 = arith.subf %sub3A_42, %reshape3A_41 : vector<128x16x256xf32>
    %reshape3A_44 = vector.shape_cast %add3A_36 : vector<2048x256xf32> to vector<128x16x256xf32>
    %add3A_45 = arith.addf %sub3A_43, %reshape3A_44 : vector<128x16x256xf32>
    %reshape3A_46 = vector.shape_cast %add3A_45 : vector<128x16x256xf32> to vector<2048x256xf32>
    %get3A_47 = arith.constant 0 : index
    %get3A_48 = arith.constant 0 : index
    %get3A_49 = vector.load %arg8[%get3A_47, %get3A_48] : memref<256x256xf32, #tpu.memory_space<vmem>>, vector<256x256xf32>
    %dot_general3A_50 = arith.constant dense<0.000000e+00> : vector<2048x256xf32>
    %dot_general3A_51 = tpu.matmul %reshape3A_46, %get3A_49, %dot_general3A_50 {dimension_numbers = #tpu.dot_dimension_numbers<[1], [0], [0], [1], [0, 0, 1, 1], [], []>, transpose_lhs_hint = false} : vector<2048x256xf32>, vector<256x256xf32>, vector<2048x256xf32> -> vector<2048x256xf32>
    %get3A_52 = arith.constant 0 : index
    %get3A_53 = arith.constant 0 : index
    %get3A_54 = vector.load %arg9[%get3A_52, %get3A_53] : memref<1x256xf32, #tpu.memory_space<vmem>>, vector<1x256xf32>
    %add3A_55 = vector.broadcast %get3A_54 : vector<1x256xf32> to vector<2048x256xf32>
    %add3A_56 = arith.addf %dot_general3A_51, %add3A_55 : vector<2048x256xf32>
    %max3A_57 = arith.constant 0.000000e+00 : f32
    %max3A_58 = vector.broadcast %max3A_57 : f32 to vector<2048x256xf32>
    %max3A_59 = arith.maximumf %add3A_56, %max3A_58 : vector<2048x256xf32>
    %get3A_60 = arith.constant 0 : index
    %get3A_61 = arith.constant 0 : index
    %get3A_62 = vector.load %arg10[%get3A_60, %get3A_61] : memref<256x256xf32, #tpu.memory_space<vmem>>, vector<256x256xf32>
    %dot_general3A_63 = arith.constant dense<0.000000e+00> : vector<2048x256xf32>
    %dot_general3A_64 = tpu.matmul %max3A_59, %get3A_62, %dot_general3A_63 {dimension_numbers = #tpu.dot_dimension_numbers<[1], [0], [0], [1], [0, 0, 1, 1], [], []>, transpose_lhs_hint = false} : vector<2048x256xf32>, vector<256x256xf32>, vector<2048x256xf32> -> vector<2048x256xf32>
    %get3A_65 = arith.constant 0 : index
    %get3A_66 = arith.constant 0 : index
    %get3A_67 = vector.load %arg11[%get3A_65, %get3A_66] : memref<1x256xf32, #tpu.memory_space<vmem>>, vector<1x256xf32>
    %add3A_68 = vector.broadcast %get3A_67 : vector<1x256xf32> to vector<2048x256xf32>
    %add3A_69 = arith.addf %dot_general3A_64, %add3A_68 : vector<2048x256xf32>
    %reshape3A_70 = vector.shape_cast %add3A_69 : vector<2048x256xf32> to vector<128x16x256xf32>
    %exp3A = math.exp %reshape3A_70 : vector<128x16x256xf32>
    %reduce_sum3A = arith.constant dense<0.000000e+00> : vector<128x256xf32>
    %reduce_sum3A_71 = vector.multi_reduction <add>, %exp3A, %reduce_sum3A [1] : vector<128x16x256xf32> to vector<128x256xf32>
    %broadcast_in_dim3A_72 = vector.shape_cast %reduce_sum3A_71 : vector<128x256xf32> to vector<128x1x256xf32>
    %div3A = vector.broadcast %broadcast_in_dim3A_72 : vector<128x1x256xf32> to vector<128x16x256xf32>
    %div3A_73 = arith.divf %exp3A, %div3A : vector<128x16x256xf32>
    %reshape3A_74 = vector.shape_cast %bitcast_convert_type3A_7 : vector<2048x256xf32> to vector<128x16x256xf32>
    %reshape3A_75 = vector.shape_cast %add3A_36 : vector<2048x256xf32> to vector<128x16x256xf32>
    %add3A_76 = arith.addf %reshape3A_74, %reshape3A_75 : vector<128x16x256xf32>
    %mul3A = arith.mulf %div3A_73, %add3A_76 : vector<128x16x256xf32>
    %reduce_sum3A_77 = arith.constant dense<0.000000e+00> : vector<128x256xf32>
    %reduce_sum3A_78 = vector.multi_reduction <add>, %mul3A, %reduce_sum3A_77 [1] : vector<128x16x256xf32> to vector<128x256xf32>
    %get3A_79 = arith.constant 0 : index
    %get3A_80 = arith.constant 0 : index
    %get3A_81 = vector.load %arg12[%get3A_79, %get3A_80] : memref<256x256xf32, #tpu.memory_space<vmem>>, vector<256x256xf32>
    %dot_general3A_82 = arith.constant dense<0.000000e+00> : vector<128x256xf32>
    %dot_general3A_83 = tpu.matmul %reduce_sum3A_78, %get3A_81, %dot_general3A_82 {dimension_numbers = #tpu.dot_dimension_numbers<[1], [0], [0], [1], [0, 0, 1, 1], [], []>, transpose_lhs_hint = false} : vector<128x256xf32>, vector<256x256xf32>, vector<128x256xf32> -> vector<128x256xf32>
    %get3A_84 = arith.constant 0 : index
    %get3A_85 = arith.constant 0 : index
    %get3A_86 = vector.load %arg13[%get3A_84, %get3A_85] : memref<1x256xf32, #tpu.memory_space<vmem>>, vector<1x256xf32>
    %add3A_87 = vector.broadcast %get3A_86 : vector<1x256xf32> to vector<128x256xf32>
    %add3A_88 = arith.addf %dot_general3A_83, %add3A_87 : vector<128x256xf32>
    %swap3A = arith.constant 0 : index
    %swap3A_89 = arith.constant 0 : index
    %swap3A_90 = vector.load %arg14[%swap3A, %swap3A_89] : memref<128x256xf32, #tpu.memory_space<vmem>>, vector<128x256xf32>
    tpu.vector_store %arg14[%swap3A, %swap3A_89], %add3A_88 {strides = array<i32>} : memref<128x256xf32, #tpu.memory_space<vmem>>, vector<128x256xf32>,
    return
  }
  func.func @transform_0(%arg0: i32) -> (i32, i32) {
    %add3A = arith.constant 16 : i32
    %add3A_0 = arith.addi %add3A, %arg0 : i32
    %c0_i32 = arith.constant 0 : i32
    %c0_i32_1 = arith.constant 0 : i32
    return %add3A_0, %c0_i32 : i32, i32
  }
  func.func @transform_1(%arg0: i32) -> (i32, i32) {
    %c0_i32 = arith.constant 0 : i32
    %c0_i32_0 = arith.constant 0 : i32
    return %arg0, %c0_i32 : i32, i32
  }
  func.func @transform_2(%arg0: i32) -> (i32, i32) {
    %add3A = arith.constant 16 : i32
    %add3A_0 = arith.addi %add3A, %arg0 : i32
    %c0_i32 = arith.constant 0 : i32
    %c0_i32_1 = arith.constant 0 : i32
    return %add3A_0, %c0_i32 : i32, i32
  }
  func.func @transform_3(%arg0: i32) -> (i32, i32) {
    %c0_i32 = arith.constant 0 : i32
    %c0_i32_0 = arith.constant 0 : i32
    %c0_i32_1 = arith.constant 0 : i32
    return %c0_i32, %c0_i32_0 : i32, i32
  }
  func.func @transform_4(%arg0: i32) -> (i32, i32) {
    %c0_i32 = arith.constant 0 : i32
    %c0_i32_0 = arith.constant 0 : i32
    %c0_i32_1 = arith.constant 0 : i32
    return %c0_i32, %c0_i32_0 : i32, i32
  }
  func.func @transform_5(%arg0: i32) -> (i32, i32) {
    %c0_i32 = arith.constant 0 : i32
    %c0_i32_0 = arith.constant 0 : i32
    %c0_i32_1 = arith.constant 0 : i32
    return %c0_i32, %c0_i32_0 : i32, i32
  }
  func.func @transform_6(%arg0: i32) -> (i32, i32) {
    %c0_i32 = arith.constant 0 : i32
    %c0_i32_0 = arith.constant 0 : i32
    %c0_i32_1 = arith.constant 0 : i32
    return %c0_i32, %c0_i32_0 : i32, i32
  }
  func.func @transform_7(%arg0: i32) -> (i32, i32) {
    %c0_i32 = arith.constant 0 : i32
    %c0_i32_0 = arith.constant 0 : i32
    %c0_i32_1 = arith.constant 0 : i32
    return %c0_i32, %c0_i32_0 : i32, i32
  }
  func.func @transform_8(%arg0: i32) -> (i32, i32) {
    %c0_i32 = arith.constant 0 : i32
    %c0_i32_0 = arith.constant 0 : i32
    %c0_i32_1 = arith.constant 0 : i32
    return %c0_i32, %c0_i32_0 : i32, i32
  }
  func.func @transform_9(%arg0: i32) -> (i32, i32) {
    %c0_i32 = arith.constant 0 : i32
    %c0_i32_0 = arith.constant 0 : i32
    %c0_i32_1 = arith.constant 0 : i32
    return %c0_i32, %c0_i32_0 : i32, i32
  }
  func.func @transform_10(%arg0: i32) -> (i32, i32) {
    %c0_i32 = arith.constant 0 : i32
    %c0_i32_0 = arith.constant 0 : i32
    %c0_i32_1 = arith.constant 0 : i32
    return %c0_i32, %c0_i32_0 : i32, i32
  }
  func.func @transform_11(%arg0: i32) -> (i32, i32) {
    %c0_i32 = arith.constant 0 : i32
    %c0_i32_0 = arith.constant 0 : i32
    %c0_i32_1 = arith.constant 0 : i32
    return %c0_i32, %c0_i32_0 : i32, i32
  }
  func.func @transform_12(%arg0: i32) -> (i32, i32) {
    %c0_i32 = arith.constant 0 : i32
    %c0_i32_0 = arith.constant 0 : i32
    %c0_i32_1 = arith.constant 0 : i32
    return %c0_i32, %c0_i32_0 : i32, i32
  }
  func.func @transform_13(%arg0: i32) -> (i32, i32) {
    %c0_i32 = arith.constant 0 : i32
    %c0_i32_0 = arith.constant 0 : i32
    return %arg0, %c0_i32 : i32, i32
  }
}

module attributes {stable_mosaic.version = 14 : i64} {
  func.func @_attn_body(%arg0: i32, %arg1: memref<128x256xf32, #tpu.memory_space<vmem>>, %arg2: memref<2048x384xi32, #tpu.memory_space<vmem>>, %arg3: memref<128x128xf32, #tpu.memory_space<vmem>>, %arg4: memref<128x256xf32, #tpu.memory_space<vmem>>, %arg5: memref<1x256xf32, #tpu.memory_space<vmem>>, %arg6: memref<256x256xf32, #tpu.memory_space<vmem>>, %arg7: memref<1x256xf32, #tpu.memory_space<vmem>>, %arg8: memref<256x256xf32, #tpu.memory_space<vmem>>, %arg9: memref<1x256xf32, #tpu.memory_space<vmem>>, %arg10: memref<256x256xf32, #tpu.memory_space<vmem>>, %arg11: memref<1x256xf32, #tpu.memory_space<vmem>>, %arg12: memref<256x256xf32, #tpu.memory_space<vmem>>, %arg13: memref<1x256xf32, #tpu.memory_space<vmem>>, %arg14: memref<128x256xf32, #tpu.memory_space<vmem>>) attributes {dimension_semantics = [#tpu.dimension_semantics<arbitrary>], iteration_bounds = array<i64: 16>, scalar_prefetch = 0 : i64, scratch_operands = 0 : i64, tpu.core_type = #tpu.core_type<tc>, window_params = [{transform_indices = @transform_0, window_bounds = array<i64: 128, 256>}, {transform_indices = @transform_1, window_bounds = array<i64: 2048, 384>}, {transform_indices = @transform_2, window_bounds = array<i64: 128, 128>}, {pipeline_mode = #tpu.pipeline_mode<synchronous>, transform_indices = @transform_3, window_bounds = array<i64: 128, 256>}, {pipeline_mode = #tpu.pipeline_mode<synchronous>, transform_indices = @transform_4, window_bounds = array<i64: 1, 256>}, {pipeline_mode = #tpu.pipeline_mode<synchronous>, transform_indices = @transform_5, window_bounds = array<i64: 256, 256>}, {pipeline_mode = #tpu.pipeline_mode<synchronous>, transform_indices = @transform_6, window_bounds = array<i64: 1, 256>}, {pipeline_mode = #tpu.pipeline_mode<synchronous>, transform_indices = @transform_7, window_bounds = array<i64: 256, 256>}, {pipeline_mode = #tpu.pipeline_mode<synchronous>, transform_indices = @transform_8, window_bounds = array<i64: 1, 256>}, {pipeline_mode = #tpu.pipeline_mode<synchronous>, transform_indices = @transform_9, window_bounds = array<i64: 256, 256>}, {pipeline_mode = #tpu.pipeline_mode<synchronous>, transform_indices = @transform_10, window_bounds = array<i64: 1, 256>}, {pipeline_mode = #tpu.pipeline_mode<synchronous>, transform_indices = @transform_11, window_bounds = array<i64: 256, 256>}, {pipeline_mode = #tpu.pipeline_mode<synchronous>, transform_indices = @transform_12, window_bounds = array<i64: 1, 256>}, {transform_indices = @transform_13, window_bounds = array<i64: 128, 256>}]} {
    %get3A = arith.constant 0 : index
    %get3A_0 = arith.constant 0 : index
    %get3A_1 = vector.load %arg2[%get3A, %get3A_0] : memref<2048x384xi32, #tpu.memory_space<vmem>>, vector<2048x256xi32>
    %bitcast_convert_type3A = tpu.bitcast %get3A_1 : vector<2048x256xi32> -> vector<2048x256xi32>
    %and3A = arith.constant -65536 : i32
    %and3A_2 = vector.broadcast %and3A : i32 to vector<2048x256xi32>
    %and3A_3 = arith.andi %bitcast_convert_type3A, %and3A_2 : vector<2048x256xi32>
    %bitcast_convert_type3A_4 = tpu.bitcast %and3A_3 : vector<2048x256xi32> -> vector<2048x256xf32>
    %shift_left3A = arith.constant 16 : i32
    %shift_left3A_5 = vector.broadcast %shift_left3A : i32 to vector<2048x256xi32>
    %shift_left3A_6 = arith.shli %bitcast_convert_type3A, %shift_left3A_5 : vector<2048x256xi32>
    %bitcast_convert_type3A_7 = tpu.bitcast %shift_left3A_6 : vector<2048x256xi32> -> vector<2048x256xf32>
    %get3A_8 = arith.constant 0 : index
    %get3A_9 = arith.constant 256 : index
    %get3A_10 = vector.load %arg2[%get3A_8, %get3A_9] : memref<2048x384xi32, #tpu.memory_space<vmem>>, vector<2048x128xi32>
    %bitcast_convert_type3A_11 = tpu.bitcast %get3A_10 : vector<2048x128xi32> -> vector<2048x128xf32>
    %get3A_12 = arith.constant 0 : index
    %get3A_13 = arith.constant 0 : index
    %get3A_14 = vector.load %arg3[%get3A_12, %get3A_13] : memref<128x128xf32, #tpu.memory_space<vmem>>, vector<128x128xf32>
    %broadcast_in_dim3A = vector.shape_cast %get3A_14 : vector<128x128xf32> to vector<128x1x128xf32>
    %reshape3A = vector.shape_cast %bitcast_convert_type3A_11 : vector<2048x128xf32> to vector<128x16x128xf32>
    %sub3A = vector.broadcast %broadcast_in_dim3A : vector<128x1x128xf32> to vector<128x16x128xf32>
    %sub3A_15 = arith.subf %sub3A, %reshape3A : vector<128x16x128xf32>
    %reshape3A_16 = vector.shape_cast %sub3A_15 : vector<128x16x128xf32> to vector<2048x128xf32>
    %get3A_17 = arith.constant 0 : index
    %get3A_18 = arith.constant 0 : index
    %get3A_19 = vector.load %arg4[%get3A_17, %get3A_18] : memref<128x256xf32, #tpu.memory_space<vmem>>, vector<128x256xf32>
    %dot_general3A = arith.constant dense<0.000000e+00> : vector<2048x256xf32>
    %dot_general3A_20 = tpu.matmul %reshape3A_16, %get3A_19, %dot_general3A {dimension_numbers = #tpu.dot_dimension_numbers<[1], [0], [0], [1], [0, 0, 1, 1], [], []>, transpose_lhs_hint = false} : vector<2048x128xf32>, vector<128x256xf32>, vector<2048x256xf32> -> vector<2048x256xf32>
    %get3A_21 = arith.constant 0 : index
    %get3A_22 = arith.constant 0 : index
    %get3A_23 = vector.load %arg5[%get3A_21, %get3A_22] : memref<1x256xf32, #tpu.memory_space<vmem>>, vector<1x256xf32>
    %add3A = vector.broadcast %get3A_23 : vector<1x256xf32> to vector<2048x256xf32>
    %add3A_24 = arith.addf %dot_general3A_20, %add3A : vector<2048x256xf32>
    %max3A = arith.constant 0.000000e+00 : f32
    %max3A_25 = vector.broadcast %max3A : f32 to vector<2048x256xf32>
    %max3A_26 = arith.maximumf %add3A_24, %max3A_25 : vector<2048x256xf32>
    %get3A_27 = arith.constant 0 : index
    %get3A_28 = arith.constant 0 : index
    %get3A_29 = vector.load %arg6[%get3A_27, %get3A_28] : memref<256x256xf32, #tpu.memory_space<vmem>>, vector<256x256xf32>
    %dot_general3A_30 = arith.constant dense<0.000000e+00> : vector<2048x256xf32>
    %dot_general3A_31 = tpu.matmul %max3A_26, %get3A_29, %dot_general3A_30 {dimension_numbers = #tpu.dot_dimension_numbers<[1], [0], [0], [1], [0, 0, 1, 1], [], []>, transpose_lhs_hint = false} : vector<2048x256xf32>, vector<256x256xf32>, vector<2048x256xf32> -> vector<2048x256xf32>
    %get3A_32 = arith.constant 0 : index
    %get3A_33 = arith.constant 0 : index
    %get3A_34 = vector.load %arg7[%get3A_32, %get3A_33] : memref<1x256xf32, #tpu.memory_space<vmem>>, vector<1x256xf32>
    %add3A_35 = vector.broadcast %get3A_34 : vector<1x256xf32> to vector<2048x256xf32>
    %add3A_36 = arith.addf %dot_general3A_31, %add3A_35 : vector<2048x256xf32>
    %get3A_37 = arith.constant 0 : index
    %get3A_38 = arith.constant 0 : index
    %get3A_39 = vector.load %arg1[%get3A_37, %get3A_38] : memref<128x256xf32, #tpu.memory_space<vmem>>, vector<128x256xf32>
    %broadcast_in_dim3A_40 = vector.shape_cast %get3A_39 : vector<128x256xf32> to vector<128x1x256xf32>
    %reshape3A_41 = vector.shape_cast %bitcast_convert_type3A_4 : vector<2048x256xf32> to vector<128x16x256xf32>
    %sub3A_42 = vector.broadcast %broadcast_in_dim3A_40 : vector<128x1x256xf32> to vector<128x16x256xf32>
    %sub3A_43 = arith.subf %sub3A_42, %reshape3A_41 : vector<128x16x256xf32>
    %reshape3A_44 = vector.shape_cast %add3A_36 : vector<2048x256xf32> to vector<128x16x256xf32>
    %add3A_45 = arith.addf %sub3A_43, %reshape3A_44 : vector<128x16x256xf32>
    %reshape3A_46 = vector.shape_cast %add3A_45 : vector<128x16x256xf32> to vector<2048x256xf32>
    %get3A_47 = arith.constant 0 : index
    %get3A_48 = arith.constant 0 : index
    %get3A_49 = vector.load %arg8[%get3A_47, %get3A_48] : memref<256x256xf32, #tpu.memory_space<vmem>>, vector<256x256xf32>
    %dot_general3A_50 = arith.constant dense<0.000000e+00> : vector<2048x256xf32>
    %dot_general3A_51 = tpu.matmul %reshape3A_46, %get3A_49, %dot_general3A_50 {dimension_numbers = #tpu.dot_dimension_numbers<[1], [0], [0], [1], [0, 0, 1, 1], [], []>, transpose_lhs_hint = false} : vector<2048x256xf32>, vector<256x256xf32>, vector<2048x256xf32> -> vector<2048x256xf32>
    %get3A_52 = arith.constant 0 : index
    %get3A_53 = arith.constant 0 : index
    %get3A_54 = vector.load %arg9[%get3A_52, %get3A_53] : memref<1x256xf32, #tpu.memory_space<vmem>>, vector<1x256xf32>
    %add3A_55 = vector.broadcast %get3A_54 : vector<1x256xf32> to vector<2048x256xf32>
    %add3A_56 = arith.addf %dot_general3A_51, %add3A_55 : vector<2048x256xf32>
    %max3A_57 = arith.constant 0.000000e+00 : f32
    %max3A_58 = vector.broadcast %max3A_57 : f32 to vector<2048x256xf32>
    %max3A_59 = arith.maximumf %add3A_56, %max3A_58 : vector<2048x256xf32>
    %get3A_60 = arith.constant 0 : index
    %get3A_61 = arith.constant 0 : index
    %get3A_62 = vector.load %arg10[%get3A_60, %get3A_61] : memref<256x256xf32, #tpu.memory_space<vmem>>, vector<256x256xf32>
    %dot_general3A_63 = arith.constant dense<0.000000e+00> : vector<2048x256xf32>
    %dot_general3A_64 = tpu.matmul %max3A_59, %get3A_62, %dot_general3A_63 {dimension_numbers = #tpu.dot_dimension_numbers<[1], [0], [0], [1], [0, 0, 1, 1], [], []>, transpose_lhs_hint = false} : vector<2048x256xf32>, vector<256x256xf32>, vector<2048x256xf32> -> vector<2048x256xf32>
    %get3A_65 = arith.constant 0 : index
    %get3A_66 = arith.constant 0 : index
    %get3A_67 = vector.load %arg11[%get3A_65, %get3A_66] : memref<1x256xf32, #tpu.memory_space<vmem>>, vector<1x256xf32>
    %add3A_68 = vector.broadcast %get3A_67 : vector<1x256xf32> to vector<2048x256xf32>
    %add3A_69 = arith.addf %dot_general3A_64, %add3A_68 : vector<2048x256xf32>
    %reshape3A_70 = vector.shape_cast %add3A_69 : vector<2048x256xf32> to vector<128x16x256xf32>
    %exp3A = math.exp %reshape3A_70 : vector<128x16x256xf32>
    %reduce_sum3A = arith.constant dense<0.000000e+00> : vector<128x256xf32>
    %reduce_sum3A_71 = vector.multi_reduction <add>, %exp3A, %reduce_sum3A [1] : vector<128x16x256xf32> to vector<128x256xf32>
    %broadcast_in_dim3A_72 = vector.shape_cast %reduce_sum3A_71 : vector<128x256xf32> to vector<128x1x256xf32>
    %div3A = vector.broadcast %broadcast_in_dim3A_72 : vector<128x1x256xf32> to vector<128x16x256xf32>
    %div3A_73 = arith.divf %exp3A, %div3A : vector<128x16x256xf32>
    %reshape3A_74 = vector.shape_cast %bitcast_convert_type3A_7 : vector<2048x256xf32> to vector<128x16x256xf32>
    %reshape3A_75 = vector.shape_cast %add3A_36 : vector<2048x256xf32> to vector<128x16x256xf32>
    %add3A_76 = arith.addf %reshape3A_74, %reshape3A_75 : vector<128x16x256xf32>
    %mul3A = arith.mulf %div3A_73, %add3A_76 : vector<128x16x256xf32>
    %reduce_sum3A_77 = arith.constant dense<0.000000e+00> : vector<128x256xf32>
    %reduce_sum3A_78 = vector.multi_reduction <add>, %mul3A, %reduce_sum3A_77 [1] : vector<128x16x256xf32> to vector<128x256xf32>
    %get3A_79 = arith.constant 0 : index
    %get3A_80 = arith.constant 0 : index
    %get3A_81 = vector.load %arg12[%get3A_79, %get3A_80] : memref<256x256xf32, #tpu.memory_space<vmem>>, vector<256x256xf32>
    %dot_general3A_82 = arith.constant dense<0.000000e+00> : vector<128x256xf32>
    %dot_general3A_83 = tpu.matmul %reduce_sum3A_78, %get3A_81, %dot_general3A_82 {dimension_numbers = #tpu.dot_dimension_numbers<[1], [0], [0], [1], [0, 0, 1, 1], [], []>, transpose_lhs_hint = false} : vector<128x256xf32>, vector<256x256xf32>, vector<128x256xf32> -> vector<128x256xf32>
    %get3A_84 = arith.constant 0 : index
    %get3A_85 = arith.constant 0 : index
    %get3A_86 = vector.load %arg13[%get3A_84, %get3A_85] : memref<1x256xf32, #tpu.memory_space<vmem>>, vector<1x256xf32>
    %add3A_87 = vector.broadcast %get3A_86 : vector<1x256xf32> to vector<128x256xf32>
    %add3A_88 = arith.addf %dot_general3A_83, %add3A_87 : vector<128x256xf32>
    %swap3A = arith.constant 0 : index
    %swap3A_89 = arith.constant 0 : index
    %swap3A_90 = vector.load %arg14[%swap3A, %swap3A_89] : memref<128x256xf32, #tpu.memory_space<vmem>>, vector<128x256xf32>
    tpu.vector_store %arg14[%swap3A, %swap3A_89], %add3A_88 {strides = array<i32>} : memref<128x256xf32, #tpu.memory_space<vmem>>, vector<128x256xf32>,
    return
  }
  func.func @transform_0(%arg0: i32) -> (i32, i32) {
    %add3A = arith.constant 0 : i32
    %add3A_0 = arith.addi %add3A, %arg0 : i32
    %c0_i32 = arith.constant 0 : i32
    %c0_i32_1 = arith.constant 0 : i32
    return %add3A_0, %c0_i32 : i32, i32
  }
  func.func @transform_1(%arg0: i32) -> (i32, i32) {
    %c0_i32 = arith.constant 0 : i32
    %c0_i32_0 = arith.constant 0 : i32
    return %arg0, %c0_i32 : i32, i32
  }
  func.func @transform_2(%arg0: i32) -> (i32, i32) {
    %add3A = arith.constant 0 : i32
    %add3A_0 = arith.addi %add3A, %arg0 : i32
    %c0_i32 = arith.constant 0 : i32
    %c0_i32_1 = arith.constant 0 : i32
    return %add3A_0, %c0_i32 : i32, i32
  }
  func.func @transform_3(%arg0: i32) -> (i32, i32) {
    %c0_i32 = arith.constant 0 : i32
    %c0_i32_0 = arith.constant 0 : i32
    %c0_i32_1 = arith.constant 0 : i32
    return %c0_i32, %c0_i32_0 : i32, i32
  }
  func.func @transform_4(%arg0: i32) -> (i32, i32) {
    %c0_i32 = arith.constant 0 : i32
    %c0_i32_0 = arith.constant 0 : i32
    %c0_i32_1 = arith.constant 0 : i32
    return %c0_i32, %c0_i32_0 : i32, i32
  }
  func.func @transform_5(%arg0: i32) -> (i32, i32) {
    %c0_i32 = arith.constant 0 : i32
    %c0_i32_0 = arith.constant 0 : i32
    %c0_i32_1 = arith.constant 0 : i32
    return %c0_i32, %c0_i32_0 : i32, i32
  }
  func.func @transform_6(%arg0: i32) -> (i32, i32) {
    %c0_i32 = arith.constant 0 : i32
    %c0_i32_0 = arith.constant 0 : i32
    %c0_i32_1 = arith.constant 0 : i32
    return %c0_i32, %c0_i32_0 : i32, i32
  }
  func.func @transform_7(%arg0: i32) -> (i32, i32) {
    %c0_i32 = arith.constant 0 : i32
    %c0_i32_0 = arith.constant 0 : i32
    %c0_i32_1 = arith.constant 0 : i32
    return %c0_i32, %c0_i32_0 : i32, i32
  }
  func.func @transform_8(%arg0: i32) -> (i32, i32) {
    %c0_i32 = arith.constant 0 : i32
    %c0_i32_0 = arith.constant 0 : i32
    %c0_i32_1 = arith.constant 0 : i32
    return %c0_i32, %c0_i32_0 : i32, i32
  }
  func.func @transform_9(%arg0: i32) -> (i32, i32) {
    %c0_i32 = arith.constant 0 : i32
    %c0_i32_0 = arith.constant 0 : i32
    %c0_i32_1 = arith.constant 0 : i32
    return %c0_i32, %c0_i32_0 : i32, i32
  }
  func.func @transform_10(%arg0: i32) -> (i32, i32) {
    %c0_i32 = arith.constant 0 : i32
    %c0_i32_0 = arith.constant 0 : i32
    %c0_i32_1 = arith.constant 0 : i32
    return %c0_i32, %c0_i32_0 : i32, i32
  }
  func.func @transform_11(%arg0: i32) -> (i32, i32) {
    %c0_i32 = arith.constant 0 : i32
    %c0_i32_0 = arith.constant 0 : i32
    %c0_i32_1 = arith.constant 0 : i32
    return %c0_i32, %c0_i32_0 : i32, i32
  }
  func.func @transform_12(%arg0: i32) -> (i32, i32) {
    %c0_i32 = arith.constant 0 : i32
    %c0_i32_0 = arith.constant 0 : i32
    %c0_i32_1 = arith.constant 0 : i32
    return %c0_i32, %c0_i32_0 : i32, i32
  }
  func.func @transform_13(%arg0: i32) -> (i32, i32) {
    %c0_i32 = arith.constant 0 : i32
    %c0_i32_0 = arith.constant 0 : i32
    return %arg0, %c0_i32 : i32, i32
  }
}

</mosaic_0001>

<sc_bundles>
// kernel: kernel.15.cloned.1.call-start
scs
__scs_entry_jumppad:
0x0: {  	(pc) =	sbr.rel $0x88, $3  }
0x1: {  	(tag) =	ssettag $0x0;
	lr =	simm.s32 $0x1  }
0x2: {  	[smem:$0x3F90] =	sst lr;
	_ =	strace $0xD0000000  }
0x3: {  	_ = 	snop  }
0x4: {  	_ = 	snop  }
0x5: {  	_ = 	snop  }
0x6: {  	_ = 	snop  }
0x7: {  	_ = 	snop  }
__scs_overlays_trampoline_lowered:
0x8: {  	[smem:$0x3F9F] =	sst s0  }
0x9: {  	[smem:$0x3FA0] =	sst s1  }
0xa: {  	[smem:$0x3FA1] =	sst s2  }
0xb: {  	[smem:$0x3FA2] =	sst s3  }
0xc: {  	[smem:$0x3FA3] =	sst s4  }
0xd: {  	[smem:$0x3FA4] =	sst s5  }
0xe: {  	[smem:$0x3FA5] =	sst s6  }
0xf: {  	[smem:$0x3FA6] =	sst s7  }
0x10: {  	[smem:$0x3FA7] =	sst s8  }
0x11: {  	[smem:$0x3FA8] =	sst s9;
	s0 =	simm.s32 @!p0 $0x0  }
0x12: {  	s1 =	sld [smem:$0x3F8E];
	s0 =	simm.s32 @p0 $0x1  }
0x13: {  	[smem:$0x3FA9] =	sst s0;
	s0 =	simm.s32 @!p1 $0x0  }
0x14: {  	s2 =	sld [smem:$0x3F8D];
	s0 =	simm.s32 @p1 $0x1  }
0x15: {  	[smem:$0x3FAA] =	sst s0;
	s0 =	simm.s32 @!p2 $0x0  }
0x16: {  	s3 =	sld [smem:$0x3FDB];
	s0 =	simm.s32 @p2 $0x1  }
0x17: {  	s4 =	simm.s32 $0x1BF5;
	[smem:$0x3FAC] =	sst s0  }
0x18: {  	s0 =	sld [smem:$0x3F8F];
	_ =	swait.ge [sflag:s4], $0x0  }
0x19: {  	s7 =	sld [smem:$0x3F90]  }
0x1a: {  	s8 =	sadd.s32 $0xFFFFE003, lr  }
0x1b: {  	s9 =	sadd.s32 $0xFFFFFEF7, lr;
	s5 =	simm.s32 $0xFFFFFFFF;
	p2 =	slt.u32 s8, $0xFFFFF086  }
0x1c: {  	p1 =	slt.u32 s9, $0xF7A;
	s5 =	simm.s32 @!p2 $0x0  }
0x1d: {  	s5 =	simm.s32 @p1 $0x1;
	p0 =	seq.s32 s7, s2  }
0x1e: {  	s7 =	smul.u32 @!p0 $0xF7A, s2;
	p2 =	seq.s32 @!p0 s5, $0x0  }
0x1f: {  	s9 =	smul.u32 $0xF7A, s1;
	s8 =	simm.s32 @!p0 $0x1BF5;
	p2 =	por !p2, p0  }
0x20: {  	[sflag:s8] =	ssyncset.s32 @!p0 $0xFFFFF086;
	s6 =	sadd.s32 @!p0 s3, s7;
	s7 =	simm.s32 @!p0 $0x108  }
0x21: {  	s3 =	sadd.s32 s3, s9;
	s6 =	sadd.s32 @!p0 $0x88, s6;
	s7 =	simm.s32 @p2 $0x1082  }
0x22: {  	[simem:s7], [sflag:s8] =	dma.local @!p0 [hbm:s6], $0xF7A  }
0x23: {  	s9 =	sor.u32 $0xD0000000, s2;
	s6 =	simm.s32 $0x108;
	_ =	swait.ge @!p0 [sflag:s8], $0x0  }
0x24: {  	s3 =	sadd.s32 $0x88, s3;
	s6 =	simm.s32 @!p1 $0x1082;
	[sflag:s4] =	ssyncset.s32 $0xFFFFF086  }
0x25: {  	[simem:s6], [sflag:s4] =	dma.local [hbm:s3], $0xF7A  }
0x26: {  	[smem:$0x3F90] =	sst s1;
	(tag) =	ssettag s2;
	_ =	strace s9  }
0x27: {  	s1 =	sld [smem:$0x3FA0]  }
0x28: {  	s2 =	sld [smem:$0x3FA1]  }
0x29: {  	s4 =	sld [smem:$0x3FA3]  }
0x2a: {  	p0 =	seq.s32 s5, $0x0;
	s5 =	sld [smem:$0x3FA4]  }
0x2b: {  	s6 =	sld [smem:$0x3FA5]  }
0x2c: {  	s7 =	sld [smem:$0x3FA6]  }
0x2d: {  	s3 =	simm.s32 $0x108;
	s8 =	sld [smem:$0x3FA7]  }
0x2e: {  	s3 =	simm.s32 @!p0 $0x1082;
	s9 =	sld [smem:$0x3FA8]  }
0x2f: {  	lr =	sadd.s32 s0, s3;
	s0 =	sld [smem:$0x3F9F]  }
0x30: {  	s3 =	sld [smem:$0x3FA2]  }
0x31: {  	[smem:$0x3FAB] =	sst s10  }
0x32: {  	s10 =	sld [smem:$0x3FA9];
	_ =	sdelay $0x3  }
0x33: {  	p0 =	seq.s32 s10, $0x1;
	s10 =	sld [smem:$0x3FAB];
	_ =	sdelay $0x3  }
0x34: {  	[smem:$0x3FAB] =	sst s10  }
0x35: {  	s10 =	sld [smem:$0x3FAA];
	_ =	sdelay $0x3  }
0x36: {  	p1 =	seq.s32 s10, $0x1;
	s10 =	sld [smem:$0x3FAB];
	_ =	sdelay $0x3  }
0x37: {  	[smem:$0x3FAB] =	sst s10  }
0x38: {  	s10 =	sld [smem:$0x3FAC]  }
0x39: {  	_ = 	snop;
	(pc) =	sbr.ind lr, $3  }
0x3a: {  	_ = 	snop  }
0x3b: {  	_ = 	snop  }
0x3c: {  	p2 =	seq.s32 s10, $0x1;
	s10 =	sld [smem:$0x3FAB]  }
0x3d: {  	_ =	shalt  }
0x3e: {  	_ =	shalt  }
0x3f: {  	_ =	shalt  }
0x40: {  	_ =	shalt  }
0x41: {  	_ =	shalt  }
0x42: {  	_ =	shalt  }
0x43: {  	_ =	shalt  }
0x44: {  	_ =	shalt  }
0x45: {  	_ =	shalt  }
0x46: {  	_ =	shalt  }
0x47: {  	_ =	shalt  }
0x48: {  	_ =	shalt  }
0x49: {  	_ =	shalt  }
0x4a: {  	_ =	shalt  }
0x4b: {  	_ =	shalt  }
0x4c: {  	_ =	shalt  }
0x4d: {  	_ =	shalt  }
0x4e: {  	_ =	shalt  }
0x4f: {  	_ =	shalt  }
0x50: {  	_ =	shalt  }
0x51: {  	_ =	shalt  }
0x52: {  	_ =	shalt  }
0x53: {  	_ =	shalt  }
0x54: {  	_ =	shalt  }
0x55: {  	_ =	shalt  }
0x56: {  	_ =	shalt  }
0x57: {  	_ =	shalt  }
0x58: {  	_ =	shalt  }
0x59: {  	_ =	shalt  }
0x5a: {  	_ =	shalt  }
0x5b: {  	_ =	shalt  }
0x5c: {  	_ =	shalt  }
0x5d: {  	_ =	shalt  }
0x5e: {  	_ =	shalt  }
0x5f: {  	_ =	shalt  }
0x60: {  	_ =	shalt  }
0x61: {  	_ =	shalt  }
0x62: {  	_ =	shalt  }
0x63: {  	_ =	shalt  }
0x64: {  	_ =	shalt  }
0x65: {  	_ =	shalt  }
0x66: {  	_ =	shalt  }
0x67: {  	_ =	shalt  }
0x68: {  	_ =	shalt  }
0x69: {  	_ =	shalt  }
0x6a: {  	_ =	shalt  }
0x6b: {  	_ =	shalt  }
0x6c: {  	_ =	shalt  }
0x6d: {  	_ =	shalt  }
0x6e: {  	_ =	shalt  }
0x6f: {  	_ =	shalt  }
0x70: {  	_ =	shalt  }
0x71: {  	_ =	shalt  }
0x72: {  	_ =	shalt  }
0x73: {  	_ =	shalt  }
0x74: {  	_ =	shalt  }
0x75: {  	_ =	shalt  }
0x76: {  	_ =	shalt  }
0x77: {  	_ =	shalt  }
0x78: {  	_ =	shalt  }
0x79: {  	_ =	shalt  }
0x7a: {  	_ =	shalt  }
0x7b: {  	_ =	shalt  }
0x7c: {  	_ =	shalt  }
0x7d: {  	_ =	shalt  }
0x7e: {  	_ =	shalt  }
0x7f: {  	_ =	shalt  }
0x80: {  	_ =	shalt  }
0x81: {  	_ =	shalt  }
0x82: {  	_ =	shalt  }
0x83: {  	_ =	shalt  }
0x84: {  	_ =	shalt  }
0x85: {  	_ =	shalt  }
0x86: {  	_ =	shalt  }
0x87: {  	_ =	shalt  }
.Lfunc_end0:
.L_simem_size_0:
called_computation_lowered:
.L_overlay_start_0:
0x88: {  	s2 =	sld [smem:$0x3FD9]  }
0x89: {  	s3 =	sld [smem:$0x3FFE];
	_ =	sdelay $0x1  }
0x8a: {  	s1 =	srdreg.scid  }
0x8b: {  	s0 =	sand.u32 $0x1, s1  }
0x8c: {  	s17 =	sshll.u32 s0, $0xA;
	s2 =	sadd.s32 s3, s2  }
0x8d: {  	s2 =	sadd.s32 s2, s17  }
0x8e: {  	[smem:$0x3FB7] =	sst s2  }
0x8f: {  	_ = 	snop  }
0x90: {  	(tm) =	ssettm $0x1  }
0x91: {  	s18 =	sld [smem:$0x3FFB];
	_ =	sdelay $0x3  }
0x92: {  	_ =	strace s18  }
0x93: {  	s2 =	sld [smem:$0x3FFC];
	_ =	sdelay $0x3  }
0x94: {  	_ =	strace s2  }
0x95: {  	s2 =	sld [smem:$0x3FFD];
	_ =	sdelay $0x3  }
0x96: {  	_ =	strace s2  }
0x97: {  	_ =	strace $0x8FFFFFFF  }
0x98: {  	s19 =	sld [smem:$0x3FDB];
	_ =	sdelay $0x1  }
0x99: {  	s20 =	simm.s32 $_scs_section_size  }
0x9a: {  	s4 =	simm.s32 $_size__tile_overlayer_lowered;
	s5 =	simm.s32 $_tile_overlayer_lowered  }
0x9b: {  	s6 =	simm.s32 $0x1BFF;
	s21 =	sshll.u32 s5, $0x1;
	s3 =	sadd.s32 s20, s19  }
0x9c: {  	s22 =	simm.s32 $0x0;
	s4 =	sshll.u32 s4, $0x1;
	s5 =	sadd.s32 s21, s3  }
0x9d: {  	[timem:s22], [sflag:s6] =	dma.local [hbm:s5], s4  }
0x9e: {  	_ =	swait.ge [sflag:s6], s4  }
0x9f: {  	s4 =	ssub.s32 $0x0, s4;
	[sflag:s6] =	ssyncset.done $0x0  }
0xa0: {  	[sflag:s6] =	ssyncadd.s32 s4;
	_ =	sdelay $0x1  }
0xa1: {  	s23 =	simm.s32 $0x1B8B  }
0xa2: {  	_ =	swait.ge [sflag:s23], $0x1  }
0xa3: {  	[sflag:s23] =	ssyncset.done $0x0  }
0xa4: {  	[sflag:s23] =	ssyncadd.s32 $0xFFFFFFFF  }
0xa5: {  	s4 =	sld [smem:$0x0]  }
0xa6: {  	s5 =	sand.u32 $0xFFFFFFFE, s1  }
0xa7: {  	p0 =	sne.s32 s1, s5  }
0xa8: {  	s5 =	sshll.u32 @p0 s5, $0xE  }
0xa9: {  	s5 =	sadd.s32 @p0 $0x11B8D, s5;
	s6 =	sshll.u32 @p0 s4, $0x11  }
0xaa: {  	s5 =	sor.u32 @p0 s6, s5  }
0xab: {  	[sflag:s5] =	ssyncadd.remote.s32 @p0 $0x1;
	_ =	sdelay $0x1  }
0xac: {  	s5 =	simm.s32 @p0 $0x1B8D  }
0xad: {  	_ =	swait.eq @p0 [sflag:s5], $0x1  }
0xae: {  	[sflag:s5] =	ssyncadd.s32 @p0 $0xFFFFFFFF  }
0xaf: {  	s6 =	sshll.u32 @!p0 s1, $0xE  }
0xb0: {  	s6 =	sor.u32 @!p0 $0x4000, s6;
	s5 =	simm.s32 @!p0 $0x1B8D  }
0xb1: {  	s4 =	sshll.u32 @!p0 s4, $0x11;
	s6 =	sadd.s32 @!p0 $0x11B8D, s6;
	_ =	swait.eq @!p0 [sflag:s5], $0x1  }
0xb2: {  	s4 =	sor.u32 @!p0 s4, s6;
	[sflag:s5] =	ssyncadd.s32 @!p0 $0xFFFFFFFF  }
0xb3: {  	s25 =	simm.s32 $0x1B8E;
	s24 =	sld [smem:$0x3FFE];
	[sflag:s4] =	ssyncadd.remote.s32 @!p0 $0x1  }
0xb4: {  	s26 =	simm.s32 $execute0_lowered;
	[smem:$0x3FD2] =	sst s25  }
0xb5: {  	s5 =	sshll.u32 s26, $0x1;
	_ =	strace $0x8000004F;
	[dreg:$0x1] =	wrdreg $0xFFFFFFFF  }
0xb6: {  	s28 =	simm.s32 $_size_execute0_lowered;
	s3 =	sadd.s32 s3, s5;
	[dreg:$0x0] =	wrdreg $0x0  }
0xb7: {  	s5 =	sshll.u32 s28, $0x1;
	[dreg:$0x2] =	wrdreg s3  }
0xb8: {  	[dreg:$0x3] =	wrdreg s5  }
0xb9: {  	[dreg:$0x4] =	wrdreg $0xC0  }
0xba: {  	_ =	task [dreg:s22], $0x5FFFF  }
0xbb: {  	[dreg:$0x1] =	wrdreg $0xFFFFFFFF  }
0xbc: {  	[dreg:$0x0] =	wrdreg $0x60  }
0xbd: {  	[dreg:$0x2] =	wrdreg s24  }
0xbe: {  	[dreg:$0x3] =	wrdreg $0x9  }
0xbf: {  	_ =	task.clear_ibuf [dreg:s22], $0x4FFFF;
	_ =	strace $0x9000004F  }
0xc0: {  	s29 =	simm.s32 $0x9;
	_ =	strace $0x80000051  }
0xc1: {  	_ =	swait.ge [sflag:s29], $0x1  }
0xc2: {  	[sflag:s29] =	ssyncadd.s32 $0xFFFFFFFF  }
0xc3: {  	_ =	strace $0x90000051  }
0xc4: {  	_ =	sfence  }
0xc5: {  	s30 =	sld [smem:$0x0];
	_ =	sdelay $0x2  }
0xc6: {  	s31 =	sshll.u32 s1, $0xD;
	s1 =	sshrl.u32 s1, $0x2  }
0xc7: {  	s4 =	sand.u32 $0x4000, s31;
	s1 =	sadd.s32 s1, s30  }
0xc8: {  	s0 =	sor.u32 s4, s0;
	s1 =	sshll.u32 s1, $0x11  }
0xc9: {  	s0 =	sor.u32 s1, s0  }
0xca: {  	s0 =	sadd.s32 $0x8F2B, s0  }
0xcb: {  	[sflag:s0] =	ssyncadd.remote.s32 $0x1  }
0xcc: {  	_ =	sfence.sel $0xFFFF  }
0xcd: {  	[dreg:$0x0] =	wrdreg $0xFFFFFFFF;
	(pc) =	sbr.abs _section_cstart, $3  }
0xce: {  	[dreg:$0x1] =	wrdreg $0xFFFFFFFF  }
0xcf: {  	_ =	task.clear_ibuf [dreg:s22], $0x2FFFF;
	_ =	strace $0x9FFFFFFF  }
0xd0: {  	(tm) =	ssettm $0x7FFFFFFF  }
0xd1: {  	_ =	shalt  }
tec
execute0_lowered:
.L_overlay_start_1:
0x0: {  	(tag) =	ssettag $0x1  }
0x1: {  	s0 =	rddreg [dreg:$0x0]  }
0x2: {  	s5 =	stileid.u32;
	s1 =	srdreg.scid  }
0x3: {  	s2 =	simm.s32 $0x0;
	s14 =	simm.s32 $0x880;
	s15 =	simm.s32 $0xC80  }
0x4: {  	s17 =	simm.s32 $0x1480;
	s18 =	simm.s32 $0x1880;
	s19 =	simm.s32 $0x2080  }
0x5: {  	s20 =	simm.s32 $0x2480;
	s21 =	simm.s32 $0x2C80;
	[smem:$0x7FF] =	sst s2  }
0x6: {  	s22 =	simm.s32 $0x3080;
	_ =	strace $0x80000050;
	[dreg:$0x3] =	wrdreg s14  }
0x7: {  	s23 =	simm.s32 $0x3880;
	s25 =	simm.s32 $0x3C80;
	[dreg:$0x4] =	wrdreg s15  }
0x8: {  	s26 =	simm.s32 $0x4480;
	s8 =	simm.s32 $0x80;
	[dreg:$0x5] =	wrdreg s17  }
0x9: {  	s9 =	simm.s32 $0x4880;
	s10 =	simm.s32 $0x5080;
	[dreg:$0x6] =	wrdreg s18  }
0xa: {  	s11 =	simm.s32 $0x5480;
	s28 =	simm.s32 $0xB480;
	[dreg:$0x7] =	wrdreg s19  }
0xb: {  	s29 =	simm.s32 $0xBC80;
	s30 =	simm.s32 $0x1;
	[dreg:$0x8] =	wrdreg s20  }
0xc: {  	s31 =	simm.s32 $0x0;
	s3 =	sshll.u32 s5, $0x8;
	[dreg:$0x9] =	wrdreg s21  }
0xd: {  	s1 =	sand.u32 $0x1, s1;
	s12 =	smul.u32 $0x18000, s5;
	[dreg:$0xa] =	wrdreg s22  }
0xe: {  	s3 =	sadd.s32 s3, s0;
	s4 =	sshll.u32 s1, $0x7;
	[dreg:$0xb] =	wrdreg s23  }
0xf: {  	s16 =	ssub.s32 $0x2, s1;
	s1 =	smul.u32 $0xC000, s1;
	[dreg:$0xc] =	wrdreg s25  }
0x10: {  	[dreg:$0xd] =	wrdreg s26;
	s14 =	simm.s32 $0x6880;
	s15 =	simm.s32 $0x6C80  }
0x11: {  	s17 =	simm.s32 $0x7880;
	s18 =	simm.s32 $0x8080;
	s19 =	simm.s32 $0x8480  }
0x12: {  	s20 =	simm.s32 $0x8C80;
	s21 =	simm.s32 $0x9080;
	s22 =	simm.s32 $0x9880  }
0x13: {  	s23 =	simm.s32 $0x9C80;
	s25 =	simm.s32 $0xA880;
	s26 =	simm.s32 $0xB080  }
0x14: {  	s3 =	sadd.s32 s4, s3;
	s6 =	sadd.s32 s12, s0;
	s7 =	sshrl.u32 s16, $0x1  }
0x15: {  	s4 =	sadd.s32 $0x25100, s0;
	s12 =	simm.s32 $0x5C80;
	s13 =	sadd.s32 $0x507000, s3  }
0x16: {  	s3 =	sadd.s32 $0x25000, s0;
	s5 =	ssub.s32 s16, s7;
	s1 =	sadd.s32 s1, s6  }
0x17: {  	v2 =	vlaneseq.u32;
	s7 =	simm.s32 $0x2;
	[dreg:$0x2] =	wrdreg s13;
	s5 =	smax.u32 s5, $0x1  }
0x18: {  	vm0 =	vmmov $0xffff;
	vm1 =	vmmov $0xff;
	v1 =	vshrl.u32 v2, $0x3;
	s16 =	simm.s32 $0x7480;
	s24 =	sadd.s32 $0x508000, s1;
	[dreg:$0xe] =	wrdreg s5  }
0x19: {  	v0 =	vand.u32 $0x7, v2;
	v2 =	vor.u32 $0x8, v2;
	v1 =	vmul.u32 $0x8, v1;
	s13 =	simm.s32 $0x6080;
	[dreg:$0xf] =	wrdreg s24;
	s24 =	simm.s32 $0xA480  }
.LBB2_1:
0x1a: {  	s6 =	rddreg [dreg:$0xf];
	s1 =	simm.s32 $0x0  }
.LBB2_2:
0x1b: {  	s5 =	rddreg [dreg:$0x2]  }
0x1c: {  	s5 =	sadd.s32 s1, s5  }
0x1d: {  	[tilespmem:s2], [sflag:$0x2] =	stream.linear.gather [hbm4b:s5+s2], $0x80, $0x38;
	[tilespmem:$0xC080] =	vst v63  }
0x1e: {  	_ =	swait.ge [sflag:s7], $0x80  }
0x1f: {  	[sflag:s7] =	ssyncset.done $0x0  }
0x20: {  	[sflag:s7] =	ssyncadd.s32 $0xFFFFFF80  }
0x21: {  	v3 =	vld [tilespmem:$0x0];
	_ =	sdelay $0x4  }
0x22: {  	v4 =	vshrl.u32 v3, $0x3  }
0x23: {  	v4 =	vmul.u32 $0x18, v4  }
0x24: {  	v3 =	vand.u32 $0x7, v3  }
0x25: {  	v3 =	vor.u32 v3, v4  }
0x26: {  	v4 =	vperm.xlane v3, v0;
	_ =	sdelay $0x1  }
0x27: {  	v4 =	vadd.s32 v1, v4;
	_ =	sdelay $0x1  }
0x28: {  	v3 =	vperm.xlane v3, v2;
	_ =	sdelay $0x1  }
0x29: {  	v3 =	vadd.s32 v1, v3  }
0x2a: {  	[tilespmem:s8], [sflag:$0x1] =	stream.indirect_vreg.gather [hbm4b:s3+s2], $0x80, v4, vm0, $0xb8;
	[tilespmem:$0xC080] =	vst v63  }
0x2b: {  	s5 =	rddreg [dreg:$0x3]  }
0x2c: {  	[tilespmem:s5], [sflag:$0x1] =	stream.indirect_vreg.gather [hbm4b:s4+s2], $0x80, v4, vm1, $0xb8;
	[tilespmem:$0xC080] =	vst v63  }
0x2d: {  	s0 =	rddreg [dreg:$0x4]  }
0x2e: {  	[tilespmem:s0], [sflag:$0x1] =	stream.indirect_vreg.gather [hbm4b:s3+s2], $0x80, v3, vm0, $0xb8;
	[tilespmem:$0xC080] =	vst v63  }
0x2f: {  	s5 =	rddreg [dreg:$0x5]  }
0x30: {  	[tilespmem:s5], [sflag:$0x1] =	stream.indirect_vreg.gather [hbm4b:s4+s2], $0x80, v3, vm1, $0xb8;
	[tilespmem:$0xC080] =	vst v63  }
0x31: {  	v3 =	vld [tilespmem:$0x10];
	_ =	sdelay $0x4  }
0x32: {  	v57 =	vshrl.u32 v3, $0x3  }
0x33: {  	v4 =	vmul.u32 $0x18, v57  }
0x34: {  	v3 =	vand.u32 $0x7, v3  }
0x35: {  	v3 =	vor.u32 v3, v4  }
0x36: {  	v4 =	vperm.xlane v3, v0;
	_ =	sdelay $0x1  }
0x37: {  	v4 =	vadd.s32 v1, v4;
	_ =	sdelay $0x1  }
0x38: {  	v3 =	vperm.xlane v3, v2;
	_ =	sdelay $0x1  }
0x39: {  	s0 =	rddreg [dreg:$0x6];
	v3 =	vadd.s32 v1, v3  }
0x3a: {  	[tilespmem:s0], [sflag:$0x1] =	stream.indirect_vreg.gather [hbm4b:s3+s2], $0x80, v4, vm0, $0xb8;
	[tilespmem:$0xC080] =	vst v63  }
0x3b: {  	s5 =	rddreg [dreg:$0x7]  }
0x3c: {  	[tilespmem:s5], [sflag:$0x1] =	stream.indirect_vreg.gather [hbm4b:s4+s2], $0x80, v4, vm1, $0xb8;
	[tilespmem:$0xC080] =	vst v63  }
0x3d: {  	s0 =	rddreg [dreg:$0x8]  }
0x3e: {  	[tilespmem:s0], [sflag:$0x1] =	stream.indirect_vreg.gather [hbm4b:s3+s2], $0x80, v3, vm0, $0xb8;
	[tilespmem:$0xC080] =	vst v63  }
0x3f: {  	s5 =	rddreg [dreg:$0x9]  }
0x40: {  	[tilespmem:s5], [sflag:$0x1] =	stream.indirect_vreg.gather [hbm4b:s4+s2], $0x80, v3, vm1, $0xb8;
	[tilespmem:$0xC080] =	vst v63  }
0x41: {  	v3 =	vld [tilespmem:$0x20];
	_ =	sdelay $0x4  }
0x42: {  	v58 =	vshrl.u32 v3, $0x3  }
0x43: {  	v4 =	vmul.u32 $0x18, v58  }
0x44: {  	v3 =	vand.u32 $0x7, v3  }
0x45: {  	v3 =	vor.u32 v3, v4  }
0x46: {  	v4 =	vperm.xlane v3, v0;
	_ =	sdelay $0x1  }
0x47: {  	v4 =	vadd.s32 v1, v4;
	_ =	sdelay $0x1  }
0x48: {  	v3 =	vperm.xlane v3, v2;
	_ =	sdelay $0x1  }
0x49: {  	s0 =	rddreg [dreg:$0xa];
	v3 =	vadd.s32 v1, v3  }
0x4a: {  	[tilespmem:s0], [sflag:$0x1] =	stream.indirect_vreg.gather [hbm4b:s3+s2], $0x80, v4, vm0, $0xb8;
	[tilespmem:$0xC080] =	vst v63  }
0x4b: {  	s5 =	rddreg [dreg:$0xb]  }
0x4c: {  	[tilespmem:s5], [sflag:$0x1] =	stream.indirect_vreg.gather [hbm4b:s4+s2], $0x80, v4, vm1, $0xb8;
	[tilespmem:$0xC080] =	vst v63  }
0x4d: {  	s0 =	rddreg [dreg:$0xc]  }
0x4e: {  	[tilespmem:s0], [sflag:$0x1] =	stream.indirect_vreg.gather [hbm4b:s3+s2], $0x80, v3, vm0, $0xb8;
	[tilespmem:$0xC080] =	vst v63  }
0x4f: {  	s5 =	rddreg [dreg:$0xd]  }
0x50: {  	[tilespmem:s5], [sflag:$0x1] =	stream.indirect_vreg.gather [hbm4b:s4+s2], $0x80, v3, vm1, $0xb8;
	[tilespmem:$0xC080] =	vst v63  }
0x51: {  	v3 =	vld [tilespmem:$0x30];
	_ =	sdelay $0x4  }
0x52: {  	v59 =	vshrl.u32 v3, $0x3  }
0x53: {  	v4 =	vmul.u32 $0x18, v59  }
0x54: {  	v3 =	vand.u32 $0x7, v3  }
0x55: {  	v3 =	vor.u32 v3, v4  }
0x56: {  	v4 =	vperm.xlane v3, v0;
	_ =	sdelay $0x1  }
0x57: {  	v4 =	vadd.s32 v1, v4;
	_ =	sdelay $0x1  }
0x58: {  	v3 =	vperm.xlane v3, v2;
	_ =	sdelay $0x1  }
0x59: {  	v3 =	vadd.s32 v1, v3  }
0x5a: {  	[tilespmem:s9], [sflag:$0x1] =	stream.indirect_vreg.gather [hbm4b:s3+s2], $0x80, v4, vm0, $0xb8;
	[tilespmem:$0xC080] =	vst v63  }
0x5b: {  	_ = 	snop  }
0x5c: {  	[tilespmem:s10], [sflag:$0x1] =	stream.indirect_vreg.gather [hbm4b:s4+s2], $0x80, v4, vm1, $0xb8;
	[tilespmem:$0xC080] =	vst v63  }
0x5d: {  	_ = 	snop  }
0x5e: {  	[tilespmem:s11], [sflag:$0x1] =	stream.indirect_vreg.gather [hbm4b:s3+s2], $0x80, v3, vm0, $0xb8;
	[tilespmem:$0xC080] =	vst v63  }
0x5f: {  	_ = 	snop  }
0x60: {  	[tilespmem:s12], [sflag:$0x1] =	stream.indirect_vreg.gather [hbm4b:s4+s2], $0x80, v3, vm1, $0xb8;
	[tilespmem:$0xC080] =	vst v63  }
0x61: {  	v3 =	vld [tilespmem:$0x40];
	_ =	sdelay $0x4  }
0x62: {  	v60 =	vshrl.u32 v3, $0x3  }
0x63: {  	v4 =	vmul.u32 $0x18, v60  }
0x64: {  	v3 =	vand.u32 $0x7, v3  }
0x65: {  	v3 =	vor.u32 v3, v4  }
0x66: {  	v4 =	vperm.xlane v3, v0;
	_ =	sdelay $0x1  }
0x67: {  	v4 =	vadd.s32 v1, v4;
	_ =	sdelay $0x1  }
0x68: {  	v3 =	vperm.xlane v3, v2;
	_ =	sdelay $0x1  }
0x69: {  	v3 =	vadd.s32 v1, v3  }
0x6a: {  	[tilespmem:s13], [sflag:$0x1] =	stream.indirect_vreg.gather [hbm4b:s3+s2], $0x80, v4, vm0, $0xb8;
	[tilespmem:$0xC080] =	vst v63  }
0x6b: {  	_ = 	snop  }
0x6c: {  	[tilespmem:s14], [sflag:$0x1] =	stream.indirect_vreg.gather [hbm4b:s4+s2], $0x80, v4, vm1, $0xb8;
	[tilespmem:$0xC080] =	vst v63  }
0x6d: {  	_ = 	snop  }
0x6e: {  	[tilespmem:s15], [sflag:$0x1] =	stream.indirect_vreg.gather [hbm4b:s3+s2], $0x80, v3, vm0, $0xb8;
	[tilespmem:$0xC080] =	vst v63  }
0x6f: {  	_ = 	snop  }
0x70: {  	[tilespmem:s16], [sflag:$0x1] =	stream.indirect_vreg.gather [hbm4b:s4+s2], $0x80, v3, vm1, $0xb8;
	[tilespmem:$0xC080] =	vst v63  }
0x71: {  	v3 =	vld [tilespmem:$0x50];
	_ =	sdelay $0x4  }
0x72: {  	v61 =	vshrl.u32 v3, $0x3  }
0x73: {  	v4 =	vmul.u32 $0x18, v61  }
0x74: {  	v3 =	vand.u32 $0x7, v3  }
0x75: {  	v3 =	vor.u32 v3, v4  }
0x76: {  	v4 =	vperm.xlane v3, v0;
	_ =	sdelay $0x1  }
0x77: {  	v4 =	vadd.s32 v1, v4;
	_ =	sdelay $0x1  }
0x78: {  	v3 =	vperm.xlane v3, v2;
	_ =	sdelay $0x1  }
0x79: {  	v3 =	vadd.s32 v1, v3  }
0x7a: {  	[tilespmem:s17], [sflag:$0x1] =	stream.indirect_vreg.gather [hbm4b:s3+s2], $0x80, v4, vm0, $0xb8;
	[tilespmem:$0xC080] =	vst v63  }
0x7b: {  	_ = 	snop  }
0x7c: {  	[tilespmem:s18], [sflag:$0x1] =	stream.indirect_vreg.gather [hbm4b:s4+s2], $0x80, v4, vm1, $0xb8;
	[tilespmem:$0xC080] =	vst v63  }
0x7d: {  	_ = 	snop  }
0x7e: {  	[tilespmem:s19], [sflag:$0x1] =	stream.indirect_vreg.gather [hbm4b:s3+s2], $0x80, v3, vm0, $0xb8;
	[tilespmem:$0xC080] =	vst v63  }
0x7f: {  	_ = 	snop  }
0x80: {  	[tilespmem:s20], [sflag:$0x1] =	stream.indirect_vreg.gather [hbm4b:s4+s2], $0x80, v3, vm1, $0xb8;
	[tilespmem:$0xC080] =	vst v63  }
0x81: {  	v3 =	vld [tilespmem:$0x60];
	_ =	sdelay $0x4  }
0x82: {  	v62 =	vshrl.u32 v3, $0x3  }
0x83: {  	v4 =	vmul.u32 $0x18, v62  }
0x84: {  	v3 =	vand.u32 $0x7, v3  }
0x85: {  	v3 =	vor.u32 v3, v4  }
0x86: {  	v4 =	vperm.xlane v3, v0;
	_ =	sdelay $0x1  }
0x87: {  	v4 =	vadd.s32 v1, v4;
	_ =	sdelay $0x1  }
0x88: {  	v3 =	vperm.xlane v3, v2;
	_ =	sdelay $0x1  }
0x89: {  	v3 =	vadd.s32 v1, v3  }
0x8a: {  	[tilespmem:s21], [sflag:$0x1] =	stream.indirect_vreg.gather [hbm4b:s3+s2], $0x80, v4, vm0, $0xb8;
	[tilespmem:$0xC080] =	vst v63  }
0x8b: {  	_ = 	snop  }
0x8c: {  	[tilespmem:s22], [sflag:$0x1] =	stream.indirect_vreg.gather [hbm4b:s4+s2], $0x80, v4, vm1, $0xb8;
	[tilespmem:$0xC080] =	vst v63  }
0x8d: {  	_ = 	snop  }
0x8e: {  	[tilespmem:s23], [sflag:$0x1] =	stream.indirect_vreg.gather [hbm4b:s3+s2], $0x80, v3, vm0, $0xb8;
	[tilespmem:$0xC080] =	vst v63  }
0x8f: {  	_ = 	snop  }
0x90: {  	[tilespmem:s24], [sflag:$0x1] =	stream.indirect_vreg.gather [hbm4b:s4+s2], $0x80, v3, vm1, $0xb8;
	[tilespmem:$0xC080] =	vst v63  }
0x91: {  	v3 =	vld [tilespmem:$0x70];
	_ =	sdelay $0x4  }
0x92: {  	v63 =	vshrl.u32 v3, $0x3  }
0x93: {  	v4 =	vmul.u32 $0x18, v63  }
0x94: {  	v3 =	vand.u32 $0x7, v3  }
0x95: {  	v3 =	vor.u32 v3, v4  }
0x96: {  	v4 =	vperm.xlane v3, v0;
	_ =	sdelay $0x1  }
0x97: {  	v4 =	vadd.s32 v1, v4;
	_ =	sdelay $0x1  }
0x98: {  	v3 =	vperm.xlane v3, v2;
	_ =	sdelay $0x1  }
0x99: {  	v3 =	vadd.s32 v1, v3  }
0x9a: {  	[tilespmem:s25], [sflag:$0x1] =	stream.indirect_vreg.gather [hbm4b:s3+s2], $0x80, v4, vm0, $0xb8;
	[tilespmem:$0xC080] =	vst v63  }
0x9b: {  	_ = 	snop  }
0x9c: {  	[tilespmem:s26], [sflag:$0x1] =	stream.indirect_vreg.gather [hbm4b:s4+s2], $0x80, v4, vm1, $0xb8;
	[tilespmem:$0xC080] =	vst v63  }
0x9d: {  	_ = 	snop  }
0x9e: {  	[tilespmem:s28], [sflag:$0x1] =	stream.indirect_vreg.gather [hbm4b:s3+s2], $0x80, v3, vm0, $0xb8;
	[tilespmem:$0xC080] =	vst v63  }
0x9f: {  	_ = 	snop  }
0xa0: {  	[tilespmem:s29], [sflag:$0x1] =	stream.indirect_vreg.gather [hbm4b:s4+s2], $0x80, v3, vm1, $0xb8;
	[tilespmem:$0xC080] =	vst v63  }
0xa1: {  	_ =	swait.ge [sflag:s30], $0xC000  }
0xa2: {  	p0 =	sne.s32 s1, $0x70;
	[sflag:s30] =	ssyncset.done $0x0  }
.Ltmp0:
0xa3: {  	[sflag:s30] =	ssyncadd.s32 $0xFFFF4000;
	(pc) =	sbr.rel @p0 .LBB2_2-.Ltmp0, $4  }
0xa4: {  	[hbm4b:s6+s2] =	stream.linear.scatter [tilespmem:s8], [sflag:$0x2], $0xC000, $0x38;
	[tilespmem:$0xC080] =	vst v63  }
0xa5: {  	_ =	swait.ge [sflag:s7], $0xC000  }
0xa6: {  	[sflag:s7] =	ssyncset.done $0x0  }
0xa7: {  	s1 =	sadd.s32 $0x10, s1;
	s6 =	sadd.s32 $0x1800, s6;
	[sflag:s7] =	ssyncadd.s32 $0xFFFF4000  }
0xa8: {  	s31 =	sadd.s32 $0x1, s31;
	s0 =	rddreg [dreg:$0xe]  }
0xa9: {  	p0 =	sne.s32 s31, s0  }
.Ltmp1:
0xaa: {  	_ = 	snop;
	(pc) =	sbr.rel @p0 .LBB2_1-.Ltmp1, $1  }
0xab: {  	_ =	sdelay $0x3  }
0xac: {  	_ =	sfence.sel $0x180000  }
0xad: {  	[bflag:$0x0] =	sbarrier.arrive $0xFFFF  }
0xae: {  	_ =	strace $0x90000050  }
0xaf: {  	s0 =	stileid.u32;
	[bflag:$0x2] =	sbarrier.arrive $0xFFFF  }
0xb0: {  	p0 =	sne.s32 s0, $0x0;
	s0 =	rddreg [dreg:$0x1]  }
0xb1: {  	s0 =	sadd.s32 @!p0 $0x100000, s0  }
0xb2: {  	[sflag:s0] =	ssyncadd.tile.s32 @!p0 $0x1;
	_ =	shalt  }
.Lfunc_end2:
_tile_overlayer_lowered:
.L_overlay_start_2:
0xb3: {  	(tag) =	ssettag $0x2  }
0xb4: {  	s0 =	rddreg [dreg:$0x0];
	s2 =	stileid.u32  }
0xb5: {  	s1 =	rddreg [dreg:$0x1];
	p0 =	sne.s32 s2, $0x0  }
0xb6: {  	s3 =	rddreg [dreg:$0x2];
	[bflag:$0x3] =	sbarrier.arrive $0xFFFF;
	s2 =	simm.s32 @!p0 $0x1C02  }
0xb7: {  	[timem:s3], [sflag:s2] =	dma.local @!p0 [hbm:s0], s1  }
0xb8: {  	s0 =	simm.s32 @!p0 $0x2  }
0xb9: {  	_ =	swait.ge @!p0 [sflag:s0], s1  }
0xba: {  	s1 =	ssub.s32 @!p0 $0x0, s1;
	[sflag:s0] =	ssyncset.done @!p0 $0x0  }
0xbb: {  	[sflag:s0] =	ssyncadd.s32 @!p0 s1  }
0xbc: {  	[bflag:$0x3] =	sbarrier.arrive $0xFFFF  }
0xbd: {  	_ =	shalt  }

// kernel: kernel.18.cloned.1.call-start
scs
__scs_entry_jumppad:
0x0: {  	(pc) =	sbr.rel $0x88, $3  }
0x1: {  	(tag) =	ssettag $0x0;
	lr =	simm.s32 $0x1  }
0x2: {  	[smem:$0x3F90] =	sst lr;
	_ =	strace $0xD0000000  }
0x3: {  	_ = 	snop  }
0x4: {  	_ = 	snop  }
0x5: {  	_ = 	snop  }
0x6: {  	_ = 	snop  }
0x7: {  	_ = 	snop  }
__scs_overlays_trampoline_lowered:
0x8: {  	[smem:$0x3F9F] =	sst s0  }
0x9: {  	[smem:$0x3FA0] =	sst s1  }
0xa: {  	[smem:$0x3FA1] =	sst s2  }
0xb: {  	[smem:$0x3FA2] =	sst s3  }
0xc: {  	[smem:$0x3FA3] =	sst s4  }
0xd: {  	[smem:$0x3FA4] =	sst s5  }
0xe: {  	[smem:$0x3FA5] =	sst s6  }
0xf: {  	[smem:$0x3FA6] =	sst s7  }
0x10: {  	[smem:$0x3FA7] =	sst s8  }
0x11: {  	[smem:$0x3FA8] =	sst s9;
	s0 =	simm.s32 @!p0 $0x0  }
0x12: {  	s1 =	sld [smem:$0x3F8E];
	s0 =	simm.s32 @p0 $0x1  }
0x13: {  	[smem:$0x3FA9] =	sst s0;
	s0 =	simm.s32 @!p1 $0x0  }
0x14: {  	s2 =	sld [smem:$0x3F8D];
	s0 =	simm.s32 @p1 $0x1  }
0x15: {  	[smem:$0x3FAA] =	sst s0;
	s0 =	simm.s32 @!p2 $0x0  }
0x16: {  	s3 =	sld [smem:$0x3FDB];
	s0 =	simm.s32 @p2 $0x1  }
0x17: {  	s4 =	simm.s32 $0x1BF5;
	[smem:$0x3FAC] =	sst s0  }
0x18: {  	s0 =	sld [smem:$0x3F8F];
	_ =	swait.ge [sflag:s4], $0x0  }
0x19: {  	s7 =	sld [smem:$0x3F90]  }
0x1a: {  	s8 =	sadd.s32 $0xFFFFE003, lr  }
0x1b: {  	s9 =	sadd.s32 $0xFFFFFEF7, lr;
	s5 =	simm.s32 $0xFFFFFFFF;
	p2 =	slt.u32 s8, $0xFFFFF086  }
0x1c: {  	p1 =	slt.u32 s9, $0xF7A;
	s5 =	simm.s32 @!p2 $0x0  }
0x1d: {  	s5 =	simm.s32 @p1 $0x1;
	p0 =	seq.s32 s7, s2  }
0x1e: {  	s7 =	smul.u32 @!p0 $0xF7A, s2;
	p2 =	seq.s32 @!p0 s5, $0x0  }
0x1f: {  	s9 =	smul.u32 $0xF7A, s1;
	s8 =	simm.s32 @!p0 $0x1BF5;
	p2 =	por !p2, p0  }
0x20: {  	[sflag:s8] =	ssyncset.s32 @!p0 $0xFFFFF086;
	s6 =	sadd.s32 @!p0 s3, s7;
	s7 =	simm.s32 @!p0 $0x108  }
0x21: {  	s3 =	sadd.s32 s3, s9;
	s6 =	sadd.s32 @!p0 $0x88, s6;
	s7 =	simm.s32 @p2 $0x1082  }
0x22: {  	[simem:s7], [sflag:s8] =	dma.local @!p0 [hbm:s6], $0xF7A  }
0x23: {  	s9 =	sor.u32 $0xD0000000, s2;
	s6 =	simm.s32 $0x108;
	_ =	swait.ge @!p0 [sflag:s8], $0x0  }
0x24: {  	s3 =	sadd.s32 $0x88, s3;
	s6 =	simm.s32 @!p1 $0x1082;
	[sflag:s4] =	ssyncset.s32 $0xFFFFF086  }
0x25: {  	[simem:s6], [sflag:s4] =	dma.local [hbm:s3], $0xF7A  }
0x26: {  	[smem:$0x3F90] =	sst s1;
	(tag) =	ssettag s2;
	_ =	strace s9  }
0x27: {  	s1 =	sld [smem:$0x3FA0]  }
0x28: {  	s2 =	sld [smem:$0x3FA1]  }
0x29: {  	s4 =	sld [smem:$0x3FA3]  }
0x2a: {  	p0 =	seq.s32 s5, $0x0;
	s5 =	sld [smem:$0x3FA4]  }
0x2b: {  	s6 =	sld [smem:$0x3FA5]  }
0x2c: {  	s7 =	sld [smem:$0x3FA6]  }
0x2d: {  	s3 =	simm.s32 $0x108;
	s8 =	sld [smem:$0x3FA7]  }
0x2e: {  	s3 =	simm.s32 @!p0 $0x1082;
	s9 =	sld [smem:$0x3FA8]  }
0x2f: {  	lr =	sadd.s32 s0, s3;
	s0 =	sld [smem:$0x3F9F]  }
0x30: {  	s3 =	sld [smem:$0x3FA2]  }
0x31: {  	[smem:$0x3FAB] =	sst s10  }
0x32: {  	s10 =	sld [smem:$0x3FA9];
	_ =	sdelay $0x3  }
0x33: {  	p0 =	seq.s32 s10, $0x1;
	s10 =	sld [smem:$0x3FAB];
	_ =	sdelay $0x3  }
0x34: {  	[smem:$0x3FAB] =	sst s10  }
0x35: {  	s10 =	sld [smem:$0x3FAA];
	_ =	sdelay $0x3  }
0x36: {  	p1 =	seq.s32 s10, $0x1;
	s10 =	sld [smem:$0x3FAB];
	_ =	sdelay $0x3  }
0x37: {  	[smem:$0x3FAB] =	sst s10  }
0x38: {  	s10 =	sld [smem:$0x3FAC]  }
0x39: {  	_ = 	snop;
	(pc) =	sbr.ind lr, $3  }
0x3a: {  	_ = 	snop  }
0x3b: {  	_ = 	snop  }
0x3c: {  	p2 =	seq.s32 s10, $0x1;
	s10 =	sld [smem:$0x3FAB]  }
0x3d: {  	_ =	shalt  }
0x3e: {  	_ =	shalt  }
0x3f: {  	_ =	shalt  }
0x40: {  	_ =	shalt  }
0x41: {  	_ =	shalt  }
0x42: {  	_ =	shalt  }
0x43: {  	_ =	shalt  }
0x44: {  	_ =	shalt  }
0x45: {  	_ =	shalt  }
0x46: {  	_ =	shalt  }
0x47: {  	_ =	shalt  }
0x48: {  	_ =	shalt  }
0x49: {  	_ =	shalt  }
0x4a: {  	_ =	shalt  }
0x4b: {  	_ =	shalt  }
0x4c: {  	_ =	shalt  }
0x4d: {  	_ =	shalt  }
0x4e: {  	_ =	shalt  }
0x4f: {  	_ =	shalt  }
0x50: {  	_ =	shalt  }
0x51: {  	_ =	shalt  }
0x52: {  	_ =	shalt  }
0x53: {  	_ =	shalt  }
0x54: {  	_ =	shalt  }
0x55: {  	_ =	shalt  }
0x56: {  	_ =	shalt  }
0x57: {  	_ =	shalt  }
0x58: {  	_ =	shalt  }
0x59: {  	_ =	shalt  }
0x5a: {  	_ =	shalt  }
0x5b: {  	_ =	shalt  }
0x5c: {  	_ =	shalt  }
0x5d: {  	_ =	shalt  }
0x5e: {  	_ =	shalt  }
0x5f: {  	_ =	shalt  }
0x60: {  	_ =	shalt  }
0x61: {  	_ =	shalt  }
0x62: {  	_ =	shalt  }
0x63: {  	_ =	shalt  }
0x64: {  	_ =	shalt  }
0x65: {  	_ =	shalt  }
0x66: {  	_ =	shalt  }
0x67: {  	_ =	shalt  }
0x68: {  	_ =	shalt  }
0x69: {  	_ =	shalt  }
0x6a: {  	_ =	shalt  }
0x6b: {  	_ =	shalt  }
0x6c: {  	_ =	shalt  }
0x6d: {  	_ =	shalt  }
0x6e: {  	_ =	shalt  }
0x6f: {  	_ =	shalt  }
0x70: {  	_ =	shalt  }
0x71: {  	_ =	shalt  }
0x72: {  	_ =	shalt  }
0x73: {  	_ =	shalt  }
0x74: {  	_ =	shalt  }
0x75: {  	_ =	shalt  }
0x76: {  	_ =	shalt  }
0x77: {  	_ =	shalt  }
0x78: {  	_ =	shalt  }
0x79: {  	_ =	shalt  }
0x7a: {  	_ =	shalt  }
0x7b: {  	_ =	shalt  }
0x7c: {  	_ =	shalt  }
0x7d: {  	_ =	shalt  }
0x7e: {  	_ =	shalt  }
0x7f: {  	_ =	shalt  }
0x80: {  	_ =	shalt  }
0x81: {  	_ =	shalt  }
0x82: {  	_ =	shalt  }
0x83: {  	_ =	shalt  }
0x84: {  	_ =	shalt  }
0x85: {  	_ =	shalt  }
0x86: {  	_ =	shalt  }
0x87: {  	_ =	shalt  }
.Lfunc_end0:
.L_simem_size_0:
called_computation.1_lowered:
.L_overlay_start_0:
0x88: {  	s2 =	sld [smem:$0x3FD9]  }
0x89: {  	s3 =	sld [smem:$0x3FFE];
	_ =	sdelay $0x1  }
0x8a: {  	s1 =	srdreg.scid  }
0x8b: {  	s0 =	sand.u32 $0x1, s1  }
0x8c: {  	s17 =	sshll.u32 s0, $0xA;
	s2 =	sadd.s32 s3, s2  }
0x8d: {  	s2 =	sadd.s32 s2, s17  }
0x8e: {  	[smem:$0x3FB7] =	sst s2  }
0x8f: {  	_ = 	snop  }
0x90: {  	(tm) =	ssettm $0x1  }
0x91: {  	s18 =	sld [smem:$0x3FFB];
	_ =	sdelay $0x3  }
0x92: {  	_ =	strace s18  }
0x93: {  	s2 =	sld [smem:$0x3FFC];
	_ =	sdelay $0x3  }
0x94: {  	_ =	strace s2  }
0x95: {  	s2 =	sld [smem:$0x3FFD];
	_ =	sdelay $0x3  }
0x96: {  	_ =	strace s2  }
0x97: {  	_ =	strace $0x8FFFFFFF  }
0x98: {  	s19 =	sld [smem:$0x3FDB];
	_ =	sdelay $0x1  }
0x99: {  	s20 =	simm.s32 $_scs_section_size  }
0x9a: {  	s4 =	simm.s32 $_size__tile_overlayer_lowered;
	s5 =	simm.s32 $_tile_overlayer_lowered  }
0x9b: {  	s6 =	simm.s32 $0x1BFF;
	s21 =	sshll.u32 s5, $0x1;
	s3 =	sadd.s32 s20, s19  }
0x9c: {  	s22 =	simm.s32 $0x0;
	s4 =	sshll.u32 s4, $0x1;
	s5 =	sadd.s32 s21, s3  }
0x9d: {  	[timem:s22], [sflag:s6] =	dma.local [hbm:s5], s4  }
0x9e: {  	_ =	swait.ge [sflag:s6], s4  }
0x9f: {  	s4 =	ssub.s32 $0x0, s4;
	[sflag:s6] =	ssyncset.done $0x0  }
0xa0: {  	[sflag:s6] =	ssyncadd.s32 s4;
	_ =	sdelay $0x1  }
0xa1: {  	s23 =	simm.s32 $0x1B8B  }
0xa2: {  	_ =	swait.ge [sflag:s23], $0x1  }
0xa3: {  	[sflag:s23] =	ssyncset.done $0x0  }
0xa4: {  	[sflag:s23] =	ssyncadd.s32 $0xFFFFFFFF  }
0xa5: {  	s4 =	sld [smem:$0x0]  }
0xa6: {  	s5 =	sand.u32 $0xFFFFFFFE, s1  }
0xa7: {  	p0 =	sne.s32 s1, s5  }
0xa8: {  	s5 =	sshll.u32 @p0 s5, $0xE  }
0xa9: {  	s5 =	sadd.s32 @p0 $0x11B8D, s5;
	s6 =	sshll.u32 @p0 s4, $0x11  }
0xaa: {  	s5 =	sor.u32 @p0 s6, s5  }
0xab: {  	[sflag:s5] =	ssyncadd.remote.s32 @p0 $0x1;
	_ =	sdelay $0x1  }
0xac: {  	s5 =	simm.s32 @p0 $0x1B8D  }
0xad: {  	_ =	swait.eq @p0 [sflag:s5], $0x1  }
0xae: {  	[sflag:s5] =	ssyncadd.s32 @p0 $0xFFFFFFFF  }
0xaf: {  	s6 =	sshll.u32 @!p0 s1, $0xE  }
0xb0: {  	s6 =	sor.u32 @!p0 $0x4000, s6;
	s5 =	simm.s32 @!p0 $0x1B8D  }
0xb1: {  	s4 =	sshll.u32 @!p0 s4, $0x11;
	s6 =	sadd.s32 @!p0 $0x11B8D, s6;
	_ =	swait.eq @!p0 [sflag:s5], $0x1  }
0xb2: {  	s4 =	sor.u32 @!p0 s4, s6;
	[sflag:s5] =	ssyncadd.s32 @!p0 $0xFFFFFFFF  }
0xb3: {  	s25 =	simm.s32 $0x1B8E;
	s24 =	sld [smem:$0x3FFE];
	[sflag:s4] =	ssyncadd.remote.s32 @!p0 $0x1  }
0xb4: {  	s26 =	simm.s32 $execute0_lowered;
	[smem:$0x3FD2] =	sst s25  }
0xb5: {  	s5 =	sshll.u32 s26, $0x1;
	_ =	strace $0x8000004C;
	[dreg:$0x1] =	wrdreg $0xFFFFFFFF  }
0xb6: {  	s28 =	simm.s32 $_size_execute0_lowered;
	s3 =	sadd.s32 s3, s5;
	[dreg:$0x0] =	wrdreg $0x0  }
0xb7: {  	s5 =	sshll.u32 s28, $0x1;
	[dreg:$0x2] =	wrdreg s3  }
0xb8: {  	[dreg:$0x3] =	wrdreg s5  }
0xb9: {  	[dreg:$0x4] =	wrdreg $0xC0  }
0xba: {  	_ =	task [dreg:s22], $0x5FFFF  }
0xbb: {  	[dreg:$0x1] =	wrdreg $0xFFFFFFFF  }
0xbc: {  	[dreg:$0x0] =	wrdreg $0x60  }
0xbd: {  	[dreg:$0x2] =	wrdreg s24  }
0xbe: {  	[dreg:$0x3] =	wrdreg $0xA  }
0xbf: {  	_ =	task.clear_ibuf [dreg:s22], $0x4FFFF;
	_ =	strace $0x9000004C  }
0xc0: {  	s29 =	simm.s32 $0xA;
	_ =	strace $0x8000004E  }
0xc1: {  	_ =	swait.ge [sflag:s29], $0x1  }
0xc2: {  	[sflag:s29] =	ssyncadd.s32 $0xFFFFFFFF  }
0xc3: {  	_ =	strace $0x9000004E  }
0xc4: {  	_ =	sfence  }
0xc5: {  	s30 =	sld [smem:$0x0];
	_ =	sdelay $0x2  }
0xc6: {  	s31 =	sshll.u32 s1, $0xD;
	s1 =	sshrl.u32 s1, $0x2  }
0xc7: {  	s4 =	sand.u32 $0x4000, s31;
	s1 =	sadd.s32 s1, s30  }
0xc8: {  	s0 =	sor.u32 s4, s0;
	s1 =	sshll.u32 s1, $0x11  }
0xc9: {  	s0 =	sor.u32 s1, s0  }
0xca: {  	s0 =	sadd.s32 $0x8F2B, s0  }
0xcb: {  	[sflag:s0] =	ssyncadd.remote.s32 $0x1  }
0xcc: {  	_ =	sfence.sel $0xFFFF  }
0xcd: {  	[dreg:$0x0] =	wrdreg $0xFFFFFFFF;
	(pc) =	sbr.abs _section_cstart, $3  }
0xce: {  	[dreg:$0x1] =	wrdreg $0xFFFFFFFF  }
0xcf: {  	_ =	task.clear_ibuf [dreg:s22], $0x2FFFF;
	_ =	strace $0x9FFFFFFF  }
0xd0: {  	(tm) =	ssettm $0x7FFFFFFF  }
0xd1: {  	_ =	shalt  }
tec
execute0_lowered:
.L_overlay_start_1:
0x0: {  	(tag) =	ssettag $0x1  }
0x1: {  	s0 =	rddreg [dreg:$0x0]  }
0x2: {  	s5 =	stileid.u32;
	s1 =	srdreg.scid  }
0x3: {  	s2 =	simm.s32 $0x0;
	s14 =	simm.s32 $0x880;
	s15 =	simm.s32 $0xC80  }
0x4: {  	s17 =	simm.s32 $0x1480;
	s18 =	simm.s32 $0x1880;
	s19 =	simm.s32 $0x2080  }
0x5: {  	s20 =	simm.s32 $0x2480;
	s21 =	simm.s32 $0x2C80;
	[smem:$0x7FF] =	sst s2  }
0x6: {  	s22 =	simm.s32 $0x3080;
	_ =	strace $0x8000004D;
	[dreg:$0x3] =	wrdreg s14  }
0x7: {  	s23 =	simm.s32 $0x3880;
	s25 =	simm.s32 $0x3C80;
	[dreg:$0x4] =	wrdreg s15  }
0x8: {  	s26 =	simm.s32 $0x4480;
	s8 =	simm.s32 $0x80;
	[dreg:$0x5] =	wrdreg s17  }
0x9: {  	s9 =	simm.s32 $0x4880;
	s10 =	simm.s32 $0x5080;
	[dreg:$0x6] =	wrdreg s18  }
0xa: {  	s11 =	simm.s32 $0x5480;
	s28 =	simm.s32 $0xB480;
	[dreg:$0x7] =	wrdreg s19  }
0xb: {  	s29 =	simm.s32 $0xBC80;
	s30 =	simm.s32 $0x1;
	[dreg:$0x8] =	wrdreg s20  }
0xc: {  	s31 =	simm.s32 $0x0;
	s3 =	sshll.u32 s5, $0x8;
	[dreg:$0x9] =	wrdreg s21  }
0xd: {  	s1 =	sand.u32 $0x1, s1;
	s12 =	smul.u32 $0x18000, s5;
	[dreg:$0xa] =	wrdreg s22  }
0xe: {  	s3 =	sadd.s32 s3, s0;
	s4 =	sshll.u32 s1, $0x7;
	[dreg:$0xb] =	wrdreg s23  }
0xf: {  	s16 =	ssub.s32 $0x2, s1;
	s1 =	smul.u32 $0xC000, s1;
	[dreg:$0xc] =	wrdreg s25  }
0x10: {  	[dreg:$0xd] =	wrdreg s26;
	s14 =	simm.s32 $0x6880;
	s15 =	simm.s32 $0x6C80  }
0x11: {  	s17 =	simm.s32 $0x7880;
	s18 =	simm.s32 $0x8080;
	s19 =	simm.s32 $0x8480  }
0x12: {  	s20 =	simm.s32 $0x8C80;
	s21 =	simm.s32 $0x9080;
	s22 =	simm.s32 $0x9880  }
0x13: {  	s23 =	simm.s32 $0x9C80;
	s25 =	simm.s32 $0xA880;
	s26 =	simm.s32 $0xB080  }
0x14: {  	s3 =	sadd.s32 s4, s3;
	s6 =	sadd.s32 s12, s0;
	s7 =	sshrl.u32 s16, $0x1  }
0x15: {  	s4 =	sadd.s32 $0x25100, s0;
	s12 =	simm.s32 $0x5C80;
	s13 =	sadd.s32 $0x386000, s3  }
0x16: {  	s3 =	sadd.s32 $0x25000, s0;
	s5 =	ssub.s32 s16, s7;
	s1 =	sadd.s32 s1, s6  }
0x17: {  	v2 =	vlaneseq.u32;
	s7 =	simm.s32 $0x2;
	[dreg:$0x2] =	wrdreg s13;
	s5 =	smax.u32 s5, $0x1  }
0x18: {  	vm0 =	vmmov $0xffff;
	vm1 =	vmmov $0xff;
	v1 =	vshrl.u32 v2, $0x3;
	s16 =	simm.s32 $0x7480;
	s24 =	sadd.s32 $0x387000, s1;
	[dreg:$0xe] =	wrdreg s5  }
0x19: {  	v0 =	vand.u32 $0x7, v2;
	v2 =	vor.u32 $0x8, v2;
	v1 =	vmul.u32 $0x8, v1;
	s13 =	simm.s32 $0x6080;
	[dreg:$0xf] =	wrdreg s24;
	s24 =	simm.s32 $0xA480  }
.LBB2_1:
0x1a: {  	s6 =	rddreg [dreg:$0xf];
	s1 =	simm.s32 $0x0  }
.LBB2_2:
0x1b: {  	s5 =	rddreg [dreg:$0x2]  }
0x1c: {  	s5 =	sadd.s32 s1, s5  }
0x1d: {  	[tilespmem:s2], [sflag:$0x2] =	stream.linear.gather [hbm4b:s5+s2], $0x80, $0x38;
	[tilespmem:$0xC080] =	vst v63  }
0x1e: {  	_ =	swait.ge [sflag:s7], $0x80  }
0x1f: {  	[sflag:s7] =	ssyncset.done $0x0  }
0x20: {  	[sflag:s7] =	ssyncadd.s32 $0xFFFFFF80  }
0x21: {  	v3 =	vld [tilespmem:$0x0];
	_ =	sdelay $0x4  }
0x22: {  	v4 =	vshrl.u32 v3, $0x3  }
0x23: {  	v4 =	vmul.u32 $0x18, v4  }
0x24: {  	v3 =	vand.u32 $0x7, v3  }
0x25: {  	v3 =	vor.u32 v3, v4  }
0x26: {  	v4 =	vperm.xlane v3, v0;
	_ =	sdelay $0x1  }
0x27: {  	v4 =	vadd.s32 v1, v4;
	_ =	sdelay $0x1  }
0x28: {  	v3 =	vperm.xlane v3, v2;
	_ =	sdelay $0x1  }
0x29: {  	v3 =	vadd.s32 v1, v3  }
0x2a: {  	[tilespmem:s8], [sflag:$0x1] =	stream.indirect_vreg.gather [hbm4b:s3+s2], $0x80, v4, vm0, $0xb8;
	[tilespmem:$0xC080] =	vst v63  }
0x2b: {  	s5 =	rddreg [dreg:$0x3]  }
0x2c: {  	[tilespmem:s5], [sflag:$0x1] =	stream.indirect_vreg.gather [hbm4b:s4+s2], $0x80, v4, vm1, $0xb8;
	[tilespmem:$0xC080] =	vst v63  }
0x2d: {  	s0 =	rddreg [dreg:$0x4]  }
0x2e: {  	[tilespmem:s0], [sflag:$0x1] =	stream.indirect_vreg.gather [hbm4b:s3+s2], $0x80, v3, vm0, $0xb8;
	[tilespmem:$0xC080] =	vst v63  }
0x2f: {  	s5 =	rddreg [dreg:$0x5]  }
0x30: {  	[tilespmem:s5], [sflag:$0x1] =	stream.indirect_vreg.gather [hbm4b:s4+s2], $0x80, v3, vm1, $0xb8;
	[tilespmem:$0xC080] =	vst v63  }
0x31: {  	v3 =	vld [tilespmem:$0x10];
	_ =	sdelay $0x4  }
0x32: {  	v57 =	vshrl.u32 v3, $0x3  }
0x33: {  	v4 =	vmul.u32 $0x18, v57  }
0x34: {  	v3 =	vand.u32 $0x7, v3  }
0x35: {  	v3 =	vor.u32 v3, v4  }
0x36: {  	v4 =	vperm.xlane v3, v0;
	_ =	sdelay $0x1  }
0x37: {  	v4 =	vadd.s32 v1, v4;
	_ =	sdelay $0x1  }
0x38: {  	v3 =	vperm.xlane v3, v2;
	_ =	sdelay $0x1  }
0x39: {  	s0 =	rddreg [dreg:$0x6];
	v3 =	vadd.s32 v1, v3  }
0x3a: {  	[tilespmem:s0], [sflag:$0x1] =	stream.indirect_vreg.gather [hbm4b:s3+s2], $0x80, v4, vm0, $0xb8;
	[tilespmem:$0xC080] =	vst v63  }
0x3b: {  	s5 =	rddreg [dreg:$0x7]  }
0x3c: {  	[tilespmem:s5], [sflag:$0x1] =	stream.indirect_vreg.gather [hbm4b:s4+s2], $0x80, v4, vm1, $0xb8;
	[tilespmem:$0xC080] =	vst v63  }
0x3d: {  	s0 =	rddreg [dreg:$0x8]  }
0x3e: {  	[tilespmem:s0], [sflag:$0x1] =	stream.indirect_vreg.gather [hbm4b:s3+s2], $0x80, v3, vm0, $0xb8;
	[tilespmem:$0xC080] =	vst v63  }
0x3f: {  	s5 =	rddreg [dreg:$0x9]  }
0x40: {  	[tilespmem:s5], [sflag:$0x1] =	stream.indirect_vreg.gather [hbm4b:s4+s2], $0x80, v3, vm1, $0xb8;
	[tilespmem:$0xC080] =	vst v63  }
0x41: {  	v3 =	vld [tilespmem:$0x20];
	_ =	sdelay $0x4  }
0x42: {  	v58 =	vshrl.u32 v3, $0x3  }
0x43: {  	v4 =	vmul.u32 $0x18, v58  }
0x44: {  	v3 =	vand.u32 $0x7, v3  }
0x45: {  	v3 =	vor.u32 v3, v4  }
0x46: {  	v4 =	vperm.xlane v3, v0;
	_ =	sdelay $0x1  }
0x47: {  	v4 =	vadd.s32 v1, v4;
	_ =	sdelay $0x1  }
0x48: {  	v3 =	vperm.xlane v3, v2;
	_ =	sdelay $0x1  }
0x49: {  	s0 =	rddreg [dreg:$0xa];
	v3 =	vadd.s32 v1, v3  }
0x4a: {  	[tilespmem:s0], [sflag:$0x1] =	stream.indirect_vreg.gather [hbm4b:s3+s2], $0x80, v4, vm0, $0xb8;
	[tilespmem:$0xC080] =	vst v63  }
0x4b: {  	s5 =	rddreg [dreg:$0xb]  }
0x4c: {  	[tilespmem:s5], [sflag:$0x1] =	stream.indirect_vreg.gather [hbm4b:s4+s2], $0x80, v4, vm1, $0xb8;
	[tilespmem:$0xC080] =	vst v63  }
0x4d: {  	s0 =	rddreg [dreg:$0xc]  }
0x4e: {  	[tilespmem:s0], [sflag:$0x1] =	stream.indirect_vreg.gather [hbm4b:s3+s2], $0x80, v3, vm0, $0xb8;
	[tilespmem:$0xC080] =	vst v63  }
0x4f: {  	s5 =	rddreg [dreg:$0xd]  }
0x50: {  	[tilespmem:s5], [sflag:$0x1] =	stream.indirect_vreg.gather [hbm4b:s4+s2], $0x80, v3, vm1, $0xb8;
	[tilespmem:$0xC080] =	vst v63  }
0x51: {  	v3 =	vld [tilespmem:$0x30];
	_ =	sdelay $0x4  }
0x52: {  	v59 =	vshrl.u32 v3, $0x3  }
0x53: {  	v4 =	vmul.u32 $0x18, v59  }
0x54: {  	v3 =	vand.u32 $0x7, v3  }
0x55: {  	v3 =	vor.u32 v3, v4  }
0x56: {  	v4 =	vperm.xlane v3, v0;
	_ =	sdelay $0x1  }
0x57: {  	v4 =	vadd.s32 v1, v4;
	_ =	sdelay $0x1  }
0x58: {  	v3 =	vperm.xlane v3, v2;
	_ =	sdelay $0x1  }
0x59: {  	v3 =	vadd.s32 v1, v3  }
0x5a: {  	[tilespmem:s9], [sflag:$0x1] =	stream.indirect_vreg.gather [hbm4b:s3+s2], $0x80, v4, vm0, $0xb8;
	[tilespmem:$0xC080] =	vst v63  }
0x5b: {  	_ = 	snop  }
0x5c: {  	[tilespmem:s10], [sflag:$0x1] =	stream.indirect_vreg.gather [hbm4b:s4+s2], $0x80, v4, vm1, $0xb8;
	[tilespmem:$0xC080] =	vst v63  }
0x5d: {  	_ = 	snop  }
0x5e: {  	[tilespmem:s11], [sflag:$0x1] =	stream.indirect_vreg.gather [hbm4b:s3+s2], $0x80, v3, vm0, $0xb8;
	[tilespmem:$0xC080] =	vst v63  }
0x5f: {  	_ = 	snop  }
0x60: {  	[tilespmem:s12], [sflag:$0x1] =	stream.indirect_vreg.gather [hbm4b:s4+s2], $0x80, v3, vm1, $0xb8;
	[tilespmem:$0xC080] =	vst v63  }
0x61: {  	v3 =	vld [tilespmem:$0x40];
	_ =	sdelay $0x4  }
0x62: {  	v60 =	vshrl.u32 v3, $0x3  }
0x63: {  	v4 =	vmul.u32 $0x18, v60  }
0x64: {  	v3 =	vand.u32 $0x7, v3  }
0x65: {  	v3 =	vor.u32 v3, v4  }
0x66: {  	v4 =	vperm.xlane v3, v0;
	_ =	sdelay $0x1  }
0x67: {  	v4 =	vadd.s32 v1, v4;
	_ =	sdelay $0x1  }
0x68: {  	v3 =	vperm.xlane v3, v2;
	_ =	sdelay $0x1  }
0x69: {  	v3 =	vadd.s32 v1, v3  }
0x6a: {  	[tilespmem:s13], [sflag:$0x1] =	stream.indirect_vreg.gather [hbm4b:s3+s2], $0x80, v4, vm0, $0xb8;
	[tilespmem:$0xC080] =	vst v63  }
0x6b: {  	_ = 	snop  }
0x6c: {  	[tilespmem:s14], [sflag:$0x1] =	stream.indirect_vreg.gather [hbm4b:s4+s2], $0x80, v4, vm1, $0xb8;
	[tilespmem:$0xC080] =	vst v63  }
0x6d: {  	_ = 	snop  }
0x6e: {  	[tilespmem:s15], [sflag:$0x1] =	stream.indirect_vreg.gather [hbm4b:s3+s2], $0x80, v3, vm0, $0xb8;
	[tilespmem:$0xC080] =	vst v63  }
0x6f: {  	_ = 	snop  }
0x70: {  	[tilespmem:s16], [sflag:$0x1] =	stream.indirect_vreg.gather [hbm4b:s4+s2], $0x80, v3, vm1, $0xb8;
	[tilespmem:$0xC080] =	vst v63  }
0x71: {  	v3 =	vld [tilespmem:$0x50];
	_ =	sdelay $0x4  }
0x72: {  	v61 =	vshrl.u32 v3, $0x3  }
0x73: {  	v4 =	vmul.u32 $0x18, v61  }
0x74: {  	v3 =	vand.u32 $0x7, v3  }
0x75: {  	v3 =	vor.u32 v3, v4  }
0x76: {  	v4 =	vperm.xlane v3, v0;
	_ =	sdelay $0x1  }
0x77: {  	v4 =	vadd.s32 v1, v4;
	_ =	sdelay $0x1  }
0x78: {  	v3 =	vperm.xlane v3, v2;
	_ =	sdelay $0x1  }
0x79: {  	v3 =	vadd.s32 v1, v3  }
0x7a: {  	[tilespmem:s17], [sflag:$0x1] =	stream.indirect_vreg.gather [hbm4b:s3+s2], $0x80, v4, vm0, $0xb8;
	[tilespmem:$0xC080] =	vst v63  }
0x7b: {  	_ = 	snop  }
0x7c: {  	[tilespmem:s18], [sflag:$0x1] =	stream.indirect_vreg.gather [hbm4b:s4+s2], $0x80, v4, vm1, $0xb8;
	[tilespmem:$0xC080] =	vst v63  }
0x7d: {  	_ = 	snop  }
0x7e: {  	[tilespmem:s19], [sflag:$0x1] =	stream.indirect_vreg.gather [hbm4b:s3+s2], $0x80, v3, vm0, $0xb8;
	[tilespmem:$0xC080] =	vst v63  }
0x7f: {  	_ = 	snop  }
0x80: {  	[tilespmem:s20], [sflag:$0x1] =	stream.indirect_vreg.gather [hbm4b:s4+s2], $0x80, v3, vm1, $0xb8;
	[tilespmem:$0xC080] =	vst v63  }
0x81: {  	v3 =	vld [tilespmem:$0x60];
	_ =	sdelay $0x4  }
0x82: {  	v62 =	vshrl.u32 v3, $0x3  }
0x83: {  	v4 =	vmul.u32 $0x18, v62  }
0x84: {  	v3 =	vand.u32 $0x7, v3  }
0x85: {  	v3 =	vor.u32 v3, v4  }
0x86: {  	v4 =	vperm.xlane v3, v0;
	_ =	sdelay $0x1  }
0x87: {  	v4 =	vadd.s32 v1, v4;
	_ =	sdelay $0x1  }
0x88: {  	v3 =	vperm.xlane v3, v2;
	_ =	sdelay $0x1  }
0x89: {  	v3 =	vadd.s32 v1, v3  }
0x8a: {  	[tilespmem:s21], [sflag:$0x1] =	stream.indirect_vreg.gather [hbm4b:s3+s2], $0x80, v4, vm0, $0xb8;
	[tilespmem:$0xC080] =	vst v63  }
0x8b: {  	_ = 	snop  }
0x8c: {  	[tilespmem:s22], [sflag:$0x1] =	stream.indirect_vreg.gather [hbm4b:s4+s2], $0x80, v4, vm1, $0xb8;
	[tilespmem:$0xC080] =	vst v63  }
0x8d: {  	_ = 	snop  }
0x8e: {  	[tilespmem:s23], [sflag:$0x1] =	stream.indirect_vreg.gather [hbm4b:s3+s2], $0x80, v3, vm0, $0xb8;
	[tilespmem:$0xC080] =	vst v63  }
0x8f: {  	_ = 	snop  }
0x90: {  	[tilespmem:s24], [sflag:$0x1] =	stream.indirect_vreg.gather [hbm4b:s4+s2], $0x80, v3, vm1, $0xb8;
	[tilespmem:$0xC080] =	vst v63  }
0x91: {  	v3 =	vld [tilespmem:$0x70];
	_ =	sdelay $0x4  }
0x92: {  	v63 =	vshrl.u32 v3, $0x3  }
0x93: {  	v4 =	vmul.u32 $0x18, v63  }
0x94: {  	v3 =	vand.u32 $0x7, v3  }
0x95: {  	v3 =	vor.u32 v3, v4  }
0x96: {  	v4 =	vperm.xlane v3, v0;
	_ =	sdelay $0x1  }
0x97: {  	v4 =	vadd.s32 v1, v4;
	_ =	sdelay $0x1  }
0x98: {  	v3 =	vperm.xlane v3, v2;
	_ =	sdelay $0x1  }
0x99: {  	v3 =	vadd.s32 v1, v3  }
0x9a: {  	[tilespmem:s25], [sflag:$0x1] =	stream.indirect_vreg.gather [hbm4b:s3+s2], $0x80, v4, vm0, $0xb8;
	[tilespmem:$0xC080] =	vst v63  }
0x9b: {  	_ = 	snop  }
0x9c: {  	[tilespmem:s26], [sflag:$0x1] =	stream.indirect_vreg.gather [hbm4b:s4+s2], $0x80, v4, vm1, $0xb8;
	[tilespmem:$0xC080] =	vst v63  }
0x9d: {  	_ = 	snop  }
0x9e: {  	[tilespmem:s28], [sflag:$0x1] =	stream.indirect_vreg.gather [hbm4b:s3+s2], $0x80, v3, vm0, $0xb8;
	[tilespmem:$0xC080] =	vst v63  }
0x9f: {  	_ = 	snop  }
0xa0: {  	[tilespmem:s29], [sflag:$0x1] =	stream.indirect_vreg.gather [hbm4b:s4+s2], $0x80, v3, vm1, $0xb8;
	[tilespmem:$0xC080] =	vst v63  }
0xa1: {  	_ =	swait.ge [sflag:s30], $0xC000  }
0xa2: {  	p0 =	sne.s32 s1, $0x70;
	[sflag:s30] =	ssyncset.done $0x0  }
.Ltmp0:
0xa3: {  	[sflag:s30] =	ssyncadd.s32 $0xFFFF4000;
	(pc) =	sbr.rel @p0 .LBB2_2-.Ltmp0, $4  }
0xa4: {  	[hbm4b:s6+s2] =	stream.linear.scatter [tilespmem:s8], [sflag:$0x2], $0xC000, $0x38;
	[tilespmem:$0xC080] =	vst v63  }
0xa5: {  	_ =	swait.ge [sflag:s7], $0xC000  }
0xa6: {  	[sflag:s7] =	ssyncset.done $0x0  }
0xa7: {  	s1 =	sadd.s32 $0x10, s1;
	s6 =	sadd.s32 $0x1800, s6;
	[sflag:s7] =	ssyncadd.s32 $0xFFFF4000  }
0xa8: {  	s31 =	sadd.s32 $0x1, s31;
	s0 =	rddreg [dreg:$0xe]  }
0xa9: {  	p0 =	sne.s32 s31, s0  }
.Ltmp1:
0xaa: {  	_ = 	snop;
	(pc) =	sbr.rel @p0 .LBB2_1-.Ltmp1, $1  }
0xab: {  	_ =	sdelay $0x3  }
0xac: {  	_ =	sfence.sel $0x180000  }
0xad: {  	[bflag:$0x0] =	sbarrier.arrive $0xFFFF  }
0xae: {  	_ =	strace $0x9000004D  }
0xaf: {  	s0 =	stileid.u32;
	[bflag:$0x2] =	sbarrier.arrive $0xFFFF  }
0xb0: {  	p0 =	sne.s32 s0, $0x0;
	s0 =	rddreg [dreg:$0x1]  }
0xb1: {  	s0 =	sadd.s32 @!p0 $0x100000, s0  }
0xb2: {  	[sflag:s0] =	ssyncadd.tile.s32 @!p0 $0x1;
	_ =	shalt  }
.Lfunc_end2:
_tile_overlayer_lowered:
.L_overlay_start_2:
0xb3: {  	(tag) =	ssettag $0x2  }
0xb4: {  	s0 =	rddreg [dreg:$0x0];
	s2 =	stileid.u32  }
0xb5: {  	s1 =	rddreg [dreg:$0x1];
	p0 =	sne.s32 s2, $0x0  }
0xb6: {  	s3 =	rddreg [dreg:$0x2];
	[bflag:$0x3] =	sbarrier.arrive $0xFFFF;
	s2 =	simm.s32 @!p0 $0x1C02  }
0xb7: {  	[timem:s3], [sflag:s2] =	dma.local @!p0 [hbm:s0], s1  }
0xb8: {  	s0 =	simm.s32 @!p0 $0x2  }
0xb9: {  	_ =	swait.ge @!p0 [sflag:s0], s1  }
0xba: {  	s1 =	ssub.s32 @!p0 $0x0, s1;
	[sflag:s0] =	ssyncset.done @!p0 $0x0  }
0xbb: {  	[sflag:s0] =	ssyncadd.s32 @!p0 s1  }
0xbc: {  	[bflag:$0x3] =	sbarrier.arrive $0xFFFF  }
0xbd: {  	_ =	shalt  }

// kernel: kernel.21.cloned.1.call-start
scs
__scs_entry_jumppad:
0x0: {  	(pc) =	sbr.rel $0x88, $3  }
0x1: {  	(tag) =	ssettag $0x0;
	lr =	simm.s32 $0x1  }
0x2: {  	[smem:$0x3F90] =	sst lr;
	_ =	strace $0xD0000000  }
0x3: {  	_ = 	snop  }
0x4: {  	_ = 	snop  }
0x5: {  	_ = 	snop  }
0x6: {  	_ = 	snop  }
0x7: {  	_ = 	snop  }
__scs_overlays_trampoline_lowered:
0x8: {  	[smem:$0x3F9F] =	sst s0  }
0x9: {  	[smem:$0x3FA0] =	sst s1  }
0xa: {  	[smem:$0x3FA1] =	sst s2  }
0xb: {  	[smem:$0x3FA2] =	sst s3  }
0xc: {  	[smem:$0x3FA3] =	sst s4  }
0xd: {  	[smem:$0x3FA4] =	sst s5  }
0xe: {  	[smem:$0x3FA5] =	sst s6  }
0xf: {  	[smem:$0x3FA6] =	sst s7  }
0x10: {  	[smem:$0x3FA7] =	sst s8  }
0x11: {  	[smem:$0x3FA8] =	sst s9;
	s0 =	simm.s32 @!p0 $0x0  }
0x12: {  	s1 =	sld [smem:$0x3F8E];
	s0 =	simm.s32 @p0 $0x1  }
0x13: {  	[smem:$0x3FA9] =	sst s0;
	s0 =	simm.s32 @!p1 $0x0  }
0x14: {  	s2 =	sld [smem:$0x3F8D];
	s0 =	simm.s32 @p1 $0x1  }
0x15: {  	[smem:$0x3FAA] =	sst s0;
	s0 =	simm.s32 @!p2 $0x0  }
0x16: {  	s3 =	sld [smem:$0x3FDB];
	s0 =	simm.s32 @p2 $0x1  }
0x17: {  	s4 =	simm.s32 $0x1BF5;
	[smem:$0x3FAC] =	sst s0  }
0x18: {  	s0 =	sld [smem:$0x3F8F];
	_ =	swait.ge [sflag:s4], $0x0  }
0x19: {  	s7 =	sld [smem:$0x3F90]  }
0x1a: {  	s8 =	sadd.s32 $0xFFFFE003, lr  }
0x1b: {  	s9 =	sadd.s32 $0xFFFFFEF7, lr;
	s5 =	simm.s32 $0xFFFFFFFF;
	p2 =	slt.u32 s8, $0xFFFFF086  }
0x1c: {  	p1 =	slt.u32 s9, $0xF7A;
	s5 =	simm.s32 @!p2 $0x0  }
0x1d: {  	s5 =	simm.s32 @p1 $0x1;
	p0 =	seq.s32 s7, s2  }
0x1e: {  	s7 =	smul.u32 @!p0 $0xF7A, s2;
	p2 =	seq.s32 @!p0 s5, $0x0  }
0x1f: {  	s9 =	smul.u32 $0xF7A, s1;
	s8 =	simm.s32 @!p0 $0x1BF5;
	p2 =	por !p2, p0  }
0x20: {  	[sflag:s8] =	ssyncset.s32 @!p0 $0xFFFFF086;
	s6 =	sadd.s32 @!p0 s3, s7;
	s7 =	simm.s32 @!p0 $0x108  }
0x21: {  	s3 =	sadd.s32 s3, s9;
	s6 =	sadd.s32 @!p0 $0x88, s6;
	s7 =	simm.s32 @p2 $0x1082  }
0x22: {  	[simem:s7], [sflag:s8] =	dma.local @!p0 [hbm:s6], $0xF7A  }
0x23: {  	s9 =	sor.u32 $0xD0000000, s2;
	s6 =	simm.s32 $0x108;
	_ =	swait.ge @!p0 [sflag:s8], $0x0  }
0x24: {  	s3 =	sadd.s32 $0x88, s3;
	s6 =	simm.s32 @!p1 $0x1082;
	[sflag:s4] =	ssyncset.s32 $0xFFFFF086  }
0x25: {  	[simem:s6], [sflag:s4] =	dma.local [hbm:s3], $0xF7A  }
0x26: {  	[smem:$0x3F90] =	sst s1;
	(tag) =	ssettag s2;
	_ =	strace s9  }
0x27: {  	s1 =	sld [smem:$0x3FA0]  }
0x28: {  	s2 =	sld [smem:$0x3FA1]  }
0x29: {  	s4 =	sld [smem:$0x3FA3]  }
0x2a: {  	p0 =	seq.s32 s5, $0x0;
	s5 =	sld [smem:$0x3FA4]  }
0x2b: {  	s6 =	sld [smem:$0x3FA5]  }
0x2c: {  	s7 =	sld [smem:$0x3FA6]  }
0x2d: {  	s3 =	simm.s32 $0x108;
	s8 =	sld [smem:$0x3FA7]  }
0x2e: {  	s3 =	simm.s32 @!p0 $0x1082;
	s9 =	sld [smem:$0x3FA8]  }
0x2f: {  	lr =	sadd.s32 s0, s3;
	s0 =	sld [smem:$0x3F9F]  }
0x30: {  	s3 =	sld [smem:$0x3FA2]  }
0x31: {  	[smem:$0x3FAB] =	sst s10  }
0x32: {  	s10 =	sld [smem:$0x3FA9];
	_ =	sdelay $0x3  }
0x33: {  	p0 =	seq.s32 s10, $0x1;
	s10 =	sld [smem:$0x3FAB];
	_ =	sdelay $0x3  }
0x34: {  	[smem:$0x3FAB] =	sst s10  }
0x35: {  	s10 =	sld [smem:$0x3FAA];
	_ =	sdelay $0x3  }
0x36: {  	p1 =	seq.s32 s10, $0x1;
	s10 =	sld [smem:$0x3FAB];
	_ =	sdelay $0x3  }
0x37: {  	[smem:$0x3FAB] =	sst s10  }
0x38: {  	s10 =	sld [smem:$0x3FAC]  }
0x39: {  	_ = 	snop;
	(pc) =	sbr.ind lr, $3  }
0x3a: {  	_ = 	snop  }
0x3b: {  	_ = 	snop  }
0x3c: {  	p2 =	seq.s32 s10, $0x1;
	s10 =	sld [smem:$0x3FAB]  }
0x3d: {  	_ =	shalt  }
0x3e: {  	_ =	shalt  }
0x3f: {  	_ =	shalt  }
0x40: {  	_ =	shalt  }
0x41: {  	_ =	shalt  }
0x42: {  	_ =	shalt  }
0x43: {  	_ =	shalt  }
0x44: {  	_ =	shalt  }
0x45: {  	_ =	shalt  }
0x46: {  	_ =	shalt  }
0x47: {  	_ =	shalt  }
0x48: {  	_ =	shalt  }
0x49: {  	_ =	shalt  }
0x4a: {  	_ =	shalt  }
0x4b: {  	_ =	shalt  }
0x4c: {  	_ =	shalt  }
0x4d: {  	_ =	shalt  }
0x4e: {  	_ =	shalt  }
0x4f: {  	_ =	shalt  }
0x50: {  	_ =	shalt  }
0x51: {  	_ =	shalt  }
0x52: {  	_ =	shalt  }
0x53: {  	_ =	shalt  }
0x54: {  	_ =	shalt  }
0x55: {  	_ =	shalt  }
0x56: {  	_ =	shalt  }
0x57: {  	_ =	shalt  }
0x58: {  	_ =	shalt  }
0x59: {  	_ =	shalt  }
0x5a: {  	_ =	shalt  }
0x5b: {  	_ =	shalt  }
0x5c: {  	_ =	shalt  }
0x5d: {  	_ =	shalt  }
0x5e: {  	_ =	shalt  }
0x5f: {  	_ =	shalt  }
0x60: {  	_ =	shalt  }
0x61: {  	_ =	shalt  }
0x62: {  	_ =	shalt  }
0x63: {  	_ =	shalt  }
0x64: {  	_ =	shalt  }
0x65: {  	_ =	shalt  }
0x66: {  	_ =	shalt  }
0x67: {  	_ =	shalt  }
0x68: {  	_ =	shalt  }
0x69: {  	_ =	shalt  }
0x6a: {  	_ =	shalt  }
0x6b: {  	_ =	shalt  }
0x6c: {  	_ =	shalt  }
0x6d: {  	_ =	shalt  }
0x6e: {  	_ =	shalt  }
0x6f: {  	_ =	shalt  }
0x70: {  	_ =	shalt  }
0x71: {  	_ =	shalt  }
0x72: {  	_ =	shalt  }
0x73: {  	_ =	shalt  }
0x74: {  	_ =	shalt  }
0x75: {  	_ =	shalt  }
0x76: {  	_ =	shalt  }
0x77: {  	_ =	shalt  }
0x78: {  	_ =	shalt  }
0x79: {  	_ =	shalt  }
0x7a: {  	_ =	shalt  }
0x7b: {  	_ =	shalt  }
0x7c: {  	_ =	shalt  }
0x7d: {  	_ =	shalt  }
0x7e: {  	_ =	shalt  }
0x7f: {  	_ =	shalt  }
0x80: {  	_ =	shalt  }
0x81: {  	_ =	shalt  }
0x82: {  	_ =	shalt  }
0x83: {  	_ =	shalt  }
0x84: {  	_ =	shalt  }
0x85: {  	_ =	shalt  }
0x86: {  	_ =	shalt  }
0x87: {  	_ =	shalt  }
.Lfunc_end0:
.L_simem_size_0:
called_computation.2_lowered:
.L_overlay_start_0:
0x88: {  	s2 =	sld [smem:$0x3FD9]  }
0x89: {  	s3 =	sld [smem:$0x3FFE];
	_ =	sdelay $0x1  }
0x8a: {  	s1 =	srdreg.scid  }
0x8b: {  	s0 =	sand.u32 $0x1, s1  }
0x8c: {  	s17 =	sshll.u32 s0, $0xA;
	s2 =	sadd.s32 s3, s2  }
0x8d: {  	s2 =	sadd.s32 s2, s17  }
0x8e: {  	[smem:$0x3FB7] =	sst s2  }
0x8f: {  	_ = 	snop  }
0x90: {  	(tm) =	ssettm $0x1  }
0x91: {  	s18 =	sld [smem:$0x3FFB];
	_ =	sdelay $0x3  }
0x92: {  	_ =	strace s18  }
0x93: {  	s2 =	sld [smem:$0x3FFC];
	_ =	sdelay $0x3  }
0x94: {  	_ =	strace s2  }
0x95: {  	s2 =	sld [smem:$0x3FFD];
	_ =	sdelay $0x3  }
0x96: {  	_ =	strace s2  }
0x97: {  	_ =	strace $0x8FFFFFFF  }
0x98: {  	s19 =	sld [smem:$0x3FDB];
	_ =	sdelay $0x1  }
0x99: {  	s20 =	simm.s32 $_scs_section_size  }
0x9a: {  	s4 =	simm.s32 $_size__tile_overlayer_lowered;
	s5 =	simm.s32 $_tile_overlayer_lowered  }
0x9b: {  	s6 =	simm.s32 $0x1BFF;
	s21 =	sshll.u32 s5, $0x1;
	s3 =	sadd.s32 s20, s19  }
0x9c: {  	s22 =	simm.s32 $0x0;
	s4 =	sshll.u32 s4, $0x1;
	s5 =	sadd.s32 s21, s3  }
0x9d: {  	[timem:s22], [sflag:s6] =	dma.local [hbm:s5], s4  }
0x9e: {  	_ =	swait.ge [sflag:s6], s4  }
0x9f: {  	s4 =	ssub.s32 $0x0, s4;
	[sflag:s6] =	ssyncset.done $0x0  }
0xa0: {  	[sflag:s6] =	ssyncadd.s32 s4;
	_ =	sdelay $0x1  }
0xa1: {  	s23 =	simm.s32 $0x1B8B  }
0xa2: {  	_ =	swait.ge [sflag:s23], $0x1  }
0xa3: {  	[sflag:s23] =	ssyncset.done $0x0  }
0xa4: {  	[sflag:s23] =	ssyncadd.s32 $0xFFFFFFFF  }
0xa5: {  	s4 =	sld [smem:$0x0]  }
0xa6: {  	s5 =	sand.u32 $0xFFFFFFFE, s1  }
0xa7: {  	p0 =	sne.s32 s1, s5  }
0xa8: {  	s5 =	sshll.u32 @p0 s5, $0xE  }
0xa9: {  	s5 =	sadd.s32 @p0 $0x11B8D, s5;
	s6 =	sshll.u32 @p0 s4, $0x11  }
0xaa: {  	s5 =	sor.u32 @p0 s6, s5  }
0xab: {  	[sflag:s5] =	ssyncadd.remote.s32 @p0 $0x1;
	_ =	sdelay $0x1  }
0xac: {  	s5 =	simm.s32 @p0 $0x1B8D  }
0xad: {  	_ =	swait.eq @p0 [sflag:s5], $0x1  }
0xae: {  	[sflag:s5] =	ssyncadd.s32 @p0 $0xFFFFFFFF  }
0xaf: {  	s6 =	sshll.u32 @!p0 s1, $0xE  }
0xb0: {  	s6 =	sor.u32 @!p0 $0x4000, s6;
	s5 =	simm.s32 @!p0 $0x1B8D  }
0xb1: {  	s4 =	sshll.u32 @!p0 s4, $0x11;
	s6 =	sadd.s32 @!p0 $0x11B8D, s6;
	_ =	swait.eq @!p0 [sflag:s5], $0x1  }
0xb2: {  	s4 =	sor.u32 @!p0 s4, s6;
	[sflag:s5] =	ssyncadd.s32 @!p0 $0xFFFFFFFF  }
0xb3: {  	s25 =	simm.s32 $0x1B8E;
	s24 =	sld [smem:$0x3FFE];
	[sflag:s4] =	ssyncadd.remote.s32 @!p0 $0x1  }
0xb4: {  	s26 =	simm.s32 $execute0_lowered;
	[smem:$0x3FD2] =	sst s25  }
0xb5: {  	s5 =	sshll.u32 s26, $0x1;
	_ =	strace $0x80000049;
	[dreg:$0x1] =	wrdreg $0xFFFFFFFF  }
0xb6: {  	s28 =	simm.s32 $_size_execute0_lowered;
	s3 =	sadd.s32 s3, s5;
	[dreg:$0x0] =	wrdreg $0x0  }
0xb7: {  	s5 =	sshll.u32 s28, $0x1;
	[dreg:$0x2] =	wrdreg s3  }
0xb8: {  	[dreg:$0x3] =	wrdreg s5  }
0xb9: {  	[dreg:$0x4] =	wrdreg $0xC0  }
0xba: {  	_ =	task [dreg:s22], $0x5FFFF  }
0xbb: {  	[dreg:$0x1] =	wrdreg $0xFFFFFFFF  }
0xbc: {  	[dreg:$0x0] =	wrdreg $0x60  }
0xbd: {  	[dreg:$0x2] =	wrdreg s24  }
0xbe: {  	[dreg:$0x3] =	wrdreg $0xB  }
0xbf: {  	_ =	task.clear_ibuf [dreg:s22], $0x4FFFF;
	_ =	strace $0x90000049  }
0xc0: {  	s29 =	simm.s32 $0xB;
	_ =	strace $0x8000004B  }
0xc1: {  	_ =	swait.ge [sflag:s29], $0x1  }
0xc2: {  	[sflag:s29] =	ssyncadd.s32 $0xFFFFFFFF  }
0xc3: {  	_ =	strace $0x9000004B  }
0xc4: {  	_ =	sfence  }
0xc5: {  	s30 =	sld [smem:$0x0];
	_ =	sdelay $0x2  }
0xc6: {  	s31 =	sshll.u32 s1, $0xD;
	s1 =	sshrl.u32 s1, $0x2  }
0xc7: {  	s4 =	sand.u32 $0x4000, s31;
	s1 =	sadd.s32 s1, s30  }
0xc8: {  	s0 =	sor.u32 s4, s0;
	s1 =	sshll.u32 s1, $0x11  }
0xc9: {  	s0 =	sor.u32 s1, s0  }
0xca: {  	s0 =	sadd.s32 $0x8F2B, s0  }
0xcb: {  	[sflag:s0] =	ssyncadd.remote.s32 $0x1  }
0xcc: {  	_ =	sfence.sel $0xFFFF  }
0xcd: {  	[dreg:$0x0] =	wrdreg $0xFFFFFFFF;
	(pc) =	sbr.abs _section_cstart, $3  }
0xce: {  	[dreg:$0x1] =	wrdreg $0xFFFFFFFF  }
0xcf: {  	_ =	task.clear_ibuf [dreg:s22], $0x2FFFF;
	_ =	strace $0x9FFFFFFF  }
0xd0: {  	(tm) =	ssettm $0x7FFFFFFF  }
0xd1: {  	_ =	shalt  }
tec
execute0_lowered:
.L_overlay_start_1:
0x0: {  	(tag) =	ssettag $0x1  }
0x1: {  	s0 =	rddreg [dreg:$0x0]  }
0x2: {  	s5 =	stileid.u32;
	s1 =	srdreg.scid  }
0x3: {  	s2 =	simm.s32 $0x0;
	s14 =	simm.s32 $0x880;
	s15 =	simm.s32 $0xC80  }
0x4: {  	s17 =	simm.s32 $0x1480;
	s18 =	simm.s32 $0x1880;
	s19 =	simm.s32 $0x2080  }
0x5: {  	s20 =	simm.s32 $0x2480;
	s21 =	simm.s32 $0x2C80;
	[smem:$0x7FF] =	sst s2  }
0x6: {  	s22 =	simm.s32 $0x3080;
	_ =	strace $0x8000004A;
	[dreg:$0x3] =	wrdreg s14  }
0x7: {  	s23 =	simm.s32 $0x3880;
	s25 =	simm.s32 $0x3C80;
	[dreg:$0x4] =	wrdreg s15  }
0x8: {  	s26 =	simm.s32 $0x4480;
	s8 =	simm.s32 $0x80;
	[dreg:$0x5] =	wrdreg s17  }
0x9: {  	s9 =	simm.s32 $0x4880;
	s10 =	simm.s32 $0x5080;
	[dreg:$0x6] =	wrdreg s18  }
0xa: {  	s11 =	simm.s32 $0x5480;
	s28 =	simm.s32 $0xB480;
	[dreg:$0x7] =	wrdreg s19  }
0xb: {  	s29 =	simm.s32 $0xBC80;
	s30 =	simm.s32 $0x1;
	[dreg:$0x8] =	wrdreg s20  }
0xc: {  	s31 =	simm.s32 $0x0;
	s3 =	sshll.u32 s5, $0x8;
	[dreg:$0x9] =	wrdreg s21  }
0xd: {  	s1 =	sand.u32 $0x1, s1;
	s12 =	smul.u32 $0x18000, s5;
	[dreg:$0xa] =	wrdreg s22  }
0xe: {  	s3 =	sadd.s32 s3, s0;
	s4 =	sshll.u32 s1, $0x7;
	[dreg:$0xb] =	wrdreg s23  }
0xf: {  	s16 =	ssub.s32 $0x2, s1;
	s1 =	smul.u32 $0xC000, s1;
	[dreg:$0xc] =	wrdreg s25  }
0x10: {  	[dreg:$0xd] =	wrdreg s26;
	s14 =	simm.s32 $0x6880;
	s15 =	simm.s32 $0x6C80  }
0x11: {  	s17 =	simm.s32 $0x7880;
	s18 =	simm.s32 $0x8080;
	s19 =	simm.s32 $0x8480  }
0x12: {  	s20 =	simm.s32 $0x8C80;
	s21 =	simm.s32 $0x9080;
	s22 =	simm.s32 $0x9880  }
0x13: {  	s23 =	simm.s32 $0x9C80;
	s25 =	simm.s32 $0xA880;
	s26 =	simm.s32 $0xB080  }
0x14: {  	s3 =	sadd.s32 s4, s3;
	s6 =	sadd.s32 s12, s0;
	s7 =	sshrl.u32 s16, $0x1  }
0x15: {  	s4 =	sadd.s32 $0x25100, s0;
	s12 =	simm.s32 $0x5C80;
	s13 =	sadd.s32 $0x205000, s3  }
0x16: {  	s3 =	sadd.s32 $0x25000, s0;
	s5 =	ssub.s32 s16, s7;
	s1 =	sadd.s32 s1, s6  }
0x17: {  	v2 =	vlaneseq.u32;
	s7 =	simm.s32 $0x2;
	[dreg:$0x2] =	wrdreg s13;
	s5 =	smax.u32 s5, $0x1  }
0x18: {  	vm0 =	vmmov $0xffff;
	vm1 =	vmmov $0xff;
	v1 =	vshrl.u32 v2, $0x3;
	s16 =	simm.s32 $0x7480;
	s24 =	sadd.s32 $0x206000, s1;
	[dreg:$0xe] =	wrdreg s5  }
0x19: {  	v0 =	vand.u32 $0x7, v2;
	v2 =	vor.u32 $0x8, v2;
	v1 =	vmul.u32 $0x8, v1;
	s13 =	simm.s32 $0x6080;
	[dreg:$0xf] =	wrdreg s24;
	s24 =	simm.s32 $0xA480  }
.LBB2_1:
0x1a: {  	s6 =	rddreg [dreg:$0xf];
	s1 =	simm.s32 $0x0  }
.LBB2_2:
0x1b: {  	s5 =	rddreg [dreg:$0x2]  }
0x1c: {  	s5 =	sadd.s32 s1, s5  }
0x1d: {  	[tilespmem:s2], [sflag:$0x2] =	stream.linear.gather [hbm4b:s5+s2], $0x80, $0x38;
	[tilespmem:$0xC080] =	vst v63  }
0x1e: {  	_ =	swait.ge [sflag:s7], $0x80  }
0x1f: {  	[sflag:s7] =	ssyncset.done $0x0  }
0x20: {  	[sflag:s7] =	ssyncadd.s32 $0xFFFFFF80  }
0x21: {  	v3 =	vld [tilespmem:$0x0];
	_ =	sdelay $0x4  }
0x22: {  	v4 =	vshrl.u32 v3, $0x3  }
0x23: {  	v4 =	vmul.u32 $0x18, v4  }
0x24: {  	v3 =	vand.u32 $0x7, v3  }
0x25: {  	v3 =	vor.u32 v3, v4  }
0x26: {  	v4 =	vperm.xlane v3, v0;
	_ =	sdelay $0x1  }
0x27: {  	v4 =	vadd.s32 v1, v4;
	_ =	sdelay $0x1  }
0x28: {  	v3 =	vperm.xlane v3, v2;
	_ =	sdelay $0x1  }
0x29: {  	v3 =	vadd.s32 v1, v3  }
0x2a: {  	[tilespmem:s8], [sflag:$0x1] =	stream.indirect_vreg.gather [hbm4b:s3+s2], $0x80, v4, vm0, $0xb8;
	[tilespmem:$0xC080] =	vst v63  }
0x2b: {  	s5 =	rddreg [dreg:$0x3]  }
0x2c: {  	[tilespmem:s5], [sflag:$0x1] =	stream.indirect_vreg.gather [hbm4b:s4+s2], $0x80, v4, vm1, $0xb8;
	[tilespmem:$0xC080] =	vst v63  }
0x2d: {  	s0 =	rddreg [dreg:$0x4]  }
0x2e: {  	[tilespmem:s0], [sflag:$0x1] =	stream.indirect_vreg.gather [hbm4b:s3+s2], $0x80, v3, vm0, $0xb8;
	[tilespmem:$0xC080] =	vst v63  }
0x2f: {  	s5 =	rddreg [dreg:$0x5]  }
0x30: {  	[tilespmem:s5], [sflag:$0x1] =	stream.indirect_vreg.gather [hbm4b:s4+s2], $0x80, v3, vm1, $0xb8;
	[tilespmem:$0xC080] =	vst v63  }
0x31: {  	v3 =	vld [tilespmem:$0x10];
	_ =	sdelay $0x4  }
0x32: {  	v57 =	vshrl.u32 v3, $0x3  }
0x33: {  	v4 =	vmul.u32 $0x18, v57  }
0x34: {  	v3 =	vand.u32 $0x7, v3  }
0x35: {  	v3 =	vor.u32 v3, v4  }
0x36: {  	v4 =	vperm.xlane v3, v0;
	_ =	sdelay $0x1  }
0x37: {  	v4 =	vadd.s32 v1, v4;
	_ =	sdelay $0x1  }
0x38: {  	v3 =	vperm.xlane v3, v2;
	_ =	sdelay $0x1  }
0x39: {  	s0 =	rddreg [dreg:$0x6];
	v3 =	vadd.s32 v1, v3  }
0x3a: {  	[tilespmem:s0], [sflag:$0x1] =	stream.indirect_vreg.gather [hbm4b:s3+s2], $0x80, v4, vm0, $0xb8;
	[tilespmem:$0xC080] =	vst v63  }
0x3b: {  	s5 =	rddreg [dreg:$0x7]  }
0x3c: {  	[tilespmem:s5], [sflag:$0x1] =	stream.indirect_vreg.gather [hbm4b:s4+s2], $0x80, v4, vm1, $0xb8;
	[tilespmem:$0xC080] =	vst v63  }
0x3d: {  	s0 =	rddreg [dreg:$0x8]  }
0x3e: {  	[tilespmem:s0], [sflag:$0x1] =	stream.indirect_vreg.gather [hbm4b:s3+s2], $0x80, v3, vm0, $0xb8;
	[tilespmem:$0xC080] =	vst v63  }
0x3f: {  	s5 =	rddreg [dreg:$0x9]  }
0x40: {  	[tilespmem:s5], [sflag:$0x1] =	stream.indirect_vreg.gather [hbm4b:s4+s2], $0x80, v3, vm1, $0xb8;
	[tilespmem:$0xC080] =	vst v63  }
0x41: {  	v3 =	vld [tilespmem:$0x20];
	_ =	sdelay $0x4  }
0x42: {  	v58 =	vshrl.u32 v3, $0x3  }
0x43: {  	v4 =	vmul.u32 $0x18, v58  }
0x44: {  	v3 =	vand.u32 $0x7, v3  }
0x45: {  	v3 =	vor.u32 v3, v4  }
0x46: {  	v4 =	vperm.xlane v3, v0;
	_ =	sdelay $0x1  }
0x47: {  	v4 =	vadd.s32 v1, v4;
	_ =	sdelay $0x1  }
0x48: {  	v3 =	vperm.xlane v3, v2;
	_ =	sdelay $0x1  }
0x49: {  	s0 =	rddreg [dreg:$0xa];
	v3 =	vadd.s32 v1, v3  }
0x4a: {  	[tilespmem:s0], [sflag:$0x1] =	stream.indirect_vreg.gather [hbm4b:s3+s2], $0x80, v4, vm0, $0xb8;
	[tilespmem:$0xC080] =	vst v63  }
0x4b: {  	s5 =	rddreg [dreg:$0xb]  }
0x4c: {  	[tilespmem:s5], [sflag:$0x1] =	stream.indirect_vreg.gather [hbm4b:s4+s2], $0x80, v4, vm1, $0xb8;
	[tilespmem:$0xC080] =	vst v63  }
0x4d: {  	s0 =	rddreg [dreg:$0xc]  }
0x4e: {  	[tilespmem:s0], [sflag:$0x1] =	stream.indirect_vreg.gather [hbm4b:s3+s2], $0x80, v3, vm0, $0xb8;
	[tilespmem:$0xC080] =	vst v63  }
0x4f: {  	s5 =	rddreg [dreg:$0xd]  }
0x50: {  	[tilespmem:s5], [sflag:$0x1] =	stream.indirect_vreg.gather [hbm4b:s4+s2], $0x80, v3, vm1, $0xb8;
	[tilespmem:$0xC080] =	vst v63  }
0x51: {  	v3 =	vld [tilespmem:$0x30];
	_ =	sdelay $0x4  }
0x52: {  	v59 =	vshrl.u32 v3, $0x3  }
0x53: {  	v4 =	vmul.u32 $0x18, v59  }
0x54: {  	v3 =	vand.u32 $0x7, v3  }
0x55: {  	v3 =	vor.u32 v3, v4  }
0x56: {  	v4 =	vperm.xlane v3, v0;
	_ =	sdelay $0x1  }
0x57: {  	v4 =	vadd.s32 v1, v4;
	_ =	sdelay $0x1  }
0x58: {  	v3 =	vperm.xlane v3, v2;
	_ =	sdelay $0x1  }
0x59: {  	v3 =	vadd.s32 v1, v3  }
0x5a: {  	[tilespmem:s9], [sflag:$0x1] =	stream.indirect_vreg.gather [hbm4b:s3+s2], $0x80, v4, vm0, $0xb8;
	[tilespmem:$0xC080] =	vst v63  }
0x5b: {  	_ = 	snop  }
0x5c: {  	[tilespmem:s10], [sflag:$0x1] =	stream.indirect_vreg.gather [hbm4b:s4+s2], $0x80, v4, vm1, $0xb8;
	[tilespmem:$0xC080] =	vst v63  }
0x5d: {  	_ = 	snop  }
0x5e: {  	[tilespmem:s11], [sflag:$0x1] =	stream.indirect_vreg.gather [hbm4b:s3+s2], $0x80, v3, vm0, $0xb8;
	[tilespmem:$0xC080] =	vst v63  }
0x5f: {  	_ = 	snop  }
0x60: {  	[tilespmem:s12], [sflag:$0x1] =	stream.indirect_vreg.gather [hbm4b:s4+s2], $0x80, v3, vm1, $0xb8;
	[tilespmem:$0xC080] =	vst v63  }
0x61: {  	v3 =	vld [tilespmem:$0x40];
	_ =	sdelay $0x4  }
0x62: {  	v60 =	vshrl.u32 v3, $0x3  }
0x63: {  	v4 =	vmul.u32 $0x18, v60  }
0x64: {  	v3 =	vand.u32 $0x7, v3  }
0x65: {  	v3 =	vor.u32 v3, v4  }
0x66: {  	v4 =	vperm.xlane v3, v0;
	_ =	sdelay $0x1  }
0x67: {  	v4 =	vadd.s32 v1, v4;
	_ =	sdelay $0x1  }
0x68: {  	v3 =	vperm.xlane v3, v2;
	_ =	sdelay $0x1  }
0x69: {  	v3 =	vadd.s32 v1, v3  }
0x6a: {  	[tilespmem:s13], [sflag:$0x1] =	stream.indirect_vreg.gather [hbm4b:s3+s2], $0x80, v4, vm0, $0xb8;
	[tilespmem:$0xC080] =	vst v63  }
0x6b: {  	_ = 	snop  }
0x6c: {  	[tilespmem:s14], [sflag:$0x1] =	stream.indirect_vreg.gather [hbm4b:s4+s2], $0x80, v4, vm1, $0xb8;
	[tilespmem:$0xC080] =	vst v63  }
0x6d: {  	_ = 	snop  }
0x6e: {  	[tilespmem:s15], [sflag:$0x1] =	stream.indirect_vreg.gather [hbm4b:s3+s2], $0x80, v3, vm0, $0xb8;
	[tilespmem:$0xC080] =	vst v63  }
0x6f: {  	_ = 	snop  }
0x70: {  	[tilespmem:s16], [sflag:$0x1] =	stream.indirect_vreg.gather [hbm4b:s4+s2], $0x80, v3, vm1, $0xb8;
	[tilespmem:$0xC080] =	vst v63  }
0x71: {  	v3 =	vld [tilespmem:$0x50];
	_ =	sdelay $0x4  }
0x72: {  	v61 =	vshrl.u32 v3, $0x3  }
0x73: {  	v4 =	vmul.u32 $0x18, v61  }
0x74: {  	v3 =	vand.u32 $0x7, v3  }
0x75: {  	v3 =	vor.u32 v3, v4  }
0x76: {  	v4 =	vperm.xlane v3, v0;
	_ =	sdelay $0x1  }
0x77: {  	v4 =	vadd.s32 v1, v4;
	_ =	sdelay $0x1  }
0x78: {  	v3 =	vperm.xlane v3, v2;
	_ =	sdelay $0x1  }
0x79: {  	v3 =	vadd.s32 v1, v3  }
0x7a: {  	[tilespmem:s17], [sflag:$0x1] =	stream.indirect_vreg.gather [hbm4b:s3+s2], $0x80, v4, vm0, $0xb8;
	[tilespmem:$0xC080] =	vst v63  }
0x7b: {  	_ = 	snop  }
0x7c: {  	[tilespmem:s18], [sflag:$0x1] =	stream.indirect_vreg.gather [hbm4b:s4+s2], $0x80, v4, vm1, $0xb8;
	[tilespmem:$0xC080] =	vst v63  }
0x7d: {  	_ = 	snop  }
0x7e: {  	[tilespmem:s19], [sflag:$0x1] =	stream.indirect_vreg.gather [hbm4b:s3+s2], $0x80, v3, vm0, $0xb8;
	[tilespmem:$0xC080] =	vst v63  }
0x7f: {  	_ = 	snop  }
0x80: {  	[tilespmem:s20], [sflag:$0x1] =	stream.indirect_vreg.gather [hbm4b:s4+s2], $0x80, v3, vm1, $0xb8;
	[tilespmem:$0xC080] =	vst v63  }
0x81: {  	v3 =	vld [tilespmem:$0x60];
	_ =	sdelay $0x4  }
0x82: {  	v62 =	vshrl.u32 v3, $0x3  }
0x83: {  	v4 =	vmul.u32 $0x18, v62  }
0x84: {  	v3 =	vand.u32 $0x7, v3  }
0x85: {  	v3 =	vor.u32 v3, v4  }
0x86: {  	v4 =	vperm.xlane v3, v0;
	_ =	sdelay $0x1  }
0x87: {  	v4 =	vadd.s32 v1, v4;
	_ =	sdelay $0x1  }
0x88: {  	v3 =	vperm.xlane v3, v2;
	_ =	sdelay $0x1  }
0x89: {  	v3 =	vadd.s32 v1, v3  }
0x8a: {  	[tilespmem:s21], [sflag:$0x1] =	stream.indirect_vreg.gather [hbm4b:s3+s2], $0x80, v4, vm0, $0xb8;
	[tilespmem:$0xC080] =	vst v63  }
0x8b: {  	_ = 	snop  }
0x8c: {  	[tilespmem:s22], [sflag:$0x1] =	stream.indirect_vreg.gather [hbm4b:s4+s2], $0x80, v4, vm1, $0xb8;
	[tilespmem:$0xC080] =	vst v63  }
0x8d: {  	_ = 	snop  }
0x8e: {  	[tilespmem:s23], [sflag:$0x1] =	stream.indirect_vreg.gather [hbm4b:s3+s2], $0x80, v3, vm0, $0xb8;
	[tilespmem:$0xC080] =	vst v63  }
0x8f: {  	_ = 	snop  }
0x90: {  	[tilespmem:s24], [sflag:$0x1] =	stream.indirect_vreg.gather [hbm4b:s4+s2], $0x80, v3, vm1, $0xb8;
	[tilespmem:$0xC080] =	vst v63  }
0x91: {  	v3 =	vld [tilespmem:$0x70];
	_ =	sdelay $0x4  }
0x92: {  	v63 =	vshrl.u32 v3, $0x3  }
0x93: {  	v4 =	vmul.u32 $0x18, v63  }
0x94: {  	v3 =	vand.u32 $0x7, v3  }
0x95: {  	v3 =	vor.u32 v3, v4  }
0x96: {  	v4 =	vperm.xlane v3, v0;
	_ =	sdelay $0x1  }
0x97: {  	v4 =	vadd.s32 v1, v4;
	_ =	sdelay $0x1  }
0x98: {  	v3 =	vperm.xlane v3, v2;
	_ =	sdelay $0x1  }
0x99: {  	v3 =	vadd.s32 v1, v3  }
0x9a: {  	[tilespmem:s25], [sflag:$0x1] =	stream.indirect_vreg.gather [hbm4b:s3+s2], $0x80, v4, vm0, $0xb8;
	[tilespmem:$0xC080] =	vst v63  }
0x9b: {  	_ = 	snop  }
0x9c: {  	[tilespmem:s26], [sflag:$0x1] =	stream.indirect_vreg.gather [hbm4b:s4+s2], $0x80, v4, vm1, $0xb8;
	[tilespmem:$0xC080] =	vst v63  }
0x9d: {  	_ = 	snop  }
0x9e: {  	[tilespmem:s28], [sflag:$0x1] =	stream.indirect_vreg.gather [hbm4b:s3+s2], $0x80, v3, vm0, $0xb8;
	[tilespmem:$0xC080] =	vst v63  }
0x9f: {  	_ = 	snop  }
0xa0: {  	[tilespmem:s29], [sflag:$0x1] =	stream.indirect_vreg.gather [hbm4b:s4+s2], $0x80, v3, vm1, $0xb8;
	[tilespmem:$0xC080] =	vst v63  }
0xa1: {  	_ =	swait.ge [sflag:s30], $0xC000  }
0xa2: {  	p0 =	sne.s32 s1, $0x70;
	[sflag:s30] =	ssyncset.done $0x0  }
.Ltmp0:
0xa3: {  	[sflag:s30] =	ssyncadd.s32 $0xFFFF4000;
	(pc) =	sbr.rel @p0 .LBB2_2-.Ltmp0, $4  }
0xa4: {  	[hbm4b:s6+s2] =	stream.linear.scatter [tilespmem:s8], [sflag:$0x2], $0xC000, $0x38;
	[tilespmem:$0xC080] =	vst v63  }
0xa5: {  	_ =	swait.ge [sflag:s7], $0xC000  }
0xa6: {  	[sflag:s7] =	ssyncset.done $0x0  }
0xa7: {  	s1 =	sadd.s32 $0x10, s1;
	s6 =	sadd.s32 $0x1800, s6;
	[sflag:s7] =	ssyncadd.s32 $0xFFFF4000  }
0xa8: {  	s31 =	sadd.s32 $0x1, s31;
	s0 =	rddreg [dreg:$0xe]  }
0xa9: {  	p0 =	sne.s32 s31, s0  }
.Ltmp1:
0xaa: {  	_ = 	snop;
	(pc) =	sbr.rel @p0 .LBB2_1-.Ltmp1, $1  }
0xab: {  	_ =	sdelay $0x3  }
0xac: {  	_ =	sfence.sel $0x180000  }
0xad: {  	[bflag:$0x0] =	sbarrier.arrive $0xFFFF  }
0xae: {  	_ =	strace $0x9000004A  }
0xaf: {  	s0 =	stileid.u32;
	[bflag:$0x2] =	sbarrier.arrive $0xFFFF  }
0xb0: {  	p0 =	sne.s32 s0, $0x0;
	s0 =	rddreg [dreg:$0x1]  }
0xb1: {  	s0 =	sadd.s32 @!p0 $0x100000, s0  }
0xb2: {  	[sflag:s0] =	ssyncadd.tile.s32 @!p0 $0x1;
	_ =	shalt  }
.Lfunc_end2:
_tile_overlayer_lowered:
.L_overlay_start_2:
0xb3: {  	(tag) =	ssettag $0x2  }
0xb4: {  	s0 =	rddreg [dreg:$0x0];
	s2 =	stileid.u32  }
0xb5: {  	s1 =	rddreg [dreg:$0x1];
	p0 =	sne.s32 s2, $0x0  }
0xb6: {  	s3 =	rddreg [dreg:$0x2];
	[bflag:$0x3] =	sbarrier.arrive $0xFFFF;
	s2 =	simm.s32 @!p0 $0x1C02  }
0xb7: {  	[timem:s3], [sflag:s2] =	dma.local @!p0 [hbm:s0], s1  }
0xb8: {  	s0 =	simm.s32 @!p0 $0x2  }
0xb9: {  	_ =	swait.ge @!p0 [sflag:s0], s1  }
0xba: {  	s1 =	ssub.s32 @!p0 $0x0, s1;
	[sflag:s0] =	ssyncset.done @!p0 $0x0  }
0xbb: {  	[sflag:s0] =	ssyncadd.s32 @!p0 s1  }
0xbc: {  	[bflag:$0x3] =	sbarrier.arrive $0xFFFF  }
0xbd: {  	_ =	shalt  }

// kernel: kernel.24.cloned.1.call-start
scs
__scs_entry_jumppad:
0x0: {  	(pc) =	sbr.rel $0x88, $3  }
0x1: {  	(tag) =	ssettag $0x0;
	lr =	simm.s32 $0x1  }
0x2: {  	[smem:$0x3F90] =	sst lr;
	_ =	strace $0xD0000000  }
0x3: {  	_ = 	snop  }
0x4: {  	_ = 	snop  }
0x5: {  	_ = 	snop  }
0x6: {  	_ = 	snop  }
0x7: {  	_ = 	snop  }
__scs_overlays_trampoline_lowered:
0x8: {  	[smem:$0x3F9F] =	sst s0  }
0x9: {  	[smem:$0x3FA0] =	sst s1  }
0xa: {  	[smem:$0x3FA1] =	sst s2  }
0xb: {  	[smem:$0x3FA2] =	sst s3  }
0xc: {  	[smem:$0x3FA3] =	sst s4  }
0xd: {  	[smem:$0x3FA4] =	sst s5  }
0xe: {  	[smem:$0x3FA5] =	sst s6  }
0xf: {  	[smem:$0x3FA6] =	sst s7  }
0x10: {  	[smem:$0x3FA7] =	sst s8  }
0x11: {  	[smem:$0x3FA8] =	sst s9;
	s0 =	simm.s32 @!p0 $0x0  }
0x12: {  	s1 =	sld [smem:$0x3F8E];
	s0 =	simm.s32 @p0 $0x1  }
0x13: {  	[smem:$0x3FA9] =	sst s0;
	s0 =	simm.s32 @!p1 $0x0  }
0x14: {  	s2 =	sld [smem:$0x3F8D];
	s0 =	simm.s32 @p1 $0x1  }
0x15: {  	[smem:$0x3FAA] =	sst s0;
	s0 =	simm.s32 @!p2 $0x0  }
0x16: {  	s3 =	sld [smem:$0x3FDB];
	s0 =	simm.s32 @p2 $0x1  }
0x17: {  	s4 =	simm.s32 $0x1BF5;
	[smem:$0x3FAC] =	sst s0  }
0x18: {  	s0 =	sld [smem:$0x3F8F];
	_ =	swait.ge [sflag:s4], $0x0  }
0x19: {  	s7 =	sld [smem:$0x3F90]  }
0x1a: {  	s8 =	sadd.s32 $0xFFFFE003, lr  }
0x1b: {  	s9 =	sadd.s32 $0xFFFFFEF7, lr;
	s5 =	simm.s32 $0xFFFFFFFF;
	p2 =	slt.u32 s8, $0xFFFFF086  }
0x1c: {  	p1 =	slt.u32 s9, $0xF7A;
	s5 =	simm.s32 @!p2 $0x0  }
0x1d: {  	s5 =	simm.s32 @p1 $0x1;
	p0 =	seq.s32 s7, s2  }
0x1e: {  	s7 =	smul.u32 @!p0 $0xF7A, s2;
	p2 =	seq.s32 @!p0 s5, $0x0  }
0x1f: {  	s9 =	smul.u32 $0xF7A, s1;
	s8 =	simm.s32 @!p0 $0x1BF5;
	p2 =	por !p2, p0  }
0x20: {  	[sflag:s8] =	ssyncset.s32 @!p0 $0xFFFFF086;
	s6 =	sadd.s32 @!p0 s3, s7;
	s7 =	simm.s32 @!p0 $0x108  }
0x21: {  	s3 =	sadd.s32 s3, s9;
	s6 =	sadd.s32 @!p0 $0x88, s6;
	s7 =	simm.s32 @p2 $0x1082  }
0x22: {  	[simem:s7], [sflag:s8] =	dma.local @!p0 [hbm:s6], $0xF7A  }
0x23: {  	s9 =	sor.u32 $0xD0000000, s2;
	s6 =	simm.s32 $0x108;
	_ =	swait.ge @!p0 [sflag:s8], $0x0  }
0x24: {  	s3 =	sadd.s32 $0x88, s3;
	s6 =	simm.s32 @!p1 $0x1082;
	[sflag:s4] =	ssyncset.s32 $0xFFFFF086  }
0x25: {  	[simem:s6], [sflag:s4] =	dma.local [hbm:s3], $0xF7A  }
0x26: {  	[smem:$0x3F90] =	sst s1;
	(tag) =	ssettag s2;
	_ =	strace s9  }
0x27: {  	s1 =	sld [smem:$0x3FA0]  }
0x28: {  	s2 =	sld [smem:$0x3FA1]  }
0x29: {  	s4 =	sld [smem:$0x3FA3]  }
0x2a: {  	p0 =	seq.s32 s5, $0x0;
	s5 =	sld [smem:$0x3FA4]  }
0x2b: {  	s6 =	sld [smem:$0x3FA5]  }
0x2c: {  	s7 =	sld [smem:$0x3FA6]  }
0x2d: {  	s3 =	simm.s32 $0x108;
	s8 =	sld [smem:$0x3FA7]  }
0x2e: {  	s3 =	simm.s32 @!p0 $0x1082;
	s9 =	sld [smem:$0x3FA8]  }
0x2f: {  	lr =	sadd.s32 s0, s3;
	s0 =	sld [smem:$0x3F9F]  }
0x30: {  	s3 =	sld [smem:$0x3FA2]  }
0x31: {  	[smem:$0x3FAB] =	sst s10  }
0x32: {  	s10 =	sld [smem:$0x3FA9];
	_ =	sdelay $0x3  }
0x33: {  	p0 =	seq.s32 s10, $0x1;
	s10 =	sld [smem:$0x3FAB];
	_ =	sdelay $0x3  }
0x34: {  	[smem:$0x3FAB] =	sst s10  }
0x35: {  	s10 =	sld [smem:$0x3FAA];
	_ =	sdelay $0x3  }
0x36: {  	p1 =	seq.s32 s10, $0x1;
	s10 =	sld [smem:$0x3FAB];
	_ =	sdelay $0x3  }
0x37: {  	[smem:$0x3FAB] =	sst s10  }
0x38: {  	s10 =	sld [smem:$0x3FAC]  }
0x39: {  	_ = 	snop;
	(pc) =	sbr.ind lr, $3  }
0x3a: {  	_ = 	snop  }
0x3b: {  	_ = 	snop  }
0x3c: {  	p2 =	seq.s32 s10, $0x1;
	s10 =	sld [smem:$0x3FAB]  }
0x3d: {  	_ =	shalt  }
0x3e: {  	_ =	shalt  }
0x3f: {  	_ =	shalt  }
0x40: {  	_ =	shalt  }
0x41: {  	_ =	shalt  }
0x42: {  	_ =	shalt  }
0x43: {  	_ =	shalt  }
0x44: {  	_ =	shalt  }
0x45: {  	_ =	shalt  }
0x46: {  	_ =	shalt  }
0x47: {  	_ =	shalt  }
0x48: {  	_ =	shalt  }
0x49: {  	_ =	shalt  }
0x4a: {  	_ =	shalt  }
0x4b: {  	_ =	shalt  }
0x4c: {  	_ =	shalt  }
0x4d: {  	_ =	shalt  }
0x4e: {  	_ =	shalt  }
0x4f: {  	_ =	shalt  }
0x50: {  	_ =	shalt  }
0x51: {  	_ =	shalt  }
0x52: {  	_ =	shalt  }
0x53: {  	_ =	shalt  }
0x54: {  	_ =	shalt  }
0x55: {  	_ =	shalt  }
0x56: {  	_ =	shalt  }
0x57: {  	_ =	shalt  }
0x58: {  	_ =	shalt  }
0x59: {  	_ =	shalt  }
0x5a: {  	_ =	shalt  }
0x5b: {  	_ =	shalt  }
0x5c: {  	_ =	shalt  }
0x5d: {  	_ =	shalt  }
0x5e: {  	_ =	shalt  }
0x5f: {  	_ =	shalt  }
0x60: {  	_ =	shalt  }
0x61: {  	_ =	shalt  }
0x62: {  	_ =	shalt  }
0x63: {  	_ =	shalt  }
0x64: {  	_ =	shalt  }
0x65: {  	_ =	shalt  }
0x66: {  	_ =	shalt  }
0x67: {  	_ =	shalt  }
0x68: {  	_ =	shalt  }
0x69: {  	_ =	shalt  }
0x6a: {  	_ =	shalt  }
0x6b: {  	_ =	shalt  }
0x6c: {  	_ =	shalt  }
0x6d: {  	_ =	shalt  }
0x6e: {  	_ =	shalt  }
0x6f: {  	_ =	shalt  }
0x70: {  	_ =	shalt  }
0x71: {  	_ =	shalt  }
0x72: {  	_ =	shalt  }
0x73: {  	_ =	shalt  }
0x74: {  	_ =	shalt  }
0x75: {  	_ =	shalt  }
0x76: {  	_ =	shalt  }
0x77: {  	_ =	shalt  }
0x78: {  	_ =	shalt  }
0x79: {  	_ =	shalt  }
0x7a: {  	_ =	shalt  }
0x7b: {  	_ =	shalt  }
0x7c: {  	_ =	shalt  }
0x7d: {  	_ =	shalt  }
0x7e: {  	_ =	shalt  }
0x7f: {  	_ =	shalt  }
0x80: {  	_ =	shalt  }
0x81: {  	_ =	shalt  }
0x82: {  	_ =	shalt  }
0x83: {  	_ =	shalt  }
0x84: {  	_ =	shalt  }
0x85: {  	_ =	shalt  }
0x86: {  	_ =	shalt  }
0x87: {  	_ =	shalt  }
.Lfunc_end0:
.L_simem_size_0:
called_computation.3_lowered:
.L_overlay_start_0:
0x88: {  	s2 =	sld [smem:$0x3FD9]  }
0x89: {  	s3 =	sld [smem:$0x3FFE];
	_ =	sdelay $0x1  }
0x8a: {  	s1 =	srdreg.scid  }
0x8b: {  	s0 =	sand.u32 $0x1, s1  }
0x8c: {  	s16 =	sshll.u32 s0, $0xA;
	s2 =	sadd.s32 s3, s2  }
0x8d: {  	s2 =	sadd.s32 s2, s16  }
0x8e: {  	[smem:$0x3FB7] =	sst s2  }
0x8f: {  	_ = 	snop  }
0x90: {  	(tm) =	ssettm $0x1  }
0x91: {  	s17 =	sld [smem:$0x3FFB];
	_ =	sdelay $0x3  }
0x92: {  	_ =	strace s17  }
0x93: {  	s2 =	sld [smem:$0x3FFC];
	_ =	sdelay $0x3  }
0x94: {  	_ =	strace s2  }
0x95: {  	s2 =	sld [smem:$0x3FFD];
	_ =	sdelay $0x3  }
0x96: {  	_ =	strace s2  }
0x97: {  	_ =	strace $0x8FFFFFFF  }
0x98: {  	s18 =	sld [smem:$0x3FDB];
	_ =	sdelay $0x1  }
0x99: {  	s19 =	simm.s32 $_scs_section_size  }
0x9a: {  	s4 =	simm.s32 $_size__tile_overlayer_lowered;
	s5 =	simm.s32 $_tile_overlayer_lowered  }
0x9b: {  	s22 =	simm.s32 $0x1BFF;
	s21 =	sshll.u32 s5, $0x1;
	s2 =	sadd.s32 s19, s18  }
0x9c: {  	s6 =	simm.s32 $0x0;
	s20 =	sshll.u32 s4, $0x1;
	s4 =	sadd.s32 s21, s2  }
0x9d: {  	[timem:s6], [sflag:s22] =	dma.local [hbm:s4], s20  }
0x9e: {  	_ =	swait.ge [sflag:s22], s20  }
0x9f: {  	s3 =	ssub.s32 $0x0, s20;
	[sflag:s22] =	ssyncset.done $0x0  }
0xa0: {  	[sflag:s22] =	ssyncadd.s32 s3;
	_ =	sdelay $0x1  }
0xa1: {  	s23 =	simm.s32 $0x1B8B  }
0xa2: {  	_ =	swait.ge [sflag:s23], $0x1  }
0xa3: {  	[sflag:s23] =	ssyncset.done $0x0  }
0xa4: {  	s25 =	simm.s32 $0x1B8E;
	s24 =	sld [smem:$0x3FFE];
	[sflag:s23] =	ssyncadd.s32 $0xFFFFFFFF  }
0xa5: {  	s26 =	simm.s32 $execute0_lowered;
	[smem:$0x3FD2] =	sst s25  }
0xa6: {  	s4 =	sshll.u32 s26, $0x1;
	_ =	strace $0x80000046;
	[dreg:$0x1] =	wrdreg $0xFFFFFFFF  }
0xa7: {  	s28 =	simm.s32 $_size_execute0_lowered;
	s2 =	sadd.s32 s2, s4;
	[dreg:$0x0] =	wrdreg $0x0  }
0xa8: {  	s4 =	sshll.u32 s28, $0x1;
	[dreg:$0x2] =	wrdreg s2  }
0xa9: {  	[dreg:$0x3] =	wrdreg s4  }
0xaa: {  	[dreg:$0x4] =	wrdreg $0xC0  }
0xab: {  	_ =	task [dreg:s6], $0x5FFFF  }
0xac: {  	[dreg:$0x1] =	wrdreg $0xFFFFFFFF  }
0xad: {  	[dreg:$0x0] =	wrdreg $0x60  }
0xae: {  	[dreg:$0x2] =	wrdreg s24  }
0xaf: {  	[dreg:$0x3] =	wrdreg $0xC  }
0xb0: {  	_ =	task.clear_ibuf [dreg:s6], $0x4FFFF;
	_ =	strace $0x90000046  }
0xb1: {  	s29 =	simm.s32 $0xC;
	_ =	strace $0x80000048  }
0xb2: {  	_ =	swait.ge [sflag:s29], $0x1  }
0xb3: {  	[sflag:s29] =	ssyncadd.s32 $0xFFFFFFFF  }
0xb4: {  	_ =	strace $0x90000048  }
0xb5: {  	_ =	sfence  }
0xb6: {  	s30 =	sld [smem:$0x0];
	_ =	sdelay $0x2  }
0xb7: {  	s31 =	sshll.u32 s1, $0xD;
	s1 =	sshrl.u32 s1, $0x2  }
0xb8: {  	s3 =	sand.u32 $0x4000, s31;
	s1 =	sadd.s32 s1, s30  }
0xb9: {  	s0 =	sor.u32 s3, s0;
	s1 =	sshll.u32 s1, $0x11  }
0xba: {  	s0 =	sor.u32 s1, s0  }
0xbb: {  	s0 =	sadd.s32 $0x8F2B, s0  }
0xbc: {  	[sflag:s0] =	ssyncadd.remote.s32 $0x1  }
0xbd: {  	_ =	sfence.sel $0xFFFF  }
0xbe: {  	[dreg:$0x0] =	wrdreg $0xFFFFFFFF;
	(pc) =	sbr.abs _section_cstart, $3  }
0xbf: {  	[dreg:$0x1] =	wrdreg $0xFFFFFFFF  }
0xc0: {  	_ =	task.clear_ibuf [dreg:s6], $0x2FFFF;
	_ =	strace $0x9FFFFFFF  }
0xc1: {  	(tm) =	ssettm $0x7FFFFFFF  }
tec
execute0_lowered:
.L_overlay_start_1:
0x0: {  	(tag) =	ssettag $0x1  }
0x1: {  	s0 =	rddreg [dreg:$0x0]  }
0x2: {  	s5 =	stileid.u32;
	s1 =	srdreg.scid  }
0x3: {  	s2 =	simm.s32 $0x0;
	s14 =	simm.s32 $0x880;
	s15 =	simm.s32 $0xC80  }
0x4: {  	s17 =	simm.s32 $0x1480;
	s18 =	simm.s32 $0x1880;
	s19 =	simm.s32 $0x2080  }
0x5: {  	s20 =	simm.s32 $0x2480;
	s21 =	simm.s32 $0x2C80;
	[smem:$0x7FF] =	sst s2  }
0x6: {  	s22 =	simm.s32 $0x3080;
	_ =	strace $0x80000047;
	[dreg:$0x3] =	wrdreg s14  }
0x7: {  	s23 =	simm.s32 $0x3880;
	s25 =	simm.s32 $0x3C80;
	[dreg:$0x4] =	wrdreg s15  }
0x8: {  	s26 =	simm.s32 $0x4480;
	s8 =	simm.s32 $0x80;
	[dreg:$0x5] =	wrdreg s17  }
0x9: {  	s9 =	simm.s32 $0x4880;
	s10 =	simm.s32 $0x5080;
	[dreg:$0x6] =	wrdreg s18  }
0xa: {  	s11 =	simm.s32 $0x5480;
	s28 =	simm.s32 $0xB480;
	[dreg:$0x7] =	wrdreg s19  }
0xb: {  	s29 =	simm.s32 $0xBC80;
	s30 =	simm.s32 $0x1;
	[dreg:$0x8] =	wrdreg s20  }
0xc: {  	s31 =	simm.s32 $0x0;
	s3 =	sshll.u32 s5, $0x8;
	[dreg:$0x9] =	wrdreg s21  }
0xd: {  	s1 =	sand.u32 $0x1, s1;
	s12 =	smul.u32 $0x18000, s5;
	[dreg:$0xa] =	wrdreg s22  }
0xe: {  	s3 =	sadd.s32 s3, s0;
	s4 =	sshll.u32 s1, $0x7;
	[dreg:$0xb] =	wrdreg s23  }
0xf: {  	s16 =	ssub.s32 $0x2, s1;
	s1 =	smul.u32 $0xC000, s1;
	[dreg:$0xc] =	wrdreg s25  }
0x10: {  	[dreg:$0xd] =	wrdreg s26;
	s14 =	simm.s32 $0x6880;
	s15 =	simm.s32 $0x6C80  }
0x11: {  	s17 =	simm.s32 $0x7880;
	s18 =	simm.s32 $0x8080;
	s19 =	simm.s32 $0x8480  }
0x12: {  	s20 =	simm.s32 $0x8C80;
	s21 =	simm.s32 $0x9080;
	s22 =	simm.s32 $0x9880  }
0x13: {  	s23 =	simm.s32 $0x9C80;
	s25 =	simm.s32 $0xA880;
	s26 =	simm.s32 $0xB080  }
0x14: {  	s3 =	sadd.s32 s4, s3;
	s6 =	sadd.s32 s12, s0;
	s7 =	sshrl.u32 s16, $0x1  }
0x15: {  	s4 =	sadd.s32 $0x25100, s0;
	s12 =	simm.s32 $0x5C80;
	s13 =	sadd.s32 $0x4000, s3  }
0x16: {  	s3 =	sadd.s32 $0x25000, s0;
	s5 =	ssub.s32 s16, s7;
	s1 =	sadd.s32 s1, s6  }
0x17: {  	v2 =	vlaneseq.u32;
	s7 =	simm.s32 $0x2;
	[dreg:$0x2] =	wrdreg s13;
	s5 =	smax.u32 s5, $0x1  }
0x18: {  	vm0 =	vmmov $0xffff;
	vm1 =	vmmov $0xff;
	v1 =	vshrl.u32 v2, $0x3;
	s16 =	simm.s32 $0x7480;
	s24 =	sadd.s32 $0x85000, s1;
	[dreg:$0xe] =	wrdreg s5  }
0x19: {  	v0 =	vand.u32 $0x7, v2;
	v2 =	vor.u32 $0x8, v2;
	v1 =	vmul.u32 $0x8, v1;
	s13 =	simm.s32 $0x6080;
	[dreg:$0xf] =	wrdreg s24;
	s24 =	simm.s32 $0xA480  }
.LBB2_1:
0x1a: {  	s6 =	rddreg [dreg:$0xf];
	s1 =	simm.s32 $0x0  }
.LBB2_2:
0x1b: {  	s5 =	rddreg [dreg:$0x2]  }
0x1c: {  	s5 =	sadd.s32 s1, s5  }
0x1d: {  	[tilespmem:s2], [sflag:$0x2] =	stream.linear.gather [hbm4b:s5+s2], $0x80, $0x38;
	[tilespmem:$0xC080] =	vst v63  }
0x1e: {  	_ =	swait.ge [sflag:s7], $0x80  }
0x1f: {  	[sflag:s7] =	ssyncset.done $0x0  }
0x20: {  	[sflag:s7] =	ssyncadd.s32 $0xFFFFFF80  }
0x21: {  	v3 =	vld [tilespmem:$0x0];
	_ =	sdelay $0x4  }
0x22: {  	v4 =	vshrl.u32 v3, $0x3  }
0x23: {  	v4 =	vmul.u32 $0x18, v4  }
0x24: {  	v3 =	vand.u32 $0x7, v3  }
0x25: {  	v3 =	vor.u32 v3, v4  }
0x26: {  	v4 =	vperm.xlane v3, v0;
	_ =	sdelay $0x1  }
0x27: {  	v4 =	vadd.s32 v1, v4;
	_ =	sdelay $0x1  }
0x28: {  	v3 =	vperm.xlane v3, v2;
	_ =	sdelay $0x1  }
0x29: {  	v3 =	vadd.s32 v1, v3  }
0x2a: {  	[tilespmem:s8], [sflag:$0x1] =	stream.indirect_vreg.gather [hbm4b:s3+s2], $0x80, v4, vm0, $0xb8;
	[tilespmem:$0xC080] =	vst v63  }
0x2b: {  	s5 =	rddreg [dreg:$0x3]  }
0x2c: {  	[tilespmem:s5], [sflag:$0x1] =	stream.indirect_vreg.gather [hbm4b:s4+s2], $0x80, v4, vm1, $0xb8;
	[tilespmem:$0xC080] =	vst v63  }
0x2d: {  	s0 =	rddreg [dreg:$0x4]  }
0x2e: {  	[tilespmem:s0], [sflag:$0x1] =	stream.indirect_vreg.gather [hbm4b:s3+s2], $0x80, v3, vm0, $0xb8;
	[tilespmem:$0xC080] =	vst v63  }
0x2f: {  	s5 =	rddreg [dreg:$0x5]  }
0x30: {  	[tilespmem:s5], [sflag:$0x1] =	stream.indirect_vreg.gather [hbm4b:s4+s2], $0x80, v3, vm1, $0xb8;
	[tilespmem:$0xC080] =	vst v63  }
0x31: {  	v3 =	vld [tilespmem:$0x10];
	_ =	sdelay $0x4  }
0x32: {  	v57 =	vshrl.u32 v3, $0x3  }
0x33: {  	v4 =	vmul.u32 $0x18, v57  }
0x34: {  	v3 =	vand.u32 $0x7, v3  }
0x35: {  	v3 =	vor.u32 v3, v4  }
0x36: {  	v4 =	vperm.xlane v3, v0;
	_ =	sdelay $0x1  }
0x37: {  	v4 =	vadd.s32 v1, v4;
	_ =	sdelay $0x1  }
0x38: {  	v3 =	vperm.xlane v3, v2;
	_ =	sdelay $0x1  }
0x39: {  	s0 =	rddreg [dreg:$0x6];
	v3 =	vadd.s32 v1, v3  }
0x3a: {  	[tilespmem:s0], [sflag:$0x1] =	stream.indirect_vreg.gather [hbm4b:s3+s2], $0x80, v4, vm0, $0xb8;
	[tilespmem:$0xC080] =	vst v63  }
0x3b: {  	s5 =	rddreg [dreg:$0x7]  }
0x3c: {  	[tilespmem:s5], [sflag:$0x1] =	stream.indirect_vreg.gather [hbm4b:s4+s2], $0x80, v4, vm1, $0xb8;
	[tilespmem:$0xC080] =	vst v63  }
0x3d: {  	s0 =	rddreg [dreg:$0x8]  }
0x3e: {  	[tilespmem:s0], [sflag:$0x1] =	stream.indirect_vreg.gather [hbm4b:s3+s2], $0x80, v3, vm0, $0xb8;
	[tilespmem:$0xC080] =	vst v63  }
0x3f: {  	s5 =	rddreg [dreg:$0x9]  }
0x40: {  	[tilespmem:s5], [sflag:$0x1] =	stream.indirect_vreg.gather [hbm4b:s4+s2], $0x80, v3, vm1, $0xb8;
	[tilespmem:$0xC080] =	vst v63  }
0x41: {  	v3 =	vld [tilespmem:$0x20];
	_ =	sdelay $0x4  }
0x42: {  	v58 =	vshrl.u32 v3, $0x3  }
0x43: {  	v4 =	vmul.u32 $0x18, v58  }
0x44: {  	v3 =	vand.u32 $0x7, v3  }
0x45: {  	v3 =	vor.u32 v3, v4  }
0x46: {  	v4 =	vperm.xlane v3, v0;
	_ =	sdelay $0x1  }
0x47: {  	v4 =	vadd.s32 v1, v4;
	_ =	sdelay $0x1  }
0x48: {  	v3 =	vperm.xlane v3, v2;
	_ =	sdelay $0x1  }
0x49: {  	s0 =	rddreg [dreg:$0xa];
	v3 =	vadd.s32 v1, v3  }
0x4a: {  	[tilespmem:s0], [sflag:$0x1] =	stream.indirect_vreg.gather [hbm4b:s3+s2], $0x80, v4, vm0, $0xb8;
	[tilespmem:$0xC080] =	vst v63  }
0x4b: {  	s5 =	rddreg [dreg:$0xb]  }
0x4c: {  	[tilespmem:s5], [sflag:$0x1] =	stream.indirect_vreg.gather [hbm4b:s4+s2], $0x80, v4, vm1, $0xb8;
	[tilespmem:$0xC080] =	vst v63  }
0x4d: {  	s0 =	rddreg [dreg:$0xc]  }
0x4e: {  	[tilespmem:s0], [sflag:$0x1] =	stream.indirect_vreg.gather [hbm4b:s3+s2], $0x80, v3, vm0, $0xb8;
	[tilespmem:$0xC080] =	vst v63  }
0x4f: {  	s5 =	rddreg [dreg:$0xd]  }
0x50: {  	[tilespmem:s5], [sflag:$0x1] =	stream.indirect_vreg.gather [hbm4b:s4+s2], $0x80, v3, vm1, $0xb8;
	[tilespmem:$0xC080] =	vst v63  }
0x51: {  	v3 =	vld [tilespmem:$0x30];
	_ =	sdelay $0x4  }
0x52: {  	v59 =	vshrl.u32 v3, $0x3  }
0x53: {  	v4 =	vmul.u32 $0x18, v59  }
0x54: {  	v3 =	vand.u32 $0x7, v3  }
0x55: {  	v3 =	vor.u32 v3, v4  }
0x56: {  	v4 =	vperm.xlane v3, v0;
	_ =	sdelay $0x1  }
0x57: {  	v4 =	vadd.s32 v1, v4;
	_ =	sdelay $0x1  }
0x58: {  	v3 =	vperm.xlane v3, v2;
	_ =	sdelay $0x1  }
0x59: {  	v3 =	vadd.s32 v1, v3  }
0x5a: {  	[tilespmem:s9], [sflag:$0x1] =	stream.indirect_vreg.gather [hbm4b:s3+s2], $0x80, v4, vm0, $0xb8;
	[tilespmem:$0xC080] =	vst v63  }
0x5b: {  	_ = 	snop  }
0x5c: {  	[tilespmem:s10], [sflag:$0x1] =	stream.indirect_vreg.gather [hbm4b:s4+s2], $0x80, v4, vm1, $0xb8;
	[tilespmem:$0xC080] =	vst v63  }
0x5d: {  	_ = 	snop  }
0x5e: {  	[tilespmem:s11], [sflag:$0x1] =	stream.indirect_vreg.gather [hbm4b:s3+s2], $0x80, v3, vm0, $0xb8;
	[tilespmem:$0xC080] =	vst v63  }
0x5f: {  	_ = 	snop  }
0x60: {  	[tilespmem:s12], [sflag:$0x1] =	stream.indirect_vreg.gather [hbm4b:s4+s2], $0x80, v3, vm1, $0xb8;
	[tilespmem:$0xC080] =	vst v63  }
0x61: {  	v3 =	vld [tilespmem:$0x40];
	_ =	sdelay $0x4  }
0x62: {  	v60 =	vshrl.u32 v3, $0x3  }
0x63: {  	v4 =	vmul.u32 $0x18, v60  }
0x64: {  	v3 =	vand.u32 $0x7, v3  }
0x65: {  	v3 =	vor.u32 v3, v4  }
0x66: {  	v4 =	vperm.xlane v3, v0;
	_ =	sdelay $0x1  }
0x67: {  	v4 =	vadd.s32 v1, v4;
	_ =	sdelay $0x1  }
0x68: {  	v3 =	vperm.xlane v3, v2;
	_ =	sdelay $0x1  }
0x69: {  	v3 =	vadd.s32 v1, v3  }
0x6a: {  	[tilespmem:s13], [sflag:$0x1] =	stream.indirect_vreg.gather [hbm4b:s3+s2], $0x80, v4, vm0, $0xb8;
	[tilespmem:$0xC080] =	vst v63  }
0x6b: {  	_ = 	snop  }
0x6c: {  	[tilespmem:s14], [sflag:$0x1] =	stream.indirect_vreg.gather [hbm4b:s4+s2], $0x80, v4, vm1, $0xb8;
	[tilespmem:$0xC080] =	vst v63  }
0x6d: {  	_ = 	snop  }
0x6e: {  	[tilespmem:s15], [sflag:$0x1] =	stream.indirect_vreg.gather [hbm4b:s3+s2], $0x80, v3, vm0, $0xb8;
	[tilespmem:$0xC080] =	vst v63  }
0x6f: {  	_ = 	snop  }
0x70: {  	[tilespmem:s16], [sflag:$0x1] =	stream.indirect_vreg.gather [hbm4b:s4+s2], $0x80, v3, vm1, $0xb8;
	[tilespmem:$0xC080] =	vst v63  }
0x71: {  	v3 =	vld [tilespmem:$0x50];
	_ =	sdelay $0x4  }
0x72: {  	v61 =	vshrl.u32 v3, $0x3  }
0x73: {  	v4 =	vmul.u32 $0x18, v61  }
0x74: {  	v3 =	vand.u32 $0x7, v3  }
0x75: {  	v3 =	vor.u32 v3, v4  }
0x76: {  	v4 =	vperm.xlane v3, v0;
	_ =	sdelay $0x1  }
0x77: {  	v4 =	vadd.s32 v1, v4;
	_ =	sdelay $0x1  }
0x78: {  	v3 =	vperm.xlane v3, v2;
	_ =	sdelay $0x1  }
0x79: {  	v3 =	vadd.s32 v1, v3  }
0x7a: {  	[tilespmem:s17], [sflag:$0x1] =	stream.indirect_vreg.gather [hbm4b:s3+s2], $0x80, v4, vm0, $0xb8;
	[tilespmem:$0xC080] =	vst v63  }
0x7b: {  	_ = 	snop  }
0x7c: {  	[tilespmem:s18], [sflag:$0x1] =	stream.indirect_vreg.gather [hbm4b:s4+s2], $0x80, v4, vm1, $0xb8;
	[tilespmem:$0xC080] =	vst v63  }
0x7d: {  	_ = 	snop  }
0x7e: {  	[tilespmem:s19], [sflag:$0x1] =	stream.indirect_vreg.gather [hbm4b:s3+s2], $0x80, v3, vm0, $0xb8;
	[tilespmem:$0xC080] =	vst v63  }
0x7f: {  	_ = 	snop  }
0x80: {  	[tilespmem:s20], [sflag:$0x1] =	stream.indirect_vreg.gather [hbm4b:s4+s2], $0x80, v3, vm1, $0xb8;
	[tilespmem:$0xC080] =	vst v63  }
0x81: {  	v3 =	vld [tilespmem:$0x60];
	_ =	sdelay $0x4  }
0x82: {  	v62 =	vshrl.u32 v3, $0x3  }
0x83: {  	v4 =	vmul.u32 $0x18, v62  }
0x84: {  	v3 =	vand.u32 $0x7, v3  }
0x85: {  	v3 =	vor.u32 v3, v4  }
0x86: {  	v4 =	vperm.xlane v3, v0;
	_ =	sdelay $0x1  }
0x87: {  	v4 =	vadd.s32 v1, v4;
	_ =	sdelay $0x1  }
0x88: {  	v3 =	vperm.xlane v3, v2;
	_ =	sdelay $0x1  }
0x89: {  	v3 =	vadd.s32 v1, v3  }
0x8a: {  	[tilespmem:s21], [sflag:$0x1] =	stream.indirect_vreg.gather [hbm4b:s3+s2], $0x80, v4, vm0, $0xb8;
	[tilespmem:$0xC080] =	vst v63  }
0x8b: {  	_ = 	snop  }
0x8c: {  	[tilespmem:s22], [sflag:$0x1] =	stream.indirect_vreg.gather [hbm4b:s4+s2], $0x80, v4, vm1, $0xb8;
	[tilespmem:$0xC080] =	vst v63  }
0x8d: {  	_ = 	snop  }
0x8e: {  	[tilespmem:s23], [sflag:$0x1] =	stream.indirect_vreg.gather [hbm4b:s3+s2], $0x80, v3, vm0, $0xb8;
	[tilespmem:$0xC080] =	vst v63  }
0x8f: {  	_ = 	snop  }
0x90: {  	[tilespmem:s24], [sflag:$0x1] =	stream.indirect_vreg.gather [hbm4b:s4+s2], $0x80, v3, vm1, $0xb8;
	[tilespmem:$0xC080] =	vst v63  }
0x91: {  	v3 =	vld [tilespmem:$0x70];
	_ =	sdelay $0x4  }
0x92: {  	v63 =	vshrl.u32 v3, $0x3  }
0x93: {  	v4 =	vmul.u32 $0x18, v63  }
0x94: {  	v3 =	vand.u32 $0x7, v3  }
0x95: {  	v3 =	vor.u32 v3, v4  }
0x96: {  	v4 =	vperm.xlane v3, v0;
	_ =	sdelay $0x1  }
0x97: {  	v4 =	vadd.s32 v1, v4;
	_ =	sdelay $0x1  }
0x98: {  	v3 =	vperm.xlane v3, v2;
	_ =	sdelay $0x1  }
0x99: {  	v3 =	vadd.s32 v1, v3  }
0x9a: {  	[tilespmem:s25], [sflag:$0x1] =	stream.indirect_vreg.gather [hbm4b:s3+s2], $0x80, v4, vm0, $0xb8;
	[tilespmem:$0xC080] =	vst v63  }
0x9b: {  	_ = 	snop  }
0x9c: {  	[tilespmem:s26], [sflag:$0x1] =	stream.indirect_vreg.gather [hbm4b:s4+s2], $0x80, v4, vm1, $0xb8;
	[tilespmem:$0xC080] =	vst v63  }
0x9d: {  	_ = 	snop  }
0x9e: {  	[tilespmem:s28], [sflag:$0x1] =	stream.indirect_vreg.gather [hbm4b:s3+s2], $0x80, v3, vm0, $0xb8;
	[tilespmem:$0xC080] =	vst v63  }
0x9f: {  	_ = 	snop  }
0xa0: {  	[tilespmem:s29], [sflag:$0x1] =	stream.indirect_vreg.gather [hbm4b:s4+s2], $0x80, v3, vm1, $0xb8;
	[tilespmem:$0xC080] =	vst v63  }
0xa1: {  	_ =	swait.ge [sflag:s30], $0xC000  }
0xa2: {  	p0 =	sne.s32 s1, $0x70;
	[sflag:s30] =	ssyncset.done $0x0  }
.Ltmp0:
0xa3: {  	[sflag:s30] =	ssyncadd.s32 $0xFFFF4000;
	(pc) =	sbr.rel @p0 .LBB2_2-.Ltmp0, $4  }
0xa4: {  	[hbm4b:s6+s2] =	stream.linear.scatter [tilespmem:s8], [sflag:$0x2], $0xC000, $0x38;
	[tilespmem:$0xC080] =	vst v63  }
0xa5: {  	_ =	swait.ge [sflag:s7], $0xC000  }
0xa6: {  	[sflag:s7] =	ssyncset.done $0x0  }
0xa7: {  	s1 =	sadd.s32 $0x10, s1;
	s6 =	sadd.s32 $0x1800, s6;
	[sflag:s7] =	ssyncadd.s32 $0xFFFF4000  }
0xa8: {  	s31 =	sadd.s32 $0x1, s31;
	s0 =	rddreg [dreg:$0xe]  }
0xa9: {  	p0 =	sne.s32 s31, s0  }
.Ltmp1:
0xaa: {  	_ = 	snop;
	(pc) =	sbr.rel @p0 .LBB2_1-.Ltmp1, $1  }
0xab: {  	_ =	sdelay $0x3  }
0xac: {  	_ =	sfence.sel $0x180000  }
0xad: {  	[bflag:$0x0] =	sbarrier.arrive $0xFFFF  }
0xae: {  	_ =	strace $0x90000047  }
0xaf: {  	s0 =	stileid.u32;
	[bflag:$0x2] =	sbarrier.arrive $0xFFFF  }
0xb0: {  	p0 =	sne.s32 s0, $0x0;
	s0 =	rddreg [dreg:$0x1]  }
0xb1: {  	s0 =	sadd.s32 @!p0 $0x100000, s0  }
0xb2: {  	[sflag:s0] =	ssyncadd.tile.s32 @!p0 $0x1;
	_ =	shalt  }
.Lfunc_end2:
_tile_overlayer_lowered:
.L_overlay_start_2:
0xb3: {  	(tag) =	ssettag $0x2  }
0xb4: {  	s0 =	rddreg [dreg:$0x0];
	s2 =	stileid.u32  }
0xb5: {  	s1 =	rddreg [dreg:$0x1];
	p0 =	sne.s32 s2, $0x0  }
0xb6: {  	s3 =	rddreg [dreg:$0x2];
	[bflag:$0x3] =	sbarrier.arrive $0xFFFF;
	s2 =	simm.s32 @!p0 $0x1C02  }
0xb7: {  	[timem:s3], [sflag:s2] =	dma.local @!p0 [hbm:s0], s1  }
0xb8: {  	s0 =	simm.s32 @!p0 $0x2  }
0xb9: {  	_ =	swait.ge @!p0 [sflag:s0], s1  }
0xba: {  	s1 =	ssub.s32 @!p0 $0x0, s1;
	[sflag:s0] =	ssyncset.done @!p0 $0x0  }
0xbb: {  	[sflag:s0] =	ssyncadd.s32 @!p0 s1  }
0xbc: {  	[bflag:$0x3] =	sbarrier.arrive $0xFFFF  }
0xbd: {  	_ =	shalt  }

</sc_bundles>
